<compile_context>
chip_gen: v7x
topology: tpu7x:2x2x1
jax: 0.10.2.dev20260603
libtpu: 0.0.44.dev20260713+nightly
codegen_flags: <defaults>
</compile_context>

<pallas_src>
import jax
import jax.numpy as jnp
from jax import lax
from jax.experimental import pallas as pl
from jax.experimental.pallas import tpu as pltpu
from jax.experimental.pallas import tpu_sc as plsc

NUM_CORES = 2
NUM_SUBCORES = 16
NW = NUM_CORES * NUM_SUBCORES
B = 16384
D = 32
NU = 1000000
NI = 100000
NBU = NU // 128
NBI = NI // 128
BPW = B // NW


NB2U = NU // 512


def _detile_body(ut, it, tailu, taili, upk, ipk,
                 inb_a, inb_b, ob_a, ob_b, s_ia, s_ib, s_oa, s_ob):
    wid = lax.axis_index("s") * NUM_CORES + lax.axis_index("c")
    iota = jnp.arange(16, dtype=jnp.int32)
    row_ch = [((16 * ch + iota) >> 2) for ch in range(8)]
    colb_ch = [(32 * ((16 * ch + iota) & 3)) for ch in range(8)]

    bufs = ((inb_a, ob_a, s_ia, s_oa), (inb_b, ob_b, s_ib, s_ob))

    def transpose_sb(inb, ob, nsb):
        def bloop(b, _):
            def qloop(q, _):
                rot = (iota + q) & 15
                rsh = rot >> 2
                cm3 = 32 * (rot & 3)
                for e in range(2):
                    vs = [plsc.load_gather(
                        inb, [iota + 16 * e, 128 * b + 16 * p + rot])
                        for p in range(8)]
                    for p in range(8):
                        plsc.store_scatter(
                            ob, [32 * b + 4 * p + rsh, cm3 + 16 * e + iota],
                            vs[p])
                return 0
            lax.fori_loop(0, 16, qloop, 0)
            return 0
        lax.fori_loop(0, nsb, bloop, 0)

    def ring(tab, out, nb2, nsb, npair):
        cw = 512 * nsb
        orows = 32 * nsb

        def fire_in(j2, inb, sem):
            @pl.when(j2 < nb2)
            def _():
                off = pl.multiple_of(j2 * cw, 128)
                pltpu.async_copy(tab.at[:, pl.ds(off, cw)],
                                 inb.at[:, pl.ds(0, cw)], sem)

        def wait_in(j2, inb, sem):
            @pl.when(j2 < nb2)
            def _():
                pltpu.make_async_copy(tab.at[:, pl.ds(0, cw)],
                                      inb.at[:, pl.ds(0, cw)], sem).wait()

        def fire_out(j2, ob, sem):
            @pl.when(j2 < nb2)
            def _():
                off = pl.multiple_of(j2 * orows, 8)
                pltpu.async_copy(ob.at[pl.ds(0, orows), :],
                                 out.at[pl.ds(off, orows), :], sem)

        def wait_out(j2, ob, sem):
            @pl.when(j2 < nb2)
            def _():
                pltpu.make_async_copy(ob.at[pl.ds(0, orows), :],
                                      out.at[pl.ds(0, orows), :], sem).wait()

        def pair(t, _):
            for i, (inb, ob, s_i, s_o) in enumerate(bufs):
                j2 = wid + (2 * t + i) * NW
                wait_in(j2, inb, s_i)

                @pl.when((t > 0) & (j2 < nb2))
                def _():
                    pltpu.make_async_copy(
                        ob.at[pl.ds(0, orows), :],
                        out.at[pl.ds(0, orows), :], s_o).wait()

                @pl.when(j2 < nb2)
                def _():
                    transpose_sb(inb, ob, nsb)
                fire_out(j2, ob, s_o)
                fire_in(j2 + 2 * NW, inb, s_i)
            return 0

        for i, (inb, ob, s_i, s_o) in enumerate(bufs):
            fire_in(wid + i * NW, inb, s_i)
        lax.fori_loop(0, npair, pair, 0)
        for i, (inb, ob, s_i, s_o) in enumerate(bufs):
            wait_in(wid + (2 * npair + i) * NW, inb, s_i)
        for i, (inb, ob, s_i, s_o) in enumerate(bufs):
            wait_out(wid + i * NW, ob, s_o)

    ring(ut, upk, NB2U, 4, 31)
    ring(it, ipk, NBI, 1, 13)

    @pl.when(wid == 0)
    def _():
        pltpu.sync_copy(tailu, ob_a.at[pl.ds(0, 16), :])
        pltpu.sync_copy(ob_a.at[pl.ds(0, 16), :],
                        upk.at[pl.ds(NBU * 32, 16), :])

    @pl.when(wid == 1)
    def _():
        pltpu.sync_copy(taili, ob_a.at[pl.ds(0, 8), :])
        pltpu.sync_copy(ob_a.at[pl.ds(0, 8), :],
                        ipk.at[pl.ds(NBI * 32, 8), :])


_detile = pl.kernel(
    _detile_body,
    mesh=plsc.VectorSubcoreMesh(core_axis_name="c", subcore_axis_name="s"),
    out_type=[
        jax.ShapeDtypeStruct((NU // 4, 128), jnp.float32),
        jax.ShapeDtypeStruct((NI // 4, 128), jnp.float32),
    ],
    scratch_types=[
        pltpu.VMEM((32, 512), jnp.float32),
        pltpu.VMEM((32, 512), jnp.float32),
        pltpu.VMEM((128, 128), jnp.float32),
        pltpu.VMEM((128, 128), jnp.float32),
        pltpu.SemaphoreType.DMA,
        pltpu.SemaphoreType.DMA,
        pltpu.SemaphoreType.DMA,
        pltpu.SemaphoreType.DMA,
    ],
    compiler_params=pltpu.CompilerParams(needs_layout_passes=False),
)


def _gather_body(upk, ipk, uidx, iidx, uvf, ivf,
                 idxr_v, ridx_v, sub_v, rows_v, comp_v, sem):
    wid = lax.axis_index("s") * NUM_CORES + lax.axis_index("c")
    base = wid * BPW
    iota = jnp.arange(16, dtype=jnp.int32)

    for idx, src, outf in ((uidx, upk, uvf), (iidx, ipk, ivf)):
        pltpu.sync_copy(idx.at[pl.ds(base, BPW)], idxr_v)
        for k in range(BPW // 16):
            v = idxr_v[pl.ds(16 * k, 16)]
            ridx_v[pl.ds(16 * k, 16)] = v >> 2
            sub_v[pl.ds(16 * k, 16)] = v & 3
        descs = []
        for jj in range(BPW // 128):
            descs.append(pltpu.async_copy(
                src.at[ridx_v.at[pl.ds(jj * 128, 128)]],
                rows_v.at[pl.ds(jj * 128, 128)], sem))
        for dsc in descs:
            dsc.wait()

        def ext(i, _):
            si = jnp.full((16,), i, jnp.int32)
            s16 = plsc.load_gather(sub_v, [si])
            cbase = s16 * 32
            g1 = plsc.load_gather(rows_v, [si, cbase + iota])
            g2 = plsc.load_gather(rows_v, [si, cbase + iota + 16])
            ob = i * 32
            plsc.store_scatter(comp_v, [ob + iota], g1)
            plsc.store_scatter(comp_v, [ob + 16 + iota], g2)
            return 0

        lax.fori_loop(0, BPW, ext, 0)
        pltpu.sync_copy(comp_v, outf.at[pl.ds(base * D, BPW * D)])


_gather = pl.kernel(
    _gather_body,
    mesh=plsc.VectorSubcoreMesh(core_axis_name="c", subcore_axis_name="s"),
    out_type=[
        jax.ShapeDtypeStruct((B * D,), jnp.float32),
        jax.ShapeDtypeStruct((B * D,), jnp.float32),
    ],
    scratch_types=[
        pltpu.VMEM((BPW,), jnp.int32),
        pltpu.VMEM((BPW,), jnp.int32),
        pltpu.VMEM((BPW,), jnp.int32),
        pltpu.VMEM((BPW, 128), jnp.float32),
        pltpu.VMEM((BPW * D,), jnp.float32),
        pltpu.SemaphoreType.DMA,
    ],
    compiler_params=pltpu.CompilerParams(needs_layout_passes=False),
)


BLK = 2048


def _mlp_body(uv, iv, w1u, w1i, b1, w2t, b2, w3, b3, out):
    h = jnp.dot(uv[...], w1u[...], preferred_element_type=jnp.float32)
    h = h + jnp.dot(iv[...], w1i[...], preferred_element_type=jnp.float32)
    h = jnp.maximum(h + b1[...], 0.0)
    h2 = jnp.dot(h, w2t[...], preferred_element_type=jnp.float32) + b2[...]
    h2 = jnp.maximum(h2, 0.0)
    out[...] = jnp.sum(h2 * w3[...], axis=1) + b3[0, 0]


def _mlp(uv, iv, w1u, w1i, b1, w2t, b2, w3, b3):
    return pl.pallas_call(
        _mlp_body,
        grid=(B // BLK,),
        in_specs=[
            pl.BlockSpec((BLK, D), lambda i: (i, 0)),
            pl.BlockSpec((BLK, D), lambda i: (i, 0)),
            pl.BlockSpec((D, 64), lambda i: (0, 0)),
            pl.BlockSpec((D, 64), lambda i: (0, 0)),
            pl.BlockSpec((1, 64), lambda i: (0, 0)),
            pl.BlockSpec((64, 32), lambda i: (0, 0)),
            pl.BlockSpec((1, 32), lambda i: (0, 0)),
            pl.BlockSpec((1, 32), lambda i: (0, 0)),
            pl.BlockSpec((1, 1), lambda i: (0, 0), memory_space=pltpu.SMEM),
        ],
        out_specs=pl.BlockSpec((BLK,), lambda i: (i,)),
        out_shape=jax.ShapeDtypeStruct((B,), jnp.float32),
    )(uv, iv, w1u, w1i, b1, w2t, b2, w3, b3)


def kernel(user_indices, item_indices, user_table, item_table,
           W1, b1, W2, b2, W3, b3):
    tailu = user_table[NBU * 128:].reshape(16, 128)
    taili = item_table[NBI * 128:].reshape(8, 128)
    upk, ipk = _detile(user_table.T, item_table.T, tailu, taili)
    uvf, ivf = _gather(upk, ipk,
                       user_indices.astype(jnp.int32),
                       item_indices.astype(jnp.int32))
    uv = uvf.reshape(B, D)
    iv = ivf.reshape(B, D)
    w1u = W1[:, :D].T
    w1i = W1[:, D:].T
    return _mlp(uv, iv, w1u, w1i, b1.reshape(1, 64), W2.T,
                b2.reshape(1, 32), W3, b3.reshape(1, 1))

# --- scband reference (transcript-rebuilt; emitter-appended) ---
"""Pipeline reference for scband-ncfmodel-10746008175446 (READ-ONLY COPY).

The authoritative reference and input builder live on the scoring server;
editing this copy changes nothing except your own understanding.
"""

import jax, jax.numpy as jnp
import numpy as np

NUM_USERS = 1000000
NUM_ITEMS = 100000
EMBED = 32
BATCH = 16384

def setup_inputs(seed: int = 0) -> dict:
    key = jax.random.key(seed)
    ks = jax.random.split(key, 12)
    user_indices = jax.random.randint(ks[0], (BATCH,), 0, NUM_USERS, dtype=jnp.int32).astype(jnp.int64)
    item_indices = jax.random.randint(ks[1], (BATCH,), 0, NUM_ITEMS, dtype=jnp.int32).astype(jnp.int64)
    user_table = jax.random.normal(ks[2], (NUM_USERS, EMBED), dtype=jnp.float32) * 0.02
    item_table = jax.random.normal(ks[3], (NUM_ITEMS, EMBED), dtype=jnp.float32) * 0.02
    W1 = jax.random.normal(ks[4], (64, EMBED * 2), dtype=jnp.float32) * (1.0 / np.sqrt(EMBED * 2))
    b1 = jnp.zeros((64,), dtype=jnp.float32)
    W2 = jax.random.normal(ks[5], (32, 64), dtype=jnp.float32) * (1.0 / np.sqrt(64))
    b2 = jnp.zeros((32,), dtype=jnp.float32)
    W3 = jax.random.normal(ks[6], (1, 32), dtype=jnp.float32) * (1.0 / np.sqrt(32))
    b3 = jnp.zeros((1,), dtype=jnp.float32)
    return {
        "user_indices": user_indices,
        "item_indices": item_indices,
        "user_table": user_table,
        "item_table": item_table,
        "W1": W1, "b1": b1,
        "W2": W2, "b2": b2,
        "W3": W3, "b3": b3,
    }

def reference(user_indices, item_indices, user_table, item_table, W1, b1, W2, b2, W3, b3):
    # Embedding lookups (SparseCore gather)
    user_vector = jnp.take(user_table, user_indices, axis=0)  # [B, 32]
    item_vector = jnp.take(item_table, item_indices, axis=0)  # [B, 32]
    vector = jnp.concatenate([user_vector, item_vector], axis=-1)  # [B, 64]
    # MLP (dropout is identity in eval mode)
    h = jnp.maximum(vector @ W1.T + b1, 0.0)
    h = jnp.maximum(h @ W2.T + b2, 0.0)
    prediction = h @ W3.T + b3  # [B, 1]
    return jnp.squeeze(prediction, axis=-1)  # [B]

if __name__ == "__main__":
    import jax
    _d = setup_inputs()
    print(jax.jit(kernel)(*tuple(_d.values())))

</pallas_src>

<mosaic_0001>
#map = affine_map<(d0, d1) -> (0, 0)>
#map1 = affine_map<(d0, d1) -> (0)>
module attributes {stable_mosaic.version = 14 : i64} {
  func.func @_gather_body(%arg0: i32, %arg1: i32, %arg2: memref<250000x128xf32, #tpu.memory_space<hbm>>, %arg3: memref<25000x128xf32, #tpu.memory_space<hbm>>, %arg4: memref<16384xi32, #tpu.memory_space<hbm>>, %arg5: memref<16384xi32, #tpu.memory_space<hbm>>, %arg6: memref<524288xf32, #tpu.memory_space<hbm>>, %arg7: memref<524288xf32, #tpu.memory_space<hbm>>, %arg8: memref<512xi32, #tpu.memory_space<vmem>>, %arg9: memref<512xi32, #tpu.memory_space<vmem>>, %arg10: memref<512xi32, #tpu.memory_space<vmem>>, %arg11: memref<512x128xf32, #tpu.memory_space<vmem>>, %arg12: memref<16384xf32, #tpu.memory_space<vmem>>, %arg13: memref<!tpu.dma_semaphore, #tpu.memory_space<semaphore_mem>>) attributes {dimension_semantics = [#tpu.dimension_semantics<core_parallel>, #tpu.dimension_semantics<subcore_parallel>], iteration_bounds = array<i64: 2, 16>, scalar_prefetch = 0 : i64, scratch_operands = 6 : i64, tpu.core_type = #tpu.core_type<sc_vector_subcore>, window_params = [{transform_indices = #map}, {transform_indices = #map}, {transform_indices = #map1}, {transform_indices = #map1}, {transform_indices = #map1}, {transform_indices = #map1}]} {
    %mul3A = arith.constant 2 : i32
    %mul3A_0 = arith.muli %arg1, %mul3A : i32
    %add3A = arith.addi %mul3A_0, %arg0 : i32
    %mul3A_1 = arith.constant 512 : i32
    %mul3A_2 = arith.muli %add3A, %mul3A_1 : i32
    %iota3A = tpu.iota {dimensions = array<i32: 0>} : vector<16xi32>
    "tpu.region"() ({
      %run_scoped3A = tpu.sem_alloc : memref<!tpu.dma_semaphore, #tpu.memory_space<semaphore_mem>>
      %dma_start3A_910 = tpu.memref_slice %arg4[%mul3A_2] : memref<16384xi32, #tpu.memory_space<hbm>> -> memref<512xi32, #tpu.memory_space<hbm>>
      %dma_start3A_911 = tpu.memref_slice %arg4[%mul3A_2] : memref<16384xi32, #tpu.memory_space<hbm>> -> memref<512xi32, #tpu.memory_space<hbm>>
      tpu.enqueue_dma source(%dma_start3A_911 : memref<512xi32, #tpu.memory_space<hbm>>) target(%arg8 : memref<512xi32, #tpu.memory_space<vmem>>) target_semaphore(%run_scoped3A : memref<!tpu.dma_semaphore, #tpu.memory_space<semaphore_mem>>)
      %dma_wait3A_912 = tpu.memref_slice %arg4[%mul3A_2] : memref<16384xi32, #tpu.memory_space<hbm>> -> memref<512xi32, #tpu.memory_space<hbm>>
      %dma_wait3A_913 = tpu.memref_slice %arg4[%mul3A_2] : memref<16384xi32, #tpu.memory_space<hbm>> -> memref<512xi32, #tpu.memory_space<hbm>>
      tpu.wait_dma2 semaphore(%run_scoped3A : memref<!tpu.dma_semaphore, #tpu.memory_space<semaphore_mem>>) src(%dma_wait3A_913 : memref<512xi32, #tpu.memory_space<hbm>>) dst(%arg8 : memref<512xi32, #tpu.memory_space<vmem>>)
      tpu.yield
    }) : () -> ()
    %get3A = arith.constant 0 : index
    %get3A_3 = tpu.vector_load %arg8[%get3A] {strides = array<i32>} : memref<512xi32, #tpu.memory_space<vmem>>, vector<16xi32>,
    %shift_right_arithmetic3A = arith.constant 2 : i32
    %shift_right_arithmetic3A_4 = vector.broadcast %shift_right_arithmetic3A : i32 to vector<16xi32>
    %shift_right_arithmetic3A_5 = arith.shrsi %get3A_3, %shift_right_arithmetic3A_4 : vector<16xi32>
    %swap3A = arith.constant 0 : index
    %swap3A_6 = tpu.vector_load %arg9[%swap3A] {strides = array<i32>} : memref<512xi32, #tpu.memory_space<vmem>>, vector<16xi32>,
    tpu.vector_store %arg9[%swap3A], %shift_right_arithmetic3A_5 {strides = array<i32>} : memref<512xi32, #tpu.memory_space<vmem>>, vector<16xi32>,
    %and3A = arith.constant 3 : i32
    %and3A_7 = vector.broadcast %and3A : i32 to vector<16xi32>
    %and3A_8 = arith.andi %get3A_3, %and3A_7 : vector<16xi32>
    %swap3A_9 = arith.constant 0 : index
    %swap3A_10 = tpu.vector_load %arg10[%swap3A_9] {strides = array<i32>} : memref<512xi32, #tpu.memory_space<vmem>>, vector<16xi32>,
    tpu.vector_store %arg10[%swap3A_9], %and3A_8 {strides = array<i32>} : memref<512xi32, #tpu.memory_space<vmem>>, vector<16xi32>,
    %get3A_11 = arith.constant 16 : index
    %get3A_12 = tpu.vector_load %arg8[%get3A_11] {strides = array<i32>} : memref<512xi32, #tpu.memory_space<vmem>>, vector<16xi32>,
    %shift_right_arithmetic3A_13 = arith.constant 2 : i32
    %shift_right_arithmetic3A_14 = vector.broadcast %shift_right_arithmetic3A_13 : i32 to vector<16xi32>
    %shift_right_arithmetic3A_15 = arith.shrsi %get3A_12, %shift_right_arithmetic3A_14 : vector<16xi32>
    %swap3A_16 = arith.constant 16 : index
    %swap3A_17 = tpu.vector_load %arg9[%swap3A_16] {strides = array<i32>} : memref<512xi32, #tpu.memory_space<vmem>>, vector<16xi32>,
    tpu.vector_store %arg9[%swap3A_16], %shift_right_arithmetic3A_15 {strides = array<i32>} : memref<512xi32, #tpu.memory_space<vmem>>, vector<16xi32>,
    %and3A_18 = arith.constant 3 : i32
    %and3A_19 = vector.broadcast %and3A_18 : i32 to vector<16xi32>
    %and3A_20 = arith.andi %get3A_12, %and3A_19 : vector<16xi32>
    %swap3A_21 = arith.constant 16 : index
    %swap3A_22 = tpu.vector_load %arg10[%swap3A_21] {strides = array<i32>} : memref<512xi32, #tpu.memory_space<vmem>>, vector<16xi32>,
    tpu.vector_store %arg10[%swap3A_21], %and3A_20 {strides = array<i32>} : memref<512xi32, #tpu.memory_space<vmem>>, vector<16xi32>,
    %get3A_23 = arith.constant 32 : index
    %get3A_24 = tpu.vector_load %arg8[%get3A_23] {strides = array<i32>} : memref<512xi32, #tpu.memory_space<vmem>>, vector<16xi32>,
    %shift_right_arithmetic3A_25 = arith.constant 2 : i32
    %shift_right_arithmetic3A_26 = vector.broadcast %shift_right_arithmetic3A_25 : i32 to vector<16xi32>
    %shift_right_arithmetic3A_27 = arith.shrsi %get3A_24, %shift_right_arithmetic3A_26 : vector<16xi32>
    %swap3A_28 = arith.constant 32 : index
    %swap3A_29 = tpu.vector_load %arg9[%swap3A_28] {strides = array<i32>} : memref<512xi32, #tpu.memory_space<vmem>>, vector<16xi32>,
    tpu.vector_store %arg9[%swap3A_28], %shift_right_arithmetic3A_27 {strides = array<i32>} : memref<512xi32, #tpu.memory_space<vmem>>, vector<16xi32>,
    %and3A_30 = arith.constant 3 : i32
    %and3A_31 = vector.broadcast %and3A_30 : i32 to vector<16xi32>
    %and3A_32 = arith.andi %get3A_24, %and3A_31 : vector<16xi32>
    %swap3A_33 = arith.constant 32 : index
    %swap3A_34 = tpu.vector_load %arg10[%swap3A_33] {strides = array<i32>} : memref<512xi32, #tpu.memory_space<vmem>>, vector<16xi32>,
    tpu.vector_store %arg10[%swap3A_33], %and3A_32 {strides = array<i32>} : memref<512xi32, #tpu.memory_space<vmem>>, vector<16xi32>,
    %get3A_35 = arith.constant 48 : index
    %get3A_36 = tpu.vector_load %arg8[%get3A_35] {strides = array<i32>} : memref<512xi32, #tpu.memory_space<vmem>>, vector<16xi32>,
    %shift_right_arithmetic3A_37 = arith.constant 2 : i32
    %shift_right_arithmetic3A_38 = vector.broadcast %shift_right_arithmetic3A_37 : i32 to vector<16xi32>
    %shift_right_arithmetic3A_39 = arith.shrsi %get3A_36, %shift_right_arithmetic3A_38 : vector<16xi32>
    %swap3A_40 = arith.constant 48 : index
    %swap3A_41 = tpu.vector_load %arg9[%swap3A_40] {strides = array<i32>} : memref<512xi32, #tpu.memory_space<vmem>>, vector<16xi32>,
    tpu.vector_store %arg9[%swap3A_40], %shift_right_arithmetic3A_39 {strides = array<i32>} : memref<512xi32, #tpu.memory_space<vmem>>, vector<16xi32>,
    %and3A_42 = arith.constant 3 : i32
    %and3A_43 = vector.broadcast %and3A_42 : i32 to vector<16xi32>
    %and3A_44 = arith.andi %get3A_36, %and3A_43 : vector<16xi32>
    %swap3A_45 = arith.constant 48 : index
    %swap3A_46 = tpu.vector_load %arg10[%swap3A_45] {strides = array<i32>} : memref<512xi32, #tpu.memory_space<vmem>>, vector<16xi32>,
    tpu.vector_store %arg10[%swap3A_45], %and3A_44 {strides = array<i32>} : memref<512xi32, #tpu.memory_space<vmem>>, vector<16xi32>,
    %get3A_47 = arith.constant 64 : index
    %get3A_48 = tpu.vector_load %arg8[%get3A_47] {strides = array<i32>} : memref<512xi32, #tpu.memory_space<vmem>>, vector<16xi32>,
    %shift_right_arithmetic3A_49 = arith.constant 2 : i32
    %shift_right_arithmetic3A_50 = vector.broadcast %shift_right_arithmetic3A_49 : i32 to vector<16xi32>
    %shift_right_arithmetic3A_51 = arith.shrsi %get3A_48, %shift_right_arithmetic3A_50 : vector<16xi32>
    %swap3A_52 = arith.constant 64 : index
    %swap3A_53 = tpu.vector_load %arg9[%swap3A_52] {strides = array<i32>} : memref<512xi32, #tpu.memory_space<vmem>>, vector<16xi32>,
    tpu.vector_store %arg9[%swap3A_52], %shift_right_arithmetic3A_51 {strides = array<i32>} : memref<512xi32, #tpu.memory_space<vmem>>, vector<16xi32>,
    %and3A_54 = arith.constant 3 : i32
    %and3A_55 = vector.broadcast %and3A_54 : i32 to vector<16xi32>
    %and3A_56 = arith.andi %get3A_48, %and3A_55 : vector<16xi32>
    %swap3A_57 = arith.constant 64 : index
    %swap3A_58 = tpu.vector_load %arg10[%swap3A_57] {strides = array<i32>} : memref<512xi32, #tpu.memory_space<vmem>>, vector<16xi32>,
    tpu.vector_store %arg10[%swap3A_57], %and3A_56 {strides = array<i32>} : memref<512xi32, #tpu.memory_space<vmem>>, vector<16xi32>,
    %get3A_59 = arith.constant 80 : index
    %get3A_60 = tpu.vector_load %arg8[%get3A_59] {strides = array<i32>} : memref<512xi32, #tpu.memory_space<vmem>>, vector<16xi32>,
    %shift_right_arithmetic3A_61 = arith.constant 2 : i32
    %shift_right_arithmetic3A_62 = vector.broadcast %shift_right_arithmetic3A_61 : i32 to vector<16xi32>
    %shift_right_arithmetic3A_63 = arith.shrsi %get3A_60, %shift_right_arithmetic3A_62 : vector<16xi32>
    %swap3A_64 = arith.constant 80 : index
    %swap3A_65 = tpu.vector_load %arg9[%swap3A_64] {strides = array<i32>} : memref<512xi32, #tpu.memory_space<vmem>>, vector<16xi32>,
    tpu.vector_store %arg9[%swap3A_64], %shift_right_arithmetic3A_63 {strides = array<i32>} : memref<512xi32, #tpu.memory_space<vmem>>, vector<16xi32>,
    %and3A_66 = arith.constant 3 : i32
    %and3A_67 = vector.broadcast %and3A_66 : i32 to vector<16xi32>
    %and3A_68 = arith.andi %get3A_60, %and3A_67 : vector<16xi32>
    %swap3A_69 = arith.constant 80 : index
    %swap3A_70 = tpu.vector_load %arg10[%swap3A_69] {strides = array<i32>} : memref<512xi32, #tpu.memory_space<vmem>>, vector<16xi32>,
    tpu.vector_store %arg10[%swap3A_69], %and3A_68 {strides = array<i32>} : memref<512xi32, #tpu.memory_space<vmem>>, vector<16xi32>,
    %get3A_71 = arith.constant 96 : index
    %get3A_72 = tpu.vector_load %arg8[%get3A_71] {strides = array<i32>} : memref<512xi32, #tpu.memory_space<vmem>>, vector<16xi32>,
    %shift_right_arithmetic3A_73 = arith.constant 2 : i32
    %shift_right_arithmetic3A_74 = vector.broadcast %shift_right_arithmetic3A_73 : i32 to vector<16xi32>
    %shift_right_arithmetic3A_75 = arith.shrsi %get3A_72, %shift_right_arithmetic3A_74 : vector<16xi32>
    %swap3A_76 = arith.constant 96 : index
    %swap3A_77 = tpu.vector_load %arg9[%swap3A_76] {strides = array<i32>} : memref<512xi32, #tpu.memory_space<vmem>>, vector<16xi32>,
    tpu.vector_store %arg9[%swap3A_76], %shift_right_arithmetic3A_75 {strides = array<i32>} : memref<512xi32, #tpu.memory_space<vmem>>, vector<16xi32>,
    %and3A_78 = arith.constant 3 : i32
    %and3A_79 = vector.broadcast %and3A_78 : i32 to vector<16xi32>
    %and3A_80 = arith.andi %get3A_72, %and3A_79 : vector<16xi32>
    %swap3A_81 = arith.constant 96 : index
    %swap3A_82 = tpu.vector_load %arg10[%swap3A_81] {strides = array<i32>} : memref<512xi32, #tpu.memory_space<vmem>>, vector<16xi32>,
    tpu.vector_store %arg10[%swap3A_81], %and3A_80 {strides = array<i32>} : memref<512xi32, #tpu.memory_space<vmem>>, vector<16xi32>,
    %get3A_83 = arith.constant 112 : index
    %get3A_84 = tpu.vector_load %arg8[%get3A_83] {strides = array<i32>} : memref<512xi32, #tpu.memory_space<vmem>>, vector<16xi32>,
    %shift_right_arithmetic3A_85 = arith.constant 2 : i32
    %shift_right_arithmetic3A_86 = vector.broadcast %shift_right_arithmetic3A_85 : i32 to vector<16xi32>
    %shift_right_arithmetic3A_87 = arith.shrsi %get3A_84, %shift_right_arithmetic3A_86 : vector<16xi32>
    %swap3A_88 = arith.constant 112 : index
    %swap3A_89 = tpu.vector_load %arg9[%swap3A_88] {strides = array<i32>} : memref<512xi32, #tpu.memory_space<vmem>>, vector<16xi32>,
    tpu.vector_store %arg9[%swap3A_88], %shift_right_arithmetic3A_87 {strides = array<i32>} : memref<512xi32, #tpu.memory_space<vmem>>, vector<16xi32>,
    %and3A_90 = arith.constant 3 : i32
    %and3A_91 = vector.broadcast %and3A_90 : i32 to vector<16xi32>
    %and3A_92 = arith.andi %get3A_84, %and3A_91 : vector<16xi32>
    %swap3A_93 = arith.constant 112 : index
    %swap3A_94 = tpu.vector_load %arg10[%swap3A_93] {strides = array<i32>} : memref<512xi32, #tpu.memory_space<vmem>>, vector<16xi32>,
    tpu.vector_store %arg10[%swap3A_93], %and3A_92 {strides = array<i32>} : memref<512xi32, #tpu.memory_space<vmem>>, vector<16xi32>,
    %get3A_95 = arith.constant 128 : index
    %get3A_96 = tpu.vector_load %arg8[%get3A_95] {strides = array<i32>} : memref<512xi32, #tpu.memory_space<vmem>>, vector<16xi32>,
    %shift_right_arithmetic3A_97 = arith.constant 2 : i32
    %shift_right_arithmetic3A_98 = vector.broadcast %shift_right_arithmetic3A_97 : i32 to vector<16xi32>
    %shift_right_arithmetic3A_99 = arith.shrsi %get3A_96, %shift_right_arithmetic3A_98 : vector<16xi32>
    %swap3A_100 = arith.constant 128 : index
    %swap3A_101 = tpu.vector_load %arg9[%swap3A_100] {strides = array<i32>} : memref<512xi32, #tpu.memory_space<vmem>>, vector<16xi32>,
    tpu.vector_store %arg9[%swap3A_100], %shift_right_arithmetic3A_99 {strides = array<i32>} : memref<512xi32, #tpu.memory_space<vmem>>, vector<16xi32>,
    %and3A_102 = arith.constant 3 : i32
    %and3A_103 = vector.broadcast %and3A_102 : i32 to vector<16xi32>
    %and3A_104 = arith.andi %get3A_96, %and3A_103 : vector<16xi32>
    %swap3A_105 = arith.constant 128 : index
    %swap3A_106 = tpu.vector_load %arg10[%swap3A_105] {strides = array<i32>} : memref<512xi32, #tpu.memory_space<vmem>>, vector<16xi32>,
    tpu.vector_store %arg10[%swap3A_105], %and3A_104 {strides = array<i32>} : memref<512xi32, #tpu.memory_space<vmem>>, vector<16xi32>,
    %get3A_107 = arith.constant 144 : index
    %get3A_108 = tpu.vector_load %arg8[%get3A_107] {strides = array<i32>} : memref<512xi32, #tpu.memory_space<vmem>>, vector<16xi32>,
    %shift_right_arithmetic3A_109 = arith.constant 2 : i32
    %shift_right_arithmetic3A_110 = vector.broadcast %shift_right_arithmetic3A_109 : i32 to vector<16xi32>
    %shift_right_arithmetic3A_111 = arith.shrsi %get3A_108, %shift_right_arithmetic3A_110 : vector<16xi32>
    %swap3A_112 = arith.constant 144 : index
    %swap3A_113 = tpu.vector_load %arg9[%swap3A_112] {strides = array<i32>} : memref<512xi32, #tpu.memory_space<vmem>>, vector<16xi32>,
    tpu.vector_store %arg9[%swap3A_112], %shift_right_arithmetic3A_111 {strides = array<i32>} : memref<512xi32, #tpu.memory_space<vmem>>, vector<16xi32>,
    %and3A_114 = arith.constant 3 : i32
    %and3A_115 = vector.broadcast %and3A_114 : i32 to vector<16xi32>
    %and3A_116 = arith.andi %get3A_108, %and3A_115 : vector<16xi32>
    %swap3A_117 = arith.constant 144 : index
    %swap3A_118 = tpu.vector_load %arg10[%swap3A_117] {strides = array<i32>} : memref<512xi32, #tpu.memory_space<vmem>>, vector<16xi32>,
    tpu.vector_store %arg10[%swap3A_117], %and3A_116 {strides = array<i32>} : memref<512xi32, #tpu.memory_space<vmem>>, vector<16xi32>,
    %get3A_119 = arith.constant 160 : index
    %get3A_120 = tpu.vector_load %arg8[%get3A_119] {strides = array<i32>} : memref<512xi32, #tpu.memory_space<vmem>>, vector<16xi32>,
    %shift_right_arithmetic3A_121 = arith.constant 2 : i32
    %shift_right_arithmetic3A_122 = vector.broadcast %shift_right_arithmetic3A_121 : i32 to vector<16xi32>
    %shift_right_arithmetic3A_123 = arith.shrsi %get3A_120, %shift_right_arithmetic3A_122 : vector<16xi32>
    %swap3A_124 = arith.constant 160 : index
    %swap3A_125 = tpu.vector_load %arg9[%swap3A_124] {strides = array<i32>} : memref<512xi32, #tpu.memory_space<vmem>>, vector<16xi32>,
    tpu.vector_store %arg9[%swap3A_124], %shift_right_arithmetic3A_123 {strides = array<i32>} : memref<512xi32, #tpu.memory_space<vmem>>, vector<16xi32>,
    %and3A_126 = arith.constant 3 : i32
    %and3A_127 = vector.broadcast %and3A_126 : i32 to vector<16xi32>
    %and3A_128 = arith.andi %get3A_120, %and3A_127 : vector<16xi32>
    %swap3A_129 = arith.constant 160 : index
    %swap3A_130 = tpu.vector_load %arg10[%swap3A_129] {strides = array<i32>} : memref<512xi32, #tpu.memory_space<vmem>>, vector<16xi32>,
    tpu.vector_store %arg10[%swap3A_129], %and3A_128 {strides = array<i32>} : memref<512xi32, #tpu.memory_space<vmem>>, vector<16xi32>,
    %get3A_131 = arith.constant 176 : index
    %get3A_132 = tpu.vector_load %arg8[%get3A_131] {strides = array<i32>} : memref<512xi32, #tpu.memory_space<vmem>>, vector<16xi32>,
    %shift_right_arithmetic3A_133 = arith.constant 2 : i32
    %shift_right_arithmetic3A_134 = vector.broadcast %shift_right_arithmetic3A_133 : i32 to vector<16xi32>
    %shift_right_arithmetic3A_135 = arith.shrsi %get3A_132, %shift_right_arithmetic3A_134 : vector<16xi32>
    %swap3A_136 = arith.constant 176 : index
    %swap3A_137 = tpu.vector_load %arg9[%swap3A_136] {strides = array<i32>} : memref<512xi32, #tpu.memory_space<vmem>>, vector<16xi32>,
    tpu.vector_store %arg9[%swap3A_136], %shift_right_arithmetic3A_135 {strides = array<i32>} : memref<512xi32, #tpu.memory_space<vmem>>, vector<16xi32>,
    %and3A_138 = arith.constant 3 : i32
    %and3A_139 = vector.broadcast %and3A_138 : i32 to vector<16xi32>
    %and3A_140 = arith.andi %get3A_132, %and3A_139 : vector<16xi32>
    %swap3A_141 = arith.constant 176 : index
    %swap3A_142 = tpu.vector_load %arg10[%swap3A_141] {strides = array<i32>} : memref<512xi32, #tpu.memory_space<vmem>>, vector<16xi32>,
    tpu.vector_store %arg10[%swap3A_141], %and3A_140 {strides = array<i32>} : memref<512xi32, #tpu.memory_space<vmem>>, vector<16xi32>,
    %get3A_143 = arith.constant 192 : index
    %get3A_144 = tpu.vector_load %arg8[%get3A_143] {strides = array<i32>} : memref<512xi32, #tpu.memory_space<vmem>>, vector<16xi32>,
    %shift_right_arithmetic3A_145 = arith.constant 2 : i32
    %shift_right_arithmetic3A_146 = vector.broadcast %shift_right_arithmetic3A_145 : i32 to vector<16xi32>
    %shift_right_arithmetic3A_147 = arith.shrsi %get3A_144, %shift_right_arithmetic3A_146 : vector<16xi32>
    %swap3A_148 = arith.constant 192 : index
    %swap3A_149 = tpu.vector_load %arg9[%swap3A_148] {strides = array<i32>} : memref<512xi32, #tpu.memory_space<vmem>>, vector<16xi32>,
    tpu.vector_store %arg9[%swap3A_148], %shift_right_arithmetic3A_147 {strides = array<i32>} : memref<512xi32, #tpu.memory_space<vmem>>, vector<16xi32>,
    %and3A_150 = arith.constant 3 : i32
    %and3A_151 = vector.broadcast %and3A_150 : i32 to vector<16xi32>
    %and3A_152 = arith.andi %get3A_144, %and3A_151 : vector<16xi32>
    %swap3A_153 = arith.constant 192 : index
    %swap3A_154 = tpu.vector_load %arg10[%swap3A_153] {strides = array<i32>} : memref<512xi32, #tpu.memory_space<vmem>>, vector<16xi32>,
    tpu.vector_store %arg10[%swap3A_153], %and3A_152 {strides = array<i32>} : memref<512xi32, #tpu.memory_space<vmem>>, vector<16xi32>,
    %get3A_155 = arith.constant 208 : index
    %get3A_156 = tpu.vector_load %arg8[%get3A_155] {strides = array<i32>} : memref<512xi32, #tpu.memory_space<vmem>>, vector<16xi32>,
    %shift_right_arithmetic3A_157 = arith.constant 2 : i32
    %shift_right_arithmetic3A_158 = vector.broadcast %shift_right_arithmetic3A_157 : i32 to vector<16xi32>
    %shift_right_arithmetic3A_159 = arith.shrsi %get3A_156, %shift_right_arithmetic3A_158 : vector<16xi32>
    %swap3A_160 = arith.constant 208 : index
    %swap3A_161 = tpu.vector_load %arg9[%swap3A_160] {strides = array<i32>} : memref<512xi32, #tpu.memory_space<vmem>>, vector<16xi32>,
    tpu.vector_store %arg9[%swap3A_160], %shift_right_arithmetic3A_159 {strides = array<i32>} : memref<512xi32, #tpu.memory_space<vmem>>, vector<16xi32>,
    %and3A_162 = arith.constant 3 : i32
    %and3A_163 = vector.broadcast %and3A_162 : i32 to vector<16xi32>
    %and3A_164 = arith.andi %get3A_156, %and3A_163 : vector<16xi32>
    %swap3A_165 = arith.constant 208 : index
    %swap3A_166 = tpu.vector_load %arg10[%swap3A_165] {strides = array<i32>} : memref<512xi32, #tpu.memory_space<vmem>>, vector<16xi32>,
    tpu.vector_store %arg10[%swap3A_165], %and3A_164 {strides = array<i32>} : memref<512xi32, #tpu.memory_space<vmem>>, vector<16xi32>,
    %get3A_167 = arith.constant 224 : index
    %get3A_168 = tpu.vector_load %arg8[%get3A_167] {strides = array<i32>} : memref<512xi32, #tpu.memory_space<vmem>>, vector<16xi32>,
    %shift_right_arithmetic3A_169 = arith.constant 2 : i32
    %shift_right_arithmetic3A_170 = vector.broadcast %shift_right_arithmetic3A_169 : i32 to vector<16xi32>
    %shift_right_arithmetic3A_171 = arith.shrsi %get3A_168, %shift_right_arithmetic3A_170 : vector<16xi32>
    %swap3A_172 = arith.constant 224 : index
    %swap3A_173 = tpu.vector_load %arg9[%swap3A_172] {strides = array<i32>} : memref<512xi32, #tpu.memory_space<vmem>>, vector<16xi32>,
    tpu.vector_store %arg9[%swap3A_172], %shift_right_arithmetic3A_171 {strides = array<i32>} : memref<512xi32, #tpu.memory_space<vmem>>, vector<16xi32>,
    %and3A_174 = arith.constant 3 : i32
    %and3A_175 = vector.broadcast %and3A_174 : i32 to vector<16xi32>
    %and3A_176 = arith.andi %get3A_168, %and3A_175 : vector<16xi32>
    %swap3A_177 = arith.constant 224 : index
    %swap3A_178 = tpu.vector_load %arg10[%swap3A_177] {strides = array<i32>} : memref<512xi32, #tpu.memory_space<vmem>>, vector<16xi32>,
    tpu.vector_store %arg10[%swap3A_177], %and3A_176 {strides = array<i32>} : memref<512xi32, #tpu.memory_space<vmem>>, vector<16xi32>,
    %get3A_179 = arith.constant 240 : index
    %get3A_180 = tpu.vector_load %arg8[%get3A_179] {strides = array<i32>} : memref<512xi32, #tpu.memory_space<vmem>>, vector<16xi32>,
    %shift_right_arithmetic3A_181 = arith.constant 2 : i32
    %shift_right_arithmetic3A_182 = vector.broadcast %shift_right_arithmetic3A_181 : i32 to vector<16xi32>
    %shift_right_arithmetic3A_183 = arith.shrsi %get3A_180, %shift_right_arithmetic3A_182 : vector<16xi32>
    %swap3A_184 = arith.constant 240 : index
    %swap3A_185 = tpu.vector_load %arg9[%swap3A_184] {strides = array<i32>} : memref<512xi32, #tpu.memory_space<vmem>>, vector<16xi32>,
    tpu.vector_store %arg9[%swap3A_184], %shift_right_arithmetic3A_183 {strides = array<i32>} : memref<512xi32, #tpu.memory_space<vmem>>, vector<16xi32>,
    %and3A_186 = arith.constant 3 : i32
    %and3A_187 = vector.broadcast %and3A_186 : i32 to vector<16xi32>
    %and3A_188 = arith.andi %get3A_180, %and3A_187 : vector<16xi32>
    %swap3A_189 = arith.constant 240 : index
    %swap3A_190 = tpu.vector_load %arg10[%swap3A_189] {strides = array<i32>} : memref<512xi32, #tpu.memory_space<vmem>>, vector<16xi32>,
    tpu.vector_store %arg10[%swap3A_189], %and3A_188 {strides = array<i32>} : memref<512xi32, #tpu.memory_space<vmem>>, vector<16xi32>,
    %get3A_191 = arith.constant 256 : index
    %get3A_192 = tpu.vector_load %arg8[%get3A_191] {strides = array<i32>} : memref<512xi32, #tpu.memory_space<vmem>>, vector<16xi32>,
    %shift_right_arithmetic3A_193 = arith.constant 2 : i32
    %shift_right_arithmetic3A_194 = vector.broadcast %shift_right_arithmetic3A_193 : i32 to vector<16xi32>
    %shift_right_arithmetic3A_195 = arith.shrsi %get3A_192, %shift_right_arithmetic3A_194 : vector<16xi32>
    %swap3A_196 = arith.constant 256 : index
    %swap3A_197 = tpu.vector_load %arg9[%swap3A_196] {strides = array<i32>} : memref<512xi32, #tpu.memory_space<vmem>>, vector<16xi32>,
    tpu.vector_store %arg9[%swap3A_196], %shift_right_arithmetic3A_195 {strides = array<i32>} : memref<512xi32, #tpu.memory_space<vmem>>, vector<16xi32>,
    %and3A_198 = arith.constant 3 : i32
    %and3A_199 = vector.broadcast %and3A_198 : i32 to vector<16xi32>
    %and3A_200 = arith.andi %get3A_192, %and3A_199 : vector<16xi32>
    %swap3A_201 = arith.constant 256 : index
    %swap3A_202 = tpu.vector_load %arg10[%swap3A_201] {strides = array<i32>} : memref<512xi32, #tpu.memory_space<vmem>>, vector<16xi32>,
    tpu.vector_store %arg10[%swap3A_201], %and3A_200 {strides = array<i32>} : memref<512xi32, #tpu.memory_space<vmem>>, vector<16xi32>,
    %get3A_203 = arith.constant 272 : index
    %get3A_204 = tpu.vector_load %arg8[%get3A_203] {strides = array<i32>} : memref<512xi32, #tpu.memory_space<vmem>>, vector<16xi32>,
    %shift_right_arithmetic3A_205 = arith.constant 2 : i32
    %shift_right_arithmetic3A_206 = vector.broadcast %shift_right_arithmetic3A_205 : i32 to vector<16xi32>
    %shift_right_arithmetic3A_207 = arith.shrsi %get3A_204, %shift_right_arithmetic3A_206 : vector<16xi32>
    %swap3A_208 = arith.constant 272 : index
    %swap3A_209 = tpu.vector_load %arg9[%swap3A_208] {strides = array<i32>} : memref<512xi32, #tpu.memory_space<vmem>>, vector<16xi32>,
    tpu.vector_store %arg9[%swap3A_208], %shift_right_arithmetic3A_207 {strides = array<i32>} : memref<512xi32, #tpu.memory_space<vmem>>, vector<16xi32>,
    %and3A_210 = arith.constant 3 : i32
    %and3A_211 = vector.broadcast %and3A_210 : i32 to vector<16xi32>
    %and3A_212 = arith.andi %get3A_204, %and3A_211 : vector<16xi32>
    %swap3A_213 = arith.constant 272 : index
    %swap3A_214 = tpu.vector_load %arg10[%swap3A_213] {strides = array<i32>} : memref<512xi32, #tpu.memory_space<vmem>>, vector<16xi32>,
    tpu.vector_store %arg10[%swap3A_213], %and3A_212 {strides = array<i32>} : memref<512xi32, #tpu.memory_space<vmem>>, vector<16xi32>,
    %get3A_215 = arith.constant 288 : index
    %get3A_216 = tpu.vector_load %arg8[%get3A_215] {strides = array<i32>} : memref<512xi32, #tpu.memory_space<vmem>>, vector<16xi32>,
    %shift_right_arithmetic3A_217 = arith.constant 2 : i32
    %shift_right_arithmetic3A_218 = vector.broadcast %shift_right_arithmetic3A_217 : i32 to vector<16xi32>
    %shift_right_arithmetic3A_219 = arith.shrsi %get3A_216, %shift_right_arithmetic3A_218 : vector<16xi32>
    %swap3A_220 = arith.constant 288 : index
    %swap3A_221 = tpu.vector_load %arg9[%swap3A_220] {strides = array<i32>} : memref<512xi32, #tpu.memory_space<vmem>>, vector<16xi32>,
    tpu.vector_store %arg9[%swap3A_220], %shift_right_arithmetic3A_219 {strides = array<i32>} : memref<512xi32, #tpu.memory_space<vmem>>, vector<16xi32>,
    %and3A_222 = arith.constant 3 : i32
    %and3A_223 = vector.broadcast %and3A_222 : i32 to vector<16xi32>
    %and3A_224 = arith.andi %get3A_216, %and3A_223 : vector<16xi32>
    %swap3A_225 = arith.constant 288 : index
    %swap3A_226 = tpu.vector_load %arg10[%swap3A_225] {strides = array<i32>} : memref<512xi32, #tpu.memory_space<vmem>>, vector<16xi32>,
    tpu.vector_store %arg10[%swap3A_225], %and3A_224 {strides = array<i32>} : memref<512xi32, #tpu.memory_space<vmem>>, vector<16xi32>,
    %get3A_227 = arith.constant 304 : index
    %get3A_228 = tpu.vector_load %arg8[%get3A_227] {strides = array<i32>} : memref<512xi32, #tpu.memory_space<vmem>>, vector<16xi32>,
    %shift_right_arithmetic3A_229 = arith.constant 2 : i32
    %shift_right_arithmetic3A_230 = vector.broadcast %shift_right_arithmetic3A_229 : i32 to vector<16xi32>
    %shift_right_arithmetic3A_231 = arith.shrsi %get3A_228, %shift_right_arithmetic3A_230 : vector<16xi32>
    %swap3A_232 = arith.constant 304 : index
    %swap3A_233 = tpu.vector_load %arg9[%swap3A_232] {strides = array<i32>} : memref<512xi32, #tpu.memory_space<vmem>>, vector<16xi32>,
    tpu.vector_store %arg9[%swap3A_232], %shift_right_arithmetic3A_231 {strides = array<i32>} : memref<512xi32, #tpu.memory_space<vmem>>, vector<16xi32>,
    %and3A_234 = arith.constant 3 : i32
    %and3A_235 = vector.broadcast %and3A_234 : i32 to vector<16xi32>
    %and3A_236 = arith.andi %get3A_228, %and3A_235 : vector<16xi32>
    %swap3A_237 = arith.constant 304 : index
    %swap3A_238 = tpu.vector_load %arg10[%swap3A_237] {strides = array<i32>} : memref<512xi32, #tpu.memory_space<vmem>>, vector<16xi32>,
    tpu.vector_store %arg10[%swap3A_237], %and3A_236 {strides = array<i32>} : memref<512xi32, #tpu.memory_space<vmem>>, vector<16xi32>,
    %get3A_239 = arith.constant 320 : index
    %get3A_240 = tpu.vector_load %arg8[%get3A_239] {strides = array<i32>} : memref<512xi32, #tpu.memory_space<vmem>>, vector<16xi32>,
    %shift_right_arithmetic3A_241 = arith.constant 2 : i32
    %shift_right_arithmetic3A_242 = vector.broadcast %shift_right_arithmetic3A_241 : i32 to vector<16xi32>
    %shift_right_arithmetic3A_243 = arith.shrsi %get3A_240, %shift_right_arithmetic3A_242 : vector<16xi32>
    %swap3A_244 = arith.constant 320 : index
    %swap3A_245 = tpu.vector_load %arg9[%swap3A_244] {strides = array<i32>} : memref<512xi32, #tpu.memory_space<vmem>>, vector<16xi32>,
    tpu.vector_store %arg9[%swap3A_244], %shift_right_arithmetic3A_243 {strides = array<i32>} : memref<512xi32, #tpu.memory_space<vmem>>, vector<16xi32>,
    %and3A_246 = arith.constant 3 : i32
    %and3A_247 = vector.broadcast %and3A_246 : i32 to vector<16xi32>
    %and3A_248 = arith.andi %get3A_240, %and3A_247 : vector<16xi32>
    %swap3A_249 = arith.constant 320 : index
    %swap3A_250 = tpu.vector_load %arg10[%swap3A_249] {strides = array<i32>} : memref<512xi32, #tpu.memory_space<vmem>>, vector<16xi32>,
    tpu.vector_store %arg10[%swap3A_249], %and3A_248 {strides = array<i32>} : memref<512xi32, #tpu.memory_space<vmem>>, vector<16xi32>,
    %get3A_251 = arith.constant 336 : index
    %get3A_252 = tpu.vector_load %arg8[%get3A_251] {strides = array<i32>} : memref<512xi32, #tpu.memory_space<vmem>>, vector<16xi32>,
    %shift_right_arithmetic3A_253 = arith.constant 2 : i32
    %shift_right_arithmetic3A_254 = vector.broadcast %shift_right_arithmetic3A_253 : i32 to vector<16xi32>
    %shift_right_arithmetic3A_255 = arith.shrsi %get3A_252, %shift_right_arithmetic3A_254 : vector<16xi32>
    %swap3A_256 = arith.constant 336 : index
    %swap3A_257 = tpu.vector_load %arg9[%swap3A_256] {strides = array<i32>} : memref<512xi32, #tpu.memory_space<vmem>>, vector<16xi32>,
    tpu.vector_store %arg9[%swap3A_256], %shift_right_arithmetic3A_255 {strides = array<i32>} : memref<512xi32, #tpu.memory_space<vmem>>, vector<16xi32>,
    %and3A_258 = arith.constant 3 : i32
    %and3A_259 = vector.broadcast %and3A_258 : i32 to vector<16xi32>
    %and3A_260 = arith.andi %get3A_252, %and3A_259 : vector<16xi32>
    %swap3A_261 = arith.constant 336 : index
    %swap3A_262 = tpu.vector_load %arg10[%swap3A_261] {strides = array<i32>} : memref<512xi32, #tpu.memory_space<vmem>>, vector<16xi32>,
    tpu.vector_store %arg10[%swap3A_261], %and3A_260 {strides = array<i32>} : memref<512xi32, #tpu.memory_space<vmem>>, vector<16xi32>,
    %get3A_263 = arith.constant 352 : index
    %get3A_264 = tpu.vector_load %arg8[%get3A_263] {strides = array<i32>} : memref<512xi32, #tpu.memory_space<vmem>>, vector<16xi32>,
    %shift_right_arithmetic3A_265 = arith.constant 2 : i32
    %shift_right_arithmetic3A_266 = vector.broadcast %shift_right_arithmetic3A_265 : i32 to vector<16xi32>
    %shift_right_arithmetic3A_267 = arith.shrsi %get3A_264, %shift_right_arithmetic3A_266 : vector<16xi32>
    %swap3A_268 = arith.constant 352 : index
    %swap3A_269 = tpu.vector_load %arg9[%swap3A_268] {strides = array<i32>} : memref<512xi32, #tpu.memory_space<vmem>>, vector<16xi32>,
    tpu.vector_store %arg9[%swap3A_268], %shift_right_arithmetic3A_267 {strides = array<i32>} : memref<512xi32, #tpu.memory_space<vmem>>, vector<16xi32>,
    %and3A_270 = arith.constant 3 : i32
    %and3A_271 = vector.broadcast %and3A_270 : i32 to vector<16xi32>
    %and3A_272 = arith.andi %get3A_264, %and3A_271 : vector<16xi32>
    %swap3A_273 = arith.constant 352 : index
    %swap3A_274 = tpu.vector_load %arg10[%swap3A_273] {strides = array<i32>} : memref<512xi32, #tpu.memory_space<vmem>>, vector<16xi32>,
    tpu.vector_store %arg10[%swap3A_273], %and3A_272 {strides = array<i32>} : memref<512xi32, #tpu.memory_space<vmem>>, vector<16xi32>,
    %get3A_275 = arith.constant 368 : index
    %get3A_276 = tpu.vector_load %arg8[%get3A_275] {strides = array<i32>} : memref<512xi32, #tpu.memory_space<vmem>>, vector<16xi32>,
    %shift_right_arithmetic3A_277 = arith.constant 2 : i32
    %shift_right_arithmetic3A_278 = vector.broadcast %shift_right_arithmetic3A_277 : i32 to vector<16xi32>
    %shift_right_arithmetic3A_279 = arith.shrsi %get3A_276, %shift_right_arithmetic3A_278 : vector<16xi32>
    %swap3A_280 = arith.constant 368 : index
    %swap3A_281 = tpu.vector_load %arg9[%swap3A_280] {strides = array<i32>} : memref<512xi32, #tpu.memory_space<vmem>>, vector<16xi32>,
    tpu.vector_store %arg9[%swap3A_280], %shift_right_arithmetic3A_279 {strides = array<i32>} : memref<512xi32, #tpu.memory_space<vmem>>, vector<16xi32>,
    %and3A_282 = arith.constant 3 : i32
    %and3A_283 = vector.broadcast %and3A_282 : i32 to vector<16xi32>
    %and3A_284 = arith.andi %get3A_276, %and3A_283 : vector<16xi32>
    %swap3A_285 = arith.constant 368 : index
    %swap3A_286 = tpu.vector_load %arg10[%swap3A_285] {strides = array<i32>} : memref<512xi32, #tpu.memory_space<vmem>>, vector<16xi32>,
    tpu.vector_store %arg10[%swap3A_285], %and3A_284 {strides = array<i32>} : memref<512xi32, #tpu.memory_space<vmem>>, vector<16xi32>,
    %get3A_287 = arith.constant 384 : index
    %get3A_288 = tpu.vector_load %arg8[%get3A_287] {strides = array<i32>} : memref<512xi32, #tpu.memory_space<vmem>>, vector<16xi32>,
    %shift_right_arithmetic3A_289 = arith.constant 2 : i32
    %shift_right_arithmetic3A_290 = vector.broadcast %shift_right_arithmetic3A_289 : i32 to vector<16xi32>
    %shift_right_arithmetic3A_291 = arith.shrsi %get3A_288, %shift_right_arithmetic3A_290 : vector<16xi32>
    %swap3A_292 = arith.constant 384 : index
    %swap3A_293 = tpu.vector_load %arg9[%swap3A_292] {strides = array<i32>} : memref<512xi32, #tpu.memory_space<vmem>>, vector<16xi32>,
    tpu.vector_store %arg9[%swap3A_292], %shift_right_arithmetic3A_291 {strides = array<i32>} : memref<512xi32, #tpu.memory_space<vmem>>, vector<16xi32>,
    %and3A_294 = arith.constant 3 : i32
    %and3A_295 = vector.broadcast %and3A_294 : i32 to vector<16xi32>
    %and3A_296 = arith.andi %get3A_288, %and3A_295 : vector<16xi32>
    %swap3A_297 = arith.constant 384 : index
    %swap3A_298 = tpu.vector_load %arg10[%swap3A_297] {strides = array<i32>} : memref<512xi32, #tpu.memory_space<vmem>>, vector<16xi32>,
    tpu.vector_store %arg10[%swap3A_297], %and3A_296 {strides = array<i32>} : memref<512xi32, #tpu.memory_space<vmem>>, vector<16xi32>,
    %get3A_299 = arith.constant 400 : index
    %get3A_300 = tpu.vector_load %arg8[%get3A_299] {strides = array<i32>} : memref<512xi32, #tpu.memory_space<vmem>>, vector<16xi32>,
    %shift_right_arithmetic3A_301 = arith.constant 2 : i32
    %shift_right_arithmetic3A_302 = vector.broadcast %shift_right_arithmetic3A_301 : i32 to vector<16xi32>
    %shift_right_arithmetic3A_303 = arith.shrsi %get3A_300, %shift_right_arithmetic3A_302 : vector<16xi32>
    %swap3A_304 = arith.constant 400 : index
    %swap3A_305 = tpu.vector_load %arg9[%swap3A_304] {strides = array<i32>} : memref<512xi32, #tpu.memory_space<vmem>>, vector<16xi32>,
    tpu.vector_store %arg9[%swap3A_304], %shift_right_arithmetic3A_303 {strides = array<i32>} : memref<512xi32, #tpu.memory_space<vmem>>, vector<16xi32>,
    %and3A_306 = arith.constant 3 : i32
    %and3A_307 = vector.broadcast %and3A_306 : i32 to vector<16xi32>
    %and3A_308 = arith.andi %get3A_300, %and3A_307 : vector<16xi32>
    %swap3A_309 = arith.constant 400 : index
    %swap3A_310 = tpu.vector_load %arg10[%swap3A_309] {strides = array<i32>} : memref<512xi32, #tpu.memory_space<vmem>>, vector<16xi32>,
    tpu.vector_store %arg10[%swap3A_309], %and3A_308 {strides = array<i32>} : memref<512xi32, #tpu.memory_space<vmem>>, vector<16xi32>,
    %get3A_311 = arith.constant 416 : index
    %get3A_312 = tpu.vector_load %arg8[%get3A_311] {strides = array<i32>} : memref<512xi32, #tpu.memory_space<vmem>>, vector<16xi32>,
    %shift_right_arithmetic3A_313 = arith.constant 2 : i32
    %shift_right_arithmetic3A_314 = vector.broadcast %shift_right_arithmetic3A_313 : i32 to vector<16xi32>
    %shift_right_arithmetic3A_315 = arith.shrsi %get3A_312, %shift_right_arithmetic3A_314 : vector<16xi32>
    %swap3A_316 = arith.constant 416 : index
    %swap3A_317 = tpu.vector_load %arg9[%swap3A_316] {strides = array<i32>} : memref<512xi32, #tpu.memory_space<vmem>>, vector<16xi32>,
    tpu.vector_store %arg9[%swap3A_316], %shift_right_arithmetic3A_315 {strides = array<i32>} : memref<512xi32, #tpu.memory_space<vmem>>, vector<16xi32>,
    %and3A_318 = arith.constant 3 : i32
    %and3A_319 = vector.broadcast %and3A_318 : i32 to vector<16xi32>
    %and3A_320 = arith.andi %get3A_312, %and3A_319 : vector<16xi32>
    %swap3A_321 = arith.constant 416 : index
    %swap3A_322 = tpu.vector_load %arg10[%swap3A_321] {strides = array<i32>} : memref<512xi32, #tpu.memory_space<vmem>>, vector<16xi32>,
    tpu.vector_store %arg10[%swap3A_321], %and3A_320 {strides = array<i32>} : memref<512xi32, #tpu.memory_space<vmem>>, vector<16xi32>,
    %get3A_323 = arith.constant 432 : index
    %get3A_324 = tpu.vector_load %arg8[%get3A_323] {strides = array<i32>} : memref<512xi32, #tpu.memory_space<vmem>>, vector<16xi32>,
    %shift_right_arithmetic3A_325 = arith.constant 2 : i32
    %shift_right_arithmetic3A_326 = vector.broadcast %shift_right_arithmetic3A_325 : i32 to vector<16xi32>
    %shift_right_arithmetic3A_327 = arith.shrsi %get3A_324, %shift_right_arithmetic3A_326 : vector<16xi32>
    %swap3A_328 = arith.constant 432 : index
    %swap3A_329 = tpu.vector_load %arg9[%swap3A_328] {strides = array<i32>} : memref<512xi32, #tpu.memory_space<vmem>>, vector<16xi32>,
    tpu.vector_store %arg9[%swap3A_328], %shift_right_arithmetic3A_327 {strides = array<i32>} : memref<512xi32, #tpu.memory_space<vmem>>, vector<16xi32>,
    %and3A_330 = arith.constant 3 : i32
    %and3A_331 = vector.broadcast %and3A_330 : i32 to vector<16xi32>
    %and3A_332 = arith.andi %get3A_324, %and3A_331 : vector<16xi32>
    %swap3A_333 = arith.constant 432 : index
    %swap3A_334 = tpu.vector_load %arg10[%swap3A_333] {strides = array<i32>} : memref<512xi32, #tpu.memory_space<vmem>>, vector<16xi32>,
    tpu.vector_store %arg10[%swap3A_333], %and3A_332 {strides = array<i32>} : memref<512xi32, #tpu.memory_space<vmem>>, vector<16xi32>,
    %get3A_335 = arith.constant 448 : index
    %get3A_336 = tpu.vector_load %arg8[%get3A_335] {strides = array<i32>} : memref<512xi32, #tpu.memory_space<vmem>>, vector<16xi32>,
    %shift_right_arithmetic3A_337 = arith.constant 2 : i32
    %shift_right_arithmetic3A_338 = vector.broadcast %shift_right_arithmetic3A_337 : i32 to vector<16xi32>
    %shift_right_arithmetic3A_339 = arith.shrsi %get3A_336, %shift_right_arithmetic3A_338 : vector<16xi32>
    %swap3A_340 = arith.constant 448 : index
    %swap3A_341 = tpu.vector_load %arg9[%swap3A_340] {strides = array<i32>} : memref<512xi32, #tpu.memory_space<vmem>>, vector<16xi32>,
    tpu.vector_store %arg9[%swap3A_340], %shift_right_arithmetic3A_339 {strides = array<i32>} : memref<512xi32, #tpu.memory_space<vmem>>, vector<16xi32>,
    %and3A_342 = arith.constant 3 : i32
    %and3A_343 = vector.broadcast %and3A_342 : i32 to vector<16xi32>
    %and3A_344 = arith.andi %get3A_336, %and3A_343 : vector<16xi32>
    %swap3A_345 = arith.constant 448 : index
    %swap3A_346 = tpu.vector_load %arg10[%swap3A_345] {strides = array<i32>} : memref<512xi32, #tpu.memory_space<vmem>>, vector<16xi32>,
    tpu.vector_store %arg10[%swap3A_345], %and3A_344 {strides = array<i32>} : memref<512xi32, #tpu.memory_space<vmem>>, vector<16xi32>,
    %get3A_347 = arith.constant 464 : index
    %get3A_348 = tpu.vector_load %arg8[%get3A_347] {strides = array<i32>} : memref<512xi32, #tpu.memory_space<vmem>>, vector<16xi32>,
    %shift_right_arithmetic3A_349 = arith.constant 2 : i32
    %shift_right_arithmetic3A_350 = vector.broadcast %shift_right_arithmetic3A_349 : i32 to vector<16xi32>
    %shift_right_arithmetic3A_351 = arith.shrsi %get3A_348, %shift_right_arithmetic3A_350 : vector<16xi32>
    %swap3A_352 = arith.constant 464 : index
    %swap3A_353 = tpu.vector_load %arg9[%swap3A_352] {strides = array<i32>} : memref<512xi32, #tpu.memory_space<vmem>>, vector<16xi32>,
    tpu.vector_store %arg9[%swap3A_352], %shift_right_arithmetic3A_351 {strides = array<i32>} : memref<512xi32, #tpu.memory_space<vmem>>, vector<16xi32>,
    %and3A_354 = arith.constant 3 : i32
    %and3A_355 = vector.broadcast %and3A_354 : i32 to vector<16xi32>
    %and3A_356 = arith.andi %get3A_348, %and3A_355 : vector<16xi32>
    %swap3A_357 = arith.constant 464 : index
    %swap3A_358 = tpu.vector_load %arg10[%swap3A_357] {strides = array<i32>} : memref<512xi32, #tpu.memory_space<vmem>>, vector<16xi32>,
    tpu.vector_store %arg10[%swap3A_357], %and3A_356 {strides = array<i32>} : memref<512xi32, #tpu.memory_space<vmem>>, vector<16xi32>,
    %get3A_359 = arith.constant 480 : index
    %get3A_360 = tpu.vector_load %arg8[%get3A_359] {strides = array<i32>} : memref<512xi32, #tpu.memory_space<vmem>>, vector<16xi32>,
    %shift_right_arithmetic3A_361 = arith.constant 2 : i32
    %shift_right_arithmetic3A_362 = vector.broadcast %shift_right_arithmetic3A_361 : i32 to vector<16xi32>
    %shift_right_arithmetic3A_363 = arith.shrsi %get3A_360, %shift_right_arithmetic3A_362 : vector<16xi32>
    %swap3A_364 = arith.constant 480 : index
    %swap3A_365 = tpu.vector_load %arg9[%swap3A_364] {strides = array<i32>} : memref<512xi32, #tpu.memory_space<vmem>>, vector<16xi32>,
    tpu.vector_store %arg9[%swap3A_364], %shift_right_arithmetic3A_363 {strides = array<i32>} : memref<512xi32, #tpu.memory_space<vmem>>, vector<16xi32>,
    %and3A_366 = arith.constant 3 : i32
    %and3A_367 = vector.broadcast %and3A_366 : i32 to vector<16xi32>
    %and3A_368 = arith.andi %get3A_360, %and3A_367 : vector<16xi32>
    %swap3A_369 = arith.constant 480 : index
    %swap3A_370 = tpu.vector_load %arg10[%swap3A_369] {strides = array<i32>} : memref<512xi32, #tpu.memory_space<vmem>>, vector<16xi32>,
    tpu.vector_store %arg10[%swap3A_369], %and3A_368 {strides = array<i32>} : memref<512xi32, #tpu.memory_space<vmem>>, vector<16xi32>,
    %get3A_371 = arith.constant 496 : index
    %get3A_372 = tpu.vector_load %arg8[%get3A_371] {strides = array<i32>} : memref<512xi32, #tpu.memory_space<vmem>>, vector<16xi32>,
    %shift_right_arithmetic3A_373 = arith.constant 2 : i32
    %shift_right_arithmetic3A_374 = vector.broadcast %shift_right_arithmetic3A_373 : i32 to vector<16xi32>
    %shift_right_arithmetic3A_375 = arith.shrsi %get3A_372, %shift_right_arithmetic3A_374 : vector<16xi32>
    %swap3A_376 = arith.constant 496 : index
    %swap3A_377 = tpu.vector_load %arg9[%swap3A_376] {strides = array<i32>} : memref<512xi32, #tpu.memory_space<vmem>>, vector<16xi32>,
    tpu.vector_store %arg9[%swap3A_376], %shift_right_arithmetic3A_375 {strides = array<i32>} : memref<512xi32, #tpu.memory_space<vmem>>, vector<16xi32>,
    %and3A_378 = arith.constant 3 : i32
    %and3A_379 = vector.broadcast %and3A_378 : i32 to vector<16xi32>
    %and3A_380 = arith.andi %get3A_372, %and3A_379 : vector<16xi32>
    %swap3A_381 = arith.constant 496 : index
    %swap3A_382 = tpu.vector_load %arg10[%swap3A_381] {strides = array<i32>} : memref<512xi32, #tpu.memory_space<vmem>>, vector<16xi32>,
    tpu.vector_store %arg10[%swap3A_381], %and3A_380 {strides = array<i32>} : memref<512xi32, #tpu.memory_space<vmem>>, vector<16xi32>,
    %dma_start3A = arith.constant 0 : i32
    %dma_start3A_383 = arith.constant 0 : i32
    %dma_start3A_384 = tpu.memref_slice %arg11[%dma_start3A, %dma_start3A_383] : memref<512x128xf32, #tpu.memory_space<vmem>> -> memref<128x128xf32, #tpu.memory_space<vmem>>
    %dma_start3A_385 = arith.constant 0 : i32
    %dma_start3A_386 = tpu.memref_slice %arg9[%dma_start3A_385] : memref<512xi32, #tpu.memory_space<vmem>> -> memref<128xi32, #tpu.memory_space<vmem>>
    %dma_start3A_387 = arith.constant 0 : i32
    %dma_start3A_388 = arith.constant 0 : i32
    %dma_start3A_389 = tpu.memref_slice %arg2[%dma_start3A_387, %dma_start3A_388] : memref<250000x128xf32, #tpu.memory_space<hbm>> -> memref<250000x128xf32, #tpu.memory_space<hbm>>
    tpu.enqueue_indirect_dma source(%dma_start3A_389 : memref<250000x128xf32, #tpu.memory_space<hbm>>) target(%dma_start3A_384 : memref<128x128xf32, #tpu.memory_space<vmem>>) offsets(%dma_start3A_386 : memref<128xi32, #tpu.memory_space<vmem>>) semaphore(%arg13 : memref<!tpu.dma_semaphore, #tpu.memory_space<semaphore_mem>>)
    %dma_start3A_390 = arith.constant 128 : i32
    %dma_start3A_391 = arith.constant 0 : i32
    %dma_start3A_392 = tpu.memref_slice %arg11[%dma_start3A_390, %dma_start3A_391] : memref<512x128xf32, #tpu.memory_space<vmem>> -> memref<128x128xf32, #tpu.memory_space<vmem>>
    %dma_start3A_393 = arith.constant 128 : i32
    %dma_start3A_394 = tpu.memref_slice %arg9[%dma_start3A_393] : memref<512xi32, #tpu.memory_space<vmem>> -> memref<128xi32, #tpu.memory_space<vmem>>
    %dma_start3A_395 = arith.constant 0 : i32
    %dma_start3A_396 = arith.constant 0 : i32
    %dma_start3A_397 = tpu.memref_slice %arg2[%dma_start3A_395, %dma_start3A_396] : memref<250000x128xf32, #tpu.memory_space<hbm>> -> memref<250000x128xf32, #tpu.memory_space<hbm>>
    tpu.enqueue_indirect_dma source(%dma_start3A_397 : memref<250000x128xf32, #tpu.memory_space<hbm>>) target(%dma_start3A_392 : memref<128x128xf32, #tpu.memory_space<vmem>>) offsets(%dma_start3A_394 : memref<128xi32, #tpu.memory_space<vmem>>) semaphore(%arg13 : memref<!tpu.dma_semaphore, #tpu.memory_space<semaphore_mem>>)
    %dma_start3A_398 = arith.constant 256 : i32
    %dma_start3A_399 = arith.constant 0 : i32
    %dma_start3A_400 = tpu.memref_slice %arg11[%dma_start3A_398, %dma_start3A_399] : memref<512x128xf32, #tpu.memory_space<vmem>> -> memref<128x128xf32, #tpu.memory_space<vmem>>
    %dma_start3A_401 = arith.constant 256 : i32
    %dma_start3A_402 = tpu.memref_slice %arg9[%dma_start3A_401] : memref<512xi32, #tpu.memory_space<vmem>> -> memref<128xi32, #tpu.memory_space<vmem>>
    %dma_start3A_403 = arith.constant 0 : i32
    %dma_start3A_404 = arith.constant 0 : i32
    %dma_start3A_405 = tpu.memref_slice %arg2[%dma_start3A_403, %dma_start3A_404] : memref<250000x128xf32, #tpu.memory_space<hbm>> -> memref<250000x128xf32, #tpu.memory_space<hbm>>
    tpu.enqueue_indirect_dma source(%dma_start3A_405 : memref<250000x128xf32, #tpu.memory_space<hbm>>) target(%dma_start3A_400 : memref<128x128xf32, #tpu.memory_space<vmem>>) offsets(%dma_start3A_402 : memref<128xi32, #tpu.memory_space<vmem>>) semaphore(%arg13 : memref<!tpu.dma_semaphore, #tpu.memory_space<semaphore_mem>>)
    %dma_start3A_406 = arith.constant 384 : i32
    %dma_start3A_407 = arith.constant 0 : i32
    %dma_start3A_408 = tpu.memref_slice %arg11[%dma_start3A_406, %dma_start3A_407] : memref<512x128xf32, #tpu.memory_space<vmem>> -> memref<128x128xf32, #tpu.memory_space<vmem>>
    %dma_start3A_409 = arith.constant 384 : i32
    %dma_start3A_410 = tpu.memref_slice %arg9[%dma_start3A_409] : memref<512xi32, #tpu.memory_space<vmem>> -> memref<128xi32, #tpu.memory_space<vmem>>
    %dma_start3A_411 = arith.constant 0 : i32
    %dma_start3A_412 = arith.constant 0 : i32
    %dma_start3A_413 = tpu.memref_slice %arg2[%dma_start3A_411, %dma_start3A_412] : memref<250000x128xf32, #tpu.memory_space<hbm>> -> memref<250000x128xf32, #tpu.memory_space<hbm>>
    tpu.enqueue_indirect_dma source(%dma_start3A_413 : memref<250000x128xf32, #tpu.memory_space<hbm>>) target(%dma_start3A_408 : memref<128x128xf32, #tpu.memory_space<vmem>>) offsets(%dma_start3A_410 : memref<128xi32, #tpu.memory_space<vmem>>) semaphore(%arg13 : memref<!tpu.dma_semaphore, #tpu.memory_space<semaphore_mem>>)
    %dma_wait3A = arith.constant 0 : i32
    %dma_wait3A_414 = arith.constant 0 : i32
    %dma_wait3A_415 = tpu.memref_slice %arg11[%dma_wait3A, %dma_wait3A_414] : memref<512x128xf32, #tpu.memory_space<vmem>> -> memref<128x128xf32, #tpu.memory_space<vmem>>
    %dma_wait3A_416 = arith.constant 0 : i32
    %dma_wait3A_417 = tpu.memref_slice %arg9[%dma_wait3A_416] : memref<512xi32, #tpu.memory_space<vmem>> -> memref<128xi32, #tpu.memory_space<vmem>>
    %dma_wait3A_418 = arith.constant 0 : i32
    %dma_wait3A_419 = arith.constant 0 : i32
    %dma_wait3A_420 = tpu.memref_slice %arg2[%dma_wait3A_418, %dma_wait3A_419] : memref<250000x128xf32, #tpu.memory_space<hbm>> -> memref<250000x128xf32, #tpu.memory_space<hbm>>
    tpu.wait_indirect_dma semaphore(%arg13 : memref<!tpu.dma_semaphore, #tpu.memory_space<semaphore_mem>>) src(%dma_wait3A_420 : memref<250000x128xf32, #tpu.memory_space<hbm>>) dst(%dma_wait3A_415 : memref<128x128xf32, #tpu.memory_space<vmem>>)
    %dma_wait3A_421 = arith.constant 128 : i32
    %dma_wait3A_422 = arith.constant 0 : i32
    %dma_wait3A_423 = tpu.memref_slice %arg11[%dma_wait3A_421, %dma_wait3A_422] : memref<512x128xf32, #tpu.memory_space<vmem>> -> memref<128x128xf32, #tpu.memory_space<vmem>>
    %dma_wait3A_424 = arith.constant 128 : i32
    %dma_wait3A_425 = tpu.memref_slice %arg9[%dma_wait3A_424] : memref<512xi32, #tpu.memory_space<vmem>> -> memref<128xi32, #tpu.memory_space<vmem>>
    %dma_wait3A_426 = arith.constant 0 : i32
    %dma_wait3A_427 = arith.constant 0 : i32
    %dma_wait3A_428 = tpu.memref_slice %arg2[%dma_wait3A_426, %dma_wait3A_427] : memref<250000x128xf32, #tpu.memory_space<hbm>> -> memref<250000x128xf32, #tpu.memory_space<hbm>>
    tpu.wait_indirect_dma semaphore(%arg13 : memref<!tpu.dma_semaphore, #tpu.memory_space<semaphore_mem>>) src(%dma_wait3A_428 : memref<250000x128xf32, #tpu.memory_space<hbm>>) dst(%dma_wait3A_423 : memref<128x128xf32, #tpu.memory_space<vmem>>)
    %dma_wait3A_429 = arith.constant 256 : i32
    %dma_wait3A_430 = arith.constant 0 : i32
    %dma_wait3A_431 = tpu.memref_slice %arg11[%dma_wait3A_429, %dma_wait3A_430] : memref<512x128xf32, #tpu.memory_space<vmem>> -> memref<128x128xf32, #tpu.memory_space<vmem>>
    %dma_wait3A_432 = arith.constant 256 : i32
    %dma_wait3A_433 = tpu.memref_slice %arg9[%dma_wait3A_432] : memref<512xi32, #tpu.memory_space<vmem>> -> memref<128xi32, #tpu.memory_space<vmem>>
    %dma_wait3A_434 = arith.constant 0 : i32
    %dma_wait3A_435 = arith.constant 0 : i32
    %dma_wait3A_436 = tpu.memref_slice %arg2[%dma_wait3A_434, %dma_wait3A_435] : memref<250000x128xf32, #tpu.memory_space<hbm>> -> memref<250000x128xf32, #tpu.memory_space<hbm>>
    tpu.wait_indirect_dma semaphore(%arg13 : memref<!tpu.dma_semaphore, #tpu.memory_space<semaphore_mem>>) src(%dma_wait3A_436 : memref<250000x128xf32, #tpu.memory_space<hbm>>) dst(%dma_wait3A_431 : memref<128x128xf32, #tpu.memory_space<vmem>>)
    %dma_wait3A_437 = arith.constant 384 : i32
    %dma_wait3A_438 = arith.constant 0 : i32
    %dma_wait3A_439 = tpu.memref_slice %arg11[%dma_wait3A_437, %dma_wait3A_438] : memref<512x128xf32, #tpu.memory_space<vmem>> -> memref<128x128xf32, #tpu.memory_space<vmem>>
    %dma_wait3A_440 = arith.constant 384 : i32
    %dma_wait3A_441 = tpu.memref_slice %arg9[%dma_wait3A_440] : memref<512xi32, #tpu.memory_space<vmem>> -> memref<128xi32, #tpu.memory_space<vmem>>
    %dma_wait3A_442 = arith.constant 0 : i32
    %dma_wait3A_443 = arith.constant 0 : i32
    %dma_wait3A_444 = tpu.memref_slice %arg2[%dma_wait3A_442, %dma_wait3A_443] : memref<250000x128xf32, #tpu.memory_space<hbm>> -> memref<250000x128xf32, #tpu.memory_space<hbm>>
    tpu.wait_indirect_dma semaphore(%arg13 : memref<!tpu.dma_semaphore, #tpu.memory_space<semaphore_mem>>) src(%dma_wait3A_444 : memref<250000x128xf32, #tpu.memory_space<hbm>>) dst(%dma_wait3A_439 : memref<128x128xf32, #tpu.memory_space<vmem>>)
    %scan3A = arith.constant 0 : i32
    %scan3A_445 = arith.constant 0 : i32
    %scan3A_446 = arith.constant 512 : i32
    %scan3A_447 = arith.addi %scan3A_445, %scan3A_446 : i32
    %scan3A_448 = arith.constant 1 : i32
    %scan3A_449 = scf.for %scan3A_910 = %scan3A_445 to %scan3A_447 step %scan3A_448 iter_args(%scan3A_911 = %scan3A) -> (i32)  : i32 {
      %broadcast_in_dim3A = vector.broadcast %scan3A_910 : i32 to vector<16xi32>
      %gather3A = tpu.vector_load_idx %arg10[%broadcast_in_dim3A] : memref<512xi32, #tpu.memory_space<vmem>>[vector<16xi32>], vector<16xi32>,
      %mul3A_912 = arith.constant 32 : i32
      %mul3A_913 = vector.broadcast %mul3A_912 : i32 to vector<16xi32>
      %mul3A_914 = arith.muli %gather3A, %mul3A_913 : vector<16xi32>
      %add3A_915 = arith.addi %mul3A_914, %iota3A : vector<16xi32>
      %gather3A_916 = tpu.vector_load_idx %arg11[%broadcast_in_dim3A, %add3A_915] : memref<512x128xf32, #tpu.memory_space<vmem>>[vector<16xi32>, vector<16xi32>], vector<16xf32>,
      %add3A_917 = arith.addi %mul3A_914, %iota3A : vector<16xi32>
      %add3A_918 = arith.constant 16 : i32
      %add3A_919 = vector.broadcast %add3A_918 : i32 to vector<16xi32>
      %add3A_920 = arith.addi %add3A_917, %add3A_919 : vector<16xi32>
      %gather3A_921 = tpu.vector_load_idx %arg11[%broadcast_in_dim3A, %add3A_920] : memref<512x128xf32, #tpu.memory_space<vmem>>[vector<16xi32>, vector<16xi32>], vector<16xf32>,
      %mul3A_922 = arith.constant 32 : i32
      %mul3A_923 = arith.muli %scan3A_910, %mul3A_922 : i32
      %add3A_924 = vector.broadcast %mul3A_923 : i32 to vector<16xi32>
      %add3A_925 = arith.addi %add3A_924, %iota3A : vector<16xi32>
      tpu.vector_store_idx %arg12[%add3A_925], %gather3A_916 : memref<16384xf32, #tpu.memory_space<vmem>>[vector<16xi32>], vector<16xf32>,
      %add3A_926 = arith.constant 16 : i32
      %add3A_927 = arith.addi %mul3A_923, %add3A_926 : i32
      %add3A_928 = vector.broadcast %add3A_927 : i32 to vector<16xi32>
      %add3A_929 = arith.addi %add3A_928, %iota3A : vector<16xi32>
      tpu.vector_store_idx %arg12[%add3A_929], %gather3A_921 : memref<16384xf32, #tpu.memory_space<vmem>>[vector<16xi32>], vector<16xf32>,
      %scan3A_930 = arith.constant 0 : i32
      scf.yield %scan3A_930 : i32
    }
    %scan3A_450 = arith.constant 512 : i32
    %mul3A_451 = arith.constant 32 : i32
    %mul3A_452 = arith.muli %mul3A_2, %mul3A_451 : i32
    "tpu.region"() ({
      %run_scoped3A = tpu.sem_alloc : memref<!tpu.dma_semaphore, #tpu.memory_space<semaphore_mem>>
      %dma_start3A_910 = tpu.memref_slice %arg6[%mul3A_452] : memref<524288xf32, #tpu.memory_space<hbm>> -> memref<16384xf32, #tpu.memory_space<hbm>>
      %dma_start3A_911 = tpu.memref_slice %arg6[%mul3A_452] : memref<524288xf32, #tpu.memory_space<hbm>> -> memref<16384xf32, #tpu.memory_space<hbm>>
      tpu.enqueue_dma source(%arg12 : memref<16384xf32, #tpu.memory_space<vmem>>) target(%dma_start3A_911 : memref<16384xf32, #tpu.memory_space<hbm>>) target_semaphore(%run_scoped3A : memref<!tpu.dma_semaphore, #tpu.memory_space<semaphore_mem>>)
      %dma_wait3A_912 = tpu.memref_slice %arg6[%mul3A_452] : memref<524288xf32, #tpu.memory_space<hbm>> -> memref<16384xf32, #tpu.memory_space<hbm>>
      %dma_wait3A_913 = tpu.memref_slice %arg6[%mul3A_452] : memref<524288xf32, #tpu.memory_space<hbm>> -> memref<16384xf32, #tpu.memory_space<hbm>>
      tpu.wait_dma2 semaphore(%run_scoped3A : memref<!tpu.dma_semaphore, #tpu.memory_space<semaphore_mem>>) src(%arg12 : memref<16384xf32, #tpu.memory_space<vmem>>) dst(%dma_wait3A_913 : memref<16384xf32, #tpu.memory_space<hbm>>)
      tpu.yield
    }) : () -> ()
    "tpu.region"() ({
      %run_scoped3A = tpu.sem_alloc : memref<!tpu.dma_semaphore, #tpu.memory_space<semaphore_mem>>
      %dma_start3A_910 = tpu.memref_slice %arg5[%mul3A_2] : memref<16384xi32, #tpu.memory_space<hbm>> -> memref<512xi32, #tpu.memory_space<hbm>>
      %dma_start3A_911 = tpu.memref_slice %arg5[%mul3A_2] : memref<16384xi32, #tpu.memory_space<hbm>> -> memref<512xi32, #tpu.memory_space<hbm>>
      tpu.enqueue_dma source(%dma_start3A_911 : memref<512xi32, #tpu.memory_space<hbm>>) target(%arg8 : memref<512xi32, #tpu.memory_space<vmem>>) target_semaphore(%run_scoped3A : memref<!tpu.dma_semaphore, #tpu.memory_space<semaphore_mem>>)
      %dma_wait3A_912 = tpu.memref_slice %arg5[%mul3A_2] : memref<16384xi32, #tpu.memory_space<hbm>> -> memref<512xi32, #tpu.memory_space<hbm>>
      %dma_wait3A_913 = tpu.memref_slice %arg5[%mul3A_2] : memref<16384xi32, #tpu.memory_space<hbm>> -> memref<512xi32, #tpu.memory_space<hbm>>
      tpu.wait_dma2 semaphore(%run_scoped3A : memref<!tpu.dma_semaphore, #tpu.memory_space<semaphore_mem>>) src(%dma_wait3A_913 : memref<512xi32, #tpu.memory_space<hbm>>) dst(%arg8 : memref<512xi32, #tpu.memory_space<vmem>>)
      tpu.yield
    }) : () -> ()
    %get3A_453 = arith.constant 0 : index
    %get3A_454 = tpu.vector_load %arg8[%get3A_453] {strides = array<i32>} : memref<512xi32, #tpu.memory_space<vmem>>, vector<16xi32>,
    %shift_right_arithmetic3A_455 = arith.constant 2 : i32
    %shift_right_arithmetic3A_456 = vector.broadcast %shift_right_arithmetic3A_455 : i32 to vector<16xi32>
    %shift_right_arithmetic3A_457 = arith.shrsi %get3A_454, %shift_right_arithmetic3A_456 : vector<16xi32>
    %swap3A_458 = arith.constant 0 : index
    %swap3A_459 = tpu.vector_load %arg9[%swap3A_458] {strides = array<i32>} : memref<512xi32, #tpu.memory_space<vmem>>, vector<16xi32>,
    tpu.vector_store %arg9[%swap3A_458], %shift_right_arithmetic3A_457 {strides = array<i32>} : memref<512xi32, #tpu.memory_space<vmem>>, vector<16xi32>,
    %and3A_460 = arith.constant 3 : i32
    %and3A_461 = vector.broadcast %and3A_460 : i32 to vector<16xi32>
    %and3A_462 = arith.andi %get3A_454, %and3A_461 : vector<16xi32>
    %swap3A_463 = arith.constant 0 : index
    %swap3A_464 = tpu.vector_load %arg10[%swap3A_463] {strides = array<i32>} : memref<512xi32, #tpu.memory_space<vmem>>, vector<16xi32>,
    tpu.vector_store %arg10[%swap3A_463], %and3A_462 {strides = array<i32>} : memref<512xi32, #tpu.memory_space<vmem>>, vector<16xi32>,
    %get3A_465 = arith.constant 16 : index
    %get3A_466 = tpu.vector_load %arg8[%get3A_465] {strides = array<i32>} : memref<512xi32, #tpu.memory_space<vmem>>, vector<16xi32>,
    %shift_right_arithmetic3A_467 = arith.constant 2 : i32
    %shift_right_arithmetic3A_468 = vector.broadcast %shift_right_arithmetic3A_467 : i32 to vector<16xi32>
    %shift_right_arithmetic3A_469 = arith.shrsi %get3A_466, %shift_right_arithmetic3A_468 : vector<16xi32>
    %swap3A_470 = arith.constant 16 : index
    %swap3A_471 = tpu.vector_load %arg9[%swap3A_470] {strides = array<i32>} : memref<512xi32, #tpu.memory_space<vmem>>, vector<16xi32>,
    tpu.vector_store %arg9[%swap3A_470], %shift_right_arithmetic3A_469 {strides = array<i32>} : memref<512xi32, #tpu.memory_space<vmem>>, vector<16xi32>,
    %and3A_472 = arith.constant 3 : i32
    %and3A_473 = vector.broadcast %and3A_472 : i32 to vector<16xi32>
    %and3A_474 = arith.andi %get3A_466, %and3A_473 : vector<16xi32>
    %swap3A_475 = arith.constant 16 : index
    %swap3A_476 = tpu.vector_load %arg10[%swap3A_475] {strides = array<i32>} : memref<512xi32, #tpu.memory_space<vmem>>, vector<16xi32>,
    tpu.vector_store %arg10[%swap3A_475], %and3A_474 {strides = array<i32>} : memref<512xi32, #tpu.memory_space<vmem>>, vector<16xi32>,
    %get3A_477 = arith.constant 32 : index
    %get3A_478 = tpu.vector_load %arg8[%get3A_477] {strides = array<i32>} : memref<512xi32, #tpu.memory_space<vmem>>, vector<16xi32>,
    %shift_right_arithmetic3A_479 = arith.constant 2 : i32
    %shift_right_arithmetic3A_480 = vector.broadcast %shift_right_arithmetic3A_479 : i32 to vector<16xi32>
    %shift_right_arithmetic3A_481 = arith.shrsi %get3A_478, %shift_right_arithmetic3A_480 : vector<16xi32>
    %swap3A_482 = arith.constant 32 : index
    %swap3A_483 = tpu.vector_load %arg9[%swap3A_482] {strides = array<i32>} : memref<512xi32, #tpu.memory_space<vmem>>, vector<16xi32>,
    tpu.vector_store %arg9[%swap3A_482], %shift_right_arithmetic3A_481 {strides = array<i32>} : memref<512xi32, #tpu.memory_space<vmem>>, vector<16xi32>,
    %and3A_484 = arith.constant 3 : i32
    %and3A_485 = vector.broadcast %and3A_484 : i32 to vector<16xi32>
    %and3A_486 = arith.andi %get3A_478, %and3A_485 : vector<16xi32>
    %swap3A_487 = arith.constant 32 : index
    %swap3A_488 = tpu.vector_load %arg10[%swap3A_487] {strides = array<i32>} : memref<512xi32, #tpu.memory_space<vmem>>, vector<16xi32>,
    tpu.vector_store %arg10[%swap3A_487], %and3A_486 {strides = array<i32>} : memref<512xi32, #tpu.memory_space<vmem>>, vector<16xi32>,
    %get3A_489 = arith.constant 48 : index
    %get3A_490 = tpu.vector_load %arg8[%get3A_489] {strides = array<i32>} : memref<512xi32, #tpu.memory_space<vmem>>, vector<16xi32>,
    %shift_right_arithmetic3A_491 = arith.constant 2 : i32
    %shift_right_arithmetic3A_492 = vector.broadcast %shift_right_arithmetic3A_491 : i32 to vector<16xi32>
    %shift_right_arithmetic3A_493 = arith.shrsi %get3A_490, %shift_right_arithmetic3A_492 : vector<16xi32>
    %swap3A_494 = arith.constant 48 : index
    %swap3A_495 = tpu.vector_load %arg9[%swap3A_494] {strides = array<i32>} : memref<512xi32, #tpu.memory_space<vmem>>, vector<16xi32>,
    tpu.vector_store %arg9[%swap3A_494], %shift_right_arithmetic3A_493 {strides = array<i32>} : memref<512xi32, #tpu.memory_space<vmem>>, vector<16xi32>,
    %and3A_496 = arith.constant 3 : i32
    %and3A_497 = vector.broadcast %and3A_496 : i32 to vector<16xi32>
    %and3A_498 = arith.andi %get3A_490, %and3A_497 : vector<16xi32>
    %swap3A_499 = arith.constant 48 : index
    %swap3A_500 = tpu.vector_load %arg10[%swap3A_499] {strides = array<i32>} : memref<512xi32, #tpu.memory_space<vmem>>, vector<16xi32>,
    tpu.vector_store %arg10[%swap3A_499], %and3A_498 {strides = array<i32>} : memref<512xi32, #tpu.memory_space<vmem>>, vector<16xi32>,
    %get3A_501 = arith.constant 64 : index
    %get3A_502 = tpu.vector_load %arg8[%get3A_501] {strides = array<i32>} : memref<512xi32, #tpu.memory_space<vmem>>, vector<16xi32>,
    %shift_right_arithmetic3A_503 = arith.constant 2 : i32
    %shift_right_arithmetic3A_504 = vector.broadcast %shift_right_arithmetic3A_503 : i32 to vector<16xi32>
    %shift_right_arithmetic3A_505 = arith.shrsi %get3A_502, %shift_right_arithmetic3A_504 : vector<16xi32>
    %swap3A_506 = arith.constant 64 : index
    %swap3A_507 = tpu.vector_load %arg9[%swap3A_506] {strides = array<i32>} : memref<512xi32, #tpu.memory_space<vmem>>, vector<16xi32>,
    tpu.vector_store %arg9[%swap3A_506], %shift_right_arithmetic3A_505 {strides = array<i32>} : memref<512xi32, #tpu.memory_space<vmem>>, vector<16xi32>,
    %and3A_508 = arith.constant 3 : i32
    %and3A_509 = vector.broadcast %and3A_508 : i32 to vector<16xi32>
    %and3A_510 = arith.andi %get3A_502, %and3A_509 : vector<16xi32>
    %swap3A_511 = arith.constant 64 : index
    %swap3A_512 = tpu.vector_load %arg10[%swap3A_511] {strides = array<i32>} : memref<512xi32, #tpu.memory_space<vmem>>, vector<16xi32>,
    tpu.vector_store %arg10[%swap3A_511], %and3A_510 {strides = array<i32>} : memref<512xi32, #tpu.memory_space<vmem>>, vector<16xi32>,
    %get3A_513 = arith.constant 80 : index
    %get3A_514 = tpu.vector_load %arg8[%get3A_513] {strides = array<i32>} : memref<512xi32, #tpu.memory_space<vmem>>, vector<16xi32>,
    %shift_right_arithmetic3A_515 = arith.constant 2 : i32
    %shift_right_arithmetic3A_516 = vector.broadcast %shift_right_arithmetic3A_515 : i32 to vector<16xi32>
    %shift_right_arithmetic3A_517 = arith.shrsi %get3A_514, %shift_right_arithmetic3A_516 : vector<16xi32>
    %swap3A_518 = arith.constant 80 : index
    %swap3A_519 = tpu.vector_load %arg9[%swap3A_518] {strides = array<i32>} : memref<512xi32, #tpu.memory_space<vmem>>, vector<16xi32>,
    tpu.vector_store %arg9[%swap3A_518], %shift_right_arithmetic3A_517 {strides = array<i32>} : memref<512xi32, #tpu.memory_space<vmem>>, vector<16xi32>,
    %and3A_520 = arith.constant 3 : i32
    %and3A_521 = vector.broadcast %and3A_520 : i32 to vector<16xi32>
    %and3A_522 = arith.andi %get3A_514, %and3A_521 : vector<16xi32>
    %swap3A_523 = arith.constant 80 : index
    %swap3A_524 = tpu.vector_load %arg10[%swap3A_523] {strides = array<i32>} : memref<512xi32, #tpu.memory_space<vmem>>, vector<16xi32>,
    tpu.vector_store %arg10[%swap3A_523], %and3A_522 {strides = array<i32>} : memref<512xi32, #tpu.memory_space<vmem>>, vector<16xi32>,
    %get3A_525 = arith.constant 96 : index
    %get3A_526 = tpu.vector_load %arg8[%get3A_525] {strides = array<i32>} : memref<512xi32, #tpu.memory_space<vmem>>, vector<16xi32>,
    %shift_right_arithmetic3A_527 = arith.constant 2 : i32
    %shift_right_arithmetic3A_528 = vector.broadcast %shift_right_arithmetic3A_527 : i32 to vector<16xi32>
    %shift_right_arithmetic3A_529 = arith.shrsi %get3A_526, %shift_right_arithmetic3A_528 : vector<16xi32>
    %swap3A_530 = arith.constant 96 : index
    %swap3A_531 = tpu.vector_load %arg9[%swap3A_530] {strides = array<i32>} : memref<512xi32, #tpu.memory_space<vmem>>, vector<16xi32>,
    tpu.vector_store %arg9[%swap3A_530], %shift_right_arithmetic3A_529 {strides = array<i32>} : memref<512xi32, #tpu.memory_space<vmem>>, vector<16xi32>,
    %and3A_532 = arith.constant 3 : i32
    %and3A_533 = vector.broadcast %and3A_532 : i32 to vector<16xi32>
    %and3A_534 = arith.andi %get3A_526, %and3A_533 : vector<16xi32>
    %swap3A_535 = arith.constant 96 : index
    %swap3A_536 = tpu.vector_load %arg10[%swap3A_535] {strides = array<i32>} : memref<512xi32, #tpu.memory_space<vmem>>, vector<16xi32>,
    tpu.vector_store %arg10[%swap3A_535], %and3A_534 {strides = array<i32>} : memref<512xi32, #tpu.memory_space<vmem>>, vector<16xi32>,
    %get3A_537 = arith.constant 112 : index
    %get3A_538 = tpu.vector_load %arg8[%get3A_537] {strides = array<i32>} : memref<512xi32, #tpu.memory_space<vmem>>, vector<16xi32>,
    %shift_right_arithmetic3A_539 = arith.constant 2 : i32
    %shift_right_arithmetic3A_540 = vector.broadcast %shift_right_arithmetic3A_539 : i32 to vector<16xi32>
    %shift_right_arithmetic3A_541 = arith.shrsi %get3A_538, %shift_right_arithmetic3A_540 : vector<16xi32>
    %swap3A_542 = arith.constant 112 : index
    %swap3A_543 = tpu.vector_load %arg9[%swap3A_542] {strides = array<i32>} : memref<512xi32, #tpu.memory_space<vmem>>, vector<16xi32>,
    tpu.vector_store %arg9[%swap3A_542], %shift_right_arithmetic3A_541 {strides = array<i32>} : memref<512xi32, #tpu.memory_space<vmem>>, vector<16xi32>,
    %and3A_544 = arith.constant 3 : i32
    %and3A_545 = vector.broadcast %and3A_544 : i32 to vector<16xi32>
    %and3A_546 = arith.andi %get3A_538, %and3A_545 : vector<16xi32>
    %swap3A_547 = arith.constant 112 : index
    %swap3A_548 = tpu.vector_load %arg10[%swap3A_547] {strides = array<i32>} : memref<512xi32, #tpu.memory_space<vmem>>, vector<16xi32>,
    tpu.vector_store %arg10[%swap3A_547], %and3A_546 {strides = array<i32>} : memref<512xi32, #tpu.memory_space<vmem>>, vector<16xi32>,
    %get3A_549 = arith.constant 128 : index
    %get3A_550 = tpu.vector_load %arg8[%get3A_549] {strides = array<i32>} : memref<512xi32, #tpu.memory_space<vmem>>, vector<16xi32>,
    %shift_right_arithmetic3A_551 = arith.constant 2 : i32
    %shift_right_arithmetic3A_552 = vector.broadcast %shift_right_arithmetic3A_551 : i32 to vector<16xi32>
    %shift_right_arithmetic3A_553 = arith.shrsi %get3A_550, %shift_right_arithmetic3A_552 : vector<16xi32>
    %swap3A_554 = arith.constant 128 : index
    %swap3A_555 = tpu.vector_load %arg9[%swap3A_554] {strides = array<i32>} : memref<512xi32, #tpu.memory_space<vmem>>, vector<16xi32>,
    tpu.vector_store %arg9[%swap3A_554], %shift_right_arithmetic3A_553 {strides = array<i32>} : memref<512xi32, #tpu.memory_space<vmem>>, vector<16xi32>,
    %and3A_556 = arith.constant 3 : i32
    %and3A_557 = vector.broadcast %and3A_556 : i32 to vector<16xi32>
    %and3A_558 = arith.andi %get3A_550, %and3A_557 : vector<16xi32>
    %swap3A_559 = arith.constant 128 : index
    %swap3A_560 = tpu.vector_load %arg10[%swap3A_559] {strides = array<i32>} : memref<512xi32, #tpu.memory_space<vmem>>, vector<16xi32>,
    tpu.vector_store %arg10[%swap3A_559], %and3A_558 {strides = array<i32>} : memref<512xi32, #tpu.memory_space<vmem>>, vector<16xi32>,
    %get3A_561 = arith.constant 144 : index
    %get3A_562 = tpu.vector_load %arg8[%get3A_561] {strides = array<i32>} : memref<512xi32, #tpu.memory_space<vmem>>, vector<16xi32>,
    %shift_right_arithmetic3A_563 = arith.constant 2 : i32
    %shift_right_arithmetic3A_564 = vector.broadcast %shift_right_arithmetic3A_563 : i32 to vector<16xi32>
    %shift_right_arithmetic3A_565 = arith.shrsi %get3A_562, %shift_right_arithmetic3A_564 : vector<16xi32>
    %swap3A_566 = arith.constant 144 : index
    %swap3A_567 = tpu.vector_load %arg9[%swap3A_566] {strides = array<i32>} : memref<512xi32, #tpu.memory_space<vmem>>, vector<16xi32>,
    tpu.vector_store %arg9[%swap3A_566], %shift_right_arithmetic3A_565 {strides = array<i32>} : memref<512xi32, #tpu.memory_space<vmem>>, vector<16xi32>,
    %and3A_568 = arith.constant 3 : i32
    %and3A_569 = vector.broadcast %and3A_568 : i32 to vector<16xi32>
    %and3A_570 = arith.andi %get3A_562, %and3A_569 : vector<16xi32>
    %swap3A_571 = arith.constant 144 : index
    %swap3A_572 = tpu.vector_load %arg10[%swap3A_571] {strides = array<i32>} : memref<512xi32, #tpu.memory_space<vmem>>, vector<16xi32>,
    tpu.vector_store %arg10[%swap3A_571], %and3A_570 {strides = array<i32>} : memref<512xi32, #tpu.memory_space<vmem>>, vector<16xi32>,
    %get3A_573 = arith.constant 160 : index
    %get3A_574 = tpu.vector_load %arg8[%get3A_573] {strides = array<i32>} : memref<512xi32, #tpu.memory_space<vmem>>, vector<16xi32>,
    %shift_right_arithmetic3A_575 = arith.constant 2 : i32
    %shift_right_arithmetic3A_576 = vector.broadcast %shift_right_arithmetic3A_575 : i32 to vector<16xi32>
    %shift_right_arithmetic3A_577 = arith.shrsi %get3A_574, %shift_right_arithmetic3A_576 : vector<16xi32>
    %swap3A_578 = arith.constant 160 : index
    %swap3A_579 = tpu.vector_load %arg9[%swap3A_578] {strides = array<i32>} : memref<512xi32, #tpu.memory_space<vmem>>, vector<16xi32>,
    tpu.vector_store %arg9[%swap3A_578], %shift_right_arithmetic3A_577 {strides = array<i32>} : memref<512xi32, #tpu.memory_space<vmem>>, vector<16xi32>,
    %and3A_580 = arith.constant 3 : i32
    %and3A_581 = vector.broadcast %and3A_580 : i32 to vector<16xi32>
    %and3A_582 = arith.andi %get3A_574, %and3A_581 : vector<16xi32>
    %swap3A_583 = arith.constant 160 : index
    %swap3A_584 = tpu.vector_load %arg10[%swap3A_583] {strides = array<i32>} : memref<512xi32, #tpu.memory_space<vmem>>, vector<16xi32>,
    tpu.vector_store %arg10[%swap3A_583], %and3A_582 {strides = array<i32>} : memref<512xi32, #tpu.memory_space<vmem>>, vector<16xi32>,
    %get3A_585 = arith.constant 176 : index
    %get3A_586 = tpu.vector_load %arg8[%get3A_585] {strides = array<i32>} : memref<512xi32, #tpu.memory_space<vmem>>, vector<16xi32>,
    %shift_right_arithmetic3A_587 = arith.constant 2 : i32
    %shift_right_arithmetic3A_588 = vector.broadcast %shift_right_arithmetic3A_587 : i32 to vector<16xi32>
    %shift_right_arithmetic3A_589 = arith.shrsi %get3A_586, %shift_right_arithmetic3A_588 : vector<16xi32>
    %swap3A_590 = arith.constant 176 : index
    %swap3A_591 = tpu.vector_load %arg9[%swap3A_590] {strides = array<i32>} : memref<512xi32, #tpu.memory_space<vmem>>, vector<16xi32>,
    tpu.vector_store %arg9[%swap3A_590], %shift_right_arithmetic3A_589 {strides = array<i32>} : memref<512xi32, #tpu.memory_space<vmem>>, vector<16xi32>,
    %and3A_592 = arith.constant 3 : i32
    %and3A_593 = vector.broadcast %and3A_592 : i32 to vector<16xi32>
    %and3A_594 = arith.andi %get3A_586, %and3A_593 : vector<16xi32>
    %swap3A_595 = arith.constant 176 : index
    %swap3A_596 = tpu.vector_load %arg10[%swap3A_595] {strides = array<i32>} : memref<512xi32, #tpu.memory_space<vmem>>, vector<16xi32>,
    tpu.vector_store %arg10[%swap3A_595], %and3A_594 {strides = array<i32>} : memref<512xi32, #tpu.memory_space<vmem>>, vector<16xi32>,
    %get3A_597 = arith.constant 192 : index
    %get3A_598 = tpu.vector_load %arg8[%get3A_597] {strides = array<i32>} : memref<512xi32, #tpu.memory_space<vmem>>, vector<16xi32>,
    %shift_right_arithmetic3A_599 = arith.constant 2 : i32
    %shift_right_arithmetic3A_600 = vector.broadcast %shift_right_arithmetic3A_599 : i32 to vector<16xi32>
    %shift_right_arithmetic3A_601 = arith.shrsi %get3A_598, %shift_right_arithmetic3A_600 : vector<16xi32>
    %swap3A_602 = arith.constant 192 : index
    %swap3A_603 = tpu.vector_load %arg9[%swap3A_602] {strides = array<i32>} : memref<512xi32, #tpu.memory_space<vmem>>, vector<16xi32>,
    tpu.vector_store %arg9[%swap3A_602], %shift_right_arithmetic3A_601 {strides = array<i32>} : memref<512xi32, #tpu.memory_space<vmem>>, vector<16xi32>,
    %and3A_604 = arith.constant 3 : i32
    %and3A_605 = vector.broadcast %and3A_604 : i32 to vector<16xi32>
    %and3A_606 = arith.andi %get3A_598, %and3A_605 : vector<16xi32>
    %swap3A_607 = arith.constant 192 : index
    %swap3A_608 = tpu.vector_load %arg10[%swap3A_607] {strides = array<i32>} : memref<512xi32, #tpu.memory_space<vmem>>, vector<16xi32>,
    tpu.vector_store %arg10[%swap3A_607], %and3A_606 {strides = array<i32>} : memref<512xi32, #tpu.memory_space<vmem>>, vector<16xi32>,
    %get3A_609 = arith.constant 208 : index
    %get3A_610 = tpu.vector_load %arg8[%get3A_609] {strides = array<i32>} : memref<512xi32, #tpu.memory_space<vmem>>, vector<16xi32>,
    %shift_right_arithmetic3A_611 = arith.constant 2 : i32
    %shift_right_arithmetic3A_612 = vector.broadcast %shift_right_arithmetic3A_611 : i32 to vector<16xi32>
    %shift_right_arithmetic3A_613 = arith.shrsi %get3A_610, %shift_right_arithmetic3A_612 : vector<16xi32>
    %swap3A_614 = arith.constant 208 : index
    %swap3A_615 = tpu.vector_load %arg9[%swap3A_614] {strides = array<i32>} : memref<512xi32, #tpu.memory_space<vmem>>, vector<16xi32>,
    tpu.vector_store %arg9[%swap3A_614], %shift_right_arithmetic3A_613 {strides = array<i32>} : memref<512xi32, #tpu.memory_space<vmem>>, vector<16xi32>,
    %and3A_616 = arith.constant 3 : i32
    %and3A_617 = vector.broadcast %and3A_616 : i32 to vector<16xi32>
    %and3A_618 = arith.andi %get3A_610, %and3A_617 : vector<16xi32>
    %swap3A_619 = arith.constant 208 : index
    %swap3A_620 = tpu.vector_load %arg10[%swap3A_619] {strides = array<i32>} : memref<512xi32, #tpu.memory_space<vmem>>, vector<16xi32>,
    tpu.vector_store %arg10[%swap3A_619], %and3A_618 {strides = array<i32>} : memref<512xi32, #tpu.memory_space<vmem>>, vector<16xi32>,
    %get3A_621 = arith.constant 224 : index
    %get3A_622 = tpu.vector_load %arg8[%get3A_621] {strides = array<i32>} : memref<512xi32, #tpu.memory_space<vmem>>, vector<16xi32>,
    %shift_right_arithmetic3A_623 = arith.constant 2 : i32
    %shift_right_arithmetic3A_624 = vector.broadcast %shift_right_arithmetic3A_623 : i32 to vector<16xi32>
    %shift_right_arithmetic3A_625 = arith.shrsi %get3A_622, %shift_right_arithmetic3A_624 : vector<16xi32>
    %swap3A_626 = arith.constant 224 : index
    %swap3A_627 = tpu.vector_load %arg9[%swap3A_626] {strides = array<i32>} : memref<512xi32, #tpu.memory_space<vmem>>, vector<16xi32>,
    tpu.vector_store %arg9[%swap3A_626], %shift_right_arithmetic3A_625 {strides = array<i32>} : memref<512xi32, #tpu.memory_space<vmem>>, vector<16xi32>,
    %and3A_628 = arith.constant 3 : i32
    %and3A_629 = vector.broadcast %and3A_628 : i32 to vector<16xi32>
    %and3A_630 = arith.andi %get3A_622, %and3A_629 : vector<16xi32>
    %swap3A_631 = arith.constant 224 : index
    %swap3A_632 = tpu.vector_load %arg10[%swap3A_631] {strides = array<i32>} : memref<512xi32, #tpu.memory_space<vmem>>, vector<16xi32>,
    tpu.vector_store %arg10[%swap3A_631], %and3A_630 {strides = array<i32>} : memref<512xi32, #tpu.memory_space<vmem>>, vector<16xi32>,
    %get3A_633 = arith.constant 240 : index
    %get3A_634 = tpu.vector_load %arg8[%get3A_633] {strides = array<i32>} : memref<512xi32, #tpu.memory_space<vmem>>, vector<16xi32>,
    %shift_right_arithmetic3A_635 = arith.constant 2 : i32
    %shift_right_arithmetic3A_636 = vector.broadcast %shift_right_arithmetic3A_635 : i32 to vector<16xi32>
    %shift_right_arithmetic3A_637 = arith.shrsi %get3A_634, %shift_right_arithmetic3A_636 : vector<16xi32>
    %swap3A_638 = arith.constant 240 : index
    %swap3A_639 = tpu.vector_load %arg9[%swap3A_638] {strides = array<i32>} : memref<512xi32, #tpu.memory_space<vmem>>, vector<16xi32>,
    tpu.vector_store %arg9[%swap3A_638], %shift_right_arithmetic3A_637 {strides = array<i32>} : memref<512xi32, #tpu.memory_space<vmem>>, vector<16xi32>,
    %and3A_640 = arith.constant 3 : i32
    %and3A_641 = vector.broadcast %and3A_640 : i32 to vector<16xi32>
    %and3A_642 = arith.andi %get3A_634, %and3A_641 : vector<16xi32>
    %swap3A_643 = arith.constant 240 : index
    %swap3A_644 = tpu.vector_load %arg10[%swap3A_643] {strides = array<i32>} : memref<512xi32, #tpu.memory_space<vmem>>, vector<16xi32>,
    tpu.vector_store %arg10[%swap3A_643], %and3A_642 {strides = array<i32>} : memref<512xi32, #tpu.memory_space<vmem>>, vector<16xi32>,
    %get3A_645 = arith.constant 256 : index
    %get3A_646 = tpu.vector_load %arg8[%get3A_645] {strides = array<i32>} : memref<512xi32, #tpu.memory_space<vmem>>, vector<16xi32>,
    %shift_right_arithmetic3A_647 = arith.constant 2 : i32
    %shift_right_arithmetic3A_648 = vector.broadcast %shift_right_arithmetic3A_647 : i32 to vector<16xi32>
    %shift_right_arithmetic3A_649 = arith.shrsi %get3A_646, %shift_right_arithmetic3A_648 : vector<16xi32>
    %swap3A_650 = arith.constant 256 : index
    %swap3A_651 = tpu.vector_load %arg9[%swap3A_650] {strides = array<i32>} : memref<512xi32, #tpu.memory_space<vmem>>, vector<16xi32>,
    tpu.vector_store %arg9[%swap3A_650], %shift_right_arithmetic3A_649 {strides = array<i32>} : memref<512xi32, #tpu.memory_space<vmem>>, vector<16xi32>,
    %and3A_652 = arith.constant 3 : i32
    %and3A_653 = vector.broadcast %and3A_652 : i32 to vector<16xi32>
    %and3A_654 = arith.andi %get3A_646, %and3A_653 : vector<16xi32>
    %swap3A_655 = arith.constant 256 : index
    %swap3A_656 = tpu.vector_load %arg10[%swap3A_655] {strides = array<i32>} : memref<512xi32, #tpu.memory_space<vmem>>, vector<16xi32>,
    tpu.vector_store %arg10[%swap3A_655], %and3A_654 {strides = array<i32>} : memref<512xi32, #tpu.memory_space<vmem>>, vector<16xi32>,
    %get3A_657 = arith.constant 272 : index
    %get3A_658 = tpu.vector_load %arg8[%get3A_657] {strides = array<i32>} : memref<512xi32, #tpu.memory_space<vmem>>, vector<16xi32>,
    %shift_right_arithmetic3A_659 = arith.constant 2 : i32
    %shift_right_arithmetic3A_660 = vector.broadcast %shift_right_arithmetic3A_659 : i32 to vector<16xi32>
    %shift_right_arithmetic3A_661 = arith.shrsi %get3A_658, %shift_right_arithmetic3A_660 : vector<16xi32>
    %swap3A_662 = arith.constant 272 : index
    %swap3A_663 = tpu.vector_load %arg9[%swap3A_662] {strides = array<i32>} : memref<512xi32, #tpu.memory_space<vmem>>, vector<16xi32>,
    tpu.vector_store %arg9[%swap3A_662], %shift_right_arithmetic3A_661 {strides = array<i32>} : memref<512xi32, #tpu.memory_space<vmem>>, vector<16xi32>,
    %and3A_664 = arith.constant 3 : i32
    %and3A_665 = vector.broadcast %and3A_664 : i32 to vector<16xi32>
    %and3A_666 = arith.andi %get3A_658, %and3A_665 : vector<16xi32>
    %swap3A_667 = arith.constant 272 : index
    %swap3A_668 = tpu.vector_load %arg10[%swap3A_667] {strides = array<i32>} : memref<512xi32, #tpu.memory_space<vmem>>, vector<16xi32>,
    tpu.vector_store %arg10[%swap3A_667], %and3A_666 {strides = array<i32>} : memref<512xi32, #tpu.memory_space<vmem>>, vector<16xi32>,
    %get3A_669 = arith.constant 288 : index
    %get3A_670 = tpu.vector_load %arg8[%get3A_669] {strides = array<i32>} : memref<512xi32, #tpu.memory_space<vmem>>, vector<16xi32>,
    %shift_right_arithmetic3A_671 = arith.constant 2 : i32
    %shift_right_arithmetic3A_672 = vector.broadcast %shift_right_arithmetic3A_671 : i32 to vector<16xi32>
    %shift_right_arithmetic3A_673 = arith.shrsi %get3A_670, %shift_right_arithmetic3A_672 : vector<16xi32>
    %swap3A_674 = arith.constant 288 : index
    %swap3A_675 = tpu.vector_load %arg9[%swap3A_674] {strides = array<i32>} : memref<512xi32, #tpu.memory_space<vmem>>, vector<16xi32>,
    tpu.vector_store %arg9[%swap3A_674], %shift_right_arithmetic3A_673 {strides = array<i32>} : memref<512xi32, #tpu.memory_space<vmem>>, vector<16xi32>,
    %and3A_676 = arith.constant 3 : i32
    %and3A_677 = vector.broadcast %and3A_676 : i32 to vector<16xi32>
    %and3A_678 = arith.andi %get3A_670, %and3A_677 : vector<16xi32>
    %swap3A_679 = arith.constant 288 : index
    %swap3A_680 = tpu.vector_load %arg10[%swap3A_679] {strides = array<i32>} : memref<512xi32, #tpu.memory_space<vmem>>, vector<16xi32>,
    tpu.vector_store %arg10[%swap3A_679], %and3A_678 {strides = array<i32>} : memref<512xi32, #tpu.memory_space<vmem>>, vector<16xi32>,
    %get3A_681 = arith.constant 304 : index
    %get3A_682 = tpu.vector_load %arg8[%get3A_681] {strides = array<i32>} : memref<512xi32, #tpu.memory_space<vmem>>, vector<16xi32>,
    %shift_right_arithmetic3A_683 = arith.constant 2 : i32
    %shift_right_arithmetic3A_684 = vector.broadcast %shift_right_arithmetic3A_683 : i32 to vector<16xi32>
    %shift_right_arithmetic3A_685 = arith.shrsi %get3A_682, %shift_right_arithmetic3A_684 : vector<16xi32>
    %swap3A_686 = arith.constant 304 : index
    %swap3A_687 = tpu.vector_load %arg9[%swap3A_686] {strides = array<i32>} : memref<512xi32, #tpu.memory_space<vmem>>, vector<16xi32>,
    tpu.vector_store %arg9[%swap3A_686], %shift_right_arithmetic3A_685 {strides = array<i32>} : memref<512xi32, #tpu.memory_space<vmem>>, vector<16xi32>,
    %and3A_688 = arith.constant 3 : i32
    %and3A_689 = vector.broadcast %and3A_688 : i32 to vector<16xi32>
    %and3A_690 = arith.andi %get3A_682, %and3A_689 : vector<16xi32>
    %swap3A_691 = arith.constant 304 : index
    %swap3A_692 = tpu.vector_load %arg10[%swap3A_691] {strides = array<i32>} : memref<512xi32, #tpu.memory_space<vmem>>, vector<16xi32>,
    tpu.vector_store %arg10[%swap3A_691], %and3A_690 {strides = array<i32>} : memref<512xi32, #tpu.memory_space<vmem>>, vector<16xi32>,
    %get3A_693 = arith.constant 320 : index
    %get3A_694 = tpu.vector_load %arg8[%get3A_693] {strides = array<i32>} : memref<512xi32, #tpu.memory_space<vmem>>, vector<16xi32>,
    %shift_right_arithmetic3A_695 = arith.constant 2 : i32
    %shift_right_arithmetic3A_696 = vector.broadcast %shift_right_arithmetic3A_695 : i32 to vector<16xi32>
    %shift_right_arithmetic3A_697 = arith.shrsi %get3A_694, %shift_right_arithmetic3A_696 : vector<16xi32>
    %swap3A_698 = arith.constant 320 : index
    %swap3A_699 = tpu.vector_load %arg9[%swap3A_698] {strides = array<i32>} : memref<512xi32, #tpu.memory_space<vmem>>, vector<16xi32>,
    tpu.vector_store %arg9[%swap3A_698], %shift_right_arithmetic3A_697 {strides = array<i32>} : memref<512xi32, #tpu.memory_space<vmem>>, vector<16xi32>,
    %and3A_700 = arith.constant 3 : i32
    %and3A_701 = vector.broadcast %and3A_700 : i32 to vector<16xi32>
    %and3A_702 = arith.andi %get3A_694, %and3A_701 : vector<16xi32>
    %swap3A_703 = arith.constant 320 : index
    %swap3A_704 = tpu.vector_load %arg10[%swap3A_703] {strides = array<i32>} : memref<512xi32, #tpu.memory_space<vmem>>, vector<16xi32>,
    tpu.vector_store %arg10[%swap3A_703], %and3A_702 {strides = array<i32>} : memref<512xi32, #tpu.memory_space<vmem>>, vector<16xi32>,
    %get3A_705 = arith.constant 336 : index
    %get3A_706 = tpu.vector_load %arg8[%get3A_705] {strides = array<i32>} : memref<512xi32, #tpu.memory_space<vmem>>, vector<16xi32>,
    %shift_right_arithmetic3A_707 = arith.constant 2 : i32
    %shift_right_arithmetic3A_708 = vector.broadcast %shift_right_arithmetic3A_707 : i32 to vector<16xi32>
    %shift_right_arithmetic3A_709 = arith.shrsi %get3A_706, %shift_right_arithmetic3A_708 : vector<16xi32>
    %swap3A_710 = arith.constant 336 : index
    %swap3A_711 = tpu.vector_load %arg9[%swap3A_710] {strides = array<i32>} : memref<512xi32, #tpu.memory_space<vmem>>, vector<16xi32>,
    tpu.vector_store %arg9[%swap3A_710], %shift_right_arithmetic3A_709 {strides = array<i32>} : memref<512xi32, #tpu.memory_space<vmem>>, vector<16xi32>,
    %and3A_712 = arith.constant 3 : i32
    %and3A_713 = vector.broadcast %and3A_712 : i32 to vector<16xi32>
    %and3A_714 = arith.andi %get3A_706, %and3A_713 : vector<16xi32>
    %swap3A_715 = arith.constant 336 : index
    %swap3A_716 = tpu.vector_load %arg10[%swap3A_715] {strides = array<i32>} : memref<512xi32, #tpu.memory_space<vmem>>, vector<16xi32>,
    tpu.vector_store %arg10[%swap3A_715], %and3A_714 {strides = array<i32>} : memref<512xi32, #tpu.memory_space<vmem>>, vector<16xi32>,
    %get3A_717 = arith.constant 352 : index
    %get3A_718 = tpu.vector_load %arg8[%get3A_717] {strides = array<i32>} : memref<512xi32, #tpu.memory_space<vmem>>, vector<16xi32>,
    %shift_right_arithmetic3A_719 = arith.constant 2 : i32
    %shift_right_arithmetic3A_720 = vector.broadcast %shift_right_arithmetic3A_719 : i32 to vector<16xi32>
    %shift_right_arithmetic3A_721 = arith.shrsi %get3A_718, %shift_right_arithmetic3A_720 : vector<16xi32>
    %swap3A_722 = arith.constant 352 : index
    %swap3A_723 = tpu.vector_load %arg9[%swap3A_722] {strides = array<i32>} : memref<512xi32, #tpu.memory_space<vmem>>, vector<16xi32>,
    tpu.vector_store %arg9[%swap3A_722], %shift_right_arithmetic3A_721 {strides = array<i32>} : memref<512xi32, #tpu.memory_space<vmem>>, vector<16xi32>,
    %and3A_724 = arith.constant 3 : i32
    %and3A_725 = vector.broadcast %and3A_724 : i32 to vector<16xi32>
    %and3A_726 = arith.andi %get3A_718, %and3A_725 : vector<16xi32>
    %swap3A_727 = arith.constant 352 : index
    %swap3A_728 = tpu.vector_load %arg10[%swap3A_727] {strides = array<i32>} : memref<512xi32, #tpu.memory_space<vmem>>, vector<16xi32>,
    tpu.vector_store %arg10[%swap3A_727], %and3A_726 {strides = array<i32>} : memref<512xi32, #tpu.memory_space<vmem>>, vector<16xi32>,
    %get3A_729 = arith.constant 368 : index
    %get3A_730 = tpu.vector_load %arg8[%get3A_729] {strides = array<i32>} : memref<512xi32, #tpu.memory_space<vmem>>, vector<16xi32>,
    %shift_right_arithmetic3A_731 = arith.constant 2 : i32
    %shift_right_arithmetic3A_732 = vector.broadcast %shift_right_arithmetic3A_731 : i32 to vector<16xi32>
    %shift_right_arithmetic3A_733 = arith.shrsi %get3A_730, %shift_right_arithmetic3A_732 : vector<16xi32>
    %swap3A_734 = arith.constant 368 : index
    %swap3A_735 = tpu.vector_load %arg9[%swap3A_734] {strides = array<i32>} : memref<512xi32, #tpu.memory_space<vmem>>, vector<16xi32>,
    tpu.vector_store %arg9[%swap3A_734], %shift_right_arithmetic3A_733 {strides = array<i32>} : memref<512xi32, #tpu.memory_space<vmem>>, vector<16xi32>,
    %and3A_736 = arith.constant 3 : i32
    %and3A_737 = vector.broadcast %and3A_736 : i32 to vector<16xi32>
    %and3A_738 = arith.andi %get3A_730, %and3A_737 : vector<16xi32>
    %swap3A_739 = arith.constant 368 : index
    %swap3A_740 = tpu.vector_load %arg10[%swap3A_739] {strides = array<i32>} : memref<512xi32, #tpu.memory_space<vmem>>, vector<16xi32>,
    tpu.vector_store %arg10[%swap3A_739], %and3A_738 {strides = array<i32>} : memref<512xi32, #tpu.memory_space<vmem>>, vector<16xi32>,
    %get3A_741 = arith.constant 384 : index
    %get3A_742 = tpu.vector_load %arg8[%get3A_741] {strides = array<i32>} : memref<512xi32, #tpu.memory_space<vmem>>, vector<16xi32>,
    %shift_right_arithmetic3A_743 = arith.constant 2 : i32
    %shift_right_arithmetic3A_744 = vector.broadcast %shift_right_arithmetic3A_743 : i32 to vector<16xi32>
    %shift_right_arithmetic3A_745 = arith.shrsi %get3A_742, %shift_right_arithmetic3A_744 : vector<16xi32>
    %swap3A_746 = arith.constant 384 : index
    %swap3A_747 = tpu.vector_load %arg9[%swap3A_746] {strides = array<i32>} : memref<512xi32, #tpu.memory_space<vmem>>, vector<16xi32>,
    tpu.vector_store %arg9[%swap3A_746], %shift_right_arithmetic3A_745 {strides = array<i32>} : memref<512xi32, #tpu.memory_space<vmem>>, vector<16xi32>,
    %and3A_748 = arith.constant 3 : i32
    %and3A_749 = vector.broadcast %and3A_748 : i32 to vector<16xi32>
    %and3A_750 = arith.andi %get3A_742, %and3A_749 : vector<16xi32>
    %swap3A_751 = arith.constant 384 : index
    %swap3A_752 = tpu.vector_load %arg10[%swap3A_751] {strides = array<i32>} : memref<512xi32, #tpu.memory_space<vmem>>, vector<16xi32>,
    tpu.vector_store %arg10[%swap3A_751], %and3A_750 {strides = array<i32>} : memref<512xi32, #tpu.memory_space<vmem>>, vector<16xi32>,
    %get3A_753 = arith.constant 400 : index
    %get3A_754 = tpu.vector_load %arg8[%get3A_753] {strides = array<i32>} : memref<512xi32, #tpu.memory_space<vmem>>, vector<16xi32>,
    %shift_right_arithmetic3A_755 = arith.constant 2 : i32
    %shift_right_arithmetic3A_756 = vector.broadcast %shift_right_arithmetic3A_755 : i32 to vector<16xi32>
    %shift_right_arithmetic3A_757 = arith.shrsi %get3A_754, %shift_right_arithmetic3A_756 : vector<16xi32>
    %swap3A_758 = arith.constant 400 : index
    %swap3A_759 = tpu.vector_load %arg9[%swap3A_758] {strides = array<i32>} : memref<512xi32, #tpu.memory_space<vmem>>, vector<16xi32>,
    tpu.vector_store %arg9[%swap3A_758], %shift_right_arithmetic3A_757 {strides = array<i32>} : memref<512xi32, #tpu.memory_space<vmem>>, vector<16xi32>,
    %and3A_760 = arith.constant 3 : i32
    %and3A_761 = vector.broadcast %and3A_760 : i32 to vector<16xi32>
    %and3A_762 = arith.andi %get3A_754, %and3A_761 : vector<16xi32>
    %swap3A_763 = arith.constant 400 : index
    %swap3A_764 = tpu.vector_load %arg10[%swap3A_763] {strides = array<i32>} : memref<512xi32, #tpu.memory_space<vmem>>, vector<16xi32>,
    tpu.vector_store %arg10[%swap3A_763], %and3A_762 {strides = array<i32>} : memref<512xi32, #tpu.memory_space<vmem>>, vector<16xi32>,
    %get3A_765 = arith.constant 416 : index
    %get3A_766 = tpu.vector_load %arg8[%get3A_765] {strides = array<i32>} : memref<512xi32, #tpu.memory_space<vmem>>, vector<16xi32>,
    %shift_right_arithmetic3A_767 = arith.constant 2 : i32
    %shift_right_arithmetic3A_768 = vector.broadcast %shift_right_arithmetic3A_767 : i32 to vector<16xi32>
    %shift_right_arithmetic3A_769 = arith.shrsi %get3A_766, %shift_right_arithmetic3A_768 : vector<16xi32>
    %swap3A_770 = arith.constant 416 : index
    %swap3A_771 = tpu.vector_load %arg9[%swap3A_770] {strides = array<i32>} : memref<512xi32, #tpu.memory_space<vmem>>, vector<16xi32>,
    tpu.vector_store %arg9[%swap3A_770], %shift_right_arithmetic3A_769 {strides = array<i32>} : memref<512xi32, #tpu.memory_space<vmem>>, vector<16xi32>,
    %and3A_772 = arith.constant 3 : i32
    %and3A_773 = vector.broadcast %and3A_772 : i32 to vector<16xi32>
    %and3A_774 = arith.andi %get3A_766, %and3A_773 : vector<16xi32>
    %swap3A_775 = arith.constant 416 : index
    %swap3A_776 = tpu.vector_load %arg10[%swap3A_775] {strides = array<i32>} : memref<512xi32, #tpu.memory_space<vmem>>, vector<16xi32>,
    tpu.vector_store %arg10[%swap3A_775], %and3A_774 {strides = array<i32>} : memref<512xi32, #tpu.memory_space<vmem>>, vector<16xi32>,
    %get3A_777 = arith.constant 432 : index
    %get3A_778 = tpu.vector_load %arg8[%get3A_777] {strides = array<i32>} : memref<512xi32, #tpu.memory_space<vmem>>, vector<16xi32>,
    %shift_right_arithmetic3A_779 = arith.constant 2 : i32
    %shift_right_arithmetic3A_780 = vector.broadcast %shift_right_arithmetic3A_779 : i32 to vector<16xi32>
    %shift_right_arithmetic3A_781 = arith.shrsi %get3A_778, %shift_right_arithmetic3A_780 : vector<16xi32>
    %swap3A_782 = arith.constant 432 : index
    %swap3A_783 = tpu.vector_load %arg9[%swap3A_782] {strides = array<i32>} : memref<512xi32, #tpu.memory_space<vmem>>, vector<16xi32>,
    tpu.vector_store %arg9[%swap3A_782], %shift_right_arithmetic3A_781 {strides = array<i32>} : memref<512xi32, #tpu.memory_space<vmem>>, vector<16xi32>,
    %and3A_784 = arith.constant 3 : i32
    %and3A_785 = vector.broadcast %and3A_784 : i32 to vector<16xi32>
    %and3A_786 = arith.andi %get3A_778, %and3A_785 : vector<16xi32>
    %swap3A_787 = arith.constant 432 : index
    %swap3A_788 = tpu.vector_load %arg10[%swap3A_787] {strides = array<i32>} : memref<512xi32, #tpu.memory_space<vmem>>, vector<16xi32>,
    tpu.vector_store %arg10[%swap3A_787], %and3A_786 {strides = array<i32>} : memref<512xi32, #tpu.memory_space<vmem>>, vector<16xi32>,
    %get3A_789 = arith.constant 448 : index
    %get3A_790 = tpu.vector_load %arg8[%get3A_789] {strides = array<i32>} : memref<512xi32, #tpu.memory_space<vmem>>, vector<16xi32>,
    %shift_right_arithmetic3A_791 = arith.constant 2 : i32
    %shift_right_arithmetic3A_792 = vector.broadcast %shift_right_arithmetic3A_791 : i32 to vector<16xi32>
    %shift_right_arithmetic3A_793 = arith.shrsi %get3A_790, %shift_right_arithmetic3A_792 : vector<16xi32>
    %swap3A_794 = arith.constant 448 : index
    %swap3A_795 = tpu.vector_load %arg9[%swap3A_794] {strides = array<i32>} : memref<512xi32, #tpu.memory_space<vmem>>, vector<16xi32>,
    tpu.vector_store %arg9[%swap3A_794], %shift_right_arithmetic3A_793 {strides = array<i32>} : memref<512xi32, #tpu.memory_space<vmem>>, vector<16xi32>,
    %and3A_796 = arith.constant 3 : i32
    %and3A_797 = vector.broadcast %and3A_796 : i32 to vector<16xi32>
    %and3A_798 = arith.andi %get3A_790, %and3A_797 : vector<16xi32>
    %swap3A_799 = arith.constant 448 : index
    %swap3A_800 = tpu.vector_load %arg10[%swap3A_799] {strides = array<i32>} : memref<512xi32, #tpu.memory_space<vmem>>, vector<16xi32>,
    tpu.vector_store %arg10[%swap3A_799], %and3A_798 {strides = array<i32>} : memref<512xi32, #tpu.memory_space<vmem>>, vector<16xi32>,
    %get3A_801 = arith.constant 464 : index
    %get3A_802 = tpu.vector_load %arg8[%get3A_801] {strides = array<i32>} : memref<512xi32, #tpu.memory_space<vmem>>, vector<16xi32>,
    %shift_right_arithmetic3A_803 = arith.constant 2 : i32
    %shift_right_arithmetic3A_804 = vector.broadcast %shift_right_arithmetic3A_803 : i32 to vector<16xi32>
    %shift_right_arithmetic3A_805 = arith.shrsi %get3A_802, %shift_right_arithmetic3A_804 : vector<16xi32>
    %swap3A_806 = arith.constant 464 : index
    %swap3A_807 = tpu.vector_load %arg9[%swap3A_806] {strides = array<i32>} : memref<512xi32, #tpu.memory_space<vmem>>, vector<16xi32>,
    tpu.vector_store %arg9[%swap3A_806], %shift_right_arithmetic3A_805 {strides = array<i32>} : memref<512xi32, #tpu.memory_space<vmem>>, vector<16xi32>,
    %and3A_808 = arith.constant 3 : i32
    %and3A_809 = vector.broadcast %and3A_808 : i32 to vector<16xi32>
    %and3A_810 = arith.andi %get3A_802, %and3A_809 : vector<16xi32>
    %swap3A_811 = arith.constant 464 : index
    %swap3A_812 = tpu.vector_load %arg10[%swap3A_811] {strides = array<i32>} : memref<512xi32, #tpu.memory_space<vmem>>, vector<16xi32>,
    tpu.vector_store %arg10[%swap3A_811], %and3A_810 {strides = array<i32>} : memref<512xi32, #tpu.memory_space<vmem>>, vector<16xi32>,
    %get3A_813 = arith.constant 480 : index
    %get3A_814 = tpu.vector_load %arg8[%get3A_813] {strides = array<i32>} : memref<512xi32, #tpu.memory_space<vmem>>, vector<16xi32>,
    %shift_right_arithmetic3A_815 = arith.constant 2 : i32
    %shift_right_arithmetic3A_816 = vector.broadcast %shift_right_arithmetic3A_815 : i32 to vector<16xi32>
    %shift_right_arithmetic3A_817 = arith.shrsi %get3A_814, %shift_right_arithmetic3A_816 : vector<16xi32>
    %swap3A_818 = arith.constant 480 : index
    %swap3A_819 = tpu.vector_load %arg9[%swap3A_818] {strides = array<i32>} : memref<512xi32, #tpu.memory_space<vmem>>, vector<16xi32>,
    tpu.vector_store %arg9[%swap3A_818], %shift_right_arithmetic3A_817 {strides = array<i32>} : memref<512xi32, #tpu.memory_space<vmem>>, vector<16xi32>,
    %and3A_820 = arith.constant 3 : i32
    %and3A_821 = vector.broadcast %and3A_820 : i32 to vector<16xi32>
    %and3A_822 = arith.andi %get3A_814, %and3A_821 : vector<16xi32>
    %swap3A_823 = arith.constant 480 : index
    %swap3A_824 = tpu.vector_load %arg10[%swap3A_823] {strides = array<i32>} : memref<512xi32, #tpu.memory_space<vmem>>, vector<16xi32>,
    tpu.vector_store %arg10[%swap3A_823], %and3A_822 {strides = array<i32>} : memref<512xi32, #tpu.memory_space<vmem>>, vector<16xi32>,
    %get3A_825 = arith.constant 496 : index
    %get3A_826 = tpu.vector_load %arg8[%get3A_825] {strides = array<i32>} : memref<512xi32, #tpu.memory_space<vmem>>, vector<16xi32>,
    %shift_right_arithmetic3A_827 = arith.constant 2 : i32
    %shift_right_arithmetic3A_828 = vector.broadcast %shift_right_arithmetic3A_827 : i32 to vector<16xi32>
    %shift_right_arithmetic3A_829 = arith.shrsi %get3A_826, %shift_right_arithmetic3A_828 : vector<16xi32>
    %swap3A_830 = arith.constant 496 : index
    %swap3A_831 = tpu.vector_load %arg9[%swap3A_830] {strides = array<i32>} : memref<512xi32, #tpu.memory_space<vmem>>, vector<16xi32>,
    tpu.vector_store %arg9[%swap3A_830], %shift_right_arithmetic3A_829 {strides = array<i32>} : memref<512xi32, #tpu.memory_space<vmem>>, vector<16xi32>,
    %and3A_832 = arith.constant 3 : i32
    %and3A_833 = vector.broadcast %and3A_832 : i32 to vector<16xi32>
    %and3A_834 = arith.andi %get3A_826, %and3A_833 : vector<16xi32>
    %swap3A_835 = arith.constant 496 : index
    %swap3A_836 = tpu.vector_load %arg10[%swap3A_835] {strides = array<i32>} : memref<512xi32, #tpu.memory_space<vmem>>, vector<16xi32>,
    tpu.vector_store %arg10[%swap3A_835], %and3A_834 {strides = array<i32>} : memref<512xi32, #tpu.memory_space<vmem>>, vector<16xi32>,
    %dma_start3A_837 = arith.constant 0 : i32
    %dma_start3A_838 = arith.constant 0 : i32
    %dma_start3A_839 = tpu.memref_slice %arg11[%dma_start3A_837, %dma_start3A_838] : memref<512x128xf32, #tpu.memory_space<vmem>> -> memref<128x128xf32, #tpu.memory_space<vmem>>
    %dma_start3A_840 = arith.constant 0 : i32
    %dma_start3A_841 = tpu.memref_slice %arg9[%dma_start3A_840] : memref<512xi32, #tpu.memory_space<vmem>> -> memref<128xi32, #tpu.memory_space<vmem>>
    %dma_start3A_842 = arith.constant 0 : i32
    %dma_start3A_843 = arith.constant 0 : i32
    %dma_start3A_844 = tpu.memref_slice %arg3[%dma_start3A_842, %dma_start3A_843] : memref<25000x128xf32, #tpu.memory_space<hbm>> -> memref<25000x128xf32, #tpu.memory_space<hbm>>
    tpu.enqueue_indirect_dma source(%dma_start3A_844 : memref<25000x128xf32, #tpu.memory_space<hbm>>) target(%dma_start3A_839 : memref<128x128xf32, #tpu.memory_space<vmem>>) offsets(%dma_start3A_841 : memref<128xi32, #tpu.memory_space<vmem>>) semaphore(%arg13 : memref<!tpu.dma_semaphore, #tpu.memory_space<semaphore_mem>>)
    %dma_start3A_845 = arith.constant 128 : i32
    %dma_start3A_846 = arith.constant 0 : i32
    %dma_start3A_847 = tpu.memref_slice %arg11[%dma_start3A_845, %dma_start3A_846] : memref<512x128xf32, #tpu.memory_space<vmem>> -> memref<128x128xf32, #tpu.memory_space<vmem>>
    %dma_start3A_848 = arith.constant 128 : i32
    %dma_start3A_849 = tpu.memref_slice %arg9[%dma_start3A_848] : memref<512xi32, #tpu.memory_space<vmem>> -> memref<128xi32, #tpu.memory_space<vmem>>
    %dma_start3A_850 = arith.constant 0 : i32
    %dma_start3A_851 = arith.constant 0 : i32
    %dma_start3A_852 = tpu.memref_slice %arg3[%dma_start3A_850, %dma_start3A_851] : memref<25000x128xf32, #tpu.memory_space<hbm>> -> memref<25000x128xf32, #tpu.memory_space<hbm>>
    tpu.enqueue_indirect_dma source(%dma_start3A_852 : memref<25000x128xf32, #tpu.memory_space<hbm>>) target(%dma_start3A_847 : memref<128x128xf32, #tpu.memory_space<vmem>>) offsets(%dma_start3A_849 : memref<128xi32, #tpu.memory_space<vmem>>) semaphore(%arg13 : memref<!tpu.dma_semaphore, #tpu.memory_space<semaphore_mem>>)
    %dma_start3A_853 = arith.constant 256 : i32
    %dma_start3A_854 = arith.constant 0 : i32
    %dma_start3A_855 = tpu.memref_slice %arg11[%dma_start3A_853, %dma_start3A_854] : memref<512x128xf32, #tpu.memory_space<vmem>> -> memref<128x128xf32, #tpu.memory_space<vmem>>
    %dma_start3A_856 = arith.constant 256 : i32
    %dma_start3A_857 = tpu.memref_slice %arg9[%dma_start3A_856] : memref<512xi32, #tpu.memory_space<vmem>> -> memref<128xi32, #tpu.memory_space<vmem>>
    %dma_start3A_858 = arith.constant 0 : i32
    %dma_start3A_859 = arith.constant 0 : i32
    %dma_start3A_860 = tpu.memref_slice %arg3[%dma_start3A_858, %dma_start3A_859] : memref<25000x128xf32, #tpu.memory_space<hbm>> -> memref<25000x128xf32, #tpu.memory_space<hbm>>
    tpu.enqueue_indirect_dma source(%dma_start3A_860 : memref<25000x128xf32, #tpu.memory_space<hbm>>) target(%dma_start3A_855 : memref<128x128xf32, #tpu.memory_space<vmem>>) offsets(%dma_start3A_857 : memref<128xi32, #tpu.memory_space<vmem>>) semaphore(%arg13 : memref<!tpu.dma_semaphore, #tpu.memory_space<semaphore_mem>>)
    %dma_start3A_861 = arith.constant 384 : i32
    %dma_start3A_862 = arith.constant 0 : i32
    %dma_start3A_863 = tpu.memref_slice %arg11[%dma_start3A_861, %dma_start3A_862] : memref<512x128xf32, #tpu.memory_space<vmem>> -> memref<128x128xf32, #tpu.memory_space<vmem>>
    %dma_start3A_864 = arith.constant 384 : i32
    %dma_start3A_865 = tpu.memref_slice %arg9[%dma_start3A_864] : memref<512xi32, #tpu.memory_space<vmem>> -> memref<128xi32, #tpu.memory_space<vmem>>
    %dma_start3A_866 = arith.constant 0 : i32
    %dma_start3A_867 = arith.constant 0 : i32
    %dma_start3A_868 = tpu.memref_slice %arg3[%dma_start3A_866, %dma_start3A_867] : memref<25000x128xf32, #tpu.memory_space<hbm>> -> memref<25000x128xf32, #tpu.memory_space<hbm>>
    tpu.enqueue_indirect_dma source(%dma_start3A_868 : memref<25000x128xf32, #tpu.memory_space<hbm>>) target(%dma_start3A_863 : memref<128x128xf32, #tpu.memory_space<vmem>>) offsets(%dma_start3A_865 : memref<128xi32, #tpu.memory_space<vmem>>) semaphore(%arg13 : memref<!tpu.dma_semaphore, #tpu.memory_space<semaphore_mem>>)
    %dma_wait3A_869 = arith.constant 0 : i32
    %dma_wait3A_870 = arith.constant 0 : i32
    %dma_wait3A_871 = tpu.memref_slice %arg11[%dma_wait3A_869, %dma_wait3A_870] : memref<512x128xf32, #tpu.memory_space<vmem>> -> memref<128x128xf32, #tpu.memory_space<vmem>>
    %dma_wait3A_872 = arith.constant 0 : i32
    %dma_wait3A_873 = tpu.memref_slice %arg9[%dma_wait3A_872] : memref<512xi32, #tpu.memory_space<vmem>> -> memref<128xi32, #tpu.memory_space<vmem>>
    %dma_wait3A_874 = arith.constant 0 : i32
    %dma_wait3A_875 = arith.constant 0 : i32
    %dma_wait3A_876 = tpu.memref_slice %arg3[%dma_wait3A_874, %dma_wait3A_875] : memref<25000x128xf32, #tpu.memory_space<hbm>> -> memref<25000x128xf32, #tpu.memory_space<hbm>>
    tpu.wait_indirect_dma semaphore(%arg13 : memref<!tpu.dma_semaphore, #tpu.memory_space<semaphore_mem>>) src(%dma_wait3A_876 : memref<25000x128xf32, #tpu.memory_space<hbm>>) dst(%dma_wait3A_871 : memref<128x128xf32, #tpu.memory_space<vmem>>)
    %dma_wait3A_877 = arith.constant 128 : i32
    %dma_wait3A_878 = arith.constant 0 : i32
    %dma_wait3A_879 = tpu.memref_slice %arg11[%dma_wait3A_877, %dma_wait3A_878] : memref<512x128xf32, #tpu.memory_space<vmem>> -> memref<128x128xf32, #tpu.memory_space<vmem>>
    %dma_wait3A_880 = arith.constant 128 : i32
    %dma_wait3A_881 = tpu.memref_slice %arg9[%dma_wait3A_880] : memref<512xi32, #tpu.memory_space<vmem>> -> memref<128xi32, #tpu.memory_space<vmem>>
    %dma_wait3A_882 = arith.constant 0 : i32
    %dma_wait3A_883 = arith.constant 0 : i32
    %dma_wait3A_884 = tpu.memref_slice %arg3[%dma_wait3A_882, %dma_wait3A_883] : memref<25000x128xf32, #tpu.memory_space<hbm>> -> memref<25000x128xf32, #tpu.memory_space<hbm>>
    tpu.wait_indirect_dma semaphore(%arg13 : memref<!tpu.dma_semaphore, #tpu.memory_space<semaphore_mem>>) src(%dma_wait3A_884 : memref<25000x128xf32, #tpu.memory_space<hbm>>) dst(%dma_wait3A_879 : memref<128x128xf32, #tpu.memory_space<vmem>>)
    %dma_wait3A_885 = arith.constant 256 : i32
    %dma_wait3A_886 = arith.constant 0 : i32
    %dma_wait3A_887 = tpu.memref_slice %arg11[%dma_wait3A_885, %dma_wait3A_886] : memref<512x128xf32, #tpu.memory_space<vmem>> -> memref<128x128xf32, #tpu.memory_space<vmem>>
    %dma_wait3A_888 = arith.constant 256 : i32
    %dma_wait3A_889 = tpu.memref_slice %arg9[%dma_wait3A_888] : memref<512xi32, #tpu.memory_space<vmem>> -> memref<128xi32, #tpu.memory_space<vmem>>
    %dma_wait3A_890 = arith.constant 0 : i32
    %dma_wait3A_891 = arith.constant 0 : i32
    %dma_wait3A_892 = tpu.memref_slice %arg3[%dma_wait3A_890, %dma_wait3A_891] : memref<25000x128xf32, #tpu.memory_space<hbm>> -> memref<25000x128xf32, #tpu.memory_space<hbm>>
    tpu.wait_indirect_dma semaphore(%arg13 : memref<!tpu.dma_semaphore, #tpu.memory_space<semaphore_mem>>) src(%dma_wait3A_892 : memref<25000x128xf32, #tpu.memory_space<hbm>>) dst(%dma_wait3A_887 : memref<128x128xf32, #tpu.memory_space<vmem>>)
    %dma_wait3A_893 = arith.constant 384 : i32
    %dma_wait3A_894 = arith.constant 0 : i32
    %dma_wait3A_895 = tpu.memref_slice %arg11[%dma_wait3A_893, %dma_wait3A_894] : memref<512x128xf32, #tpu.memory_space<vmem>> -> memref<128x128xf32, #tpu.memory_space<vmem>>
    %dma_wait3A_896 = arith.constant 384 : i32
    %dma_wait3A_897 = tpu.memref_slice %arg9[%dma_wait3A_896] : memref<512xi32, #tpu.memory_space<vmem>> -> memref<128xi32, #tpu.memory_space<vmem>>
    %dma_wait3A_898 = arith.constant 0 : i32
    %dma_wait3A_899 = arith.constant 0 : i32
    %dma_wait3A_900 = tpu.memref_slice %arg3[%dma_wait3A_898, %dma_wait3A_899] : memref<25000x128xf32, #tpu.memory_space<hbm>> -> memref<25000x128xf32, #tpu.memory_space<hbm>>
    tpu.wait_indirect_dma semaphore(%arg13 : memref<!tpu.dma_semaphore, #tpu.memory_space<semaphore_mem>>) src(%dma_wait3A_900 : memref<25000x128xf32, #tpu.memory_space<hbm>>) dst(%dma_wait3A_895 : memref<128x128xf32, #tpu.memory_space<vmem>>)
    %scan3A_901 = arith.constant 0 : i32
    %scan3A_902 = arith.constant 0 : i32
    %scan3A_903 = arith.constant 512 : i32
    %scan3A_904 = arith.addi %scan3A_902, %scan3A_903 : i32
    %scan3A_905 = arith.constant 1 : i32
    %scan3A_906 = scf.for %scan3A_910 = %scan3A_902 to %scan3A_904 step %scan3A_905 iter_args(%scan3A_911 = %scan3A_901) -> (i32)  : i32 {
      %broadcast_in_dim3A = vector.broadcast %scan3A_910 : i32 to vector<16xi32>
      %gather3A = tpu.vector_load_idx %arg10[%broadcast_in_dim3A] : memref<512xi32, #tpu.memory_space<vmem>>[vector<16xi32>], vector<16xi32>,
      %mul3A_912 = arith.constant 32 : i32
      %mul3A_913 = vector.broadcast %mul3A_912 : i32 to vector<16xi32>
      %mul3A_914 = arith.muli %gather3A, %mul3A_913 : vector<16xi32>
      %add3A_915 = arith.addi %mul3A_914, %iota3A : vector<16xi32>
      %gather3A_916 = tpu.vector_load_idx %arg11[%broadcast_in_dim3A, %add3A_915] : memref<512x128xf32, #tpu.memory_space<vmem>>[vector<16xi32>, vector<16xi32>], vector<16xf32>,
      %add3A_917 = arith.addi %mul3A_914, %iota3A : vector<16xi32>
      %add3A_918 = arith.constant 16 : i32
      %add3A_919 = vector.broadcast %add3A_918 : i32 to vector<16xi32>
      %add3A_920 = arith.addi %add3A_917, %add3A_919 : vector<16xi32>
      %gather3A_921 = tpu.vector_load_idx %arg11[%broadcast_in_dim3A, %add3A_920] : memref<512x128xf32, #tpu.memory_space<vmem>>[vector<16xi32>, vector<16xi32>], vector<16xf32>,
      %mul3A_922 = arith.constant 32 : i32
      %mul3A_923 = arith.muli %scan3A_910, %mul3A_922 : i32
      %add3A_924 = vector.broadcast %mul3A_923 : i32 to vector<16xi32>
      %add3A_925 = arith.addi %add3A_924, %iota3A : vector<16xi32>
      tpu.vector_store_idx %arg12[%add3A_925], %gather3A_916 : memref<16384xf32, #tpu.memory_space<vmem>>[vector<16xi32>], vector<16xf32>,
      %add3A_926 = arith.constant 16 : i32
      %add3A_927 = arith.addi %mul3A_923, %add3A_926 : i32
      %add3A_928 = vector.broadcast %add3A_927 : i32 to vector<16xi32>
      %add3A_929 = arith.addi %add3A_928, %iota3A : vector<16xi32>
      tpu.vector_store_idx %arg12[%add3A_929], %gather3A_921 : memref<16384xf32, #tpu.memory_space<vmem>>[vector<16xi32>], vector<16xf32>,
      %scan3A_930 = arith.constant 0 : i32
      scf.yield %scan3A_930 : i32
    }
    %scan3A_907 = arith.constant 512 : i32
    %mul3A_908 = arith.constant 32 : i32
    %mul3A_909 = arith.muli %mul3A_2, %mul3A_908 : i32
    "tpu.region"() ({
      %run_scoped3A = tpu.sem_alloc : memref<!tpu.dma_semaphore, #tpu.memory_space<semaphore_mem>>
      %dma_start3A_910 = tpu.memref_slice %arg7[%mul3A_909] : memref<524288xf32, #tpu.memory_space<hbm>> -> memref<16384xf32, #tpu.memory_space<hbm>>
      %dma_start3A_911 = tpu.memref_slice %arg7[%mul3A_909] : memref<524288xf32, #tpu.memory_space<hbm>> -> memref<16384xf32, #tpu.memory_space<hbm>>
      tpu.enqueue_dma source(%arg12 : memref<16384xf32, #tpu.memory_space<vmem>>) target(%dma_start3A_911 : memref<16384xf32, #tpu.memory_space<hbm>>) target_semaphore(%run_scoped3A : memref<!tpu.dma_semaphore, #tpu.memory_space<semaphore_mem>>)
      %dma_wait3A_912 = tpu.memref_slice %arg7[%mul3A_909] : memref<524288xf32, #tpu.memory_space<hbm>> -> memref<16384xf32, #tpu.memory_space<hbm>>
      %dma_wait3A_913 = tpu.memref_slice %arg7[%mul3A_909] : memref<524288xf32, #tpu.memory_space<hbm>> -> memref<16384xf32, #tpu.memory_space<hbm>>
      tpu.wait_dma2 semaphore(%run_scoped3A : memref<!tpu.dma_semaphore, #tpu.memory_space<semaphore_mem>>) src(%arg12 : memref<16384xf32, #tpu.memory_space<vmem>>) dst(%dma_wait3A_913 : memref<16384xf32, #tpu.memory_space<hbm>>)
      tpu.yield
    }) : () -> ()
    return
  }
}

#map = affine_map<(d0, d1) -> (0, 0)>
module attributes {stable_mosaic.version = 14 : i64} {
  func.func @_detile_body(%arg0: i32, %arg1: i32, %arg2: memref<32x1000000xf32, #tpu.memory_space<hbm>>, %arg3: memref<32x100000xf32, #tpu.memory_space<hbm>>, %arg4: memref<16x128xf32, #tpu.memory_space<hbm>>, %arg5: memref<8x128xf32, #tpu.memory_space<hbm>>, %arg6: memref<250000x128xf32, #tpu.memory_space<hbm>>, %arg7: memref<25000x128xf32, #tpu.memory_space<hbm>>, %arg8: memref<32x512xf32, #tpu.memory_space<vmem>>, %arg9: memref<32x512xf32, #tpu.memory_space<vmem>>, %arg10: memref<128x128xf32, #tpu.memory_space<vmem>>, %arg11: memref<128x128xf32, #tpu.memory_space<vmem>>, %arg12: memref<!tpu.dma_semaphore, #tpu.memory_space<semaphore_mem>>, %arg13: memref<!tpu.dma_semaphore, #tpu.memory_space<semaphore_mem>>, %arg14: memref<!tpu.dma_semaphore, #tpu.memory_space<semaphore_mem>>, %arg15: memref<!tpu.dma_semaphore, #tpu.memory_space<semaphore_mem>>) attributes {dimension_semantics = [#tpu.dimension_semantics<core_parallel>, #tpu.dimension_semantics<subcore_parallel>], iteration_bounds = array<i64: 2, 16>, scalar_prefetch = 0 : i64, scratch_operands = 8 : i64, tpu.core_type = #tpu.core_type<sc_vector_subcore>, window_params = [{transform_indices = #map}, {transform_indices = #map}, {transform_indices = #map}, {transform_indices = #map}, {transform_indices = #map}, {transform_indices = #map}]} {
    %mul3A = arith.constant 2 : i32
    %mul3A_0 = arith.muli %arg1, %mul3A : i32
    %add3A = arith.addi %mul3A_0, %arg0 : i32
    %iota3A = tpu.iota {dimensions = array<i32: 0>} : vector<16xi32>
    %add3A_1 = arith.constant 0 : i32
    %add3A_2 = vector.broadcast %add3A_1 : i32 to vector<16xi32>
    %add3A_3 = arith.addi %add3A_2, %iota3A : vector<16xi32>
    %shift_right_arithmetic3A = arith.constant 2 : i32
    %shift_right_arithmetic3A_4 = vector.broadcast %shift_right_arithmetic3A : i32 to vector<16xi32>
    %shift_right_arithmetic3A_5 = arith.shrsi %add3A_3, %shift_right_arithmetic3A_4 : vector<16xi32>
    %add3A_6 = arith.constant 16 : i32
    %add3A_7 = vector.broadcast %add3A_6 : i32 to vector<16xi32>
    %add3A_8 = arith.addi %add3A_7, %iota3A : vector<16xi32>
    %shift_right_arithmetic3A_9 = arith.constant 2 : i32
    %shift_right_arithmetic3A_10 = vector.broadcast %shift_right_arithmetic3A_9 : i32 to vector<16xi32>
    %shift_right_arithmetic3A_11 = arith.shrsi %add3A_8, %shift_right_arithmetic3A_10 : vector<16xi32>
    %add3A_12 = arith.constant 32 : i32
    %add3A_13 = vector.broadcast %add3A_12 : i32 to vector<16xi32>
    %add3A_14 = arith.addi %add3A_13, %iota3A : vector<16xi32>
    %shift_right_arithmetic3A_15 = arith.constant 2 : i32
    %shift_right_arithmetic3A_16 = vector.broadcast %shift_right_arithmetic3A_15 : i32 to vector<16xi32>
    %shift_right_arithmetic3A_17 = arith.shrsi %add3A_14, %shift_right_arithmetic3A_16 : vector<16xi32>
    %add3A_18 = arith.constant 48 : i32
    %add3A_19 = vector.broadcast %add3A_18 : i32 to vector<16xi32>
    %add3A_20 = arith.addi %add3A_19, %iota3A : vector<16xi32>
    %shift_right_arithmetic3A_21 = arith.constant 2 : i32
    %shift_right_arithmetic3A_22 = vector.broadcast %shift_right_arithmetic3A_21 : i32 to vector<16xi32>
    %shift_right_arithmetic3A_23 = arith.shrsi %add3A_20, %shift_right_arithmetic3A_22 : vector<16xi32>
    %add3A_24 = arith.constant 64 : i32
    %add3A_25 = vector.broadcast %add3A_24 : i32 to vector<16xi32>
    %add3A_26 = arith.addi %add3A_25, %iota3A : vector<16xi32>
    %shift_right_arithmetic3A_27 = arith.constant 2 : i32
    %shift_right_arithmetic3A_28 = vector.broadcast %shift_right_arithmetic3A_27 : i32 to vector<16xi32>
    %shift_right_arithmetic3A_29 = arith.shrsi %add3A_26, %shift_right_arithmetic3A_28 : vector<16xi32>
    %add3A_30 = arith.constant 80 : i32
    %add3A_31 = vector.broadcast %add3A_30 : i32 to vector<16xi32>
    %add3A_32 = arith.addi %add3A_31, %iota3A : vector<16xi32>
    %shift_right_arithmetic3A_33 = arith.constant 2 : i32
    %shift_right_arithmetic3A_34 = vector.broadcast %shift_right_arithmetic3A_33 : i32 to vector<16xi32>
    %shift_right_arithmetic3A_35 = arith.shrsi %add3A_32, %shift_right_arithmetic3A_34 : vector<16xi32>
    %add3A_36 = arith.constant 96 : i32
    %add3A_37 = vector.broadcast %add3A_36 : i32 to vector<16xi32>
    %add3A_38 = arith.addi %add3A_37, %iota3A : vector<16xi32>
    %shift_right_arithmetic3A_39 = arith.constant 2 : i32
    %shift_right_arithmetic3A_40 = vector.broadcast %shift_right_arithmetic3A_39 : i32 to vector<16xi32>
    %shift_right_arithmetic3A_41 = arith.shrsi %add3A_38, %shift_right_arithmetic3A_40 : vector<16xi32>
    %add3A_42 = arith.constant 112 : i32
    %add3A_43 = vector.broadcast %add3A_42 : i32 to vector<16xi32>
    %add3A_44 = arith.addi %add3A_43, %iota3A : vector<16xi32>
    %shift_right_arithmetic3A_45 = arith.constant 2 : i32
    %shift_right_arithmetic3A_46 = vector.broadcast %shift_right_arithmetic3A_45 : i32 to vector<16xi32>
    %shift_right_arithmetic3A_47 = arith.shrsi %add3A_44, %shift_right_arithmetic3A_46 : vector<16xi32>
    %add3A_48 = arith.constant 0 : i32
    %add3A_49 = vector.broadcast %add3A_48 : i32 to vector<16xi32>
    %add3A_50 = arith.addi %add3A_49, %iota3A : vector<16xi32>
    %and3A = arith.constant 3 : i32
    %and3A_51 = vector.broadcast %and3A : i32 to vector<16xi32>
    %and3A_52 = arith.andi %add3A_50, %and3A_51 : vector<16xi32>
    %mul3A_53 = arith.constant 32 : i32
    %mul3A_54 = vector.broadcast %mul3A_53 : i32 to vector<16xi32>
    %mul3A_55 = arith.muli %mul3A_54, %and3A_52 : vector<16xi32>
    %add3A_56 = arith.constant 16 : i32
    %add3A_57 = vector.broadcast %add3A_56 : i32 to vector<16xi32>
    %add3A_58 = arith.addi %add3A_57, %iota3A : vector<16xi32>
    %and3A_59 = arith.constant 3 : i32
    %and3A_60 = vector.broadcast %and3A_59 : i32 to vector<16xi32>
    %and3A_61 = arith.andi %add3A_58, %and3A_60 : vector<16xi32>
    %mul3A_62 = arith.constant 32 : i32
    %mul3A_63 = vector.broadcast %mul3A_62 : i32 to vector<16xi32>
    %mul3A_64 = arith.muli %mul3A_63, %and3A_61 : vector<16xi32>
    %add3A_65 = arith.constant 32 : i32
    %add3A_66 = vector.broadcast %add3A_65 : i32 to vector<16xi32>
    %add3A_67 = arith.addi %add3A_66, %iota3A : vector<16xi32>
    %and3A_68 = arith.constant 3 : i32
    %and3A_69 = vector.broadcast %and3A_68 : i32 to vector<16xi32>
    %and3A_70 = arith.andi %add3A_67, %and3A_69 : vector<16xi32>
    %mul3A_71 = arith.constant 32 : i32
    %mul3A_72 = vector.broadcast %mul3A_71 : i32 to vector<16xi32>
    %mul3A_73 = arith.muli %mul3A_72, %and3A_70 : vector<16xi32>
    %add3A_74 = arith.constant 48 : i32
    %add3A_75 = vector.broadcast %add3A_74 : i32 to vector<16xi32>
    %add3A_76 = arith.addi %add3A_75, %iota3A : vector<16xi32>
    %and3A_77 = arith.constant 3 : i32
    %and3A_78 = vector.broadcast %and3A_77 : i32 to vector<16xi32>
    %and3A_79 = arith.andi %add3A_76, %and3A_78 : vector<16xi32>
    %mul3A_80 = arith.constant 32 : i32
    %mul3A_81 = vector.broadcast %mul3A_80 : i32 to vector<16xi32>
    %mul3A_82 = arith.muli %mul3A_81, %and3A_79 : vector<16xi32>
    %add3A_83 = arith.constant 64 : i32
    %add3A_84 = vector.broadcast %add3A_83 : i32 to vector<16xi32>
    %add3A_85 = arith.addi %add3A_84, %iota3A : vector<16xi32>
    %and3A_86 = arith.constant 3 : i32
    %and3A_87 = vector.broadcast %and3A_86 : i32 to vector<16xi32>
    %and3A_88 = arith.andi %add3A_85, %and3A_87 : vector<16xi32>
    %mul3A_89 = arith.constant 32 : i32
    %mul3A_90 = vector.broadcast %mul3A_89 : i32 to vector<16xi32>
    %mul3A_91 = arith.muli %mul3A_90, %and3A_88 : vector<16xi32>
    %add3A_92 = arith.constant 80 : i32
    %add3A_93 = vector.broadcast %add3A_92 : i32 to vector<16xi32>
    %add3A_94 = arith.addi %add3A_93, %iota3A : vector<16xi32>
    %and3A_95 = arith.constant 3 : i32
    %and3A_96 = vector.broadcast %and3A_95 : i32 to vector<16xi32>
    %and3A_97 = arith.andi %add3A_94, %and3A_96 : vector<16xi32>
    %mul3A_98 = arith.constant 32 : i32
    %mul3A_99 = vector.broadcast %mul3A_98 : i32 to vector<16xi32>
    %mul3A_100 = arith.muli %mul3A_99, %and3A_97 : vector<16xi32>
    %add3A_101 = arith.constant 96 : i32
    %add3A_102 = vector.broadcast %add3A_101 : i32 to vector<16xi32>
    %add3A_103 = arith.addi %add3A_102, %iota3A : vector<16xi32>
    %and3A_104 = arith.constant 3 : i32
    %and3A_105 = vector.broadcast %and3A_104 : i32 to vector<16xi32>
    %and3A_106 = arith.andi %add3A_103, %and3A_105 : vector<16xi32>
    %mul3A_107 = arith.constant 32 : i32
    %mul3A_108 = vector.broadcast %mul3A_107 : i32 to vector<16xi32>
    %mul3A_109 = arith.muli %mul3A_108, %and3A_106 : vector<16xi32>
    %add3A_110 = arith.constant 112 : i32
    %add3A_111 = vector.broadcast %add3A_110 : i32 to vector<16xi32>
    %add3A_112 = arith.addi %add3A_111, %iota3A : vector<16xi32>
    %and3A_113 = arith.constant 3 : i32
    %and3A_114 = vector.broadcast %and3A_113 : i32 to vector<16xi32>
    %and3A_115 = arith.andi %add3A_112, %and3A_114 : vector<16xi32>
    %mul3A_116 = arith.constant 32 : i32
    %mul3A_117 = vector.broadcast %mul3A_116 : i32 to vector<16xi32>
    %mul3A_118 = arith.muli %mul3A_117, %and3A_115 : vector<16xi32>
    %add3A_119 = arith.constant 0 : i32
    %add3A_120 = arith.addi %add3A, %add3A_119 : i32
    %lt3A = arith.constant 1953 : i32
    %lt3A_121 = arith.cmpi slt, %add3A_120, %lt3A : i32
    %convert_element_type3A = arith.extui %lt3A_121 : i1 to i32
    %cond3A = arith.constant 0 : i32
    %cond3A_122 = arith.cmpi ne, %convert_element_type3A, %cond3A : i32
    scf.if %cond3A_122 {
      %mul3A_222 = arith.constant 2048 : i32
      %mul3A_223 = arith.muli %add3A_120, %mul3A_222 : i32
      %multiple_of3A = tpu.assume_multiple %mul3A_223, 128 : i32
      %dma_start3A = arith.constant 0 : i32
      %dma_start3A_224 = arith.constant 0 : i32
      %dma_start3A_225 = tpu.memref_slice %arg8[%dma_start3A, %dma_start3A_224] : memref<32x512xf32, #tpu.memory_space<vmem>> -> memref<32x2048xf32, #tpu.memory_space<vmem>>
      %dma_start3A_226 = arith.constant 0 : i32
      %dma_start3A_227 = tpu.memref_slice %arg2[%dma_start3A_226, %multiple_of3A] : memref<32x1000000xf32, #tpu.memory_space<hbm>> -> memref<32x2048xf32, #tpu.memory_space<hbm>>
      %dma_start3A_228 = arith.constant 0 : i32
      %dma_start3A_229 = arith.constant 0 : i32
      %dma_start3A_230 = tpu.memref_slice %arg8[%dma_start3A_228, %dma_start3A_229] : memref<32x512xf32, #tpu.memory_space<vmem>> -> memref<32x2048xf32, #tpu.memory_space<vmem>>
      %dma_start3A_231 = arith.constant 0 : i32
      %dma_start3A_232 = tpu.memref_slice %arg2[%dma_start3A_231, %multiple_of3A] : memref<32x1000000xf32, #tpu.memory_space<hbm>> -> memref<32x2048xf32, #tpu.memory_space<hbm>>
      tpu.enqueue_dma source(%dma_start3A_232 : memref<32x2048xf32, #tpu.memory_space<hbm>>) target(%dma_start3A_230 : memref<32x2048xf32, #tpu.memory_space<vmem>>) target_semaphore(%arg12 : memref<!tpu.dma_semaphore, #tpu.memory_space<semaphore_mem>>)
    } else {
    }
    %add3A_123 = arith.constant 32 : i32
    %add3A_124 = arith.addi %add3A, %add3A_123 : i32
    %lt3A_125 = arith.constant 1953 : i32
    %lt3A_126 = arith.cmpi slt, %add3A_124, %lt3A_125 : i32
    %convert_element_type3A_127 = arith.extui %lt3A_126 : i1 to i32
    %cond3A_128 = arith.constant 0 : i32
    %cond3A_129 = arith.cmpi ne, %convert_element_type3A_127, %cond3A_128 : i32
    scf.if %cond3A_129 {
      %mul3A_222 = arith.constant 2048 : i32
      %mul3A_223 = arith.muli %add3A_124, %mul3A_222 : i32
      %multiple_of3A = tpu.assume_multiple %mul3A_223, 128 : i32
      %dma_start3A = arith.constant 0 : i32
      %dma_start3A_224 = arith.constant 0 : i32
      %dma_start3A_225 = tpu.memref_slice %arg9[%dma_start3A, %dma_start3A_224] : memref<32x512xf32, #tpu.memory_space<vmem>> -> memref<32x2048xf32, #tpu.memory_space<vmem>>
      %dma_start3A_226 = arith.constant 0 : i32
      %dma_start3A_227 = tpu.memref_slice %arg2[%dma_start3A_226, %multiple_of3A] : memref<32x1000000xf32, #tpu.memory_space<hbm>> -> memref<32x2048xf32, #tpu.memory_space<hbm>>
      %dma_start3A_228 = arith.constant 0 : i32
      %dma_start3A_229 = arith.constant 0 : i32
      %dma_start3A_230 = tpu.memref_slice %arg9[%dma_start3A_228, %dma_start3A_229] : memref<32x512xf32, #tpu.memory_space<vmem>> -> memref<32x2048xf32, #tpu.memory_space<vmem>>
      %dma_start3A_231 = arith.constant 0 : i32
      %dma_start3A_232 = tpu.memref_slice %arg2[%dma_start3A_231, %multiple_of3A] : memref<32x1000000xf32, #tpu.memory_space<hbm>> -> memref<32x2048xf32, #tpu.memory_space<hbm>>
      tpu.enqueue_dma source(%dma_start3A_232 : memref<32x2048xf32, #tpu.memory_space<hbm>>) target(%dma_start3A_230 : memref<32x2048xf32, #tpu.memory_space<vmem>>) target_semaphore(%arg13 : memref<!tpu.dma_semaphore, #tpu.memory_space<semaphore_mem>>)
    } else {
    }
    %scan3A = arith.constant 0 : i32
    %scan3A_130 = arith.constant 0 : i32
    %scan3A_131 = arith.constant 31 : i32
    %scan3A_132 = arith.addi %scan3A_130, %scan3A_131 : i32
    %scan3A_133 = arith.constant 1 : i32
    %scan3A_134 = scf.for %scan3A_222 = %scan3A_130 to %scan3A_132 step %scan3A_133 iter_args(%scan3A_223 = %scan3A) -> (i32)  : i32 {
      %mul3A_224 = arith.constant 2 : i32
      %mul3A_225 = arith.muli %mul3A_224, %scan3A_222 : i32
      %add3A_226 = arith.constant 0 : i32
      %add3A_227 = arith.addi %mul3A_225, %add3A_226 : i32
      %mul3A_228 = arith.constant 32 : i32
      %mul3A_229 = arith.muli %add3A_227, %mul3A_228 : i32
      %add3A_230 = arith.addi %add3A, %mul3A_229 : i32
      %lt3A_231 = arith.constant 1953 : i32
      %lt3A_232 = arith.cmpi slt, %add3A_230, %lt3A_231 : i32
      %convert_element_type3A_233 = arith.extui %lt3A_232 : i1 to i32
      %cond3A_234 = arith.constant 0 : i32
      %cond3A_235 = arith.cmpi ne, %convert_element_type3A_233, %cond3A_234 : i32
      scf.if %cond3A_235 {
        %dma_wait3A = arith.constant 0 : i32
        %dma_wait3A_298 = arith.constant 0 : i32
        %dma_wait3A_299 = tpu.memref_slice %arg8[%dma_wait3A, %dma_wait3A_298] : memref<32x512xf32, #tpu.memory_space<vmem>> -> memref<32x2048xf32, #tpu.memory_space<vmem>>
        %dma_wait3A_300 = arith.constant 0 : i32
        %dma_wait3A_301 = arith.constant 0 : i32
        %dma_wait3A_302 = tpu.memref_slice %arg2[%dma_wait3A_300, %dma_wait3A_301] : memref<32x1000000xf32, #tpu.memory_space<hbm>> -> memref<32x2048xf32, #tpu.memory_space<hbm>>
        %dma_wait3A_303 = arith.constant 0 : i32
        %dma_wait3A_304 = arith.constant 0 : i32
        %dma_wait3A_305 = tpu.memref_slice %arg8[%dma_wait3A_303, %dma_wait3A_304] : memref<32x512xf32, #tpu.memory_space<vmem>> -> memref<32x2048xf32, #tpu.memory_space<vmem>>
        %dma_wait3A_306 = arith.constant 0 : i32
        %dma_wait3A_307 = arith.constant 0 : i32
        %dma_wait3A_308 = tpu.memref_slice %arg2[%dma_wait3A_306, %dma_wait3A_307] : memref<32x1000000xf32, #tpu.memory_space<hbm>> -> memref<32x2048xf32, #tpu.memory_space<hbm>>
        tpu.wait_dma2 semaphore(%arg12 : memref<!tpu.dma_semaphore, #tpu.memory_space<semaphore_mem>>) src(%dma_wait3A_308 : memref<32x2048xf32, #tpu.memory_space<hbm>>) dst(%dma_wait3A_305 : memref<32x2048xf32, #tpu.memory_space<vmem>>)
      } else {
      }
      %gt3A = arith.constant 0 : i32
      %gt3A_236 = arith.cmpi sgt, %scan3A_222, %gt3A : i32
      %lt3A_237 = arith.constant 1953 : i32
      %lt3A_238 = arith.cmpi slt, %add3A_230, %lt3A_237 : i32
      %and3A_239 = arith.andi %gt3A_236, %lt3A_238 : i1
      %convert_element_type3A_240 = arith.extui %and3A_239 : i1 to i32
      %cond3A_241 = arith.constant 0 : i32
      %cond3A_242 = arith.cmpi ne, %convert_element_type3A_240, %cond3A_241 : i32
      scf.if %cond3A_242 {
        %dma_wait3A = arith.constant 0 : i32
        %dma_wait3A_298 = arith.constant 0 : i32
        %dma_wait3A_299 = tpu.memref_slice %arg10[%dma_wait3A, %dma_wait3A_298] : memref<128x128xf32, #tpu.memory_space<vmem>> -> memref<128x128xf32, #tpu.memory_space<vmem>>
        %dma_wait3A_300 = arith.constant 0 : i32
        %dma_wait3A_301 = arith.constant 0 : i32
        %dma_wait3A_302 = tpu.memref_slice %arg6[%dma_wait3A_300, %dma_wait3A_301] : memref<250000x128xf32, #tpu.memory_space<hbm>> -> memref<128x128xf32, #tpu.memory_space<hbm>>
        %dma_wait3A_303 = arith.constant 0 : i32
        %dma_wait3A_304 = arith.constant 0 : i32
        %dma_wait3A_305 = tpu.memref_slice %arg6[%dma_wait3A_303, %dma_wait3A_304] : memref<250000x128xf32, #tpu.memory_space<hbm>> -> memref<128x128xf32, #tpu.memory_space<hbm>>
        %dma_wait3A_306 = arith.constant 0 : i32
        %dma_wait3A_307 = arith.constant 0 : i32
        %dma_wait3A_308 = tpu.memref_slice %arg10[%dma_wait3A_306, %dma_wait3A_307] : memref<128x128xf32, #tpu.memory_space<vmem>> -> memref<128x128xf32, #tpu.memory_space<vmem>>
        tpu.wait_dma2 semaphore(%arg14 : memref<!tpu.dma_semaphore, #tpu.memory_space<semaphore_mem>>) src(%dma_wait3A_308 : memref<128x128xf32, #tpu.memory_space<vmem>>) dst(%dma_wait3A_305 : memref<128x128xf32, #tpu.memory_space<hbm>>)
      } else {
      }
      %lt3A_243 = arith.constant 1953 : i32
      %lt3A_244 = arith.cmpi slt, %add3A_230, %lt3A_243 : i32
      %convert_element_type3A_245 = arith.extui %lt3A_244 : i1 to i32
      %cond3A_246 = arith.constant 0 : i32
      %cond3A_247 = arith.cmpi ne, %convert_element_type3A_245, %cond3A_246 : i32
      scf.if %cond3A_247 {
        %scan3A_298 = arith.constant 0 : i32
        %scan3A_299 = arith.constant 0 : i32
        %scan3A_300 = arith.constant 4 : i32
        %scan3A_301 = arith.addi %scan3A_299, %scan3A_300 : i32
        %scan3A_302 = arith.constant 1 : i32
        %scan3A_303 = scf.for %scan3A_305 = %scan3A_299 to %scan3A_301 step %scan3A_302 iter_args(%scan3A_306 = %scan3A_298) -> (i32)  : i32 {
          %scan3A_307 = arith.constant 0 : i32
          %scan3A_308 = arith.constant 0 : i32
          %scan3A_309 = arith.constant 16 : i32
          %scan3A_310 = arith.addi %scan3A_308, %scan3A_309 : i32
          %scan3A_311 = arith.constant 1 : i32
          %scan3A_312 = scf.for %scan3A_315 = %scan3A_308 to %scan3A_310 step %scan3A_311 iter_args(%scan3A_316 = %scan3A_307) -> (i32)  : i32 {
            %add3A_317 = vector.broadcast %scan3A_315 : i32 to vector<16xi32>
            %add3A_318 = arith.addi %iota3A, %add3A_317 : vector<16xi32>
            %and3A_319 = arith.constant 15 : i32
            %and3A_320 = vector.broadcast %and3A_319 : i32 to vector<16xi32>
            %and3A_321 = arith.andi %add3A_318, %and3A_320 : vector<16xi32>
            %shift_right_arithmetic3A_322 = arith.constant 2 : i32
            %shift_right_arithmetic3A_323 = vector.broadcast %shift_right_arithmetic3A_322 : i32 to vector<16xi32>
            %shift_right_arithmetic3A_324 = arith.shrsi %and3A_321, %shift_right_arithmetic3A_323 : vector<16xi32>
            %and3A_325 = arith.constant 3 : i32
            %and3A_326 = vector.broadcast %and3A_325 : i32 to vector<16xi32>
            %and3A_327 = arith.andi %and3A_321, %and3A_326 : vector<16xi32>
            %mul3A_328 = arith.constant 32 : i32
            %mul3A_329 = vector.broadcast %mul3A_328 : i32 to vector<16xi32>
            %mul3A_330 = arith.muli %mul3A_329, %and3A_327 : vector<16xi32>
            %add3A_331 = arith.constant 0 : i32
            %add3A_332 = vector.broadcast %add3A_331 : i32 to vector<16xi32>
            %add3A_333 = arith.addi %iota3A, %add3A_332 : vector<16xi32>
            %mul3A_334 = arith.constant 128 : i32
            %mul3A_335 = arith.muli %mul3A_334, %scan3A_305 : i32
            %add3A_336 = arith.constant 0 : i32
            %add3A_337 = arith.addi %mul3A_335, %add3A_336 : i32
            %add3A_338 = vector.broadcast %add3A_337 : i32 to vector<16xi32>
            %add3A_339 = arith.addi %add3A_338, %and3A_321 : vector<16xi32>
            %gather3A = tpu.vector_load_idx %arg8[%add3A_333, %add3A_339] : memref<32x512xf32, #tpu.memory_space<vmem>>[vector<16xi32>, vector<16xi32>], vector<16xf32>,
            %add3A_340 = arith.constant 0 : i32
            %add3A_341 = vector.broadcast %add3A_340 : i32 to vector<16xi32>
            %add3A_342 = arith.addi %iota3A, %add3A_341 : vector<16xi32>
            %mul3A_343 = arith.constant 128 : i32
            %mul3A_344 = arith.muli %mul3A_343, %scan3A_305 : i32
            %add3A_345 = arith.constant 16 : i32
            %add3A_346 = arith.addi %mul3A_344, %add3A_345 : i32
            %add3A_347 = vector.broadcast %add3A_346 : i32 to vector<16xi32>
            %add3A_348 = arith.addi %add3A_347, %and3A_321 : vector<16xi32>
            %gather3A_349 = tpu.vector_load_idx %arg8[%add3A_342, %add3A_348] : memref<32x512xf32, #tpu.memory_space<vmem>>[vector<16xi32>, vector<16xi32>], vector<16xf32>,
            %add3A_350 = arith.constant 0 : i32
            %add3A_351 = vector.broadcast %add3A_350 : i32 to vector<16xi32>
            %add3A_352 = arith.addi %iota3A, %add3A_351 : vector<16xi32>
            %mul3A_353 = arith.constant 128 : i32
            %mul3A_354 = arith.muli %mul3A_353, %scan3A_305 : i32
            %add3A_355 = arith.constant 32 : i32
            %add3A_356 = arith.addi %mul3A_354, %add3A_355 : i32
            %add3A_357 = vector.broadcast %add3A_356 : i32 to vector<16xi32>
            %add3A_358 = arith.addi %add3A_357, %and3A_321 : vector<16xi32>
            %gather3A_359 = tpu.vector_load_idx %arg8[%add3A_352, %add3A_358] : memref<32x512xf32, #tpu.memory_space<vmem>>[vector<16xi32>, vector<16xi32>], vector<16xf32>,
            %add3A_360 = arith.constant 0 : i32
            %add3A_361 = vector.broadcast %add3A_360 : i32 to vector<16xi32>
            %add3A_362 = arith.addi %iota3A, %add3A_361 : vector<16xi32>
            %mul3A_363 = arith.constant 128 : i32
            %mul3A_364 = arith.muli %mul3A_363, %scan3A_305 : i32
            %add3A_365 = arith.constant 48 : i32
            %add3A_366 = arith.addi %mul3A_364, %add3A_365 : i32
            %add3A_367 = vector.broadcast %add3A_366 : i32 to vector<16xi32>
            %add3A_368 = arith.addi %add3A_367, %and3A_321 : vector<16xi32>
            %gather3A_369 = tpu.vector_load_idx %arg8[%add3A_362, %add3A_368] : memref<32x512xf32, #tpu.memory_space<vmem>>[vector<16xi32>, vector<16xi32>], vector<16xf32>,
            %add3A_370 = arith.constant 0 : i32
            %add3A_371 = vector.broadcast %add3A_370 : i32 to vector<16xi32>
            %add3A_372 = arith.addi %iota3A, %add3A_371 : vector<16xi32>
            %mul3A_373 = arith.constant 128 : i32
            %mul3A_374 = arith.muli %mul3A_373, %scan3A_305 : i32
            %add3A_375 = arith.constant 64 : i32
            %add3A_376 = arith.addi %mul3A_374, %add3A_375 : i32
            %add3A_377 = vector.broadcast %add3A_376 : i32 to vector<16xi32>
            %add3A_378 = arith.addi %add3A_377, %and3A_321 : vector<16xi32>
            %gather3A_379 = tpu.vector_load_idx %arg8[%add3A_372, %add3A_378] : memref<32x512xf32, #tpu.memory_space<vmem>>[vector<16xi32>, vector<16xi32>], vector<16xf32>,
            %add3A_380 = arith.constant 0 : i32
            %add3A_381 = vector.broadcast %add3A_380 : i32 to vector<16xi32>
            %add3A_382 = arith.addi %iota3A, %add3A_381 : vector<16xi32>
            %mul3A_383 = arith.constant 128 : i32
            %mul3A_384 = arith.muli %mul3A_383, %scan3A_305 : i32
            %add3A_385 = arith.constant 80 : i32
            %add3A_386 = arith.addi %mul3A_384, %add3A_385 : i32
            %add3A_387 = vector.broadcast %add3A_386 : i32 to vector<16xi32>
            %add3A_388 = arith.addi %add3A_387, %and3A_321 : vector<16xi32>
            %gather3A_389 = tpu.vector_load_idx %arg8[%add3A_382, %add3A_388] : memref<32x512xf32, #tpu.memory_space<vmem>>[vector<16xi32>, vector<16xi32>], vector<16xf32>,
            %add3A_390 = arith.constant 0 : i32
            %add3A_391 = vector.broadcast %add3A_390 : i32 to vector<16xi32>
            %add3A_392 = arith.addi %iota3A, %add3A_391 : vector<16xi32>
            %mul3A_393 = arith.constant 128 : i32
            %mul3A_394 = arith.muli %mul3A_393, %scan3A_305 : i32
            %add3A_395 = arith.constant 96 : i32
            %add3A_396 = arith.addi %mul3A_394, %add3A_395 : i32
            %add3A_397 = vector.broadcast %add3A_396 : i32 to vector<16xi32>
            %add3A_398 = arith.addi %add3A_397, %and3A_321 : vector<16xi32>
            %gather3A_399 = tpu.vector_load_idx %arg8[%add3A_392, %add3A_398] : memref<32x512xf32, #tpu.memory_space<vmem>>[vector<16xi32>, vector<16xi32>], vector<16xf32>,
            %add3A_400 = arith.constant 0 : i32
            %add3A_401 = vector.broadcast %add3A_400 : i32 to vector<16xi32>
            %add3A_402 = arith.addi %iota3A, %add3A_401 : vector<16xi32>
            %mul3A_403 = arith.constant 128 : i32
            %mul3A_404 = arith.muli %mul3A_403, %scan3A_305 : i32
            %add3A_405 = arith.constant 112 : i32
            %add3A_406 = arith.addi %mul3A_404, %add3A_405 : i32
            %add3A_407 = vector.broadcast %add3A_406 : i32 to vector<16xi32>
            %add3A_408 = arith.addi %add3A_407, %and3A_321 : vector<16xi32>
            %gather3A_409 = tpu.vector_load_idx %arg8[%add3A_402, %add3A_408] : memref<32x512xf32, #tpu.memory_space<vmem>>[vector<16xi32>, vector<16xi32>], vector<16xf32>,
            %mul3A_410 = arith.constant 32 : i32
            %mul3A_411 = arith.muli %mul3A_410, %scan3A_305 : i32
            %add3A_412 = arith.constant 0 : i32
            %add3A_413 = arith.addi %mul3A_411, %add3A_412 : i32
            %add3A_414 = vector.broadcast %add3A_413 : i32 to vector<16xi32>
            %add3A_415 = arith.addi %add3A_414, %shift_right_arithmetic3A_324 : vector<16xi32>
            %add3A_416 = arith.constant 0 : i32
            %add3A_417 = vector.broadcast %add3A_416 : i32 to vector<16xi32>
            %add3A_418 = arith.addi %mul3A_330, %add3A_417 : vector<16xi32>
            %add3A_419 = arith.addi %add3A_418, %iota3A : vector<16xi32>
            tpu.vector_store_idx %arg10[%add3A_415, %add3A_419], %gather3A : memref<128x128xf32, #tpu.memory_space<vmem>>[vector<16xi32>, vector<16xi32>], vector<16xf32>,
            %mul3A_420 = arith.constant 32 : i32
            %mul3A_421 = arith.muli %mul3A_420, %scan3A_305 : i32
            %add3A_422 = arith.constant 4 : i32
            %add3A_423 = arith.addi %mul3A_421, %add3A_422 : i32
            %add3A_424 = vector.broadcast %add3A_423 : i32 to vector<16xi32>
            %add3A_425 = arith.addi %add3A_424, %shift_right_arithmetic3A_324 : vector<16xi32>
            %add3A_426 = arith.constant 0 : i32
            %add3A_427 = vector.broadcast %add3A_426 : i32 to vector<16xi32>
            %add3A_428 = arith.addi %mul3A_330, %add3A_427 : vector<16xi32>
            %add3A_429 = arith.addi %add3A_428, %iota3A : vector<16xi32>
            tpu.vector_store_idx %arg10[%add3A_425, %add3A_429], %gather3A_349 : memref<128x128xf32, #tpu.memory_space<vmem>>[vector<16xi32>, vector<16xi32>], vector<16xf32>,
            %mul3A_430 = arith.constant 32 : i32
            %mul3A_431 = arith.muli %mul3A_430, %scan3A_305 : i32
            %add3A_432 = arith.constant 8 : i32
            %add3A_433 = arith.addi %mul3A_431, %add3A_432 : i32
            %add3A_434 = vector.broadcast %add3A_433 : i32 to vector<16xi32>
            %add3A_435 = arith.addi %add3A_434, %shift_right_arithmetic3A_324 : vector<16xi32>
            %add3A_436 = arith.constant 0 : i32
            %add3A_437 = vector.broadcast %add3A_436 : i32 to vector<16xi32>
            %add3A_438 = arith.addi %mul3A_330, %add3A_437 : vector<16xi32>
            %add3A_439 = arith.addi %add3A_438, %iota3A : vector<16xi32>
            tpu.vector_store_idx %arg10[%add3A_435, %add3A_439], %gather3A_359 : memref<128x128xf32, #tpu.memory_space<vmem>>[vector<16xi32>, vector<16xi32>], vector<16xf32>,
            %mul3A_440 = arith.constant 32 : i32
            %mul3A_441 = arith.muli %mul3A_440, %scan3A_305 : i32
            %add3A_442 = arith.constant 12 : i32
            %add3A_443 = arith.addi %mul3A_441, %add3A_442 : i32
            %add3A_444 = vector.broadcast %add3A_443 : i32 to vector<16xi32>
            %add3A_445 = arith.addi %add3A_444, %shift_right_arithmetic3A_324 : vector<16xi32>
            %add3A_446 = arith.constant 0 : i32
            %add3A_447 = vector.broadcast %add3A_446 : i32 to vector<16xi32>
            %add3A_448 = arith.addi %mul3A_330, %add3A_447 : vector<16xi32>
            %add3A_449 = arith.addi %add3A_448, %iota3A : vector<16xi32>
            tpu.vector_store_idx %arg10[%add3A_445, %add3A_449], %gather3A_369 : memref<128x128xf32, #tpu.memory_space<vmem>>[vector<16xi32>, vector<16xi32>], vector<16xf32>,
            %mul3A_450 = arith.constant 32 : i32
            %mul3A_451 = arith.muli %mul3A_450, %scan3A_305 : i32
            %add3A_452 = arith.constant 16 : i32
            %add3A_453 = arith.addi %mul3A_451, %add3A_452 : i32
            %add3A_454 = vector.broadcast %add3A_453 : i32 to vector<16xi32>
            %add3A_455 = arith.addi %add3A_454, %shift_right_arithmetic3A_324 : vector<16xi32>
            %add3A_456 = arith.constant 0 : i32
            %add3A_457 = vector.broadcast %add3A_456 : i32 to vector<16xi32>
            %add3A_458 = arith.addi %mul3A_330, %add3A_457 : vector<16xi32>
            %add3A_459 = arith.addi %add3A_458, %iota3A : vector<16xi32>
            tpu.vector_store_idx %arg10[%add3A_455, %add3A_459], %gather3A_379 : memref<128x128xf32, #tpu.memory_space<vmem>>[vector<16xi32>, vector<16xi32>], vector<16xf32>,
            %mul3A_460 = arith.constant 32 : i32
            %mul3A_461 = arith.muli %mul3A_460, %scan3A_305 : i32
            %add3A_462 = arith.constant 20 : i32
            %add3A_463 = arith.addi %mul3A_461, %add3A_462 : i32
            %add3A_464 = vector.broadcast %add3A_463 : i32 to vector<16xi32>
            %add3A_465 = arith.addi %add3A_464, %shift_right_arithmetic3A_324 : vector<16xi32>
            %add3A_466 = arith.constant 0 : i32
            %add3A_467 = vector.broadcast %add3A_466 : i32 to vector<16xi32>
            %add3A_468 = arith.addi %mul3A_330, %add3A_467 : vector<16xi32>
            %add3A_469 = arith.addi %add3A_468, %iota3A : vector<16xi32>
            tpu.vector_store_idx %arg10[%add3A_465, %add3A_469], %gather3A_389 : memref<128x128xf32, #tpu.memory_space<vmem>>[vector<16xi32>, vector<16xi32>], vector<16xf32>,
            %mul3A_470 = arith.constant 32 : i32
            %mul3A_471 = arith.muli %mul3A_470, %scan3A_305 : i32
            %add3A_472 = arith.constant 24 : i32
            %add3A_473 = arith.addi %mul3A_471, %add3A_472 : i32
            %add3A_474 = vector.broadcast %add3A_473 : i32 to vector<16xi32>
            %add3A_475 = arith.addi %add3A_474, %shift_right_arithmetic3A_324 : vector<16xi32>
            %add3A_476 = arith.constant 0 : i32
            %add3A_477 = vector.broadcast %add3A_476 : i32 to vector<16xi32>
            %add3A_478 = arith.addi %mul3A_330, %add3A_477 : vector<16xi32>
            %add3A_479 = arith.addi %add3A_478, %iota3A : vector<16xi32>
            tpu.vector_store_idx %arg10[%add3A_475, %add3A_479], %gather3A_399 : memref<128x128xf32, #tpu.memory_space<vmem>>[vector<16xi32>, vector<16xi32>], vector<16xf32>,
            %mul3A_480 = arith.constant 32 : i32
            %mul3A_481 = arith.muli %mul3A_480, %scan3A_305 : i32
            %add3A_482 = arith.constant 28 : i32
            %add3A_483 = arith.addi %mul3A_481, %add3A_482 : i32
            %add3A_484 = vector.broadcast %add3A_483 : i32 to vector<16xi32>
            %add3A_485 = arith.addi %add3A_484, %shift_right_arithmetic3A_324 : vector<16xi32>
            %add3A_486 = arith.constant 0 : i32
            %add3A_487 = vector.broadcast %add3A_486 : i32 to vector<16xi32>
            %add3A_488 = arith.addi %mul3A_330, %add3A_487 : vector<16xi32>
            %add3A_489 = arith.addi %add3A_488, %iota3A : vector<16xi32>
            tpu.vector_store_idx %arg10[%add3A_485, %add3A_489], %gather3A_409 : memref<128x128xf32, #tpu.memory_space<vmem>>[vector<16xi32>, vector<16xi32>], vector<16xf32>,
            %add3A_490 = arith.constant 16 : i32
            %add3A_491 = vector.broadcast %add3A_490 : i32 to vector<16xi32>
            %add3A_492 = arith.addi %iota3A, %add3A_491 : vector<16xi32>
            %mul3A_493 = arith.constant 128 : i32
            %mul3A_494 = arith.muli %mul3A_493, %scan3A_305 : i32
            %add3A_495 = arith.constant 0 : i32
            %add3A_496 = arith.addi %mul3A_494, %add3A_495 : i32
            %add3A_497 = vector.broadcast %add3A_496 : i32 to vector<16xi32>
            %add3A_498 = arith.addi %add3A_497, %and3A_321 : vector<16xi32>
            %gather3A_499 = tpu.vector_load_idx %arg8[%add3A_492, %add3A_498] : memref<32x512xf32, #tpu.memory_space<vmem>>[vector<16xi32>, vector<16xi32>], vector<16xf32>,
            %add3A_500 = arith.constant 16 : i32
            %add3A_501 = vector.broadcast %add3A_500 : i32 to vector<16xi32>
            %add3A_502 = arith.addi %iota3A, %add3A_501 : vector<16xi32>
            %mul3A_503 = arith.constant 128 : i32
            %mul3A_504 = arith.muli %mul3A_503, %scan3A_305 : i32
            %add3A_505 = arith.constant 16 : i32
            %add3A_506 = arith.addi %mul3A_504, %add3A_505 : i32
            %add3A_507 = vector.broadcast %add3A_506 : i32 to vector<16xi32>
            %add3A_508 = arith.addi %add3A_507, %and3A_321 : vector<16xi32>
            %gather3A_509 = tpu.vector_load_idx %arg8[%add3A_502, %add3A_508] : memref<32x512xf32, #tpu.memory_space<vmem>>[vector<16xi32>, vector<16xi32>], vector<16xf32>,
            %add3A_510 = arith.constant 16 : i32
            %add3A_511 = vector.broadcast %add3A_510 : i32 to vector<16xi32>
            %add3A_512 = arith.addi %iota3A, %add3A_511 : vector<16xi32>
            %mul3A_513 = arith.constant 128 : i32
            %mul3A_514 = arith.muli %mul3A_513, %scan3A_305 : i32
            %add3A_515 = arith.constant 32 : i32
            %add3A_516 = arith.addi %mul3A_514, %add3A_515 : i32
            %add3A_517 = vector.broadcast %add3A_516 : i32 to vector<16xi32>
            %add3A_518 = arith.addi %add3A_517, %and3A_321 : vector<16xi32>
            %gather3A_519 = tpu.vector_load_idx %arg8[%add3A_512, %add3A_518] : memref<32x512xf32, #tpu.memory_space<vmem>>[vector<16xi32>, vector<16xi32>], vector<16xf32>,
            %add3A_520 = arith.constant 16 : i32
            %add3A_521 = vector.broadcast %add3A_520 : i32 to vector<16xi32>
            %add3A_522 = arith.addi %iota3A, %add3A_521 : vector<16xi32>
            %mul3A_523 = arith.constant 128 : i32
            %mul3A_524 = arith.muli %mul3A_523, %scan3A_305 : i32
            %add3A_525 = arith.constant 48 : i32
            %add3A_526 = arith.addi %mul3A_524, %add3A_525 : i32
            %add3A_527 = vector.broadcast %add3A_526 : i32 to vector<16xi32>
            %add3A_528 = arith.addi %add3A_527, %and3A_321 : vector<16xi32>
            %gather3A_529 = tpu.vector_load_idx %arg8[%add3A_522, %add3A_528] : memref<32x512xf32, #tpu.memory_space<vmem>>[vector<16xi32>, vector<16xi32>], vector<16xf32>,
            %add3A_530 = arith.constant 16 : i32
            %add3A_531 = vector.broadcast %add3A_530 : i32 to vector<16xi32>
            %add3A_532 = arith.addi %iota3A, %add3A_531 : vector<16xi32>
            %mul3A_533 = arith.constant 128 : i32
            %mul3A_534 = arith.muli %mul3A_533, %scan3A_305 : i32
            %add3A_535 = arith.constant 64 : i32
            %add3A_536 = arith.addi %mul3A_534, %add3A_535 : i32
            %add3A_537 = vector.broadcast %add3A_536 : i32 to vector<16xi32>
            %add3A_538 = arith.addi %add3A_537, %and3A_321 : vector<16xi32>
            %gather3A_539 = tpu.vector_load_idx %arg8[%add3A_532, %add3A_538] : memref<32x512xf32, #tpu.memory_space<vmem>>[vector<16xi32>, vector<16xi32>], vector<16xf32>,
            %add3A_540 = arith.constant 16 : i32
            %add3A_541 = vector.broadcast %add3A_540 : i32 to vector<16xi32>
            %add3A_542 = arith.addi %iota3A, %add3A_541 : vector<16xi32>
            %mul3A_543 = arith.constant 128 : i32
            %mul3A_544 = arith.muli %mul3A_543, %scan3A_305 : i32
            %add3A_545 = arith.constant 80 : i32
            %add3A_546 = arith.addi %mul3A_544, %add3A_545 : i32
            %add3A_547 = vector.broadcast %add3A_546 : i32 to vector<16xi32>
            %add3A_548 = arith.addi %add3A_547, %and3A_321 : vector<16xi32>
            %gather3A_549 = tpu.vector_load_idx %arg8[%add3A_542, %add3A_548] : memref<32x512xf32, #tpu.memory_space<vmem>>[vector<16xi32>, vector<16xi32>], vector<16xf32>,
            %add3A_550 = arith.constant 16 : i32
            %add3A_551 = vector.broadcast %add3A_550 : i32 to vector<16xi32>
            %add3A_552 = arith.addi %iota3A, %add3A_551 : vector<16xi32>
            %mul3A_553 = arith.constant 128 : i32
            %mul3A_554 = arith.muli %mul3A_553, %scan3A_305 : i32
            %add3A_555 = arith.constant 96 : i32
            %add3A_556 = arith.addi %mul3A_554, %add3A_555 : i32
            %add3A_557 = vector.broadcast %add3A_556 : i32 to vector<16xi32>
            %add3A_558 = arith.addi %add3A_557, %and3A_321 : vector<16xi32>
            %gather3A_559 = tpu.vector_load_idx %arg8[%add3A_552, %add3A_558] : memref<32x512xf32, #tpu.memory_space<vmem>>[vector<16xi32>, vector<16xi32>], vector<16xf32>,
            %add3A_560 = arith.constant 16 : i32
            %add3A_561 = vector.broadcast %add3A_560 : i32 to vector<16xi32>
            %add3A_562 = arith.addi %iota3A, %add3A_561 : vector<16xi32>
            %mul3A_563 = arith.constant 128 : i32
            %mul3A_564 = arith.muli %mul3A_563, %scan3A_305 : i32
            %add3A_565 = arith.constant 112 : i32
            %add3A_566 = arith.addi %mul3A_564, %add3A_565 : i32
            %add3A_567 = vector.broadcast %add3A_566 : i32 to vector<16xi32>
            %add3A_568 = arith.addi %add3A_567, %and3A_321 : vector<16xi32>
            %gather3A_569 = tpu.vector_load_idx %arg8[%add3A_562, %add3A_568] : memref<32x512xf32, #tpu.memory_space<vmem>>[vector<16xi32>, vector<16xi32>], vector<16xf32>,
            %mul3A_570 = arith.constant 32 : i32
            %mul3A_571 = arith.muli %mul3A_570, %scan3A_305 : i32
            %add3A_572 = arith.constant 0 : i32
            %add3A_573 = arith.addi %mul3A_571, %add3A_572 : i32
            %add3A_574 = vector.broadcast %add3A_573 : i32 to vector<16xi32>
            %add3A_575 = arith.addi %add3A_574, %shift_right_arithmetic3A_324 : vector<16xi32>
            %add3A_576 = arith.constant 16 : i32
            %add3A_577 = vector.broadcast %add3A_576 : i32 to vector<16xi32>
            %add3A_578 = arith.addi %mul3A_330, %add3A_577 : vector<16xi32>
            %add3A_579 = arith.addi %add3A_578, %iota3A : vector<16xi32>
            tpu.vector_store_idx %arg10[%add3A_575, %add3A_579], %gather3A_499 : memref<128x128xf32, #tpu.memory_space<vmem>>[vector<16xi32>, vector<16xi32>], vector<16xf32>,
            %mul3A_580 = arith.constant 32 : i32
            %mul3A_581 = arith.muli %mul3A_580, %scan3A_305 : i32
            %add3A_582 = arith.constant 4 : i32
            %add3A_583 = arith.addi %mul3A_581, %add3A_582 : i32
            %add3A_584 = vector.broadcast %add3A_583 : i32 to vector<16xi32>
            %add3A_585 = arith.addi %add3A_584, %shift_right_arithmetic3A_324 : vector<16xi32>
            %add3A_586 = arith.constant 16 : i32
            %add3A_587 = vector.broadcast %add3A_586 : i32 to vector<16xi32>
            %add3A_588 = arith.addi %mul3A_330, %add3A_587 : vector<16xi32>
            %add3A_589 = arith.addi %add3A_588, %iota3A : vector<16xi32>
            tpu.vector_store_idx %arg10[%add3A_585, %add3A_589], %gather3A_509 : memref<128x128xf32, #tpu.memory_space<vmem>>[vector<16xi32>, vector<16xi32>], vector<16xf32>,
            %mul3A_590 = arith.constant 32 : i32
            %mul3A_591 = arith.muli %mul3A_590, %scan3A_305 : i32
            %add3A_592 = arith.constant 8 : i32
            %add3A_593 = arith.addi %mul3A_591, %add3A_592 : i32
            %add3A_594 = vector.broadcast %add3A_593 : i32 to vector<16xi32>
            %add3A_595 = arith.addi %add3A_594, %shift_right_arithmetic3A_324 : vector<16xi32>
            %add3A_596 = arith.constant 16 : i32
            %add3A_597 = vector.broadcast %add3A_596 : i32 to vector<16xi32>
            %add3A_598 = arith.addi %mul3A_330, %add3A_597 : vector<16xi32>
            %add3A_599 = arith.addi %add3A_598, %iota3A : vector<16xi32>
            tpu.vector_store_idx %arg10[%add3A_595, %add3A_599], %gather3A_519 : memref<128x128xf32, #tpu.memory_space<vmem>>[vector<16xi32>, vector<16xi32>], vector<16xf32>,
            %mul3A_600 = arith.constant 32 : i32
            %mul3A_601 = arith.muli %mul3A_600, %scan3A_305 : i32
            %add3A_602 = arith.constant 12 : i32
            %add3A_603 = arith.addi %mul3A_601, %add3A_602 : i32
            %add3A_604 = vector.broadcast %add3A_603 : i32 to vector<16xi32>
            %add3A_605 = arith.addi %add3A_604, %shift_right_arithmetic3A_324 : vector<16xi32>
            %add3A_606 = arith.constant 16 : i32
            %add3A_607 = vector.broadcast %add3A_606 : i32 to vector<16xi32>
            %add3A_608 = arith.addi %mul3A_330, %add3A_607 : vector<16xi32>
            %add3A_609 = arith.addi %add3A_608, %iota3A : vector<16xi32>
            tpu.vector_store_idx %arg10[%add3A_605, %add3A_609], %gather3A_529 : memref<128x128xf32, #tpu.memory_space<vmem>>[vector<16xi32>, vector<16xi32>], vector<16xf32>,
            %mul3A_610 = arith.constant 32 : i32
            %mul3A_611 = arith.muli %mul3A_610, %scan3A_305 : i32
            %add3A_612 = arith.constant 16 : i32
            %add3A_613 = arith.addi %mul3A_611, %add3A_612 : i32
            %add3A_614 = vector.broadcast %add3A_613 : i32 to vector<16xi32>
            %add3A_615 = arith.addi %add3A_614, %shift_right_arithmetic3A_324 : vector<16xi32>
            %add3A_616 = arith.constant 16 : i32
            %add3A_617 = vector.broadcast %add3A_616 : i32 to vector<16xi32>
            %add3A_618 = arith.addi %mul3A_330, %add3A_617 : vector<16xi32>
            %add3A_619 = arith.addi %add3A_618, %iota3A : vector<16xi32>
            tpu.vector_store_idx %arg10[%add3A_615, %add3A_619], %gather3A_539 : memref<128x128xf32, #tpu.memory_space<vmem>>[vector<16xi32>, vector<16xi32>], vector<16xf32>,
            %mul3A_620 = arith.constant 32 : i32
            %mul3A_621 = arith.muli %mul3A_620, %scan3A_305 : i32
            %add3A_622 = arith.constant 20 : i32
            %add3A_623 = arith.addi %mul3A_621, %add3A_622 : i32
            %add3A_624 = vector.broadcast %add3A_623 : i32 to vector<16xi32>
            %add3A_625 = arith.addi %add3A_624, %shift_right_arithmetic3A_324 : vector<16xi32>
            %add3A_626 = arith.constant 16 : i32
            %add3A_627 = vector.broadcast %add3A_626 : i32 to vector<16xi32>
            %add3A_628 = arith.addi %mul3A_330, %add3A_627 : vector<16xi32>
            %add3A_629 = arith.addi %add3A_628, %iota3A : vector<16xi32>
            tpu.vector_store_idx %arg10[%add3A_625, %add3A_629], %gather3A_549 : memref<128x128xf32, #tpu.memory_space<vmem>>[vector<16xi32>, vector<16xi32>], vector<16xf32>,
            %mul3A_630 = arith.constant 32 : i32
            %mul3A_631 = arith.muli %mul3A_630, %scan3A_305 : i32
            %add3A_632 = arith.constant 24 : i32
            %add3A_633 = arith.addi %mul3A_631, %add3A_632 : i32
            %add3A_634 = vector.broadcast %add3A_633 : i32 to vector<16xi32>
            %add3A_635 = arith.addi %add3A_634, %shift_right_arithmetic3A_324 : vector<16xi32>
            %add3A_636 = arith.constant 16 : i32
            %add3A_637 = vector.broadcast %add3A_636 : i32 to vector<16xi32>
            %add3A_638 = arith.addi %mul3A_330, %add3A_637 : vector<16xi32>
            %add3A_639 = arith.addi %add3A_638, %iota3A : vector<16xi32>
            tpu.vector_store_idx %arg10[%add3A_635, %add3A_639], %gather3A_559 : memref<128x128xf32, #tpu.memory_space<vmem>>[vector<16xi32>, vector<16xi32>], vector<16xf32>,
            %mul3A_640 = arith.constant 32 : i32
            %mul3A_641 = arith.muli %mul3A_640, %scan3A_305 : i32
            %add3A_642 = arith.constant 28 : i32
            %add3A_643 = arith.addi %mul3A_641, %add3A_642 : i32
            %add3A_644 = vector.broadcast %add3A_643 : i32 to vector<16xi32>
            %add3A_645 = arith.addi %add3A_644, %shift_right_arithmetic3A_324 : vector<16xi32>
            %add3A_646 = arith.constant 16 : i32
            %add3A_647 = vector.broadcast %add3A_646 : i32 to vector<16xi32>
            %add3A_648 = arith.addi %mul3A_330, %add3A_647 : vector<16xi32>
            %add3A_649 = arith.addi %add3A_648, %iota3A : vector<16xi32>
            tpu.vector_store_idx %arg10[%add3A_645, %add3A_649], %gather3A_569 : memref<128x128xf32, #tpu.memory_space<vmem>>[vector<16xi32>, vector<16xi32>], vector<16xf32>,
            %scan3A_650 = arith.constant 0 : i32
            scf.yield %scan3A_650 : i32
          }
          %scan3A_313 = arith.constant 16 : i32
          %scan3A_314 = arith.constant 0 : i32
          scf.yield %scan3A_314 : i32
        }
        %scan3A_304 = arith.constant 4 : i32
      } else {
      }
      %lt3A_248 = arith.constant 1953 : i32
      %lt3A_249 = arith.cmpi slt, %add3A_230, %lt3A_248 : i32
      %convert_element_type3A_250 = arith.extui %lt3A_249 : i1 to i32
      %cond3A_251 = arith.constant 0 : i32
      %cond3A_252 = arith.cmpi ne, %convert_element_type3A_250, %cond3A_251 : i32
      scf.if %cond3A_252 {
        %mul3A_298 = arith.constant 128 : i32
        %mul3A_299 = arith.muli %add3A_230, %mul3A_298 : i32
        %multiple_of3A = tpu.assume_multiple %mul3A_299, 8 : i32
        %dma_start3A = arith.constant 0 : i32
        %dma_start3A_300 = arith.constant 0 : i32
        %dma_start3A_301 = tpu.memref_slice %arg10[%dma_start3A, %dma_start3A_300] : memref<128x128xf32, #tpu.memory_space<vmem>> -> memref<128x128xf32, #tpu.memory_space<vmem>>
        %dma_start3A_302 = arith.constant 0 : i32
        %dma_start3A_303 = tpu.memref_slice %arg6[%multiple_of3A, %dma_start3A_302] : memref<250000x128xf32, #tpu.memory_space<hbm>> -> memref<128x128xf32, #tpu.memory_space<hbm>>
        %dma_start3A_304 = arith.constant 0 : i32
        %dma_start3A_305 = tpu.memref_slice %arg6[%multiple_of3A, %dma_start3A_304] : memref<250000x128xf32, #tpu.memory_space<hbm>> -> memref<128x128xf32, #tpu.memory_space<hbm>>
        %dma_start3A_306 = arith.constant 0 : i32
        %dma_start3A_307 = arith.constant 0 : i32
        %dma_start3A_308 = tpu.memref_slice %arg10[%dma_start3A_306, %dma_start3A_307] : memref<128x128xf32, #tpu.memory_space<vmem>> -> memref<128x128xf32, #tpu.memory_space<vmem>>
        tpu.enqueue_dma source(%dma_start3A_308 : memref<128x128xf32, #tpu.memory_space<vmem>>) target(%dma_start3A_305 : memref<128x128xf32, #tpu.memory_space<hbm>>) target_semaphore(%arg14 : memref<!tpu.dma_semaphore, #tpu.memory_space<semaphore_mem>>)
      } else {
      }
      %add3A_253 = arith.constant 64 : i32
      %add3A_254 = arith.addi %add3A_230, %add3A_253 : i32
      %lt3A_255 = arith.constant 1953 : i32
      %lt3A_256 = arith.cmpi slt, %add3A_254, %lt3A_255 : i32
      %convert_element_type3A_257 = arith.extui %lt3A_256 : i1 to i32
      %cond3A_258 = arith.constant 0 : i32
      %cond3A_259 = arith.cmpi ne, %convert_element_type3A_257, %cond3A_258 : i32
      scf.if %cond3A_259 {
        %mul3A_298 = arith.constant 2048 : i32
        %mul3A_299 = arith.muli %add3A_254, %mul3A_298 : i32
        %multiple_of3A = tpu.assume_multiple %mul3A_299, 128 : i32
        %dma_start3A = arith.constant 0 : i32
        %dma_start3A_300 = arith.constant 0 : i32
        %dma_start3A_301 = tpu.memref_slice %arg8[%dma_start3A, %dma_start3A_300] : memref<32x512xf32, #tpu.memory_space<vmem>> -> memref<32x2048xf32, #tpu.memory_space<vmem>>
        %dma_start3A_302 = arith.constant 0 : i32
        %dma_start3A_303 = tpu.memref_slice %arg2[%dma_start3A_302, %multiple_of3A] : memref<32x1000000xf32, #tpu.memory_space<hbm>> -> memref<32x2048xf32, #tpu.memory_space<hbm>>
        %dma_start3A_304 = arith.constant 0 : i32
        %dma_start3A_305 = arith.constant 0 : i32
        %dma_start3A_306 = tpu.memref_slice %arg8[%dma_start3A_304, %dma_start3A_305] : memref<32x512xf32, #tpu.memory_space<vmem>> -> memref<32x2048xf32, #tpu.memory_space<vmem>>
        %dma_start3A_307 = arith.constant 0 : i32
        %dma_start3A_308 = tpu.memref_slice %arg2[%dma_start3A_307, %multiple_of3A] : memref<32x1000000xf32, #tpu.memory_space<hbm>> -> memref<32x2048xf32, #tpu.memory_space<hbm>>
        tpu.enqueue_dma source(%dma_start3A_308 : memref<32x2048xf32, #tpu.memory_space<hbm>>) target(%dma_start3A_306 : memref<32x2048xf32, #tpu.memory_space<vmem>>) target_semaphore(%arg12 : memref<!tpu.dma_semaphore, #tpu.memory_space<semaphore_mem>>)
      } else {
      }
      %mul3A_260 = arith.constant 2 : i32
      %mul3A_261 = arith.muli %mul3A_260, %scan3A_222 : i32
      %add3A_262 = arith.constant 1 : i32
      %add3A_263 = arith.addi %mul3A_261, %add3A_262 : i32
      %mul3A_264 = arith.constant 32 : i32
      %mul3A_265 = arith.muli %add3A_263, %mul3A_264 : i32
      %add3A_266 = arith.addi %add3A, %mul3A_265 : i32
      %lt3A_267 = arith.constant 1953 : i32
      %lt3A_268 = arith.cmpi slt, %add3A_266, %lt3A_267 : i32
      %convert_element_type3A_269 = arith.extui %lt3A_268 : i1 to i32
      %cond3A_270 = arith.constant 0 : i32
      %cond3A_271 = arith.cmpi ne, %convert_element_type3A_269, %cond3A_270 : i32
      scf.if %cond3A_271 {
        %dma_wait3A = arith.constant 0 : i32
        %dma_wait3A_298 = arith.constant 0 : i32
        %dma_wait3A_299 = tpu.memref_slice %arg9[%dma_wait3A, %dma_wait3A_298] : memref<32x512xf32, #tpu.memory_space<vmem>> -> memref<32x2048xf32, #tpu.memory_space<vmem>>
        %dma_wait3A_300 = arith.constant 0 : i32
        %dma_wait3A_301 = arith.constant 0 : i32
        %dma_wait3A_302 = tpu.memref_slice %arg2[%dma_wait3A_300, %dma_wait3A_301] : memref<32x1000000xf32, #tpu.memory_space<hbm>> -> memref<32x2048xf32, #tpu.memory_space<hbm>>
        %dma_wait3A_303 = arith.constant 0 : i32
        %dma_wait3A_304 = arith.constant 0 : i32
        %dma_wait3A_305 = tpu.memref_slice %arg9[%dma_wait3A_303, %dma_wait3A_304] : memref<32x512xf32, #tpu.memory_space<vmem>> -> memref<32x2048xf32, #tpu.memory_space<vmem>>
        %dma_wait3A_306 = arith.constant 0 : i32
        %dma_wait3A_307 = arith.constant 0 : i32
        %dma_wait3A_308 = tpu.memref_slice %arg2[%dma_wait3A_306, %dma_wait3A_307] : memref<32x1000000xf32, #tpu.memory_space<hbm>> -> memref<32x2048xf32, #tpu.memory_space<hbm>>
        tpu.wait_dma2 semaphore(%arg13 : memref<!tpu.dma_semaphore, #tpu.memory_space<semaphore_mem>>) src(%dma_wait3A_308 : memref<32x2048xf32, #tpu.memory_space<hbm>>) dst(%dma_wait3A_305 : memref<32x2048xf32, #tpu.memory_space<vmem>>)
      } else {
      }
      %gt3A_272 = arith.constant 0 : i32
      %gt3A_273 = arith.cmpi sgt, %scan3A_222, %gt3A_272 : i32
      %lt3A_274 = arith.constant 1953 : i32
      %lt3A_275 = arith.cmpi slt, %add3A_266, %lt3A_274 : i32
      %and3A_276 = arith.andi %gt3A_273, %lt3A_275 : i1
      %convert_element_type3A_277 = arith.extui %and3A_276 : i1 to i32
      %cond3A_278 = arith.constant 0 : i32
      %cond3A_279 = arith.cmpi ne, %convert_element_type3A_277, %cond3A_278 : i32
      scf.if %cond3A_279 {
        %dma_wait3A = arith.constant 0 : i32
        %dma_wait3A_298 = arith.constant 0 : i32
        %dma_wait3A_299 = tpu.memref_slice %arg11[%dma_wait3A, %dma_wait3A_298] : memref<128x128xf32, #tpu.memory_space<vmem>> -> memref<128x128xf32, #tpu.memory_space<vmem>>
        %dma_wait3A_300 = arith.constant 0 : i32
        %dma_wait3A_301 = arith.constant 0 : i32
        %dma_wait3A_302 = tpu.memref_slice %arg6[%dma_wait3A_300, %dma_wait3A_301] : memref<250000x128xf32, #tpu.memory_space<hbm>> -> memref<128x128xf32, #tpu.memory_space<hbm>>
        %dma_wait3A_303 = arith.constant 0 : i32
        %dma_wait3A_304 = arith.constant 0 : i32
        %dma_wait3A_305 = tpu.memref_slice %arg6[%dma_wait3A_303, %dma_wait3A_304] : memref<250000x128xf32, #tpu.memory_space<hbm>> -> memref<128x128xf32, #tpu.memory_space<hbm>>
        %dma_wait3A_306 = arith.constant 0 : i32
        %dma_wait3A_307 = arith.constant 0 : i32
        %dma_wait3A_308 = tpu.memref_slice %arg11[%dma_wait3A_306, %dma_wait3A_307] : memref<128x128xf32, #tpu.memory_space<vmem>> -> memref<128x128xf32, #tpu.memory_space<vmem>>
        tpu.wait_dma2 semaphore(%arg15 : memref<!tpu.dma_semaphore, #tpu.memory_space<semaphore_mem>>) src(%dma_wait3A_308 : memref<128x128xf32, #tpu.memory_space<vmem>>) dst(%dma_wait3A_305 : memref<128x128xf32, #tpu.memory_space<hbm>>)
      } else {
      }
      %lt3A_280 = arith.constant 1953 : i32
      %lt3A_281 = arith.cmpi slt, %add3A_266, %lt3A_280 : i32
      %convert_element_type3A_282 = arith.extui %lt3A_281 : i1 to i32
      %cond3A_283 = arith.constant 0 : i32
      %cond3A_284 = arith.cmpi ne, %convert_element_type3A_282, %cond3A_283 : i32
      scf.if %cond3A_284 {
        %scan3A_298 = arith.constant 0 : i32
        %scan3A_299 = arith.constant 0 : i32
        %scan3A_300 = arith.constant 4 : i32
        %scan3A_301 = arith.addi %scan3A_299, %scan3A_300 : i32
        %scan3A_302 = arith.constant 1 : i32
        %scan3A_303 = scf.for %scan3A_305 = %scan3A_299 to %scan3A_301 step %scan3A_302 iter_args(%scan3A_306 = %scan3A_298) -> (i32)  : i32 {
          %scan3A_307 = arith.constant 0 : i32
          %scan3A_308 = arith.constant 0 : i32
          %scan3A_309 = arith.constant 16 : i32
          %scan3A_310 = arith.addi %scan3A_308, %scan3A_309 : i32
          %scan3A_311 = arith.constant 1 : i32
          %scan3A_312 = scf.for %scan3A_315 = %scan3A_308 to %scan3A_310 step %scan3A_311 iter_args(%scan3A_316 = %scan3A_307) -> (i32)  : i32 {
            %add3A_317 = vector.broadcast %scan3A_315 : i32 to vector<16xi32>
            %add3A_318 = arith.addi %iota3A, %add3A_317 : vector<16xi32>
            %and3A_319 = arith.constant 15 : i32
            %and3A_320 = vector.broadcast %and3A_319 : i32 to vector<16xi32>
            %and3A_321 = arith.andi %add3A_318, %and3A_320 : vector<16xi32>
            %shift_right_arithmetic3A_322 = arith.constant 2 : i32
            %shift_right_arithmetic3A_323 = vector.broadcast %shift_right_arithmetic3A_322 : i32 to vector<16xi32>
            %shift_right_arithmetic3A_324 = arith.shrsi %and3A_321, %shift_right_arithmetic3A_323 : vector<16xi32>
            %and3A_325 = arith.constant 3 : i32
            %and3A_326 = vector.broadcast %and3A_325 : i32 to vector<16xi32>
            %and3A_327 = arith.andi %and3A_321, %and3A_326 : vector<16xi32>
            %mul3A_328 = arith.constant 32 : i32
            %mul3A_329 = vector.broadcast %mul3A_328 : i32 to vector<16xi32>
            %mul3A_330 = arith.muli %mul3A_329, %and3A_327 : vector<16xi32>
            %add3A_331 = arith.constant 0 : i32
            %add3A_332 = vector.broadcast %add3A_331 : i32 to vector<16xi32>
            %add3A_333 = arith.addi %iota3A, %add3A_332 : vector<16xi32>
            %mul3A_334 = arith.constant 128 : i32
            %mul3A_335 = arith.muli %mul3A_334, %scan3A_305 : i32
            %add3A_336 = arith.constant 0 : i32
            %add3A_337 = arith.addi %mul3A_335, %add3A_336 : i32
            %add3A_338 = vector.broadcast %add3A_337 : i32 to vector<16xi32>
            %add3A_339 = arith.addi %add3A_338, %and3A_321 : vector<16xi32>
            %gather3A = tpu.vector_load_idx %arg9[%add3A_333, %add3A_339] : memref<32x512xf32, #tpu.memory_space<vmem>>[vector<16xi32>, vector<16xi32>], vector<16xf32>,
            %add3A_340 = arith.constant 0 : i32
            %add3A_341 = vector.broadcast %add3A_340 : i32 to vector<16xi32>
            %add3A_342 = arith.addi %iota3A, %add3A_341 : vector<16xi32>
            %mul3A_343 = arith.constant 128 : i32
            %mul3A_344 = arith.muli %mul3A_343, %scan3A_305 : i32
            %add3A_345 = arith.constant 16 : i32
            %add3A_346 = arith.addi %mul3A_344, %add3A_345 : i32
            %add3A_347 = vector.broadcast %add3A_346 : i32 to vector<16xi32>
            %add3A_348 = arith.addi %add3A_347, %and3A_321 : vector<16xi32>
            %gather3A_349 = tpu.vector_load_idx %arg9[%add3A_342, %add3A_348] : memref<32x512xf32, #tpu.memory_space<vmem>>[vector<16xi32>, vector<16xi32>], vector<16xf32>,
            %add3A_350 = arith.constant 0 : i32
            %add3A_351 = vector.broadcast %add3A_350 : i32 to vector<16xi32>
            %add3A_352 = arith.addi %iota3A, %add3A_351 : vector<16xi32>
            %mul3A_353 = arith.constant 128 : i32
            %mul3A_354 = arith.muli %mul3A_353, %scan3A_305 : i32
            %add3A_355 = arith.constant 32 : i32
            %add3A_356 = arith.addi %mul3A_354, %add3A_355 : i32
            %add3A_357 = vector.broadcast %add3A_356 : i32 to vector<16xi32>
            %add3A_358 = arith.addi %add3A_357, %and3A_321 : vector<16xi32>
            %gather3A_359 = tpu.vector_load_idx %arg9[%add3A_352, %add3A_358] : memref<32x512xf32, #tpu.memory_space<vmem>>[vector<16xi32>, vector<16xi32>], vector<16xf32>,
            %add3A_360 = arith.constant 0 : i32
            %add3A_361 = vector.broadcast %add3A_360 : i32 to vector<16xi32>
            %add3A_362 = arith.addi %iota3A, %add3A_361 : vector<16xi32>
            %mul3A_363 = arith.constant 128 : i32
            %mul3A_364 = arith.muli %mul3A_363, %scan3A_305 : i32
            %add3A_365 = arith.constant 48 : i32
            %add3A_366 = arith.addi %mul3A_364, %add3A_365 : i32
            %add3A_367 = vector.broadcast %add3A_366 : i32 to vector<16xi32>
            %add3A_368 = arith.addi %add3A_367, %and3A_321 : vector<16xi32>
            %gather3A_369 = tpu.vector_load_idx %arg9[%add3A_362, %add3A_368] : memref<32x512xf32, #tpu.memory_space<vmem>>[vector<16xi32>, vector<16xi32>], vector<16xf32>,
            %add3A_370 = arith.constant 0 : i32
            %add3A_371 = vector.broadcast %add3A_370 : i32 to vector<16xi32>
            %add3A_372 = arith.addi %iota3A, %add3A_371 : vector<16xi32>
            %mul3A_373 = arith.constant 128 : i32
            %mul3A_374 = arith.muli %mul3A_373, %scan3A_305 : i32
            %add3A_375 = arith.constant 64 : i32
            %add3A_376 = arith.addi %mul3A_374, %add3A_375 : i32
            %add3A_377 = vector.broadcast %add3A_376 : i32 to vector<16xi32>
            %add3A_378 = arith.addi %add3A_377, %and3A_321 : vector<16xi32>
            %gather3A_379 = tpu.vector_load_idx %arg9[%add3A_372, %add3A_378] : memref<32x512xf32, #tpu.memory_space<vmem>>[vector<16xi32>, vector<16xi32>], vector<16xf32>,
            %add3A_380 = arith.constant 0 : i32
            %add3A_381 = vector.broadcast %add3A_380 : i32 to vector<16xi32>
            %add3A_382 = arith.addi %iota3A, %add3A_381 : vector<16xi32>
            %mul3A_383 = arith.constant 128 : i32
            %mul3A_384 = arith.muli %mul3A_383, %scan3A_305 : i32
            %add3A_385 = arith.constant 80 : i32
            %add3A_386 = arith.addi %mul3A_384, %add3A_385 : i32
            %add3A_387 = vector.broadcast %add3A_386 : i32 to vector<16xi32>
            %add3A_388 = arith.addi %add3A_387, %and3A_321 : vector<16xi32>
            %gather3A_389 = tpu.vector_load_idx %arg9[%add3A_382, %add3A_388] : memref<32x512xf32, #tpu.memory_space<vmem>>[vector<16xi32>, vector<16xi32>], vector<16xf32>,
            %add3A_390 = arith.constant 0 : i32
            %add3A_391 = vector.broadcast %add3A_390 : i32 to vector<16xi32>
            %add3A_392 = arith.addi %iota3A, %add3A_391 : vector<16xi32>
            %mul3A_393 = arith.constant 128 : i32
            %mul3A_394 = arith.muli %mul3A_393, %scan3A_305 : i32
            %add3A_395 = arith.constant 96 : i32
            %add3A_396 = arith.addi %mul3A_394, %add3A_395 : i32
            %add3A_397 = vector.broadcast %add3A_396 : i32 to vector<16xi32>
            %add3A_398 = arith.addi %add3A_397, %and3A_321 : vector<16xi32>
            %gather3A_399 = tpu.vector_load_idx %arg9[%add3A_392, %add3A_398] : memref<32x512xf32, #tpu.memory_space<vmem>>[vector<16xi32>, vector<16xi32>], vector<16xf32>,
            %add3A_400 = arith.constant 0 : i32
            %add3A_401 = vector.broadcast %add3A_400 : i32 to vector<16xi32>
            %add3A_402 = arith.addi %iota3A, %add3A_401 : vector<16xi32>
            %mul3A_403 = arith.constant 128 : i32
            %mul3A_404 = arith.muli %mul3A_403, %scan3A_305 : i32
            %add3A_405 = arith.constant 112 : i32
            %add3A_406 = arith.addi %mul3A_404, %add3A_405 : i32
            %add3A_407 = vector.broadcast %add3A_406 : i32 to vector<16xi32>
            %add3A_408 = arith.addi %add3A_407, %and3A_321 : vector<16xi32>
            %gather3A_409 = tpu.vector_load_idx %arg9[%add3A_402, %add3A_408] : memref<32x512xf32, #tpu.memory_space<vmem>>[vector<16xi32>, vector<16xi32>], vector<16xf32>,
            %mul3A_410 = arith.constant 32 : i32
            %mul3A_411 = arith.muli %mul3A_410, %scan3A_305 : i32
            %add3A_412 = arith.constant 0 : i32
            %add3A_413 = arith.addi %mul3A_411, %add3A_412 : i32
            %add3A_414 = vector.broadcast %add3A_413 : i32 to vector<16xi32>
            %add3A_415 = arith.addi %add3A_414, %shift_right_arithmetic3A_324 : vector<16xi32>
            %add3A_416 = arith.constant 0 : i32
            %add3A_417 = vector.broadcast %add3A_416 : i32 to vector<16xi32>
            %add3A_418 = arith.addi %mul3A_330, %add3A_417 : vector<16xi32>
            %add3A_419 = arith.addi %add3A_418, %iota3A : vector<16xi32>
            tpu.vector_store_idx %arg11[%add3A_415, %add3A_419], %gather3A : memref<128x128xf32, #tpu.memory_space<vmem>>[vector<16xi32>, vector<16xi32>], vector<16xf32>,
            %mul3A_420 = arith.constant 32 : i32
            %mul3A_421 = arith.muli %mul3A_420, %scan3A_305 : i32
            %add3A_422 = arith.constant 4 : i32
            %add3A_423 = arith.addi %mul3A_421, %add3A_422 : i32
            %add3A_424 = vector.broadcast %add3A_423 : i32 to vector<16xi32>
            %add3A_425 = arith.addi %add3A_424, %shift_right_arithmetic3A_324 : vector<16xi32>
            %add3A_426 = arith.constant 0 : i32
            %add3A_427 = vector.broadcast %add3A_426 : i32 to vector<16xi32>
            %add3A_428 = arith.addi %mul3A_330, %add3A_427 : vector<16xi32>
            %add3A_429 = arith.addi %add3A_428, %iota3A : vector<16xi32>
            tpu.vector_store_idx %arg11[%add3A_425, %add3A_429], %gather3A_349 : memref<128x128xf32, #tpu.memory_space<vmem>>[vector<16xi32>, vector<16xi32>], vector<16xf32>,
            %mul3A_430 = arith.constant 32 : i32
            %mul3A_431 = arith.muli %mul3A_430, %scan3A_305 : i32
            %add3A_432 = arith.constant 8 : i32
            %add3A_433 = arith.addi %mul3A_431, %add3A_432 : i32
            %add3A_434 = vector.broadcast %add3A_433 : i32 to vector<16xi32>
            %add3A_435 = arith.addi %add3A_434, %shift_right_arithmetic3A_324 : vector<16xi32>
            %add3A_436 = arith.constant 0 : i32
            %add3A_437 = vector.broadcast %add3A_436 : i32 to vector<16xi32>
            %add3A_438 = arith.addi %mul3A_330, %add3A_437 : vector<16xi32>
            %add3A_439 = arith.addi %add3A_438, %iota3A : vector<16xi32>
            tpu.vector_store_idx %arg11[%add3A_435, %add3A_439], %gather3A_359 : memref<128x128xf32, #tpu.memory_space<vmem>>[vector<16xi32>, vector<16xi32>], vector<16xf32>,
            %mul3A_440 = arith.constant 32 : i32
            %mul3A_441 = arith.muli %mul3A_440, %scan3A_305 : i32
            %add3A_442 = arith.constant 12 : i32
            %add3A_443 = arith.addi %mul3A_441, %add3A_442 : i32
            %add3A_444 = vector.broadcast %add3A_443 : i32 to vector<16xi32>
            %add3A_445 = arith.addi %add3A_444, %shift_right_arithmetic3A_324 : vector<16xi32>
            %add3A_446 = arith.constant 0 : i32
            %add3A_447 = vector.broadcast %add3A_446 : i32 to vector<16xi32>
            %add3A_448 = arith.addi %mul3A_330, %add3A_447 : vector<16xi32>
            %add3A_449 = arith.addi %add3A_448, %iota3A : vector<16xi32>
            tpu.vector_store_idx %arg11[%add3A_445, %add3A_449], %gather3A_369 : memref<128x128xf32, #tpu.memory_space<vmem>>[vector<16xi32>, vector<16xi32>], vector<16xf32>,
            %mul3A_450 = arith.constant 32 : i32
            %mul3A_451 = arith.muli %mul3A_450, %scan3A_305 : i32
            %add3A_452 = arith.constant 16 : i32
            %add3A_453 = arith.addi %mul3A_451, %add3A_452 : i32
            %add3A_454 = vector.broadcast %add3A_453 : i32 to vector<16xi32>
            %add3A_455 = arith.addi %add3A_454, %shift_right_arithmetic3A_324 : vector<16xi32>
            %add3A_456 = arith.constant 0 : i32
            %add3A_457 = vector.broadcast %add3A_456 : i32 to vector<16xi32>
            %add3A_458 = arith.addi %mul3A_330, %add3A_457 : vector<16xi32>
            %add3A_459 = arith.addi %add3A_458, %iota3A : vector<16xi32>
            tpu.vector_store_idx %arg11[%add3A_455, %add3A_459], %gather3A_379 : memref<128x128xf32, #tpu.memory_space<vmem>>[vector<16xi32>, vector<16xi32>], vector<16xf32>,
            %mul3A_460 = arith.constant 32 : i32
            %mul3A_461 = arith.muli %mul3A_460, %scan3A_305 : i32
            %add3A_462 = arith.constant 20 : i32
            %add3A_463 = arith.addi %mul3A_461, %add3A_462 : i32
            %add3A_464 = vector.broadcast %add3A_463 : i32 to vector<16xi32>
            %add3A_465 = arith.addi %add3A_464, %shift_right_arithmetic3A_324 : vector<16xi32>
            %add3A_466 = arith.constant 0 : i32
            %add3A_467 = vector.broadcast %add3A_466 : i32 to vector<16xi32>
            %add3A_468 = arith.addi %mul3A_330, %add3A_467 : vector<16xi32>
            %add3A_469 = arith.addi %add3A_468, %iota3A : vector<16xi32>
            tpu.vector_store_idx %arg11[%add3A_465, %add3A_469], %gather3A_389 : memref<128x128xf32, #tpu.memory_space<vmem>>[vector<16xi32>, vector<16xi32>], vector<16xf32>,
            %mul3A_470 = arith.constant 32 : i32
            %mul3A_471 = arith.muli %mul3A_470, %scan3A_305 : i32
            %add3A_472 = arith.constant 24 : i32
            %add3A_473 = arith.addi %mul3A_471, %add3A_472 : i32
            %add3A_474 = vector.broadcast %add3A_473 : i32 to vector<16xi32>
            %add3A_475 = arith.addi %add3A_474, %shift_right_arithmetic3A_324 : vector<16xi32>
            %add3A_476 = arith.constant 0 : i32
            %add3A_477 = vector.broadcast %add3A_476 : i32 to vector<16xi32>
            %add3A_478 = arith.addi %mul3A_330, %add3A_477 : vector<16xi32>
            %add3A_479 = arith.addi %add3A_478, %iota3A : vector<16xi32>
            tpu.vector_store_idx %arg11[%add3A_475, %add3A_479], %gather3A_399 : memref<128x128xf32, #tpu.memory_space<vmem>>[vector<16xi32>, vector<16xi32>], vector<16xf32>,
            %mul3A_480 = arith.constant 32 : i32
            %mul3A_481 = arith.muli %mul3A_480, %scan3A_305 : i32
            %add3A_482 = arith.constant 28 : i32
            %add3A_483 = arith.addi %mul3A_481, %add3A_482 : i32
            %add3A_484 = vector.broadcast %add3A_483 : i32 to vector<16xi32>
            %add3A_485 = arith.addi %add3A_484, %shift_right_arithmetic3A_324 : vector<16xi32>
            %add3A_486 = arith.constant 0 : i32
            %add3A_487 = vector.broadcast %add3A_486 : i32 to vector<16xi32>
            %add3A_488 = arith.addi %mul3A_330, %add3A_487 : vector<16xi32>
            %add3A_489 = arith.addi %add3A_488, %iota3A : vector<16xi32>
            tpu.vector_store_idx %arg11[%add3A_485, %add3A_489], %gather3A_409 : memref<128x128xf32, #tpu.memory_space<vmem>>[vector<16xi32>, vector<16xi32>], vector<16xf32>,
            %add3A_490 = arith.constant 16 : i32
            %add3A_491 = vector.broadcast %add3A_490 : i32 to vector<16xi32>
            %add3A_492 = arith.addi %iota3A, %add3A_491 : vector<16xi32>
            %mul3A_493 = arith.constant 128 : i32
            %mul3A_494 = arith.muli %mul3A_493, %scan3A_305 : i32
            %add3A_495 = arith.constant 0 : i32
            %add3A_496 = arith.addi %mul3A_494, %add3A_495 : i32
            %add3A_497 = vector.broadcast %add3A_496 : i32 to vector<16xi32>
            %add3A_498 = arith.addi %add3A_497, %and3A_321 : vector<16xi32>
            %gather3A_499 = tpu.vector_load_idx %arg9[%add3A_492, %add3A_498] : memref<32x512xf32, #tpu.memory_space<vmem>>[vector<16xi32>, vector<16xi32>], vector<16xf32>,
            %add3A_500 = arith.constant 16 : i32
            %add3A_501 = vector.broadcast %add3A_500 : i32 to vector<16xi32>
            %add3A_502 = arith.addi %iota3A, %add3A_501 : vector<16xi32>
            %mul3A_503 = arith.constant 128 : i32
            %mul3A_504 = arith.muli %mul3A_503, %scan3A_305 : i32
            %add3A_505 = arith.constant 16 : i32
            %add3A_506 = arith.addi %mul3A_504, %add3A_505 : i32
            %add3A_507 = vector.broadcast %add3A_506 : i32 to vector<16xi32>
            %add3A_508 = arith.addi %add3A_507, %and3A_321 : vector<16xi32>
            %gather3A_509 = tpu.vector_load_idx %arg9[%add3A_502, %add3A_508] : memref<32x512xf32, #tpu.memory_space<vmem>>[vector<16xi32>, vector<16xi32>], vector<16xf32>,
            %add3A_510 = arith.constant 16 : i32
            %add3A_511 = vector.broadcast %add3A_510 : i32 to vector<16xi32>
            %add3A_512 = arith.addi %iota3A, %add3A_511 : vector<16xi32>
            %mul3A_513 = arith.constant 128 : i32
            %mul3A_514 = arith.muli %mul3A_513, %scan3A_305 : i32
            %add3A_515 = arith.constant 32 : i32
            %add3A_516 = arith.addi %mul3A_514, %add3A_515 : i32
            %add3A_517 = vector.broadcast %add3A_516 : i32 to vector<16xi32>
            %add3A_518 = arith.addi %add3A_517, %and3A_321 : vector<16xi32>
            %gather3A_519 = tpu.vector_load_idx %arg9[%add3A_512, %add3A_518] : memref<32x512xf32, #tpu.memory_space<vmem>>[vector<16xi32>, vector<16xi32>], vector<16xf32>,
            %add3A_520 = arith.constant 16 : i32
            %add3A_521 = vector.broadcast %add3A_520 : i32 to vector<16xi32>
            %add3A_522 = arith.addi %iota3A, %add3A_521 : vector<16xi32>
            %mul3A_523 = arith.constant 128 : i32
            %mul3A_524 = arith.muli %mul3A_523, %scan3A_305 : i32
            %add3A_525 = arith.constant 48 : i32
            %add3A_526 = arith.addi %mul3A_524, %add3A_525 : i32
            %add3A_527 = vector.broadcast %add3A_526 : i32 to vector<16xi32>
            %add3A_528 = arith.addi %add3A_527, %and3A_321 : vector<16xi32>
            %gather3A_529 = tpu.vector_load_idx %arg9[%add3A_522, %add3A_528] : memref<32x512xf32, #tpu.memory_space<vmem>>[vector<16xi32>, vector<16xi32>], vector<16xf32>,
            %add3A_530 = arith.constant 16 : i32
            %add3A_531 = vector.broadcast %add3A_530 : i32 to vector<16xi32>
            %add3A_532 = arith.addi %iota3A, %add3A_531 : vector<16xi32>
            %mul3A_533 = arith.constant 128 : i32
            %mul3A_534 = arith.muli %mul3A_533, %scan3A_305 : i32
            %add3A_535 = arith.constant 64 : i32
            %add3A_536 = arith.addi %mul3A_534, %add3A_535 : i32
            %add3A_537 = vector.broadcast %add3A_536 : i32 to vector<16xi32>
            %add3A_538 = arith.addi %add3A_537, %and3A_321 : vector<16xi32>
            %gather3A_539 = tpu.vector_load_idx %arg9[%add3A_532, %add3A_538] : memref<32x512xf32, #tpu.memory_space<vmem>>[vector<16xi32>, vector<16xi32>], vector<16xf32>,
            %add3A_540 = arith.constant 16 : i32
            %add3A_541 = vector.broadcast %add3A_540 : i32 to vector<16xi32>
            %add3A_542 = arith.addi %iota3A, %add3A_541 : vector<16xi32>
            %mul3A_543 = arith.constant 128 : i32
            %mul3A_544 = arith.muli %mul3A_543, %scan3A_305 : i32
            %add3A_545 = arith.constant 80 : i32
            %add3A_546 = arith.addi %mul3A_544, %add3A_545 : i32
            %add3A_547 = vector.broadcast %add3A_546 : i32 to vector<16xi32>
            %add3A_548 = arith.addi %add3A_547, %and3A_321 : vector<16xi32>
            %gather3A_549 = tpu.vector_load_idx %arg9[%add3A_542, %add3A_548] : memref<32x512xf32, #tpu.memory_space<vmem>>[vector<16xi32>, vector<16xi32>], vector<16xf32>,
            %add3A_550 = arith.constant 16 : i32
            %add3A_551 = vector.broadcast %add3A_550 : i32 to vector<16xi32>
            %add3A_552 = arith.addi %iota3A, %add3A_551 : vector<16xi32>
            %mul3A_553 = arith.constant 128 : i32
            %mul3A_554 = arith.muli %mul3A_553, %scan3A_305 : i32
            %add3A_555 = arith.constant 96 : i32
            %add3A_556 = arith.addi %mul3A_554, %add3A_555 : i32
            %add3A_557 = vector.broadcast %add3A_556 : i32 to vector<16xi32>
            %add3A_558 = arith.addi %add3A_557, %and3A_321 : vector<16xi32>
            %gather3A_559 = tpu.vector_load_idx %arg9[%add3A_552, %add3A_558] : memref<32x512xf32, #tpu.memory_space<vmem>>[vector<16xi32>, vector<16xi32>], vector<16xf32>,
            %add3A_560 = arith.constant 16 : i32
            %add3A_561 = vector.broadcast %add3A_560 : i32 to vector<16xi32>
            %add3A_562 = arith.addi %iota3A, %add3A_561 : vector<16xi32>
            %mul3A_563 = arith.constant 128 : i32
            %mul3A_564 = arith.muli %mul3A_563, %scan3A_305 : i32
            %add3A_565 = arith.constant 112 : i32
            %add3A_566 = arith.addi %mul3A_564, %add3A_565 : i32
            %add3A_567 = vector.broadcast %add3A_566 : i32 to vector<16xi32>
            %add3A_568 = arith.addi %add3A_567, %and3A_321 : vector<16xi32>
            %gather3A_569 = tpu.vector_load_idx %arg9[%add3A_562, %add3A_568] : memref<32x512xf32, #tpu.memory_space<vmem>>[vector<16xi32>, vector<16xi32>], vector<16xf32>,
            %mul3A_570 = arith.constant 32 : i32
            %mul3A_571 = arith.muli %mul3A_570, %scan3A_305 : i32
            %add3A_572 = arith.constant 0 : i32
            %add3A_573 = arith.addi %mul3A_571, %add3A_572 : i32
            %add3A_574 = vector.broadcast %add3A_573 : i32 to vector<16xi32>
            %add3A_575 = arith.addi %add3A_574, %shift_right_arithmetic3A_324 : vector<16xi32>
            %add3A_576 = arith.constant 16 : i32
            %add3A_577 = vector.broadcast %add3A_576 : i32 to vector<16xi32>
            %add3A_578 = arith.addi %mul3A_330, %add3A_577 : vector<16xi32>
            %add3A_579 = arith.addi %add3A_578, %iota3A : vector<16xi32>
            tpu.vector_store_idx %arg11[%add3A_575, %add3A_579], %gather3A_499 : memref<128x128xf32, #tpu.memory_space<vmem>>[vector<16xi32>, vector<16xi32>], vector<16xf32>,
            %mul3A_580 = arith.constant 32 : i32
            %mul3A_581 = arith.muli %mul3A_580, %scan3A_305 : i32
            %add3A_582 = arith.constant 4 : i32
            %add3A_583 = arith.addi %mul3A_581, %add3A_582 : i32
            %add3A_584 = vector.broadcast %add3A_583 : i32 to vector<16xi32>
            %add3A_585 = arith.addi %add3A_584, %shift_right_arithmetic3A_324 : vector<16xi32>
            %add3A_586 = arith.constant 16 : i32
            %add3A_587 = vector.broadcast %add3A_586 : i32 to vector<16xi32>
            %add3A_588 = arith.addi %mul3A_330, %add3A_587 : vector<16xi32>
            %add3A_589 = arith.addi %add3A_588, %iota3A : vector<16xi32>
            tpu.vector_store_idx %arg11[%add3A_585, %add3A_589], %gather3A_509 : memref<128x128xf32, #tpu.memory_space<vmem>>[vector<16xi32>, vector<16xi32>], vector<16xf32>,
            %mul3A_590 = arith.constant 32 : i32
            %mul3A_591 = arith.muli %mul3A_590, %scan3A_305 : i32
            %add3A_592 = arith.constant 8 : i32
            %add3A_593 = arith.addi %mul3A_591, %add3A_592 : i32
            %add3A_594 = vector.broadcast %add3A_593 : i32 to vector<16xi32>
            %add3A_595 = arith.addi %add3A_594, %shift_right_arithmetic3A_324 : vector<16xi32>
            %add3A_596 = arith.constant 16 : i32
            %add3A_597 = vector.broadcast %add3A_596 : i32 to vector<16xi32>
            %add3A_598 = arith.addi %mul3A_330, %add3A_597 : vector<16xi32>
            %add3A_599 = arith.addi %add3A_598, %iota3A : vector<16xi32>
            tpu.vector_store_idx %arg11[%add3A_595, %add3A_599], %gather3A_519 : memref<128x128xf32, #tpu.memory_space<vmem>>[vector<16xi32>, vector<16xi32>], vector<16xf32>,
            %mul3A_600 = arith.constant 32 : i32
            %mul3A_601 = arith.muli %mul3A_600, %scan3A_305 : i32
            %add3A_602 = arith.constant 12 : i32
            %add3A_603 = arith.addi %mul3A_601, %add3A_602 : i32
            %add3A_604 = vector.broadcast %add3A_603 : i32 to vector<16xi32>
            %add3A_605 = arith.addi %add3A_604, %shift_right_arithmetic3A_324 : vector<16xi32>
            %add3A_606 = arith.constant 16 : i32
            %add3A_607 = vector.broadcast %add3A_606 : i32 to vector<16xi32>
            %add3A_608 = arith.addi %mul3A_330, %add3A_607 : vector<16xi32>
            %add3A_609 = arith.addi %add3A_608, %iota3A : vector<16xi32>
            tpu.vector_store_idx %arg11[%add3A_605, %add3A_609], %gather3A_529 : memref<128x128xf32, #tpu.memory_space<vmem>>[vector<16xi32>, vector<16xi32>], vector<16xf32>,
            %mul3A_610 = arith.constant 32 : i32
            %mul3A_611 = arith.muli %mul3A_610, %scan3A_305 : i32
            %add3A_612 = arith.constant 16 : i32
            %add3A_613 = arith.addi %mul3A_611, %add3A_612 : i32
            %add3A_614 = vector.broadcast %add3A_613 : i32 to vector<16xi32>
            %add3A_615 = arith.addi %add3A_614, %shift_right_arithmetic3A_324 : vector<16xi32>
            %add3A_616 = arith.constant 16 : i32
            %add3A_617 = vector.broadcast %add3A_616 : i32 to vector<16xi32>
            %add3A_618 = arith.addi %mul3A_330, %add3A_617 : vector<16xi32>
            %add3A_619 = arith.addi %add3A_618, %iota3A : vector<16xi32>
            tpu.vector_store_idx %arg11[%add3A_615, %add3A_619], %gather3A_539 : memref<128x128xf32, #tpu.memory_space<vmem>>[vector<16xi32>, vector<16xi32>], vector<16xf32>,
            %mul3A_620 = arith.constant 32 : i32
            %mul3A_621 = arith.muli %mul3A_620, %scan3A_305 : i32
            %add3A_622 = arith.constant 20 : i32
            %add3A_623 = arith.addi %mul3A_621, %add3A_622 : i32
            %add3A_624 = vector.broadcast %add3A_623 : i32 to vector<16xi32>
            %add3A_625 = arith.addi %add3A_624, %shift_right_arithmetic3A_324 : vector<16xi32>
            %add3A_626 = arith.constant 16 : i32
            %add3A_627 = vector.broadcast %add3A_626 : i32 to vector<16xi32>
            %add3A_628 = arith.addi %mul3A_330, %add3A_627 : vector<16xi32>
            %add3A_629 = arith.addi %add3A_628, %iota3A : vector<16xi32>
            tpu.vector_store_idx %arg11[%add3A_625, %add3A_629], %gather3A_549 : memref<128x128xf32, #tpu.memory_space<vmem>>[vector<16xi32>, vector<16xi32>], vector<16xf32>,
            %mul3A_630 = arith.constant 32 : i32
            %mul3A_631 = arith.muli %mul3A_630, %scan3A_305 : i32
            %add3A_632 = arith.constant 24 : i32
            %add3A_633 = arith.addi %mul3A_631, %add3A_632 : i32
            %add3A_634 = vector.broadcast %add3A_633 : i32 to vector<16xi32>
            %add3A_635 = arith.addi %add3A_634, %shift_right_arithmetic3A_324 : vector<16xi32>
            %add3A_636 = arith.constant 16 : i32
            %add3A_637 = vector.broadcast %add3A_636 : i32 to vector<16xi32>
            %add3A_638 = arith.addi %mul3A_330, %add3A_637 : vector<16xi32>
            %add3A_639 = arith.addi %add3A_638, %iota3A : vector<16xi32>
            tpu.vector_store_idx %arg11[%add3A_635, %add3A_639], %gather3A_559 : memref<128x128xf32, #tpu.memory_space<vmem>>[vector<16xi32>, vector<16xi32>], vector<16xf32>,
            %mul3A_640 = arith.constant 32 : i32
            %mul3A_641 = arith.muli %mul3A_640, %scan3A_305 : i32
            %add3A_642 = arith.constant 28 : i32
            %add3A_643 = arith.addi %mul3A_641, %add3A_642 : i32
            %add3A_644 = vector.broadcast %add3A_643 : i32 to vector<16xi32>
            %add3A_645 = arith.addi %add3A_644, %shift_right_arithmetic3A_324 : vector<16xi32>
            %add3A_646 = arith.constant 16 : i32
            %add3A_647 = vector.broadcast %add3A_646 : i32 to vector<16xi32>
            %add3A_648 = arith.addi %mul3A_330, %add3A_647 : vector<16xi32>
            %add3A_649 = arith.addi %add3A_648, %iota3A : vector<16xi32>
            tpu.vector_store_idx %arg11[%add3A_645, %add3A_649], %gather3A_569 : memref<128x128xf32, #tpu.memory_space<vmem>>[vector<16xi32>, vector<16xi32>], vector<16xf32>,
            %scan3A_650 = arith.constant 0 : i32
            scf.yield %scan3A_650 : i32
          }
          %scan3A_313 = arith.constant 16 : i32
          %scan3A_314 = arith.constant 0 : i32
          scf.yield %scan3A_314 : i32
        }
        %scan3A_304 = arith.constant 4 : i32
      } else {
      }
      %lt3A_285 = arith.constant 1953 : i32
      %lt3A_286 = arith.cmpi slt, %add3A_266, %lt3A_285 : i32
      %convert_element_type3A_287 = arith.extui %lt3A_286 : i1 to i32
      %cond3A_288 = arith.constant 0 : i32
      %cond3A_289 = arith.cmpi ne, %convert_element_type3A_287, %cond3A_288 : i32
      scf.if %cond3A_289 {
        %mul3A_298 = arith.constant 128 : i32
        %mul3A_299 = arith.muli %add3A_266, %mul3A_298 : i32
        %multiple_of3A = tpu.assume_multiple %mul3A_299, 8 : i32
        %dma_start3A = arith.constant 0 : i32
        %dma_start3A_300 = arith.constant 0 : i32
        %dma_start3A_301 = tpu.memref_slice %arg11[%dma_start3A, %dma_start3A_300] : memref<128x128xf32, #tpu.memory_space<vmem>> -> memref<128x128xf32, #tpu.memory_space<vmem>>
        %dma_start3A_302 = arith.constant 0 : i32
        %dma_start3A_303 = tpu.memref_slice %arg6[%multiple_of3A, %dma_start3A_302] : memref<250000x128xf32, #tpu.memory_space<hbm>> -> memref<128x128xf32, #tpu.memory_space<hbm>>
        %dma_start3A_304 = arith.constant 0 : i32
        %dma_start3A_305 = tpu.memref_slice %arg6[%multiple_of3A, %dma_start3A_304] : memref<250000x128xf32, #tpu.memory_space<hbm>> -> memref<128x128xf32, #tpu.memory_space<hbm>>
        %dma_start3A_306 = arith.constant 0 : i32
        %dma_start3A_307 = arith.constant 0 : i32
        %dma_start3A_308 = tpu.memref_slice %arg11[%dma_start3A_306, %dma_start3A_307] : memref<128x128xf32, #tpu.memory_space<vmem>> -> memref<128x128xf32, #tpu.memory_space<vmem>>
        tpu.enqueue_dma source(%dma_start3A_308 : memref<128x128xf32, #tpu.memory_space<vmem>>) target(%dma_start3A_305 : memref<128x128xf32, #tpu.memory_space<hbm>>) target_semaphore(%arg15 : memref<!tpu.dma_semaphore, #tpu.memory_space<semaphore_mem>>)
      } else {
      }
      %add3A_290 = arith.constant 64 : i32
      %add3A_291 = arith.addi %add3A_266, %add3A_290 : i32
      %lt3A_292 = arith.constant 1953 : i32
      %lt3A_293 = arith.cmpi slt, %add3A_291, %lt3A_292 : i32
      %convert_element_type3A_294 = arith.extui %lt3A_293 : i1 to i32
      %cond3A_295 = arith.constant 0 : i32
      %cond3A_296 = arith.cmpi ne, %convert_element_type3A_294, %cond3A_295 : i32
      scf.if %cond3A_296 {
        %mul3A_298 = arith.constant 2048 : i32
        %mul3A_299 = arith.muli %add3A_291, %mul3A_298 : i32
        %multiple_of3A = tpu.assume_multiple %mul3A_299, 128 : i32
        %dma_start3A = arith.constant 0 : i32
        %dma_start3A_300 = arith.constant 0 : i32
        %dma_start3A_301 = tpu.memref_slice %arg9[%dma_start3A, %dma_start3A_300] : memref<32x512xf32, #tpu.memory_space<vmem>> -> memref<32x2048xf32, #tpu.memory_space<vmem>>
        %dma_start3A_302 = arith.constant 0 : i32
        %dma_start3A_303 = tpu.memref_slice %arg2[%dma_start3A_302, %multiple_of3A] : memref<32x1000000xf32, #tpu.memory_space<hbm>> -> memref<32x2048xf32, #tpu.memory_space<hbm>>
        %dma_start3A_304 = arith.constant 0 : i32
        %dma_start3A_305 = arith.constant 0 : i32
        %dma_start3A_306 = tpu.memref_slice %arg9[%dma_start3A_304, %dma_start3A_305] : memref<32x512xf32, #tpu.memory_space<vmem>> -> memref<32x2048xf32, #tpu.memory_space<vmem>>
        %dma_start3A_307 = arith.constant 0 : i32
        %dma_start3A_308 = tpu.memref_slice %arg2[%dma_start3A_307, %multiple_of3A] : memref<32x1000000xf32, #tpu.memory_space<hbm>> -> memref<32x2048xf32, #tpu.memory_space<hbm>>
        tpu.enqueue_dma source(%dma_start3A_308 : memref<32x2048xf32, #tpu.memory_space<hbm>>) target(%dma_start3A_306 : memref<32x2048xf32, #tpu.memory_space<vmem>>) target_semaphore(%arg13 : memref<!tpu.dma_semaphore, #tpu.memory_space<semaphore_mem>>)
      } else {
      }
      %scan3A_297 = arith.constant 0 : i32
      scf.yield %scan3A_297 : i32
    }
    %scan3A_135 = arith.constant 31 : i32
    %add3A_136 = arith.constant 1984 : i32
    %add3A_137 = arith.addi %add3A, %add3A_136 : i32
    %lt3A_138 = arith.constant 1953 : i32
    %lt3A_139 = arith.cmpi slt, %add3A_137, %lt3A_138 : i32
    %convert_element_type3A_140 = arith.extui %lt3A_139 : i1 to i32
    %cond3A_141 = arith.constant 0 : i32
    %cond3A_142 = arith.cmpi ne, %convert_element_type3A_140, %cond3A_141 : i32
    scf.if %cond3A_142 {
      %dma_wait3A = arith.constant 0 : i32
      %dma_wait3A_222 = arith.constant 0 : i32
      %dma_wait3A_223 = tpu.memref_slice %arg8[%dma_wait3A, %dma_wait3A_222] : memref<32x512xf32, #tpu.memory_space<vmem>> -> memref<32x2048xf32, #tpu.memory_space<vmem>>
      %dma_wait3A_224 = arith.constant 0 : i32
      %dma_wait3A_225 = arith.constant 0 : i32
      %dma_wait3A_226 = tpu.memref_slice %arg2[%dma_wait3A_224, %dma_wait3A_225] : memref<32x1000000xf32, #tpu.memory_space<hbm>> -> memref<32x2048xf32, #tpu.memory_space<hbm>>
      %dma_wait3A_227 = arith.constant 0 : i32
      %dma_wait3A_228 = arith.constant 0 : i32
      %dma_wait3A_229 = tpu.memref_slice %arg8[%dma_wait3A_227, %dma_wait3A_228] : memref<32x512xf32, #tpu.memory_space<vmem>> -> memref<32x2048xf32, #tpu.memory_space<vmem>>
      %dma_wait3A_230 = arith.constant 0 : i32
      %dma_wait3A_231 = arith.constant 0 : i32
      %dma_wait3A_232 = tpu.memref_slice %arg2[%dma_wait3A_230, %dma_wait3A_231] : memref<32x1000000xf32, #tpu.memory_space<hbm>> -> memref<32x2048xf32, #tpu.memory_space<hbm>>
      tpu.wait_dma2 semaphore(%arg12 : memref<!tpu.dma_semaphore, #tpu.memory_space<semaphore_mem>>) src(%dma_wait3A_232 : memref<32x2048xf32, #tpu.memory_space<hbm>>) dst(%dma_wait3A_229 : memref<32x2048xf32, #tpu.memory_space<vmem>>)
    } else {
    }
    %add3A_143 = arith.constant 2016 : i32
    %add3A_144 = arith.addi %add3A, %add3A_143 : i32
    %lt3A_145 = arith.constant 1953 : i32
    %lt3A_146 = arith.cmpi slt, %add3A_144, %lt3A_145 : i32
    %convert_element_type3A_147 = arith.extui %lt3A_146 : i1 to i32
    %cond3A_148 = arith.constant 0 : i32
    %cond3A_149 = arith.cmpi ne, %convert_element_type3A_147, %cond3A_148 : i32
    scf.if %cond3A_149 {
      %dma_wait3A = arith.constant 0 : i32
      %dma_wait3A_222 = arith.constant 0 : i32
      %dma_wait3A_223 = tpu.memref_slice %arg9[%dma_wait3A, %dma_wait3A_222] : memref<32x512xf32, #tpu.memory_space<vmem>> -> memref<32x2048xf32, #tpu.memory_space<vmem>>
      %dma_wait3A_224 = arith.constant 0 : i32
      %dma_wait3A_225 = arith.constant 0 : i32
      %dma_wait3A_226 = tpu.memref_slice %arg2[%dma_wait3A_224, %dma_wait3A_225] : memref<32x1000000xf32, #tpu.memory_space<hbm>> -> memref<32x2048xf32, #tpu.memory_space<hbm>>
      %dma_wait3A_227 = arith.constant 0 : i32
      %dma_wait3A_228 = arith.constant 0 : i32
      %dma_wait3A_229 = tpu.memref_slice %arg9[%dma_wait3A_227, %dma_wait3A_228] : memref<32x512xf32, #tpu.memory_space<vmem>> -> memref<32x2048xf32, #tpu.memory_space<vmem>>
      %dma_wait3A_230 = arith.constant 0 : i32
      %dma_wait3A_231 = arith.constant 0 : i32
      %dma_wait3A_232 = tpu.memref_slice %arg2[%dma_wait3A_230, %dma_wait3A_231] : memref<32x1000000xf32, #tpu.memory_space<hbm>> -> memref<32x2048xf32, #tpu.memory_space<hbm>>
      tpu.wait_dma2 semaphore(%arg13 : memref<!tpu.dma_semaphore, #tpu.memory_space<semaphore_mem>>) src(%dma_wait3A_232 : memref<32x2048xf32, #tpu.memory_space<hbm>>) dst(%dma_wait3A_229 : memref<32x2048xf32, #tpu.memory_space<vmem>>)
    } else {
    }
    %add3A_150 = arith.constant 0 : i32
    %add3A_151 = arith.addi %add3A, %add3A_150 : i32
    %lt3A_152 = arith.constant 1953 : i32
    %lt3A_153 = arith.cmpi slt, %add3A_151, %lt3A_152 : i32
    %convert_element_type3A_154 = arith.extui %lt3A_153 : i1 to i32
    %cond3A_155 = arith.constant 0 : i32
    %cond3A_156 = arith.cmpi ne, %convert_element_type3A_154, %cond3A_155 : i32
    scf.if %cond3A_156 {
      %dma_wait3A = arith.constant 0 : i32
      %dma_wait3A_222 = arith.constant 0 : i32
      %dma_wait3A_223 = tpu.memref_slice %arg10[%dma_wait3A, %dma_wait3A_222] : memref<128x128xf32, #tpu.memory_space<vmem>> -> memref<128x128xf32, #tpu.memory_space<vmem>>
      %dma_wait3A_224 = arith.constant 0 : i32
      %dma_wait3A_225 = arith.constant 0 : i32
      %dma_wait3A_226 = tpu.memref_slice %arg6[%dma_wait3A_224, %dma_wait3A_225] : memref<250000x128xf32, #tpu.memory_space<hbm>> -> memref<128x128xf32, #tpu.memory_space<hbm>>
      %dma_wait3A_227 = arith.constant 0 : i32
      %dma_wait3A_228 = arith.constant 0 : i32
      %dma_wait3A_229 = tpu.memref_slice %arg6[%dma_wait3A_227, %dma_wait3A_228] : memref<250000x128xf32, #tpu.memory_space<hbm>> -> memref<128x128xf32, #tpu.memory_space<hbm>>
      %dma_wait3A_230 = arith.constant 0 : i32
      %dma_wait3A_231 = arith.constant 0 : i32
      %dma_wait3A_232 = tpu.memref_slice %arg10[%dma_wait3A_230, %dma_wait3A_231] : memref<128x128xf32, #tpu.memory_space<vmem>> -> memref<128x128xf32, #tpu.memory_space<vmem>>
      tpu.wait_dma2 semaphore(%arg14 : memref<!tpu.dma_semaphore, #tpu.memory_space<semaphore_mem>>) src(%dma_wait3A_232 : memref<128x128xf32, #tpu.memory_space<vmem>>) dst(%dma_wait3A_229 : memref<128x128xf32, #tpu.memory_space<hbm>>)
    } else {
    }
    %add3A_157 = arith.constant 32 : i32
    %add3A_158 = arith.addi %add3A, %add3A_157 : i32
    %lt3A_159 = arith.constant 1953 : i32
    %lt3A_160 = arith.cmpi slt, %add3A_158, %lt3A_159 : i32
    %convert_element_type3A_161 = arith.extui %lt3A_160 : i1 to i32
    %cond3A_162 = arith.constant 0 : i32
    %cond3A_163 = arith.cmpi ne, %convert_element_type3A_161, %cond3A_162 : i32
    scf.if %cond3A_163 {
      %dma_wait3A = arith.constant 0 : i32
      %dma_wait3A_222 = arith.constant 0 : i32
      %dma_wait3A_223 = tpu.memref_slice %arg11[%dma_wait3A, %dma_wait3A_222] : memref<128x128xf32, #tpu.memory_space<vmem>> -> memref<128x128xf32, #tpu.memory_space<vmem>>
      %dma_wait3A_224 = arith.constant 0 : i32
      %dma_wait3A_225 = arith.constant 0 : i32
      %dma_wait3A_226 = tpu.memref_slice %arg6[%dma_wait3A_224, %dma_wait3A_225] : memref<250000x128xf32, #tpu.memory_space<hbm>> -> memref<128x128xf32, #tpu.memory_space<hbm>>
      %dma_wait3A_227 = arith.constant 0 : i32
      %dma_wait3A_228 = arith.constant 0 : i32
      %dma_wait3A_229 = tpu.memref_slice %arg6[%dma_wait3A_227, %dma_wait3A_228] : memref<250000x128xf32, #tpu.memory_space<hbm>> -> memref<128x128xf32, #tpu.memory_space<hbm>>
      %dma_wait3A_230 = arith.constant 0 : i32
      %dma_wait3A_231 = arith.constant 0 : i32
      %dma_wait3A_232 = tpu.memref_slice %arg11[%dma_wait3A_230, %dma_wait3A_231] : memref<128x128xf32, #tpu.memory_space<vmem>> -> memref<128x128xf32, #tpu.memory_space<vmem>>
      tpu.wait_dma2 semaphore(%arg15 : memref<!tpu.dma_semaphore, #tpu.memory_space<semaphore_mem>>) src(%dma_wait3A_232 : memref<128x128xf32, #tpu.memory_space<vmem>>) dst(%dma_wait3A_229 : memref<128x128xf32, #tpu.memory_space<hbm>>)
    } else {
    }
    %add3A_164 = arith.constant 0 : i32
    %add3A_165 = arith.addi %add3A, %add3A_164 : i32
    %lt3A_166 = arith.constant 781 : i32
    %lt3A_167 = arith.cmpi slt, %add3A_165, %lt3A_166 : i32
    %convert_element_type3A_168 = arith.extui %lt3A_167 : i1 to i32
    %cond3A_169 = arith.constant 0 : i32
    %cond3A_170 = arith.cmpi ne, %convert_element_type3A_168, %cond3A_169 : i32
    scf.if %cond3A_170 {
      %mul3A_222 = arith.constant 512 : i32
      %mul3A_223 = arith.muli %add3A_165, %mul3A_222 : i32
      %multiple_of3A = tpu.assume_multiple %mul3A_223, 128 : i32
      %dma_start3A = arith.constant 0 : i32
      %dma_start3A_224 = arith.constant 0 : i32
      %dma_start3A_225 = tpu.memref_slice %arg8[%dma_start3A, %dma_start3A_224] : memref<32x512xf32, #tpu.memory_space<vmem>> -> memref<32x512xf32, #tpu.memory_space<vmem>>
      %dma_start3A_226 = arith.constant 0 : i32
      %dma_start3A_227 = tpu.memref_slice %arg3[%dma_start3A_226, %multiple_of3A] : memref<32x100000xf32, #tpu.memory_space<hbm>> -> memref<32x512xf32, #tpu.memory_space<hbm>>
      %dma_start3A_228 = arith.constant 0 : i32
      %dma_start3A_229 = arith.constant 0 : i32
      %dma_start3A_230 = tpu.memref_slice %arg8[%dma_start3A_228, %dma_start3A_229] : memref<32x512xf32, #tpu.memory_space<vmem>> -> memref<32x512xf32, #tpu.memory_space<vmem>>
      %dma_start3A_231 = arith.constant 0 : i32
      %dma_start3A_232 = tpu.memref_slice %arg3[%dma_start3A_231, %multiple_of3A] : memref<32x100000xf32, #tpu.memory_space<hbm>> -> memref<32x512xf32, #tpu.memory_space<hbm>>
      tpu.enqueue_dma source(%dma_start3A_232 : memref<32x512xf32, #tpu.memory_space<hbm>>) target(%dma_start3A_230 : memref<32x512xf32, #tpu.memory_space<vmem>>) target_semaphore(%arg12 : memref<!tpu.dma_semaphore, #tpu.memory_space<semaphore_mem>>)
    } else {
    }
    %add3A_171 = arith.constant 32 : i32
    %add3A_172 = arith.addi %add3A, %add3A_171 : i32
    %lt3A_173 = arith.constant 781 : i32
    %lt3A_174 = arith.cmpi slt, %add3A_172, %lt3A_173 : i32
    %convert_element_type3A_175 = arith.extui %lt3A_174 : i1 to i32
    %cond3A_176 = arith.constant 0 : i32
    %cond3A_177 = arith.cmpi ne, %convert_element_type3A_175, %cond3A_176 : i32
    scf.if %cond3A_177 {
      %mul3A_222 = arith.constant 512 : i32
      %mul3A_223 = arith.muli %add3A_172, %mul3A_222 : i32
      %multiple_of3A = tpu.assume_multiple %mul3A_223, 128 : i32
      %dma_start3A = arith.constant 0 : i32
      %dma_start3A_224 = arith.constant 0 : i32
      %dma_start3A_225 = tpu.memref_slice %arg9[%dma_start3A, %dma_start3A_224] : memref<32x512xf32, #tpu.memory_space<vmem>> -> memref<32x512xf32, #tpu.memory_space<vmem>>
      %dma_start3A_226 = arith.constant 0 : i32
      %dma_start3A_227 = tpu.memref_slice %arg3[%dma_start3A_226, %multiple_of3A] : memref<32x100000xf32, #tpu.memory_space<hbm>> -> memref<32x512xf32, #tpu.memory_space<hbm>>
      %dma_start3A_228 = arith.constant 0 : i32
      %dma_start3A_229 = arith.constant 0 : i32
      %dma_start3A_230 = tpu.memref_slice %arg9[%dma_start3A_228, %dma_start3A_229] : memref<32x512xf32, #tpu.memory_space<vmem>> -> memref<32x512xf32, #tpu.memory_space<vmem>>
      %dma_start3A_231 = arith.constant 0 : i32
      %dma_start3A_232 = tpu.memref_slice %arg3[%dma_start3A_231, %multiple_of3A] : memref<32x100000xf32, #tpu.memory_space<hbm>> -> memref<32x512xf32, #tpu.memory_space<hbm>>
      tpu.enqueue_dma source(%dma_start3A_232 : memref<32x512xf32, #tpu.memory_space<hbm>>) target(%dma_start3A_230 : memref<32x512xf32, #tpu.memory_space<vmem>>) target_semaphore(%arg13 : memref<!tpu.dma_semaphore, #tpu.memory_space<semaphore_mem>>)
    } else {
    }
    %scan3A_178 = arith.constant 0 : i32
    %scan3A_179 = arith.constant 0 : i32
    %scan3A_180 = arith.constant 13 : i32
    %scan3A_181 = arith.addi %scan3A_179, %scan3A_180 : i32
    %scan3A_182 = arith.constant 1 : i32
    %scan3A_183 = scf.for %scan3A_222 = %scan3A_179 to %scan3A_181 step %scan3A_182 iter_args(%scan3A_223 = %scan3A_178) -> (i32)  : i32 {
      %mul3A_224 = arith.constant 2 : i32
      %mul3A_225 = arith.muli %mul3A_224, %scan3A_222 : i32
      %add3A_226 = arith.constant 0 : i32
      %add3A_227 = arith.addi %mul3A_225, %add3A_226 : i32
      %mul3A_228 = arith.constant 32 : i32
      %mul3A_229 = arith.muli %add3A_227, %mul3A_228 : i32
      %add3A_230 = arith.addi %add3A, %mul3A_229 : i32
      %lt3A_231 = arith.constant 781 : i32
      %lt3A_232 = arith.cmpi slt, %add3A_230, %lt3A_231 : i32
      %convert_element_type3A_233 = arith.extui %lt3A_232 : i1 to i32
      %cond3A_234 = arith.constant 0 : i32
      %cond3A_235 = arith.cmpi ne, %convert_element_type3A_233, %cond3A_234 : i32
      scf.if %cond3A_235 {
        %dma_wait3A = arith.constant 0 : i32
        %dma_wait3A_298 = arith.constant 0 : i32
        %dma_wait3A_299 = tpu.memref_slice %arg8[%dma_wait3A, %dma_wait3A_298] : memref<32x512xf32, #tpu.memory_space<vmem>> -> memref<32x512xf32, #tpu.memory_space<vmem>>
        %dma_wait3A_300 = arith.constant 0 : i32
        %dma_wait3A_301 = arith.constant 0 : i32
        %dma_wait3A_302 = tpu.memref_slice %arg3[%dma_wait3A_300, %dma_wait3A_301] : memref<32x100000xf32, #tpu.memory_space<hbm>> -> memref<32x512xf32, #tpu.memory_space<hbm>>
        %dma_wait3A_303 = arith.constant 0 : i32
        %dma_wait3A_304 = arith.constant 0 : i32
        %dma_wait3A_305 = tpu.memref_slice %arg8[%dma_wait3A_303, %dma_wait3A_304] : memref<32x512xf32, #tpu.memory_space<vmem>> -> memref<32x512xf32, #tpu.memory_space<vmem>>
        %dma_wait3A_306 = arith.constant 0 : i32
        %dma_wait3A_307 = arith.constant 0 : i32
        %dma_wait3A_308 = tpu.memref_slice %arg3[%dma_wait3A_306, %dma_wait3A_307] : memref<32x100000xf32, #tpu.memory_space<hbm>> -> memref<32x512xf32, #tpu.memory_space<hbm>>
        tpu.wait_dma2 semaphore(%arg12 : memref<!tpu.dma_semaphore, #tpu.memory_space<semaphore_mem>>) src(%dma_wait3A_308 : memref<32x512xf32, #tpu.memory_space<hbm>>) dst(%dma_wait3A_305 : memref<32x512xf32, #tpu.memory_space<vmem>>)
      } else {
      }
      %gt3A = arith.constant 0 : i32
      %gt3A_236 = arith.cmpi sgt, %scan3A_222, %gt3A : i32
      %lt3A_237 = arith.constant 781 : i32
      %lt3A_238 = arith.cmpi slt, %add3A_230, %lt3A_237 : i32
      %and3A_239 = arith.andi %gt3A_236, %lt3A_238 : i1
      %convert_element_type3A_240 = arith.extui %and3A_239 : i1 to i32
      %cond3A_241 = arith.constant 0 : i32
      %cond3A_242 = arith.cmpi ne, %convert_element_type3A_240, %cond3A_241 : i32
      scf.if %cond3A_242 {
        %dma_wait3A = arith.constant 0 : i32
        %dma_wait3A_298 = arith.constant 0 : i32
        %dma_wait3A_299 = tpu.memref_slice %arg10[%dma_wait3A, %dma_wait3A_298] : memref<128x128xf32, #tpu.memory_space<vmem>> -> memref<32x128xf32, #tpu.memory_space<vmem>>
        %dma_wait3A_300 = arith.constant 0 : i32
        %dma_wait3A_301 = arith.constant 0 : i32
        %dma_wait3A_302 = tpu.memref_slice %arg7[%dma_wait3A_300, %dma_wait3A_301] : memref<25000x128xf32, #tpu.memory_space<hbm>> -> memref<32x128xf32, #tpu.memory_space<hbm>>
        %dma_wait3A_303 = arith.constant 0 : i32
        %dma_wait3A_304 = arith.constant 0 : i32
        %dma_wait3A_305 = tpu.memref_slice %arg7[%dma_wait3A_303, %dma_wait3A_304] : memref<25000x128xf32, #tpu.memory_space<hbm>> -> memref<32x128xf32, #tpu.memory_space<hbm>>
        %dma_wait3A_306 = arith.constant 0 : i32
        %dma_wait3A_307 = arith.constant 0 : i32
        %dma_wait3A_308 = tpu.memref_slice %arg10[%dma_wait3A_306, %dma_wait3A_307] : memref<128x128xf32, #tpu.memory_space<vmem>> -> memref<32x128xf32, #tpu.memory_space<vmem>>
        tpu.wait_dma2 semaphore(%arg14 : memref<!tpu.dma_semaphore, #tpu.memory_space<semaphore_mem>>) src(%dma_wait3A_308 : memref<32x128xf32, #tpu.memory_space<vmem>>) dst(%dma_wait3A_305 : memref<32x128xf32, #tpu.memory_space<hbm>>)
      } else {
      }
      %lt3A_243 = arith.constant 781 : i32
      %lt3A_244 = arith.cmpi slt, %add3A_230, %lt3A_243 : i32
      %convert_element_type3A_245 = arith.extui %lt3A_244 : i1 to i32
      %cond3A_246 = arith.constant 0 : i32
      %cond3A_247 = arith.cmpi ne, %convert_element_type3A_245, %cond3A_246 : i32
      scf.if %cond3A_247 {
        %scan3A_298 = arith.constant 0 : i32
        %scan3A_299 = arith.constant 0 : i32
        %scan3A_300 = arith.constant 0 : i32
        %scan3A_301 = arith.constant 0 : i32
        %scan3A_302 = arith.constant 16 : i32
        %scan3A_303 = arith.addi %scan3A_301, %scan3A_302 : i32
        %scan3A_304 = arith.constant 1 : i32
        %scan3A_305 = scf.for %scan3A_309 = %scan3A_301 to %scan3A_303 step %scan3A_304 iter_args(%scan3A_310 = %scan3A_300) -> (i32)  : i32 {
          %add3A_311 = vector.broadcast %scan3A_309 : i32 to vector<16xi32>
          %add3A_312 = arith.addi %iota3A, %add3A_311 : vector<16xi32>
          %and3A_313 = arith.constant 15 : i32
          %and3A_314 = vector.broadcast %and3A_313 : i32 to vector<16xi32>
          %and3A_315 = arith.andi %add3A_312, %and3A_314 : vector<16xi32>
          %shift_right_arithmetic3A_316 = arith.constant 2 : i32
          %shift_right_arithmetic3A_317 = vector.broadcast %shift_right_arithmetic3A_316 : i32 to vector<16xi32>
          %shift_right_arithmetic3A_318 = arith.shrsi %and3A_315, %shift_right_arithmetic3A_317 : vector<16xi32>
          %and3A_319 = arith.constant 3 : i32
          %and3A_320 = vector.broadcast %and3A_319 : i32 to vector<16xi32>
          %and3A_321 = arith.andi %and3A_315, %and3A_320 : vector<16xi32>
          %mul3A_322 = arith.constant 32 : i32
          %mul3A_323 = vector.broadcast %mul3A_322 : i32 to vector<16xi32>
          %mul3A_324 = arith.muli %mul3A_323, %and3A_321 : vector<16xi32>
          %add3A_325 = arith.constant 0 : i32
          %add3A_326 = vector.broadcast %add3A_325 : i32 to vector<16xi32>
          %add3A_327 = arith.addi %iota3A, %add3A_326 : vector<16xi32>
          %mul3A_328 = arith.constant 128 : i32
          %mul3A_329 = arith.muli %mul3A_328, %scan3A_299 : i32
          %add3A_330 = arith.constant 0 : i32
          %add3A_331 = arith.addi %mul3A_329, %add3A_330 : i32
          %add3A_332 = vector.broadcast %add3A_331 : i32 to vector<16xi32>
          %add3A_333 = arith.addi %add3A_332, %and3A_315 : vector<16xi32>
          %gather3A = tpu.vector_load_idx %arg8[%add3A_327, %add3A_333] : memref<32x512xf32, #tpu.memory_space<vmem>>[vector<16xi32>, vector<16xi32>], vector<16xf32>,
          %add3A_334 = arith.constant 0 : i32
          %add3A_335 = vector.broadcast %add3A_334 : i32 to vector<16xi32>
          %add3A_336 = arith.addi %iota3A, %add3A_335 : vector<16xi32>
          %mul3A_337 = arith.constant 128 : i32
          %mul3A_338 = arith.muli %mul3A_337, %scan3A_299 : i32
          %add3A_339 = arith.constant 16 : i32
          %add3A_340 = arith.addi %mul3A_338, %add3A_339 : i32
          %add3A_341 = vector.broadcast %add3A_340 : i32 to vector<16xi32>
          %add3A_342 = arith.addi %add3A_341, %and3A_315 : vector<16xi32>
          %gather3A_343 = tpu.vector_load_idx %arg8[%add3A_336, %add3A_342] : memref<32x512xf32, #tpu.memory_space<vmem>>[vector<16xi32>, vector<16xi32>], vector<16xf32>,
          %add3A_344 = arith.constant 0 : i32
          %add3A_345 = vector.broadcast %add3A_344 : i32 to vector<16xi32>
          %add3A_346 = arith.addi %iota3A, %add3A_345 : vector<16xi32>
          %mul3A_347 = arith.constant 128 : i32
          %mul3A_348 = arith.muli %mul3A_347, %scan3A_299 : i32
          %add3A_349 = arith.constant 32 : i32
          %add3A_350 = arith.addi %mul3A_348, %add3A_349 : i32
          %add3A_351 = vector.broadcast %add3A_350 : i32 to vector<16xi32>
          %add3A_352 = arith.addi %add3A_351, %and3A_315 : vector<16xi32>
          %gather3A_353 = tpu.vector_load_idx %arg8[%add3A_346, %add3A_352] : memref<32x512xf32, #tpu.memory_space<vmem>>[vector<16xi32>, vector<16xi32>], vector<16xf32>,
          %add3A_354 = arith.constant 0 : i32
          %add3A_355 = vector.broadcast %add3A_354 : i32 to vector<16xi32>
          %add3A_356 = arith.addi %iota3A, %add3A_355 : vector<16xi32>
          %mul3A_357 = arith.constant 128 : i32
          %mul3A_358 = arith.muli %mul3A_357, %scan3A_299 : i32
          %add3A_359 = arith.constant 48 : i32
          %add3A_360 = arith.addi %mul3A_358, %add3A_359 : i32
          %add3A_361 = vector.broadcast %add3A_360 : i32 to vector<16xi32>
          %add3A_362 = arith.addi %add3A_361, %and3A_315 : vector<16xi32>
          %gather3A_363 = tpu.vector_load_idx %arg8[%add3A_356, %add3A_362] : memref<32x512xf32, #tpu.memory_space<vmem>>[vector<16xi32>, vector<16xi32>], vector<16xf32>,
          %add3A_364 = arith.constant 0 : i32
          %add3A_365 = vector.broadcast %add3A_364 : i32 to vector<16xi32>
          %add3A_366 = arith.addi %iota3A, %add3A_365 : vector<16xi32>
          %mul3A_367 = arith.constant 128 : i32
          %mul3A_368 = arith.muli %mul3A_367, %scan3A_299 : i32
          %add3A_369 = arith.constant 64 : i32
          %add3A_370 = arith.addi %mul3A_368, %add3A_369 : i32
          %add3A_371 = vector.broadcast %add3A_370 : i32 to vector<16xi32>
          %add3A_372 = arith.addi %add3A_371, %and3A_315 : vector<16xi32>
          %gather3A_373 = tpu.vector_load_idx %arg8[%add3A_366, %add3A_372] : memref<32x512xf32, #tpu.memory_space<vmem>>[vector<16xi32>, vector<16xi32>], vector<16xf32>,
          %add3A_374 = arith.constant 0 : i32
          %add3A_375 = vector.broadcast %add3A_374 : i32 to vector<16xi32>
          %add3A_376 = arith.addi %iota3A, %add3A_375 : vector<16xi32>
          %mul3A_377 = arith.constant 128 : i32
          %mul3A_378 = arith.muli %mul3A_377, %scan3A_299 : i32
          %add3A_379 = arith.constant 80 : i32
          %add3A_380 = arith.addi %mul3A_378, %add3A_379 : i32
          %add3A_381 = vector.broadcast %add3A_380 : i32 to vector<16xi32>
          %add3A_382 = arith.addi %add3A_381, %and3A_315 : vector<16xi32>
          %gather3A_383 = tpu.vector_load_idx %arg8[%add3A_376, %add3A_382] : memref<32x512xf32, #tpu.memory_space<vmem>>[vector<16xi32>, vector<16xi32>], vector<16xf32>,
          %add3A_384 = arith.constant 0 : i32
          %add3A_385 = vector.broadcast %add3A_384 : i32 to vector<16xi32>
          %add3A_386 = arith.addi %iota3A, %add3A_385 : vector<16xi32>
          %mul3A_387 = arith.constant 128 : i32
          %mul3A_388 = arith.muli %mul3A_387, %scan3A_299 : i32
          %add3A_389 = arith.constant 96 : i32
          %add3A_390 = arith.addi %mul3A_388, %add3A_389 : i32
          %add3A_391 = vector.broadcast %add3A_390 : i32 to vector<16xi32>
          %add3A_392 = arith.addi %add3A_391, %and3A_315 : vector<16xi32>
          %gather3A_393 = tpu.vector_load_idx %arg8[%add3A_386, %add3A_392] : memref<32x512xf32, #tpu.memory_space<vmem>>[vector<16xi32>, vector<16xi32>], vector<16xf32>,
          %add3A_394 = arith.constant 0 : i32
          %add3A_395 = vector.broadcast %add3A_394 : i32 to vector<16xi32>
          %add3A_396 = arith.addi %iota3A, %add3A_395 : vector<16xi32>
          %mul3A_397 = arith.constant 128 : i32
          %mul3A_398 = arith.muli %mul3A_397, %scan3A_299 : i32
          %add3A_399 = arith.constant 112 : i32
          %add3A_400 = arith.addi %mul3A_398, %add3A_399 : i32
          %add3A_401 = vector.broadcast %add3A_400 : i32 to vector<16xi32>
          %add3A_402 = arith.addi %add3A_401, %and3A_315 : vector<16xi32>
          %gather3A_403 = tpu.vector_load_idx %arg8[%add3A_396, %add3A_402] : memref<32x512xf32, #tpu.memory_space<vmem>>[vector<16xi32>, vector<16xi32>], vector<16xf32>,
          %mul3A_404 = arith.constant 32 : i32
          %mul3A_405 = arith.muli %mul3A_404, %scan3A_299 : i32
          %add3A_406 = arith.constant 0 : i32
          %add3A_407 = arith.addi %mul3A_405, %add3A_406 : i32
          %add3A_408 = vector.broadcast %add3A_407 : i32 to vector<16xi32>
          %add3A_409 = arith.addi %add3A_408, %shift_right_arithmetic3A_318 : vector<16xi32>
          %add3A_410 = arith.constant 0 : i32
          %add3A_411 = vector.broadcast %add3A_410 : i32 to vector<16xi32>
          %add3A_412 = arith.addi %mul3A_324, %add3A_411 : vector<16xi32>
          %add3A_413 = arith.addi %add3A_412, %iota3A : vector<16xi32>
          tpu.vector_store_idx %arg10[%add3A_409, %add3A_413], %gather3A : memref<128x128xf32, #tpu.memory_space<vmem>>[vector<16xi32>, vector<16xi32>], vector<16xf32>,
          %mul3A_414 = arith.constant 32 : i32
          %mul3A_415 = arith.muli %mul3A_414, %scan3A_299 : i32
          %add3A_416 = arith.constant 4 : i32
          %add3A_417 = arith.addi %mul3A_415, %add3A_416 : i32
          %add3A_418 = vector.broadcast %add3A_417 : i32 to vector<16xi32>
          %add3A_419 = arith.addi %add3A_418, %shift_right_arithmetic3A_318 : vector<16xi32>
          %add3A_420 = arith.constant 0 : i32
          %add3A_421 = vector.broadcast %add3A_420 : i32 to vector<16xi32>
          %add3A_422 = arith.addi %mul3A_324, %add3A_421 : vector<16xi32>
          %add3A_423 = arith.addi %add3A_422, %iota3A : vector<16xi32>
          tpu.vector_store_idx %arg10[%add3A_419, %add3A_423], %gather3A_343 : memref<128x128xf32, #tpu.memory_space<vmem>>[vector<16xi32>, vector<16xi32>], vector<16xf32>,
          %mul3A_424 = arith.constant 32 : i32
          %mul3A_425 = arith.muli %mul3A_424, %scan3A_299 : i32
          %add3A_426 = arith.constant 8 : i32
          %add3A_427 = arith.addi %mul3A_425, %add3A_426 : i32
          %add3A_428 = vector.broadcast %add3A_427 : i32 to vector<16xi32>
          %add3A_429 = arith.addi %add3A_428, %shift_right_arithmetic3A_318 : vector<16xi32>
          %add3A_430 = arith.constant 0 : i32
          %add3A_431 = vector.broadcast %add3A_430 : i32 to vector<16xi32>
          %add3A_432 = arith.addi %mul3A_324, %add3A_431 : vector<16xi32>
          %add3A_433 = arith.addi %add3A_432, %iota3A : vector<16xi32>
          tpu.vector_store_idx %arg10[%add3A_429, %add3A_433], %gather3A_353 : memref<128x128xf32, #tpu.memory_space<vmem>>[vector<16xi32>, vector<16xi32>], vector<16xf32>,
          %mul3A_434 = arith.constant 32 : i32
          %mul3A_435 = arith.muli %mul3A_434, %scan3A_299 : i32
          %add3A_436 = arith.constant 12 : i32
          %add3A_437 = arith.addi %mul3A_435, %add3A_436 : i32
          %add3A_438 = vector.broadcast %add3A_437 : i32 to vector<16xi32>
          %add3A_439 = arith.addi %add3A_438, %shift_right_arithmetic3A_318 : vector<16xi32>
          %add3A_440 = arith.constant 0 : i32
          %add3A_441 = vector.broadcast %add3A_440 : i32 to vector<16xi32>
          %add3A_442 = arith.addi %mul3A_324, %add3A_441 : vector<16xi32>
          %add3A_443 = arith.addi %add3A_442, %iota3A : vector<16xi32>
          tpu.vector_store_idx %arg10[%add3A_439, %add3A_443], %gather3A_363 : memref<128x128xf32, #tpu.memory_space<vmem>>[vector<16xi32>, vector<16xi32>], vector<16xf32>,
          %mul3A_444 = arith.constant 32 : i32
          %mul3A_445 = arith.muli %mul3A_444, %scan3A_299 : i32
          %add3A_446 = arith.constant 16 : i32
          %add3A_447 = arith.addi %mul3A_445, %add3A_446 : i32
          %add3A_448 = vector.broadcast %add3A_447 : i32 to vector<16xi32>
          %add3A_449 = arith.addi %add3A_448, %shift_right_arithmetic3A_318 : vector<16xi32>
          %add3A_450 = arith.constant 0 : i32
          %add3A_451 = vector.broadcast %add3A_450 : i32 to vector<16xi32>
          %add3A_452 = arith.addi %mul3A_324, %add3A_451 : vector<16xi32>
          %add3A_453 = arith.addi %add3A_452, %iota3A : vector<16xi32>
          tpu.vector_store_idx %arg10[%add3A_449, %add3A_453], %gather3A_373 : memref<128x128xf32, #tpu.memory_space<vmem>>[vector<16xi32>, vector<16xi32>], vector<16xf32>,
          %mul3A_454 = arith.constant 32 : i32
          %mul3A_455 = arith.muli %mul3A_454, %scan3A_299 : i32
          %add3A_456 = arith.constant 20 : i32
          %add3A_457 = arith.addi %mul3A_455, %add3A_456 : i32
          %add3A_458 = vector.broadcast %add3A_457 : i32 to vector<16xi32>
          %add3A_459 = arith.addi %add3A_458, %shift_right_arithmetic3A_318 : vector<16xi32>
          %add3A_460 = arith.constant 0 : i32
          %add3A_461 = vector.broadcast %add3A_460 : i32 to vector<16xi32>
          %add3A_462 = arith.addi %mul3A_324, %add3A_461 : vector<16xi32>
          %add3A_463 = arith.addi %add3A_462, %iota3A : vector<16xi32>
          tpu.vector_store_idx %arg10[%add3A_459, %add3A_463], %gather3A_383 : memref<128x128xf32, #tpu.memory_space<vmem>>[vector<16xi32>, vector<16xi32>], vector<16xf32>,
          %mul3A_464 = arith.constant 32 : i32
          %mul3A_465 = arith.muli %mul3A_464, %scan3A_299 : i32
          %add3A_466 = arith.constant 24 : i32
          %add3A_467 = arith.addi %mul3A_465, %add3A_466 : i32
          %add3A_468 = vector.broadcast %add3A_467 : i32 to vector<16xi32>
          %add3A_469 = arith.addi %add3A_468, %shift_right_arithmetic3A_318 : vector<16xi32>
          %add3A_470 = arith.constant 0 : i32
          %add3A_471 = vector.broadcast %add3A_470 : i32 to vector<16xi32>
          %add3A_472 = arith.addi %mul3A_324, %add3A_471 : vector<16xi32>
          %add3A_473 = arith.addi %add3A_472, %iota3A : vector<16xi32>
          tpu.vector_store_idx %arg10[%add3A_469, %add3A_473], %gather3A_393 : memref<128x128xf32, #tpu.memory_space<vmem>>[vector<16xi32>, vector<16xi32>], vector<16xf32>,
          %mul3A_474 = arith.constant 32 : i32
          %mul3A_475 = arith.muli %mul3A_474, %scan3A_299 : i32
          %add3A_476 = arith.constant 28 : i32
          %add3A_477 = arith.addi %mul3A_475, %add3A_476 : i32
          %add3A_478 = vector.broadcast %add3A_477 : i32 to vector<16xi32>
          %add3A_479 = arith.addi %add3A_478, %shift_right_arithmetic3A_318 : vector<16xi32>
          %add3A_480 = arith.constant 0 : i32
          %add3A_481 = vector.broadcast %add3A_480 : i32 to vector<16xi32>
          %add3A_482 = arith.addi %mul3A_324, %add3A_481 : vector<16xi32>
          %add3A_483 = arith.addi %add3A_482, %iota3A : vector<16xi32>
          tpu.vector_store_idx %arg10[%add3A_479, %add3A_483], %gather3A_403 : memref<128x128xf32, #tpu.memory_space<vmem>>[vector<16xi32>, vector<16xi32>], vector<16xf32>,
          %add3A_484 = arith.constant 16 : i32
          %add3A_485 = vector.broadcast %add3A_484 : i32 to vector<16xi32>
          %add3A_486 = arith.addi %iota3A, %add3A_485 : vector<16xi32>
          %mul3A_487 = arith.constant 128 : i32
          %mul3A_488 = arith.muli %mul3A_487, %scan3A_299 : i32
          %add3A_489 = arith.constant 0 : i32
          %add3A_490 = arith.addi %mul3A_488, %add3A_489 : i32
          %add3A_491 = vector.broadcast %add3A_490 : i32 to vector<16xi32>
          %add3A_492 = arith.addi %add3A_491, %and3A_315 : vector<16xi32>
          %gather3A_493 = tpu.vector_load_idx %arg8[%add3A_486, %add3A_492] : memref<32x512xf32, #tpu.memory_space<vmem>>[vector<16xi32>, vector<16xi32>], vector<16xf32>,
          %add3A_494 = arith.constant 16 : i32
          %add3A_495 = vector.broadcast %add3A_494 : i32 to vector<16xi32>
          %add3A_496 = arith.addi %iota3A, %add3A_495 : vector<16xi32>
          %mul3A_497 = arith.constant 128 : i32
          %mul3A_498 = arith.muli %mul3A_497, %scan3A_299 : i32
          %add3A_499 = arith.constant 16 : i32
          %add3A_500 = arith.addi %mul3A_498, %add3A_499 : i32
          %add3A_501 = vector.broadcast %add3A_500 : i32 to vector<16xi32>
          %add3A_502 = arith.addi %add3A_501, %and3A_315 : vector<16xi32>
          %gather3A_503 = tpu.vector_load_idx %arg8[%add3A_496, %add3A_502] : memref<32x512xf32, #tpu.memory_space<vmem>>[vector<16xi32>, vector<16xi32>], vector<16xf32>,
          %add3A_504 = arith.constant 16 : i32
          %add3A_505 = vector.broadcast %add3A_504 : i32 to vector<16xi32>
          %add3A_506 = arith.addi %iota3A, %add3A_505 : vector<16xi32>
          %mul3A_507 = arith.constant 128 : i32
          %mul3A_508 = arith.muli %mul3A_507, %scan3A_299 : i32
          %add3A_509 = arith.constant 32 : i32
          %add3A_510 = arith.addi %mul3A_508, %add3A_509 : i32
          %add3A_511 = vector.broadcast %add3A_510 : i32 to vector<16xi32>
          %add3A_512 = arith.addi %add3A_511, %and3A_315 : vector<16xi32>
          %gather3A_513 = tpu.vector_load_idx %arg8[%add3A_506, %add3A_512] : memref<32x512xf32, #tpu.memory_space<vmem>>[vector<16xi32>, vector<16xi32>], vector<16xf32>,
          %add3A_514 = arith.constant 16 : i32
          %add3A_515 = vector.broadcast %add3A_514 : i32 to vector<16xi32>
          %add3A_516 = arith.addi %iota3A, %add3A_515 : vector<16xi32>
          %mul3A_517 = arith.constant 128 : i32
          %mul3A_518 = arith.muli %mul3A_517, %scan3A_299 : i32
          %add3A_519 = arith.constant 48 : i32
          %add3A_520 = arith.addi %mul3A_518, %add3A_519 : i32
          %add3A_521 = vector.broadcast %add3A_520 : i32 to vector<16xi32>
          %add3A_522 = arith.addi %add3A_521, %and3A_315 : vector<16xi32>
          %gather3A_523 = tpu.vector_load_idx %arg8[%add3A_516, %add3A_522] : memref<32x512xf32, #tpu.memory_space<vmem>>[vector<16xi32>, vector<16xi32>], vector<16xf32>,
          %add3A_524 = arith.constant 16 : i32
          %add3A_525 = vector.broadcast %add3A_524 : i32 to vector<16xi32>
          %add3A_526 = arith.addi %iota3A, %add3A_525 : vector<16xi32>
          %mul3A_527 = arith.constant 128 : i32
          %mul3A_528 = arith.muli %mul3A_527, %scan3A_299 : i32
          %add3A_529 = arith.constant 64 : i32
          %add3A_530 = arith.addi %mul3A_528, %add3A_529 : i32
          %add3A_531 = vector.broadcast %add3A_530 : i32 to vector<16xi32>
          %add3A_532 = arith.addi %add3A_531, %and3A_315 : vector<16xi32>
          %gather3A_533 = tpu.vector_load_idx %arg8[%add3A_526, %add3A_532] : memref<32x512xf32, #tpu.memory_space<vmem>>[vector<16xi32>, vector<16xi32>], vector<16xf32>,
          %add3A_534 = arith.constant 16 : i32
          %add3A_535 = vector.broadcast %add3A_534 : i32 to vector<16xi32>
          %add3A_536 = arith.addi %iota3A, %add3A_535 : vector<16xi32>
          %mul3A_537 = arith.constant 128 : i32
          %mul3A_538 = arith.muli %mul3A_537, %scan3A_299 : i32
          %add3A_539 = arith.constant 80 : i32
          %add3A_540 = arith.addi %mul3A_538, %add3A_539 : i32
          %add3A_541 = vector.broadcast %add3A_540 : i32 to vector<16xi32>
          %add3A_542 = arith.addi %add3A_541, %and3A_315 : vector<16xi32>
          %gather3A_543 = tpu.vector_load_idx %arg8[%add3A_536, %add3A_542] : memref<32x512xf32, #tpu.memory_space<vmem>>[vector<16xi32>, vector<16xi32>], vector<16xf32>,
          %add3A_544 = arith.constant 16 : i32
          %add3A_545 = vector.broadcast %add3A_544 : i32 to vector<16xi32>
          %add3A_546 = arith.addi %iota3A, %add3A_545 : vector<16xi32>
          %mul3A_547 = arith.constant 128 : i32
          %mul3A_548 = arith.muli %mul3A_547, %scan3A_299 : i32
          %add3A_549 = arith.constant 96 : i32
          %add3A_550 = arith.addi %mul3A_548, %add3A_549 : i32
          %add3A_551 = vector.broadcast %add3A_550 : i32 to vector<16xi32>
          %add3A_552 = arith.addi %add3A_551, %and3A_315 : vector<16xi32>
          %gather3A_553 = tpu.vector_load_idx %arg8[%add3A_546, %add3A_552] : memref<32x512xf32, #tpu.memory_space<vmem>>[vector<16xi32>, vector<16xi32>], vector<16xf32>,
          %add3A_554 = arith.constant 16 : i32
          %add3A_555 = vector.broadcast %add3A_554 : i32 to vector<16xi32>
          %add3A_556 = arith.addi %iota3A, %add3A_555 : vector<16xi32>
          %mul3A_557 = arith.constant 128 : i32
          %mul3A_558 = arith.muli %mul3A_557, %scan3A_299 : i32
          %add3A_559 = arith.constant 112 : i32
          %add3A_560 = arith.addi %mul3A_558, %add3A_559 : i32
          %add3A_561 = vector.broadcast %add3A_560 : i32 to vector<16xi32>
          %add3A_562 = arith.addi %add3A_561, %and3A_315 : vector<16xi32>
          %gather3A_563 = tpu.vector_load_idx %arg8[%add3A_556, %add3A_562] : memref<32x512xf32, #tpu.memory_space<vmem>>[vector<16xi32>, vector<16xi32>], vector<16xf32>,
          %mul3A_564 = arith.constant 32 : i32
          %mul3A_565 = arith.muli %mul3A_564, %scan3A_299 : i32
          %add3A_566 = arith.constant 0 : i32
          %add3A_567 = arith.addi %mul3A_565, %add3A_566 : i32
          %add3A_568 = vector.broadcast %add3A_567 : i32 to vector<16xi32>
          %add3A_569 = arith.addi %add3A_568, %shift_right_arithmetic3A_318 : vector<16xi32>
          %add3A_570 = arith.constant 16 : i32
          %add3A_571 = vector.broadcast %add3A_570 : i32 to vector<16xi32>
          %add3A_572 = arith.addi %mul3A_324, %add3A_571 : vector<16xi32>
          %add3A_573 = arith.addi %add3A_572, %iota3A : vector<16xi32>
          tpu.vector_store_idx %arg10[%add3A_569, %add3A_573], %gather3A_493 : memref<128x128xf32, #tpu.memory_space<vmem>>[vector<16xi32>, vector<16xi32>], vector<16xf32>,
          %mul3A_574 = arith.constant 32 : i32
          %mul3A_575 = arith.muli %mul3A_574, %scan3A_299 : i32
          %add3A_576 = arith.constant 4 : i32
          %add3A_577 = arith.addi %mul3A_575, %add3A_576 : i32
          %add3A_578 = vector.broadcast %add3A_577 : i32 to vector<16xi32>
          %add3A_579 = arith.addi %add3A_578, %shift_right_arithmetic3A_318 : vector<16xi32>
          %add3A_580 = arith.constant 16 : i32
          %add3A_581 = vector.broadcast %add3A_580 : i32 to vector<16xi32>
          %add3A_582 = arith.addi %mul3A_324, %add3A_581 : vector<16xi32>
          %add3A_583 = arith.addi %add3A_582, %iota3A : vector<16xi32>
          tpu.vector_store_idx %arg10[%add3A_579, %add3A_583], %gather3A_503 : memref<128x128xf32, #tpu.memory_space<vmem>>[vector<16xi32>, vector<16xi32>], vector<16xf32>,
          %mul3A_584 = arith.constant 32 : i32
          %mul3A_585 = arith.muli %mul3A_584, %scan3A_299 : i32
          %add3A_586 = arith.constant 8 : i32
          %add3A_587 = arith.addi %mul3A_585, %add3A_586 : i32
          %add3A_588 = vector.broadcast %add3A_587 : i32 to vector<16xi32>
          %add3A_589 = arith.addi %add3A_588, %shift_right_arithmetic3A_318 : vector<16xi32>
          %add3A_590 = arith.constant 16 : i32
          %add3A_591 = vector.broadcast %add3A_590 : i32 to vector<16xi32>
          %add3A_592 = arith.addi %mul3A_324, %add3A_591 : vector<16xi32>
          %add3A_593 = arith.addi %add3A_592, %iota3A : vector<16xi32>
          tpu.vector_store_idx %arg10[%add3A_589, %add3A_593], %gather3A_513 : memref<128x128xf32, #tpu.memory_space<vmem>>[vector<16xi32>, vector<16xi32>], vector<16xf32>,
          %mul3A_594 = arith.constant 32 : i32
          %mul3A_595 = arith.muli %mul3A_594, %scan3A_299 : i32
          %add3A_596 = arith.constant 12 : i32
          %add3A_597 = arith.addi %mul3A_595, %add3A_596 : i32
          %add3A_598 = vector.broadcast %add3A_597 : i32 to vector<16xi32>
          %add3A_599 = arith.addi %add3A_598, %shift_right_arithmetic3A_318 : vector<16xi32>
          %add3A_600 = arith.constant 16 : i32
          %add3A_601 = vector.broadcast %add3A_600 : i32 to vector<16xi32>
          %add3A_602 = arith.addi %mul3A_324, %add3A_601 : vector<16xi32>
          %add3A_603 = arith.addi %add3A_602, %iota3A : vector<16xi32>
          tpu.vector_store_idx %arg10[%add3A_599, %add3A_603], %gather3A_523 : memref<128x128xf32, #tpu.memory_space<vmem>>[vector<16xi32>, vector<16xi32>], vector<16xf32>,
          %mul3A_604 = arith.constant 32 : i32
          %mul3A_605 = arith.muli %mul3A_604, %scan3A_299 : i32
          %add3A_606 = arith.constant 16 : i32
          %add3A_607 = arith.addi %mul3A_605, %add3A_606 : i32
          %add3A_608 = vector.broadcast %add3A_607 : i32 to vector<16xi32>
          %add3A_609 = arith.addi %add3A_608, %shift_right_arithmetic3A_318 : vector<16xi32>
          %add3A_610 = arith.constant 16 : i32
          %add3A_611 = vector.broadcast %add3A_610 : i32 to vector<16xi32>
          %add3A_612 = arith.addi %mul3A_324, %add3A_611 : vector<16xi32>
          %add3A_613 = arith.addi %add3A_612, %iota3A : vector<16xi32>
          tpu.vector_store_idx %arg10[%add3A_609, %add3A_613], %gather3A_533 : memref<128x128xf32, #tpu.memory_space<vmem>>[vector<16xi32>, vector<16xi32>], vector<16xf32>,
          %mul3A_614 = arith.constant 32 : i32
          %mul3A_615 = arith.muli %mul3A_614, %scan3A_299 : i32
          %add3A_616 = arith.constant 20 : i32
          %add3A_617 = arith.addi %mul3A_615, %add3A_616 : i32
          %add3A_618 = vector.broadcast %add3A_617 : i32 to vector<16xi32>
          %add3A_619 = arith.addi %add3A_618, %shift_right_arithmetic3A_318 : vector<16xi32>
          %add3A_620 = arith.constant 16 : i32
          %add3A_621 = vector.broadcast %add3A_620 : i32 to vector<16xi32>
          %add3A_622 = arith.addi %mul3A_324, %add3A_621 : vector<16xi32>
          %add3A_623 = arith.addi %add3A_622, %iota3A : vector<16xi32>
          tpu.vector_store_idx %arg10[%add3A_619, %add3A_623], %gather3A_543 : memref<128x128xf32, #tpu.memory_space<vmem>>[vector<16xi32>, vector<16xi32>], vector<16xf32>,
          %mul3A_624 = arith.constant 32 : i32
          %mul3A_625 = arith.muli %mul3A_624, %scan3A_299 : i32
          %add3A_626 = arith.constant 24 : i32
          %add3A_627 = arith.addi %mul3A_625, %add3A_626 : i32
          %add3A_628 = vector.broadcast %add3A_627 : i32 to vector<16xi32>
          %add3A_629 = arith.addi %add3A_628, %shift_right_arithmetic3A_318 : vector<16xi32>
          %add3A_630 = arith.constant 16 : i32
          %add3A_631 = vector.broadcast %add3A_630 : i32 to vector<16xi32>
          %add3A_632 = arith.addi %mul3A_324, %add3A_631 : vector<16xi32>
          %add3A_633 = arith.addi %add3A_632, %iota3A : vector<16xi32>
          tpu.vector_store_idx %arg10[%add3A_629, %add3A_633], %gather3A_553 : memref<128x128xf32, #tpu.memory_space<vmem>>[vector<16xi32>, vector<16xi32>], vector<16xf32>,
          %mul3A_634 = arith.constant 32 : i32
          %mul3A_635 = arith.muli %mul3A_634, %scan3A_299 : i32
          %add3A_636 = arith.constant 28 : i32
          %add3A_637 = arith.addi %mul3A_635, %add3A_636 : i32
          %add3A_638 = vector.broadcast %add3A_637 : i32 to vector<16xi32>
          %add3A_639 = arith.addi %add3A_638, %shift_right_arithmetic3A_318 : vector<16xi32>
          %add3A_640 = arith.constant 16 : i32
          %add3A_641 = vector.broadcast %add3A_640 : i32 to vector<16xi32>
          %add3A_642 = arith.addi %mul3A_324, %add3A_641 : vector<16xi32>
          %add3A_643 = arith.addi %add3A_642, %iota3A : vector<16xi32>
          tpu.vector_store_idx %arg10[%add3A_639, %add3A_643], %gather3A_563 : memref<128x128xf32, #tpu.memory_space<vmem>>[vector<16xi32>, vector<16xi32>], vector<16xf32>,
          %scan3A_644 = arith.constant 0 : i32
          scf.yield %scan3A_644 : i32
        }
        %scan3A_306 = arith.constant 16 : i32
        %scan3A_307 = arith.constant 0 : i32
        %scan3A_308 = arith.constant 1 : i32
      } else {
      }
      %lt3A_248 = arith.constant 781 : i32
      %lt3A_249 = arith.cmpi slt, %add3A_230, %lt3A_248 : i32
      %convert_element_type3A_250 = arith.extui %lt3A_249 : i1 to i32
      %cond3A_251 = arith.constant 0 : i32
      %cond3A_252 = arith.cmpi ne, %convert_element_type3A_250, %cond3A_251 : i32
      scf.if %cond3A_252 {
        %mul3A_298 = arith.constant 32 : i32
        %mul3A_299 = arith.muli %add3A_230, %mul3A_298 : i32
        %multiple_of3A = tpu.assume_multiple %mul3A_299, 8 : i32
        %dma_start3A = arith.constant 0 : i32
        %dma_start3A_300 = arith.constant 0 : i32
        %dma_start3A_301 = tpu.memref_slice %arg10[%dma_start3A, %dma_start3A_300] : memref<128x128xf32, #tpu.memory_space<vmem>> -> memref<32x128xf32, #tpu.memory_space<vmem>>
        %dma_start3A_302 = arith.constant 0 : i32
        %dma_start3A_303 = tpu.memref_slice %arg7[%multiple_of3A, %dma_start3A_302] : memref<25000x128xf32, #tpu.memory_space<hbm>> -> memref<32x128xf32, #tpu.memory_space<hbm>>
        %dma_start3A_304 = arith.constant 0 : i32
        %dma_start3A_305 = tpu.memref_slice %arg7[%multiple_of3A, %dma_start3A_304] : memref<25000x128xf32, #tpu.memory_space<hbm>> -> memref<32x128xf32, #tpu.memory_space<hbm>>
        %dma_start3A_306 = arith.constant 0 : i32
        %dma_start3A_307 = arith.constant 0 : i32
        %dma_start3A_308 = tpu.memref_slice %arg10[%dma_start3A_306, %dma_start3A_307] : memref<128x128xf32, #tpu.memory_space<vmem>> -> memref<32x128xf32, #tpu.memory_space<vmem>>
        tpu.enqueue_dma source(%dma_start3A_308 : memref<32x128xf32, #tpu.memory_space<vmem>>) target(%dma_start3A_305 : memref<32x128xf32, #tpu.memory_space<hbm>>) target_semaphore(%arg14 : memref<!tpu.dma_semaphore, #tpu.memory_space<semaphore_mem>>)
      } else {
      }
      %add3A_253 = arith.constant 64 : i32
      %add3A_254 = arith.addi %add3A_230, %add3A_253 : i32
      %lt3A_255 = arith.constant 781 : i32
      %lt3A_256 = arith.cmpi slt, %add3A_254, %lt3A_255 : i32
      %convert_element_type3A_257 = arith.extui %lt3A_256 : i1 to i32
      %cond3A_258 = arith.constant 0 : i32
      %cond3A_259 = arith.cmpi ne, %convert_element_type3A_257, %cond3A_258 : i32
      scf.if %cond3A_259 {
        %mul3A_298 = arith.constant 512 : i32
        %mul3A_299 = arith.muli %add3A_254, %mul3A_298 : i32
        %multiple_of3A = tpu.assume_multiple %mul3A_299, 128 : i32
        %dma_start3A = arith.constant 0 : i32
        %dma_start3A_300 = arith.constant 0 : i32
        %dma_start3A_301 = tpu.memref_slice %arg8[%dma_start3A, %dma_start3A_300] : memref<32x512xf32, #tpu.memory_space<vmem>> -> memref<32x512xf32, #tpu.memory_space<vmem>>
        %dma_start3A_302 = arith.constant 0 : i32
        %dma_start3A_303 = tpu.memref_slice %arg3[%dma_start3A_302, %multiple_of3A] : memref<32x100000xf32, #tpu.memory_space<hbm>> -> memref<32x512xf32, #tpu.memory_space<hbm>>
        %dma_start3A_304 = arith.constant 0 : i32
        %dma_start3A_305 = arith.constant 0 : i32
        %dma_start3A_306 = tpu.memref_slice %arg8[%dma_start3A_304, %dma_start3A_305] : memref<32x512xf32, #tpu.memory_space<vmem>> -> memref<32x512xf32, #tpu.memory_space<vmem>>
        %dma_start3A_307 = arith.constant 0 : i32
        %dma_start3A_308 = tpu.memref_slice %arg3[%dma_start3A_307, %multiple_of3A] : memref<32x100000xf32, #tpu.memory_space<hbm>> -> memref<32x512xf32, #tpu.memory_space<hbm>>
        tpu.enqueue_dma source(%dma_start3A_308 : memref<32x512xf32, #tpu.memory_space<hbm>>) target(%dma_start3A_306 : memref<32x512xf32, #tpu.memory_space<vmem>>) target_semaphore(%arg12 : memref<!tpu.dma_semaphore, #tpu.memory_space<semaphore_mem>>)
      } else {
      }
      %mul3A_260 = arith.constant 2 : i32
      %mul3A_261 = arith.muli %mul3A_260, %scan3A_222 : i32
      %add3A_262 = arith.constant 1 : i32
      %add3A_263 = arith.addi %mul3A_261, %add3A_262 : i32
      %mul3A_264 = arith.constant 32 : i32
      %mul3A_265 = arith.muli %add3A_263, %mul3A_264 : i32
      %add3A_266 = arith.addi %add3A, %mul3A_265 : i32
      %lt3A_267 = arith.constant 781 : i32
      %lt3A_268 = arith.cmpi slt, %add3A_266, %lt3A_267 : i32
      %convert_element_type3A_269 = arith.extui %lt3A_268 : i1 to i32
      %cond3A_270 = arith.constant 0 : i32
      %cond3A_271 = arith.cmpi ne, %convert_element_type3A_269, %cond3A_270 : i32
      scf.if %cond3A_271 {
        %dma_wait3A = arith.constant 0 : i32
        %dma_wait3A_298 = arith.constant 0 : i32
        %dma_wait3A_299 = tpu.memref_slice %arg9[%dma_wait3A, %dma_wait3A_298] : memref<32x512xf32, #tpu.memory_space<vmem>> -> memref<32x512xf32, #tpu.memory_space<vmem>>
        %dma_wait3A_300 = arith.constant 0 : i32
        %dma_wait3A_301 = arith.constant 0 : i32
        %dma_wait3A_302 = tpu.memref_slice %arg3[%dma_wait3A_300, %dma_wait3A_301] : memref<32x100000xf32, #tpu.memory_space<hbm>> -> memref<32x512xf32, #tpu.memory_space<hbm>>
        %dma_wait3A_303 = arith.constant 0 : i32
        %dma_wait3A_304 = arith.constant 0 : i32
        %dma_wait3A_305 = tpu.memref_slice %arg9[%dma_wait3A_303, %dma_wait3A_304] : memref<32x512xf32, #tpu.memory_space<vmem>> -> memref<32x512xf32, #tpu.memory_space<vmem>>
        %dma_wait3A_306 = arith.constant 0 : i32
        %dma_wait3A_307 = arith.constant 0 : i32
        %dma_wait3A_308 = tpu.memref_slice %arg3[%dma_wait3A_306, %dma_wait3A_307] : memref<32x100000xf32, #tpu.memory_space<hbm>> -> memref<32x512xf32, #tpu.memory_space<hbm>>
        tpu.wait_dma2 semaphore(%arg13 : memref<!tpu.dma_semaphore, #tpu.memory_space<semaphore_mem>>) src(%dma_wait3A_308 : memref<32x512xf32, #tpu.memory_space<hbm>>) dst(%dma_wait3A_305 : memref<32x512xf32, #tpu.memory_space<vmem>>)
      } else {
      }
      %gt3A_272 = arith.constant 0 : i32
      %gt3A_273 = arith.cmpi sgt, %scan3A_222, %gt3A_272 : i32
      %lt3A_274 = arith.constant 781 : i32
      %lt3A_275 = arith.cmpi slt, %add3A_266, %lt3A_274 : i32
      %and3A_276 = arith.andi %gt3A_273, %lt3A_275 : i1
      %convert_element_type3A_277 = arith.extui %and3A_276 : i1 to i32
      %cond3A_278 = arith.constant 0 : i32
      %cond3A_279 = arith.cmpi ne, %convert_element_type3A_277, %cond3A_278 : i32
      scf.if %cond3A_279 {
        %dma_wait3A = arith.constant 0 : i32
        %dma_wait3A_298 = arith.constant 0 : i32
        %dma_wait3A_299 = tpu.memref_slice %arg11[%dma_wait3A, %dma_wait3A_298] : memref<128x128xf32, #tpu.memory_space<vmem>> -> memref<32x128xf32, #tpu.memory_space<vmem>>
        %dma_wait3A_300 = arith.constant 0 : i32
        %dma_wait3A_301 = arith.constant 0 : i32
        %dma_wait3A_302 = tpu.memref_slice %arg7[%dma_wait3A_300, %dma_wait3A_301] : memref<25000x128xf32, #tpu.memory_space<hbm>> -> memref<32x128xf32, #tpu.memory_space<hbm>>
        %dma_wait3A_303 = arith.constant 0 : i32
        %dma_wait3A_304 = arith.constant 0 : i32
        %dma_wait3A_305 = tpu.memref_slice %arg7[%dma_wait3A_303, %dma_wait3A_304] : memref<25000x128xf32, #tpu.memory_space<hbm>> -> memref<32x128xf32, #tpu.memory_space<hbm>>
        %dma_wait3A_306 = arith.constant 0 : i32
        %dma_wait3A_307 = arith.constant 0 : i32
        %dma_wait3A_308 = tpu.memref_slice %arg11[%dma_wait3A_306, %dma_wait3A_307] : memref<128x128xf32, #tpu.memory_space<vmem>> -> memref<32x128xf32, #tpu.memory_space<vmem>>
        tpu.wait_dma2 semaphore(%arg15 : memref<!tpu.dma_semaphore, #tpu.memory_space<semaphore_mem>>) src(%dma_wait3A_308 : memref<32x128xf32, #tpu.memory_space<vmem>>) dst(%dma_wait3A_305 : memref<32x128xf32, #tpu.memory_space<hbm>>)
      } else {
      }
      %lt3A_280 = arith.constant 781 : i32
      %lt3A_281 = arith.cmpi slt, %add3A_266, %lt3A_280 : i32
      %convert_element_type3A_282 = arith.extui %lt3A_281 : i1 to i32
      %cond3A_283 = arith.constant 0 : i32
      %cond3A_284 = arith.cmpi ne, %convert_element_type3A_282, %cond3A_283 : i32
      scf.if %cond3A_284 {
        %scan3A_298 = arith.constant 0 : i32
        %scan3A_299 = arith.constant 0 : i32
        %scan3A_300 = arith.constant 0 : i32
        %scan3A_301 = arith.constant 0 : i32
        %scan3A_302 = arith.constant 16 : i32
        %scan3A_303 = arith.addi %scan3A_301, %scan3A_302 : i32
        %scan3A_304 = arith.constant 1 : i32
        %scan3A_305 = scf.for %scan3A_309 = %scan3A_301 to %scan3A_303 step %scan3A_304 iter_args(%scan3A_310 = %scan3A_300) -> (i32)  : i32 {
          %add3A_311 = vector.broadcast %scan3A_309 : i32 to vector<16xi32>
          %add3A_312 = arith.addi %iota3A, %add3A_311 : vector<16xi32>
          %and3A_313 = arith.constant 15 : i32
          %and3A_314 = vector.broadcast %and3A_313 : i32 to vector<16xi32>
          %and3A_315 = arith.andi %add3A_312, %and3A_314 : vector<16xi32>
          %shift_right_arithmetic3A_316 = arith.constant 2 : i32
          %shift_right_arithmetic3A_317 = vector.broadcast %shift_right_arithmetic3A_316 : i32 to vector<16xi32>
          %shift_right_arithmetic3A_318 = arith.shrsi %and3A_315, %shift_right_arithmetic3A_317 : vector<16xi32>
          %and3A_319 = arith.constant 3 : i32
          %and3A_320 = vector.broadcast %and3A_319 : i32 to vector<16xi32>
          %and3A_321 = arith.andi %and3A_315, %and3A_320 : vector<16xi32>
          %mul3A_322 = arith.constant 32 : i32
          %mul3A_323 = vector.broadcast %mul3A_322 : i32 to vector<16xi32>
          %mul3A_324 = arith.muli %mul3A_323, %and3A_321 : vector<16xi32>
          %add3A_325 = arith.constant 0 : i32
          %add3A_326 = vector.broadcast %add3A_325 : i32 to vector<16xi32>
          %add3A_327 = arith.addi %iota3A, %add3A_326 : vector<16xi32>
          %mul3A_328 = arith.constant 128 : i32
          %mul3A_329 = arith.muli %mul3A_328, %scan3A_299 : i32
          %add3A_330 = arith.constant 0 : i32
          %add3A_331 = arith.addi %mul3A_329, %add3A_330 : i32
          %add3A_332 = vector.broadcast %add3A_331 : i32 to vector<16xi32>
          %add3A_333 = arith.addi %add3A_332, %and3A_315 : vector<16xi32>
          %gather3A = tpu.vector_load_idx %arg9[%add3A_327, %add3A_333] : memref<32x512xf32, #tpu.memory_space<vmem>>[vector<16xi32>, vector<16xi32>], vector<16xf32>,
          %add3A_334 = arith.constant 0 : i32
          %add3A_335 = vector.broadcast %add3A_334 : i32 to vector<16xi32>
          %add3A_336 = arith.addi %iota3A, %add3A_335 : vector<16xi32>
          %mul3A_337 = arith.constant 128 : i32
          %mul3A_338 = arith.muli %mul3A_337, %scan3A_299 : i32
          %add3A_339 = arith.constant 16 : i32
          %add3A_340 = arith.addi %mul3A_338, %add3A_339 : i32
          %add3A_341 = vector.broadcast %add3A_340 : i32 to vector<16xi32>
          %add3A_342 = arith.addi %add3A_341, %and3A_315 : vector<16xi32>
          %gather3A_343 = tpu.vector_load_idx %arg9[%add3A_336, %add3A_342] : memref<32x512xf32, #tpu.memory_space<vmem>>[vector<16xi32>, vector<16xi32>], vector<16xf32>,
          %add3A_344 = arith.constant 0 : i32
          %add3A_345 = vector.broadcast %add3A_344 : i32 to vector<16xi32>
          %add3A_346 = arith.addi %iota3A, %add3A_345 : vector<16xi32>
          %mul3A_347 = arith.constant 128 : i32
          %mul3A_348 = arith.muli %mul3A_347, %scan3A_299 : i32
          %add3A_349 = arith.constant 32 : i32
          %add3A_350 = arith.addi %mul3A_348, %add3A_349 : i32
          %add3A_351 = vector.broadcast %add3A_350 : i32 to vector<16xi32>
          %add3A_352 = arith.addi %add3A_351, %and3A_315 : vector<16xi32>
          %gather3A_353 = tpu.vector_load_idx %arg9[%add3A_346, %add3A_352] : memref<32x512xf32, #tpu.memory_space<vmem>>[vector<16xi32>, vector<16xi32>], vector<16xf32>,
          %add3A_354 = arith.constant 0 : i32
          %add3A_355 = vector.broadcast %add3A_354 : i32 to vector<16xi32>
          %add3A_356 = arith.addi %iota3A, %add3A_355 : vector<16xi32>
          %mul3A_357 = arith.constant 128 : i32
          %mul3A_358 = arith.muli %mul3A_357, %scan3A_299 : i32
          %add3A_359 = arith.constant 48 : i32
          %add3A_360 = arith.addi %mul3A_358, %add3A_359 : i32
          %add3A_361 = vector.broadcast %add3A_360 : i32 to vector<16xi32>
          %add3A_362 = arith.addi %add3A_361, %and3A_315 : vector<16xi32>
          %gather3A_363 = tpu.vector_load_idx %arg9[%add3A_356, %add3A_362] : memref<32x512xf32, #tpu.memory_space<vmem>>[vector<16xi32>, vector<16xi32>], vector<16xf32>,
          %add3A_364 = arith.constant 0 : i32
          %add3A_365 = vector.broadcast %add3A_364 : i32 to vector<16xi32>
          %add3A_366 = arith.addi %iota3A, %add3A_365 : vector<16xi32>
          %mul3A_367 = arith.constant 128 : i32
          %mul3A_368 = arith.muli %mul3A_367, %scan3A_299 : i32
          %add3A_369 = arith.constant 64 : i32
          %add3A_370 = arith.addi %mul3A_368, %add3A_369 : i32
          %add3A_371 = vector.broadcast %add3A_370 : i32 to vector<16xi32>
          %add3A_372 = arith.addi %add3A_371, %and3A_315 : vector<16xi32>
          %gather3A_373 = tpu.vector_load_idx %arg9[%add3A_366, %add3A_372] : memref<32x512xf32, #tpu.memory_space<vmem>>[vector<16xi32>, vector<16xi32>], vector<16xf32>,
          %add3A_374 = arith.constant 0 : i32
          %add3A_375 = vector.broadcast %add3A_374 : i32 to vector<16xi32>
          %add3A_376 = arith.addi %iota3A, %add3A_375 : vector<16xi32>
          %mul3A_377 = arith.constant 128 : i32
          %mul3A_378 = arith.muli %mul3A_377, %scan3A_299 : i32
          %add3A_379 = arith.constant 80 : i32
          %add3A_380 = arith.addi %mul3A_378, %add3A_379 : i32
          %add3A_381 = vector.broadcast %add3A_380 : i32 to vector<16xi32>
          %add3A_382 = arith.addi %add3A_381, %and3A_315 : vector<16xi32>
          %gather3A_383 = tpu.vector_load_idx %arg9[%add3A_376, %add3A_382] : memref<32x512xf32, #tpu.memory_space<vmem>>[vector<16xi32>, vector<16xi32>], vector<16xf32>,
          %add3A_384 = arith.constant 0 : i32
          %add3A_385 = vector.broadcast %add3A_384 : i32 to vector<16xi32>
          %add3A_386 = arith.addi %iota3A, %add3A_385 : vector<16xi32>
          %mul3A_387 = arith.constant 128 : i32
          %mul3A_388 = arith.muli %mul3A_387, %scan3A_299 : i32
          %add3A_389 = arith.constant 96 : i32
          %add3A_390 = arith.addi %mul3A_388, %add3A_389 : i32
          %add3A_391 = vector.broadcast %add3A_390 : i32 to vector<16xi32>
          %add3A_392 = arith.addi %add3A_391, %and3A_315 : vector<16xi32>
          %gather3A_393 = tpu.vector_load_idx %arg9[%add3A_386, %add3A_392] : memref<32x512xf32, #tpu.memory_space<vmem>>[vector<16xi32>, vector<16xi32>], vector<16xf32>,
          %add3A_394 = arith.constant 0 : i32
          %add3A_395 = vector.broadcast %add3A_394 : i32 to vector<16xi32>
          %add3A_396 = arith.addi %iota3A, %add3A_395 : vector<16xi32>
          %mul3A_397 = arith.constant 128 : i32
          %mul3A_398 = arith.muli %mul3A_397, %scan3A_299 : i32
          %add3A_399 = arith.constant 112 : i32
          %add3A_400 = arith.addi %mul3A_398, %add3A_399 : i32
          %add3A_401 = vector.broadcast %add3A_400 : i32 to vector<16xi32>
          %add3A_402 = arith.addi %add3A_401, %and3A_315 : vector<16xi32>
          %gather3A_403 = tpu.vector_load_idx %arg9[%add3A_396, %add3A_402] : memref<32x512xf32, #tpu.memory_space<vmem>>[vector<16xi32>, vector<16xi32>], vector<16xf32>,
          %mul3A_404 = arith.constant 32 : i32
          %mul3A_405 = arith.muli %mul3A_404, %scan3A_299 : i32
          %add3A_406 = arith.constant 0 : i32
          %add3A_407 = arith.addi %mul3A_405, %add3A_406 : i32
          %add3A_408 = vector.broadcast %add3A_407 : i32 to vector<16xi32>
          %add3A_409 = arith.addi %add3A_408, %shift_right_arithmetic3A_318 : vector<16xi32>
          %add3A_410 = arith.constant 0 : i32
          %add3A_411 = vector.broadcast %add3A_410 : i32 to vector<16xi32>
          %add3A_412 = arith.addi %mul3A_324, %add3A_411 : vector<16xi32>
          %add3A_413 = arith.addi %add3A_412, %iota3A : vector<16xi32>
          tpu.vector_store_idx %arg11[%add3A_409, %add3A_413], %gather3A : memref<128x128xf32, #tpu.memory_space<vmem>>[vector<16xi32>, vector<16xi32>], vector<16xf32>,
          %mul3A_414 = arith.constant 32 : i32
          %mul3A_415 = arith.muli %mul3A_414, %scan3A_299 : i32
          %add3A_416 = arith.constant 4 : i32
          %add3A_417 = arith.addi %mul3A_415, %add3A_416 : i32
          %add3A_418 = vector.broadcast %add3A_417 : i32 to vector<16xi32>
          %add3A_419 = arith.addi %add3A_418, %shift_right_arithmetic3A_318 : vector<16xi32>
          %add3A_420 = arith.constant 0 : i32
          %add3A_421 = vector.broadcast %add3A_420 : i32 to vector<16xi32>
          %add3A_422 = arith.addi %mul3A_324, %add3A_421 : vector<16xi32>
          %add3A_423 = arith.addi %add3A_422, %iota3A : vector<16xi32>
          tpu.vector_store_idx %arg11[%add3A_419, %add3A_423], %gather3A_343 : memref<128x128xf32, #tpu.memory_space<vmem>>[vector<16xi32>, vector<16xi32>], vector<16xf32>,
          %mul3A_424 = arith.constant 32 : i32
          %mul3A_425 = arith.muli %mul3A_424, %scan3A_299 : i32
          %add3A_426 = arith.constant 8 : i32
          %add3A_427 = arith.addi %mul3A_425, %add3A_426 : i32
          %add3A_428 = vector.broadcast %add3A_427 : i32 to vector<16xi32>
          %add3A_429 = arith.addi %add3A_428, %shift_right_arithmetic3A_318 : vector<16xi32>
          %add3A_430 = arith.constant 0 : i32
          %add3A_431 = vector.broadcast %add3A_430 : i32 to vector<16xi32>
          %add3A_432 = arith.addi %mul3A_324, %add3A_431 : vector<16xi32>
          %add3A_433 = arith.addi %add3A_432, %iota3A : vector<16xi32>
          tpu.vector_store_idx %arg11[%add3A_429, %add3A_433], %gather3A_353 : memref<128x128xf32, #tpu.memory_space<vmem>>[vector<16xi32>, vector<16xi32>], vector<16xf32>,
          %mul3A_434 = arith.constant 32 : i32
          %mul3A_435 = arith.muli %mul3A_434, %scan3A_299 : i32
          %add3A_436 = arith.constant 12 : i32
          %add3A_437 = arith.addi %mul3A_435, %add3A_436 : i32
          %add3A_438 = vector.broadcast %add3A_437 : i32 to vector<16xi32>
          %add3A_439 = arith.addi %add3A_438, %shift_right_arithmetic3A_318 : vector<16xi32>
          %add3A_440 = arith.constant 0 : i32
          %add3A_441 = vector.broadcast %add3A_440 : i32 to vector<16xi32>
          %add3A_442 = arith.addi %mul3A_324, %add3A_441 : vector<16xi32>
          %add3A_443 = arith.addi %add3A_442, %iota3A : vector<16xi32>
          tpu.vector_store_idx %arg11[%add3A_439, %add3A_443], %gather3A_363 : memref<128x128xf32, #tpu.memory_space<vmem>>[vector<16xi32>, vector<16xi32>], vector<16xf32>,
          %mul3A_444 = arith.constant 32 : i32
          %mul3A_445 = arith.muli %mul3A_444, %scan3A_299 : i32
          %add3A_446 = arith.constant 16 : i32
          %add3A_447 = arith.addi %mul3A_445, %add3A_446 : i32
          %add3A_448 = vector.broadcast %add3A_447 : i32 to vector<16xi32>
          %add3A_449 = arith.addi %add3A_448, %shift_right_arithmetic3A_318 : vector<16xi32>
          %add3A_450 = arith.constant 0 : i32
          %add3A_451 = vector.broadcast %add3A_450 : i32 to vector<16xi32>
          %add3A_452 = arith.addi %mul3A_324, %add3A_451 : vector<16xi32>
          %add3A_453 = arith.addi %add3A_452, %iota3A : vector<16xi32>
          tpu.vector_store_idx %arg11[%add3A_449, %add3A_453], %gather3A_373 : memref<128x128xf32, #tpu.memory_space<vmem>>[vector<16xi32>, vector<16xi32>], vector<16xf32>,
          %mul3A_454 = arith.constant 32 : i32
          %mul3A_455 = arith.muli %mul3A_454, %scan3A_299 : i32
          %add3A_456 = arith.constant 20 : i32
          %add3A_457 = arith.addi %mul3A_455, %add3A_456 : i32
          %add3A_458 = vector.broadcast %add3A_457 : i32 to vector<16xi32>
          %add3A_459 = arith.addi %add3A_458, %shift_right_arithmetic3A_318 : vector<16xi32>
          %add3A_460 = arith.constant 0 : i32
          %add3A_461 = vector.broadcast %add3A_460 : i32 to vector<16xi32>
          %add3A_462 = arith.addi %mul3A_324, %add3A_461 : vector<16xi32>
          %add3A_463 = arith.addi %add3A_462, %iota3A : vector<16xi32>
          tpu.vector_store_idx %arg11[%add3A_459, %add3A_463], %gather3A_383 : memref<128x128xf32, #tpu.memory_space<vmem>>[vector<16xi32>, vector<16xi32>], vector<16xf32>,
          %mul3A_464 = arith.constant 32 : i32
          %mul3A_465 = arith.muli %mul3A_464, %scan3A_299 : i32
          %add3A_466 = arith.constant 24 : i32
          %add3A_467 = arith.addi %mul3A_465, %add3A_466 : i32
          %add3A_468 = vector.broadcast %add3A_467 : i32 to vector<16xi32>
          %add3A_469 = arith.addi %add3A_468, %shift_right_arithmetic3A_318 : vector<16xi32>
          %add3A_470 = arith.constant 0 : i32
          %add3A_471 = vector.broadcast %add3A_470 : i32 to vector<16xi32>
          %add3A_472 = arith.addi %mul3A_324, %add3A_471 : vector<16xi32>
          %add3A_473 = arith.addi %add3A_472, %iota3A : vector<16xi32>
          tpu.vector_store_idx %arg11[%add3A_469, %add3A_473], %gather3A_393 : memref<128x128xf32, #tpu.memory_space<vmem>>[vector<16xi32>, vector<16xi32>], vector<16xf32>,
          %mul3A_474 = arith.constant 32 : i32
          %mul3A_475 = arith.muli %mul3A_474, %scan3A_299 : i32
          %add3A_476 = arith.constant 28 : i32
          %add3A_477 = arith.addi %mul3A_475, %add3A_476 : i32
          %add3A_478 = vector.broadcast %add3A_477 : i32 to vector<16xi32>
          %add3A_479 = arith.addi %add3A_478, %shift_right_arithmetic3A_318 : vector<16xi32>
          %add3A_480 = arith.constant 0 : i32
          %add3A_481 = vector.broadcast %add3A_480 : i32 to vector<16xi32>
          %add3A_482 = arith.addi %mul3A_324, %add3A_481 : vector<16xi32>
          %add3A_483 = arith.addi %add3A_482, %iota3A : vector<16xi32>
          tpu.vector_store_idx %arg11[%add3A_479, %add3A_483], %gather3A_403 : memref<128x128xf32, #tpu.memory_space<vmem>>[vector<16xi32>, vector<16xi32>], vector<16xf32>,
          %add3A_484 = arith.constant 16 : i32
          %add3A_485 = vector.broadcast %add3A_484 : i32 to vector<16xi32>
          %add3A_486 = arith.addi %iota3A, %add3A_485 : vector<16xi32>
          %mul3A_487 = arith.constant 128 : i32
          %mul3A_488 = arith.muli %mul3A_487, %scan3A_299 : i32
          %add3A_489 = arith.constant 0 : i32
          %add3A_490 = arith.addi %mul3A_488, %add3A_489 : i32
          %add3A_491 = vector.broadcast %add3A_490 : i32 to vector<16xi32>
          %add3A_492 = arith.addi %add3A_491, %and3A_315 : vector<16xi32>
          %gather3A_493 = tpu.vector_load_idx %arg9[%add3A_486, %add3A_492] : memref<32x512xf32, #tpu.memory_space<vmem>>[vector<16xi32>, vector<16xi32>], vector<16xf32>,
          %add3A_494 = arith.constant 16 : i32
          %add3A_495 = vector.broadcast %add3A_494 : i32 to vector<16xi32>
          %add3A_496 = arith.addi %iota3A, %add3A_495 : vector<16xi32>
          %mul3A_497 = arith.constant 128 : i32
          %mul3A_498 = arith.muli %mul3A_497, %scan3A_299 : i32
          %add3A_499 = arith.constant 16 : i32
          %add3A_500 = arith.addi %mul3A_498, %add3A_499 : i32
          %add3A_501 = vector.broadcast %add3A_500 : i32 to vector<16xi32>
          %add3A_502 = arith.addi %add3A_501, %and3A_315 : vector<16xi32>
          %gather3A_503 = tpu.vector_load_idx %arg9[%add3A_496, %add3A_502] : memref<32x512xf32, #tpu.memory_space<vmem>>[vector<16xi32>, vector<16xi32>], vector<16xf32>,
          %add3A_504 = arith.constant 16 : i32
          %add3A_505 = vector.broadcast %add3A_504 : i32 to vector<16xi32>
          %add3A_506 = arith.addi %iota3A, %add3A_505 : vector<16xi32>
          %mul3A_507 = arith.constant 128 : i32
          %mul3A_508 = arith.muli %mul3A_507, %scan3A_299 : i32
          %add3A_509 = arith.constant 32 : i32
          %add3A_510 = arith.addi %mul3A_508, %add3A_509 : i32
          %add3A_511 = vector.broadcast %add3A_510 : i32 to vector<16xi32>
          %add3A_512 = arith.addi %add3A_511, %and3A_315 : vector<16xi32>
          %gather3A_513 = tpu.vector_load_idx %arg9[%add3A_506, %add3A_512] : memref<32x512xf32, #tpu.memory_space<vmem>>[vector<16xi32>, vector<16xi32>], vector<16xf32>,
          %add3A_514 = arith.constant 16 : i32
          %add3A_515 = vector.broadcast %add3A_514 : i32 to vector<16xi32>
          %add3A_516 = arith.addi %iota3A, %add3A_515 : vector<16xi32>
          %mul3A_517 = arith.constant 128 : i32
          %mul3A_518 = arith.muli %mul3A_517, %scan3A_299 : i32
          %add3A_519 = arith.constant 48 : i32
          %add3A_520 = arith.addi %mul3A_518, %add3A_519 : i32
          %add3A_521 = vector.broadcast %add3A_520 : i32 to vector<16xi32>
          %add3A_522 = arith.addi %add3A_521, %and3A_315 : vector<16xi32>
          %gather3A_523 = tpu.vector_load_idx %arg9[%add3A_516, %add3A_522] : memref<32x512xf32, #tpu.memory_space<vmem>>[vector<16xi32>, vector<16xi32>], vector<16xf32>,
          %add3A_524 = arith.constant 16 : i32
          %add3A_525 = vector.broadcast %add3A_524 : i32 to vector<16xi32>
          %add3A_526 = arith.addi %iota3A, %add3A_525 : vector<16xi32>
          %mul3A_527 = arith.constant 128 : i32
          %mul3A_528 = arith.muli %mul3A_527, %scan3A_299 : i32
          %add3A_529 = arith.constant 64 : i32
          %add3A_530 = arith.addi %mul3A_528, %add3A_529 : i32
          %add3A_531 = vector.broadcast %add3A_530 : i32 to vector<16xi32>
          %add3A_532 = arith.addi %add3A_531, %and3A_315 : vector<16xi32>
          %gather3A_533 = tpu.vector_load_idx %arg9[%add3A_526, %add3A_532] : memref<32x512xf32, #tpu.memory_space<vmem>>[vector<16xi32>, vector<16xi32>], vector<16xf32>,
          %add3A_534 = arith.constant 16 : i32
          %add3A_535 = vector.broadcast %add3A_534 : i32 to vector<16xi32>
          %add3A_536 = arith.addi %iota3A, %add3A_535 : vector<16xi32>
          %mul3A_537 = arith.constant 128 : i32
          %mul3A_538 = arith.muli %mul3A_537, %scan3A_299 : i32
          %add3A_539 = arith.constant 80 : i32
          %add3A_540 = arith.addi %mul3A_538, %add3A_539 : i32
          %add3A_541 = vector.broadcast %add3A_540 : i32 to vector<16xi32>
          %add3A_542 = arith.addi %add3A_541, %and3A_315 : vector<16xi32>
          %gather3A_543 = tpu.vector_load_idx %arg9[%add3A_536, %add3A_542] : memref<32x512xf32, #tpu.memory_space<vmem>>[vector<16xi32>, vector<16xi32>], vector<16xf32>,
          %add3A_544 = arith.constant 16 : i32
          %add3A_545 = vector.broadcast %add3A_544 : i32 to vector<16xi32>
          %add3A_546 = arith.addi %iota3A, %add3A_545 : vector<16xi32>
          %mul3A_547 = arith.constant 128 : i32
          %mul3A_548 = arith.muli %mul3A_547, %scan3A_299 : i32
          %add3A_549 = arith.constant 96 : i32
          %add3A_550 = arith.addi %mul3A_548, %add3A_549 : i32
          %add3A_551 = vector.broadcast %add3A_550 : i32 to vector<16xi32>
          %add3A_552 = arith.addi %add3A_551, %and3A_315 : vector<16xi32>
          %gather3A_553 = tpu.vector_load_idx %arg9[%add3A_546, %add3A_552] : memref<32x512xf32, #tpu.memory_space<vmem>>[vector<16xi32>, vector<16xi32>], vector<16xf32>,
          %add3A_554 = arith.constant 16 : i32
          %add3A_555 = vector.broadcast %add3A_554 : i32 to vector<16xi32>
          %add3A_556 = arith.addi %iota3A, %add3A_555 : vector<16xi32>
          %mul3A_557 = arith.constant 128 : i32
          %mul3A_558 = arith.muli %mul3A_557, %scan3A_299 : i32
          %add3A_559 = arith.constant 112 : i32
          %add3A_560 = arith.addi %mul3A_558, %add3A_559 : i32
          %add3A_561 = vector.broadcast %add3A_560 : i32 to vector<16xi32>
          %add3A_562 = arith.addi %add3A_561, %and3A_315 : vector<16xi32>
          %gather3A_563 = tpu.vector_load_idx %arg9[%add3A_556, %add3A_562] : memref<32x512xf32, #tpu.memory_space<vmem>>[vector<16xi32>, vector<16xi32>], vector<16xf32>,
          %mul3A_564 = arith.constant 32 : i32
          %mul3A_565 = arith.muli %mul3A_564, %scan3A_299 : i32
          %add3A_566 = arith.constant 0 : i32
          %add3A_567 = arith.addi %mul3A_565, %add3A_566 : i32
          %add3A_568 = vector.broadcast %add3A_567 : i32 to vector<16xi32>
          %add3A_569 = arith.addi %add3A_568, %shift_right_arithmetic3A_318 : vector<16xi32>
          %add3A_570 = arith.constant 16 : i32
          %add3A_571 = vector.broadcast %add3A_570 : i32 to vector<16xi32>
          %add3A_572 = arith.addi %mul3A_324, %add3A_571 : vector<16xi32>
          %add3A_573 = arith.addi %add3A_572, %iota3A : vector<16xi32>
          tpu.vector_store_idx %arg11[%add3A_569, %add3A_573], %gather3A_493 : memref<128x128xf32, #tpu.memory_space<vmem>>[vector<16xi32>, vector<16xi32>], vector<16xf32>,
          %mul3A_574 = arith.constant 32 : i32
          %mul3A_575 = arith.muli %mul3A_574, %scan3A_299 : i32
          %add3A_576 = arith.constant 4 : i32
          %add3A_577 = arith.addi %mul3A_575, %add3A_576 : i32
          %add3A_578 = vector.broadcast %add3A_577 : i32 to vector<16xi32>
          %add3A_579 = arith.addi %add3A_578, %shift_right_arithmetic3A_318 : vector<16xi32>
          %add3A_580 = arith.constant 16 : i32
          %add3A_581 = vector.broadcast %add3A_580 : i32 to vector<16xi32>
          %add3A_582 = arith.addi %mul3A_324, %add3A_581 : vector<16xi32>
          %add3A_583 = arith.addi %add3A_582, %iota3A : vector<16xi32>
          tpu.vector_store_idx %arg11[%add3A_579, %add3A_583], %gather3A_503 : memref<128x128xf32, #tpu.memory_space<vmem>>[vector<16xi32>, vector<16xi32>], vector<16xf32>,
          %mul3A_584 = arith.constant 32 : i32
          %mul3A_585 = arith.muli %mul3A_584, %scan3A_299 : i32
          %add3A_586 = arith.constant 8 : i32
          %add3A_587 = arith.addi %mul3A_585, %add3A_586 : i32
          %add3A_588 = vector.broadcast %add3A_587 : i32 to vector<16xi32>
          %add3A_589 = arith.addi %add3A_588, %shift_right_arithmetic3A_318 : vector<16xi32>
          %add3A_590 = arith.constant 16 : i32
          %add3A_591 = vector.broadcast %add3A_590 : i32 to vector<16xi32>
          %add3A_592 = arith.addi %mul3A_324, %add3A_591 : vector<16xi32>
          %add3A_593 = arith.addi %add3A_592, %iota3A : vector<16xi32>
          tpu.vector_store_idx %arg11[%add3A_589, %add3A_593], %gather3A_513 : memref<128x128xf32, #tpu.memory_space<vmem>>[vector<16xi32>, vector<16xi32>], vector<16xf32>,
          %mul3A_594 = arith.constant 32 : i32
          %mul3A_595 = arith.muli %mul3A_594, %scan3A_299 : i32
          %add3A_596 = arith.constant 12 : i32
          %add3A_597 = arith.addi %mul3A_595, %add3A_596 : i32
          %add3A_598 = vector.broadcast %add3A_597 : i32 to vector<16xi32>
          %add3A_599 = arith.addi %add3A_598, %shift_right_arithmetic3A_318 : vector<16xi32>
          %add3A_600 = arith.constant 16 : i32
          %add3A_601 = vector.broadcast %add3A_600 : i32 to vector<16xi32>
          %add3A_602 = arith.addi %mul3A_324, %add3A_601 : vector<16xi32>
          %add3A_603 = arith.addi %add3A_602, %iota3A : vector<16xi32>
          tpu.vector_store_idx %arg11[%add3A_599, %add3A_603], %gather3A_523 : memref<128x128xf32, #tpu.memory_space<vmem>>[vector<16xi32>, vector<16xi32>], vector<16xf32>,
          %mul3A_604 = arith.constant 32 : i32
          %mul3A_605 = arith.muli %mul3A_604, %scan3A_299 : i32
          %add3A_606 = arith.constant 16 : i32
          %add3A_607 = arith.addi %mul3A_605, %add3A_606 : i32
          %add3A_608 = vector.broadcast %add3A_607 : i32 to vector<16xi32>
          %add3A_609 = arith.addi %add3A_608, %shift_right_arithmetic3A_318 : vector<16xi32>
          %add3A_610 = arith.constant 16 : i32
          %add3A_611 = vector.broadcast %add3A_610 : i32 to vector<16xi32>
          %add3A_612 = arith.addi %mul3A_324, %add3A_611 : vector<16xi32>
          %add3A_613 = arith.addi %add3A_612, %iota3A : vector<16xi32>
          tpu.vector_store_idx %arg11[%add3A_609, %add3A_613], %gather3A_533 : memref<128x128xf32, #tpu.memory_space<vmem>>[vector<16xi32>, vector<16xi32>], vector<16xf32>,
          %mul3A_614 = arith.constant 32 : i32
          %mul3A_615 = arith.muli %mul3A_614, %scan3A_299 : i32
          %add3A_616 = arith.constant 20 : i32
          %add3A_617 = arith.addi %mul3A_615, %add3A_616 : i32
          %add3A_618 = vector.broadcast %add3A_617 : i32 to vector<16xi32>
          %add3A_619 = arith.addi %add3A_618, %shift_right_arithmetic3A_318 : vector<16xi32>
          %add3A_620 = arith.constant 16 : i32
          %add3A_621 = vector.broadcast %add3A_620 : i32 to vector<16xi32>
          %add3A_622 = arith.addi %mul3A_324, %add3A_621 : vector<16xi32>
          %add3A_623 = arith.addi %add3A_622, %iota3A : vector<16xi32>
          tpu.vector_store_idx %arg11[%add3A_619, %add3A_623], %gather3A_543 : memref<128x128xf32, #tpu.memory_space<vmem>>[vector<16xi32>, vector<16xi32>], vector<16xf32>,
          %mul3A_624 = arith.constant 32 : i32
          %mul3A_625 = arith.muli %mul3A_624, %scan3A_299 : i32
          %add3A_626 = arith.constant 24 : i32
          %add3A_627 = arith.addi %mul3A_625, %add3A_626 : i32
          %add3A_628 = vector.broadcast %add3A_627 : i32 to vector<16xi32>
          %add3A_629 = arith.addi %add3A_628, %shift_right_arithmetic3A_318 : vector<16xi32>
          %add3A_630 = arith.constant 16 : i32
          %add3A_631 = vector.broadcast %add3A_630 : i32 to vector<16xi32>
          %add3A_632 = arith.addi %mul3A_324, %add3A_631 : vector<16xi32>
          %add3A_633 = arith.addi %add3A_632, %iota3A : vector<16xi32>
          tpu.vector_store_idx %arg11[%add3A_629, %add3A_633], %gather3A_553 : memref<128x128xf32, #tpu.memory_space<vmem>>[vector<16xi32>, vector<16xi32>], vector<16xf32>,
          %mul3A_634 = arith.constant 32 : i32
          %mul3A_635 = arith.muli %mul3A_634, %scan3A_299 : i32
          %add3A_636 = arith.constant 28 : i32
          %add3A_637 = arith.addi %mul3A_635, %add3A_636 : i32
          %add3A_638 = vector.broadcast %add3A_637 : i32 to vector<16xi32>
          %add3A_639 = arith.addi %add3A_638, %shift_right_arithmetic3A_318 : vector<16xi32>
          %add3A_640 = arith.constant 16 : i32
          %add3A_641 = vector.broadcast %add3A_640 : i32 to vector<16xi32>
          %add3A_642 = arith.addi %mul3A_324, %add3A_641 : vector<16xi32>
          %add3A_643 = arith.addi %add3A_642, %iota3A : vector<16xi32>
          tpu.vector_store_idx %arg11[%add3A_639, %add3A_643], %gather3A_563 : memref<128x128xf32, #tpu.memory_space<vmem>>[vector<16xi32>, vector<16xi32>], vector<16xf32>,
          %scan3A_644 = arith.constant 0 : i32
          scf.yield %scan3A_644 : i32
        }
        %scan3A_306 = arith.constant 16 : i32
        %scan3A_307 = arith.constant 0 : i32
        %scan3A_308 = arith.constant 1 : i32
      } else {
      }
      %lt3A_285 = arith.constant 781 : i32
      %lt3A_286 = arith.cmpi slt, %add3A_266, %lt3A_285 : i32
      %convert_element_type3A_287 = arith.extui %lt3A_286 : i1 to i32
      %cond3A_288 = arith.constant 0 : i32
      %cond3A_289 = arith.cmpi ne, %convert_element_type3A_287, %cond3A_288 : i32
      scf.if %cond3A_289 {
        %mul3A_298 = arith.constant 32 : i32
        %mul3A_299 = arith.muli %add3A_266, %mul3A_298 : i32
        %multiple_of3A = tpu.assume_multiple %mul3A_299, 8 : i32
        %dma_start3A = arith.constant 0 : i32
        %dma_start3A_300 = arith.constant 0 : i32
        %dma_start3A_301 = tpu.memref_slice %arg11[%dma_start3A, %dma_start3A_300] : memref<128x128xf32, #tpu.memory_space<vmem>> -> memref<32x128xf32, #tpu.memory_space<vmem>>
        %dma_start3A_302 = arith.constant 0 : i32
        %dma_start3A_303 = tpu.memref_slice %arg7[%multiple_of3A, %dma_start3A_302] : memref<25000x128xf32, #tpu.memory_space<hbm>> -> memref<32x128xf32, #tpu.memory_space<hbm>>
        %dma_start3A_304 = arith.constant 0 : i32
        %dma_start3A_305 = tpu.memref_slice %arg7[%multiple_of3A, %dma_start3A_304] : memref<25000x128xf32, #tpu.memory_space<hbm>> -> memref<32x128xf32, #tpu.memory_space<hbm>>
        %dma_start3A_306 = arith.constant 0 : i32
        %dma_start3A_307 = arith.constant 0 : i32
        %dma_start3A_308 = tpu.memref_slice %arg11[%dma_start3A_306, %dma_start3A_307] : memref<128x128xf32, #tpu.memory_space<vmem>> -> memref<32x128xf32, #tpu.memory_space<vmem>>
        tpu.enqueue_dma source(%dma_start3A_308 : memref<32x128xf32, #tpu.memory_space<vmem>>) target(%dma_start3A_305 : memref<32x128xf32, #tpu.memory_space<hbm>>) target_semaphore(%arg15 : memref<!tpu.dma_semaphore, #tpu.memory_space<semaphore_mem>>)
      } else {
      }
      %add3A_290 = arith.constant 64 : i32
      %add3A_291 = arith.addi %add3A_266, %add3A_290 : i32
      %lt3A_292 = arith.constant 781 : i32
      %lt3A_293 = arith.cmpi slt, %add3A_291, %lt3A_292 : i32
      %convert_element_type3A_294 = arith.extui %lt3A_293 : i1 to i32
      %cond3A_295 = arith.constant 0 : i32
      %cond3A_296 = arith.cmpi ne, %convert_element_type3A_294, %cond3A_295 : i32
      scf.if %cond3A_296 {
        %mul3A_298 = arith.constant 512 : i32
        %mul3A_299 = arith.muli %add3A_291, %mul3A_298 : i32
        %multiple_of3A = tpu.assume_multiple %mul3A_299, 128 : i32
        %dma_start3A = arith.constant 0 : i32
        %dma_start3A_300 = arith.constant 0 : i32
        %dma_start3A_301 = tpu.memref_slice %arg9[%dma_start3A, %dma_start3A_300] : memref<32x512xf32, #tpu.memory_space<vmem>> -> memref<32x512xf32, #tpu.memory_space<vmem>>
        %dma_start3A_302 = arith.constant 0 : i32
        %dma_start3A_303 = tpu.memref_slice %arg3[%dma_start3A_302, %multiple_of3A] : memref<32x100000xf32, #tpu.memory_space<hbm>> -> memref<32x512xf32, #tpu.memory_space<hbm>>
        %dma_start3A_304 = arith.constant 0 : i32
        %dma_start3A_305 = arith.constant 0 : i32
        %dma_start3A_306 = tpu.memref_slice %arg9[%dma_start3A_304, %dma_start3A_305] : memref<32x512xf32, #tpu.memory_space<vmem>> -> memref<32x512xf32, #tpu.memory_space<vmem>>
        %dma_start3A_307 = arith.constant 0 : i32
        %dma_start3A_308 = tpu.memref_slice %arg3[%dma_start3A_307, %multiple_of3A] : memref<32x100000xf32, #tpu.memory_space<hbm>> -> memref<32x512xf32, #tpu.memory_space<hbm>>
        tpu.enqueue_dma source(%dma_start3A_308 : memref<32x512xf32, #tpu.memory_space<hbm>>) target(%dma_start3A_306 : memref<32x512xf32, #tpu.memory_space<vmem>>) target_semaphore(%arg13 : memref<!tpu.dma_semaphore, #tpu.memory_space<semaphore_mem>>)
      } else {
      }
      %scan3A_297 = arith.constant 0 : i32
      scf.yield %scan3A_297 : i32
    }
    %scan3A_184 = arith.constant 13 : i32
    %add3A_185 = arith.constant 832 : i32
    %add3A_186 = arith.addi %add3A, %add3A_185 : i32
    %lt3A_187 = arith.constant 781 : i32
    %lt3A_188 = arith.cmpi slt, %add3A_186, %lt3A_187 : i32
    %convert_element_type3A_189 = arith.extui %lt3A_188 : i1 to i32
    %cond3A_190 = arith.constant 0 : i32
    %cond3A_191 = arith.cmpi ne, %convert_element_type3A_189, %cond3A_190 : i32
    scf.if %cond3A_191 {
      %dma_wait3A = arith.constant 0 : i32
      %dma_wait3A_222 = arith.constant 0 : i32
      %dma_wait3A_223 = tpu.memref_slice %arg8[%dma_wait3A, %dma_wait3A_222] : memref<32x512xf32, #tpu.memory_space<vmem>> -> memref<32x512xf32, #tpu.memory_space<vmem>>
      %dma_wait3A_224 = arith.constant 0 : i32
      %dma_wait3A_225 = arith.constant 0 : i32
      %dma_wait3A_226 = tpu.memref_slice %arg3[%dma_wait3A_224, %dma_wait3A_225] : memref<32x100000xf32, #tpu.memory_space<hbm>> -> memref<32x512xf32, #tpu.memory_space<hbm>>
      %dma_wait3A_227 = arith.constant 0 : i32
      %dma_wait3A_228 = arith.constant 0 : i32
      %dma_wait3A_229 = tpu.memref_slice %arg8[%dma_wait3A_227, %dma_wait3A_228] : memref<32x512xf32, #tpu.memory_space<vmem>> -> memref<32x512xf32, #tpu.memory_space<vmem>>
      %dma_wait3A_230 = arith.constant 0 : i32
      %dma_wait3A_231 = arith.constant 0 : i32
      %dma_wait3A_232 = tpu.memref_slice %arg3[%dma_wait3A_230, %dma_wait3A_231] : memref<32x100000xf32, #tpu.memory_space<hbm>> -> memref<32x512xf32, #tpu.memory_space<hbm>>
      tpu.wait_dma2 semaphore(%arg12 : memref<!tpu.dma_semaphore, #tpu.memory_space<semaphore_mem>>) src(%dma_wait3A_232 : memref<32x512xf32, #tpu.memory_space<hbm>>) dst(%dma_wait3A_229 : memref<32x512xf32, #tpu.memory_space<vmem>>)
    } else {
    }
    %add3A_192 = arith.constant 864 : i32
    %add3A_193 = arith.addi %add3A, %add3A_192 : i32
    %lt3A_194 = arith.constant 781 : i32
    %lt3A_195 = arith.cmpi slt, %add3A_193, %lt3A_194 : i32
    %convert_element_type3A_196 = arith.extui %lt3A_195 : i1 to i32
    %cond3A_197 = arith.constant 0 : i32
    %cond3A_198 = arith.cmpi ne, %convert_element_type3A_196, %cond3A_197 : i32
    scf.if %cond3A_198 {
      %dma_wait3A = arith.constant 0 : i32
      %dma_wait3A_222 = arith.constant 0 : i32
      %dma_wait3A_223 = tpu.memref_slice %arg9[%dma_wait3A, %dma_wait3A_222] : memref<32x512xf32, #tpu.memory_space<vmem>> -> memref<32x512xf32, #tpu.memory_space<vmem>>
      %dma_wait3A_224 = arith.constant 0 : i32
      %dma_wait3A_225 = arith.constant 0 : i32
      %dma_wait3A_226 = tpu.memref_slice %arg3[%dma_wait3A_224, %dma_wait3A_225] : memref<32x100000xf32, #tpu.memory_space<hbm>> -> memref<32x512xf32, #tpu.memory_space<hbm>>
      %dma_wait3A_227 = arith.constant 0 : i32
      %dma_wait3A_228 = arith.constant 0 : i32
      %dma_wait3A_229 = tpu.memref_slice %arg9[%dma_wait3A_227, %dma_wait3A_228] : memref<32x512xf32, #tpu.memory_space<vmem>> -> memref<32x512xf32, #tpu.memory_space<vmem>>
      %dma_wait3A_230 = arith.constant 0 : i32
      %dma_wait3A_231 = arith.constant 0 : i32
      %dma_wait3A_232 = tpu.memref_slice %arg3[%dma_wait3A_230, %dma_wait3A_231] : memref<32x100000xf32, #tpu.memory_space<hbm>> -> memref<32x512xf32, #tpu.memory_space<hbm>>
      tpu.wait_dma2 semaphore(%arg13 : memref<!tpu.dma_semaphore, #tpu.memory_space<semaphore_mem>>) src(%dma_wait3A_232 : memref<32x512xf32, #tpu.memory_space<hbm>>) dst(%dma_wait3A_229 : memref<32x512xf32, #tpu.memory_space<vmem>>)
    } else {
    }
    %add3A_199 = arith.constant 0 : i32
    %add3A_200 = arith.addi %add3A, %add3A_199 : i32
    %lt3A_201 = arith.constant 781 : i32
    %lt3A_202 = arith.cmpi slt, %add3A_200, %lt3A_201 : i32
    %convert_element_type3A_203 = arith.extui %lt3A_202 : i1 to i32
    %cond3A_204 = arith.constant 0 : i32
    %cond3A_205 = arith.cmpi ne, %convert_element_type3A_203, %cond3A_204 : i32
    scf.if %cond3A_205 {
      %dma_wait3A = arith.constant 0 : i32
      %dma_wait3A_222 = arith.constant 0 : i32
      %dma_wait3A_223 = tpu.memref_slice %arg10[%dma_wait3A, %dma_wait3A_222] : memref<128x128xf32, #tpu.memory_space<vmem>> -> memref<32x128xf32, #tpu.memory_space<vmem>>
      %dma_wait3A_224 = arith.constant 0 : i32
      %dma_wait3A_225 = arith.constant 0 : i32
      %dma_wait3A_226 = tpu.memref_slice %arg7[%dma_wait3A_224, %dma_wait3A_225] : memref<25000x128xf32, #tpu.memory_space<hbm>> -> memref<32x128xf32, #tpu.memory_space<hbm>>
      %dma_wait3A_227 = arith.constant 0 : i32
      %dma_wait3A_228 = arith.constant 0 : i32
      %dma_wait3A_229 = tpu.memref_slice %arg7[%dma_wait3A_227, %dma_wait3A_228] : memref<25000x128xf32, #tpu.memory_space<hbm>> -> memref<32x128xf32, #tpu.memory_space<hbm>>
      %dma_wait3A_230 = arith.constant 0 : i32
      %dma_wait3A_231 = arith.constant 0 : i32
      %dma_wait3A_232 = tpu.memref_slice %arg10[%dma_wait3A_230, %dma_wait3A_231] : memref<128x128xf32, #tpu.memory_space<vmem>> -> memref<32x128xf32, #tpu.memory_space<vmem>>
      tpu.wait_dma2 semaphore(%arg14 : memref<!tpu.dma_semaphore, #tpu.memory_space<semaphore_mem>>) src(%dma_wait3A_232 : memref<32x128xf32, #tpu.memory_space<vmem>>) dst(%dma_wait3A_229 : memref<32x128xf32, #tpu.memory_space<hbm>>)
    } else {
    }
    %add3A_206 = arith.constant 32 : i32
    %add3A_207 = arith.addi %add3A, %add3A_206 : i32
    %lt3A_208 = arith.constant 781 : i32
    %lt3A_209 = arith.cmpi slt, %add3A_207, %lt3A_208 : i32
    %convert_element_type3A_210 = arith.extui %lt3A_209 : i1 to i32
    %cond3A_211 = arith.constant 0 : i32
    %cond3A_212 = arith.cmpi ne, %convert_element_type3A_210, %cond3A_211 : i32
    scf.if %cond3A_212 {
      %dma_wait3A = arith.constant 0 : i32
      %dma_wait3A_222 = arith.constant 0 : i32
      %dma_wait3A_223 = tpu.memref_slice %arg11[%dma_wait3A, %dma_wait3A_222] : memref<128x128xf32, #tpu.memory_space<vmem>> -> memref<32x128xf32, #tpu.memory_space<vmem>>
      %dma_wait3A_224 = arith.constant 0 : i32
      %dma_wait3A_225 = arith.constant 0 : i32
      %dma_wait3A_226 = tpu.memref_slice %arg7[%dma_wait3A_224, %dma_wait3A_225] : memref<25000x128xf32, #tpu.memory_space<hbm>> -> memref<32x128xf32, #tpu.memory_space<hbm>>
      %dma_wait3A_227 = arith.constant 0 : i32
      %dma_wait3A_228 = arith.constant 0 : i32
      %dma_wait3A_229 = tpu.memref_slice %arg7[%dma_wait3A_227, %dma_wait3A_228] : memref<25000x128xf32, #tpu.memory_space<hbm>> -> memref<32x128xf32, #tpu.memory_space<hbm>>
      %dma_wait3A_230 = arith.constant 0 : i32
      %dma_wait3A_231 = arith.constant 0 : i32
      %dma_wait3A_232 = tpu.memref_slice %arg11[%dma_wait3A_230, %dma_wait3A_231] : memref<128x128xf32, #tpu.memory_space<vmem>> -> memref<32x128xf32, #tpu.memory_space<vmem>>
      tpu.wait_dma2 semaphore(%arg15 : memref<!tpu.dma_semaphore, #tpu.memory_space<semaphore_mem>>) src(%dma_wait3A_232 : memref<32x128xf32, #tpu.memory_space<vmem>>) dst(%dma_wait3A_229 : memref<32x128xf32, #tpu.memory_space<hbm>>)
    } else {
    }
    %eq3A = arith.constant 0 : i32
    %eq3A_213 = arith.cmpi eq, %add3A, %eq3A : i32
    %convert_element_type3A_214 = arith.extui %eq3A_213 : i1 to i32
    %cond3A_215 = arith.constant 0 : i32
    %cond3A_216 = arith.cmpi ne, %convert_element_type3A_214, %cond3A_215 : i32
    scf.if %cond3A_216 {
      "tpu.region"() ({
        %run_scoped3A = tpu.sem_alloc : memref<!tpu.dma_semaphore, #tpu.memory_space<semaphore_mem>>
        %dma_start3A = arith.constant 0 : i32
        %dma_start3A_222 = arith.constant 0 : i32
        %dma_start3A_223 = tpu.memref_slice %arg10[%dma_start3A, %dma_start3A_222] : memref<128x128xf32, #tpu.memory_space<vmem>> -> memref<16x128xf32, #tpu.memory_space<vmem>>
        %dma_start3A_224 = arith.constant 0 : i32
        %dma_start3A_225 = arith.constant 0 : i32
        %dma_start3A_226 = tpu.memref_slice %arg10[%dma_start3A_224, %dma_start3A_225] : memref<128x128xf32, #tpu.memory_space<vmem>> -> memref<16x128xf32, #tpu.memory_space<vmem>>
        tpu.enqueue_dma source(%arg4 : memref<16x128xf32, #tpu.memory_space<hbm>>) target(%dma_start3A_226 : memref<16x128xf32, #tpu.memory_space<vmem>>) target_semaphore(%run_scoped3A : memref<!tpu.dma_semaphore, #tpu.memory_space<semaphore_mem>>)
        %dma_wait3A = arith.constant 0 : i32
        %dma_wait3A_227 = arith.constant 0 : i32
        %dma_wait3A_228 = tpu.memref_slice %arg10[%dma_wait3A, %dma_wait3A_227] : memref<128x128xf32, #tpu.memory_space<vmem>> -> memref<16x128xf32, #tpu.memory_space<vmem>>
        %dma_wait3A_229 = arith.constant 0 : i32
        %dma_wait3A_230 = arith.constant 0 : i32
        %dma_wait3A_231 = tpu.memref_slice %arg10[%dma_wait3A_229, %dma_wait3A_230] : memref<128x128xf32, #tpu.memory_space<vmem>> -> memref<16x128xf32, #tpu.memory_space<vmem>>
        tpu.wait_dma2 semaphore(%run_scoped3A : memref<!tpu.dma_semaphore, #tpu.memory_space<semaphore_mem>>) src(%arg4 : memref<16x128xf32, #tpu.memory_space<hbm>>) dst(%dma_wait3A_231 : memref<16x128xf32, #tpu.memory_space<vmem>>)
        tpu.yield
      }) : () -> ()
      "tpu.region"() ({
        %run_scoped3A = tpu.sem_alloc : memref<!tpu.dma_semaphore, #tpu.memory_space<semaphore_mem>>
        %dma_start3A = arith.constant 0 : i32
        %dma_start3A_222 = arith.constant 0 : i32
        %dma_start3A_223 = tpu.memref_slice %arg10[%dma_start3A, %dma_start3A_222] : memref<128x128xf32, #tpu.memory_space<vmem>> -> memref<16x128xf32, #tpu.memory_space<vmem>>
        %dma_start3A_224 = arith.constant 249984 : i32
        %dma_start3A_225 = arith.constant 0 : i32
        %dma_start3A_226 = tpu.memref_slice %arg6[%dma_start3A_224, %dma_start3A_225] : memref<250000x128xf32, #tpu.memory_space<hbm>> -> memref<16x128xf32, #tpu.memory_space<hbm>>
        %dma_start3A_227 = arith.constant 249984 : i32
        %dma_start3A_228 = arith.constant 0 : i32
        %dma_start3A_229 = tpu.memref_slice %arg6[%dma_start3A_227, %dma_start3A_228] : memref<250000x128xf32, #tpu.memory_space<hbm>> -> memref<16x128xf32, #tpu.memory_space<hbm>>
        %dma_start3A_230 = arith.constant 0 : i32
        %dma_start3A_231 = arith.constant 0 : i32
        %dma_start3A_232 = tpu.memref_slice %arg10[%dma_start3A_230, %dma_start3A_231] : memref<128x128xf32, #tpu.memory_space<vmem>> -> memref<16x128xf32, #tpu.memory_space<vmem>>
        tpu.enqueue_dma source(%dma_start3A_232 : memref<16x128xf32, #tpu.memory_space<vmem>>) target(%dma_start3A_229 : memref<16x128xf32, #tpu.memory_space<hbm>>) target_semaphore(%run_scoped3A : memref<!tpu.dma_semaphore, #tpu.memory_space<semaphore_mem>>)
        %dma_wait3A = arith.constant 0 : i32
        %dma_wait3A_233 = arith.constant 0 : i32
        %dma_wait3A_234 = tpu.memref_slice %arg10[%dma_wait3A, %dma_wait3A_233] : memref<128x128xf32, #tpu.memory_space<vmem>> -> memref<16x128xf32, #tpu.memory_space<vmem>>
        %dma_wait3A_235 = arith.constant 249984 : i32
        %dma_wait3A_236 = arith.constant 0 : i32
        %dma_wait3A_237 = tpu.memref_slice %arg6[%dma_wait3A_235, %dma_wait3A_236] : memref<250000x128xf32, #tpu.memory_space<hbm>> -> memref<16x128xf32, #tpu.memory_space<hbm>>
        %dma_wait3A_238 = arith.constant 249984 : i32
        %dma_wait3A_239 = arith.constant 0 : i32
        %dma_wait3A_240 = tpu.memref_slice %arg6[%dma_wait3A_238, %dma_wait3A_239] : memref<250000x128xf32, #tpu.memory_space<hbm>> -> memref<16x128xf32, #tpu.memory_space<hbm>>
        %dma_wait3A_241 = arith.constant 0 : i32
        %dma_wait3A_242 = arith.constant 0 : i32
        %dma_wait3A_243 = tpu.memref_slice %arg10[%dma_wait3A_241, %dma_wait3A_242] : memref<128x128xf32, #tpu.memory_space<vmem>> -> memref<16x128xf32, #tpu.memory_space<vmem>>
        tpu.wait_dma2 semaphore(%run_scoped3A : memref<!tpu.dma_semaphore, #tpu.memory_space<semaphore_mem>>) src(%dma_wait3A_243 : memref<16x128xf32, #tpu.memory_space<vmem>>) dst(%dma_wait3A_240 : memref<16x128xf32, #tpu.memory_space<hbm>>)
        tpu.yield
      }) : () -> ()
    } else {
    }
    %eq3A_217 = arith.constant 1 : i32
    %eq3A_218 = arith.cmpi eq, %add3A, %eq3A_217 : i32
    %convert_element_type3A_219 = arith.extui %eq3A_218 : i1 to i32
    %cond3A_220 = arith.constant 0 : i32
    %cond3A_221 = arith.cmpi ne, %convert_element_type3A_219, %cond3A_220 : i32
    scf.if %cond3A_221 {
      "tpu.region"() ({
        %run_scoped3A = tpu.sem_alloc : memref<!tpu.dma_semaphore, #tpu.memory_space<semaphore_mem>>
        %dma_start3A = arith.constant 0 : i32
        %dma_start3A_222 = arith.constant 0 : i32
        %dma_start3A_223 = tpu.memref_slice %arg10[%dma_start3A, %dma_start3A_222] : memref<128x128xf32, #tpu.memory_space<vmem>> -> memref<8x128xf32, #tpu.memory_space<vmem>>
        %dma_start3A_224 = arith.constant 0 : i32
        %dma_start3A_225 = arith.constant 0 : i32
        %dma_start3A_226 = tpu.memref_slice %arg10[%dma_start3A_224, %dma_start3A_225] : memref<128x128xf32, #tpu.memory_space<vmem>> -> memref<8x128xf32, #tpu.memory_space<vmem>>
        tpu.enqueue_dma source(%arg5 : memref<8x128xf32, #tpu.memory_space<hbm>>) target(%dma_start3A_226 : memref<8x128xf32, #tpu.memory_space<vmem>>) target_semaphore(%run_scoped3A : memref<!tpu.dma_semaphore, #tpu.memory_space<semaphore_mem>>)
        %dma_wait3A = arith.constant 0 : i32
        %dma_wait3A_227 = arith.constant 0 : i32
        %dma_wait3A_228 = tpu.memref_slice %arg10[%dma_wait3A, %dma_wait3A_227] : memref<128x128xf32, #tpu.memory_space<vmem>> -> memref<8x128xf32, #tpu.memory_space<vmem>>
        %dma_wait3A_229 = arith.constant 0 : i32
        %dma_wait3A_230 = arith.constant 0 : i32
        %dma_wait3A_231 = tpu.memref_slice %arg10[%dma_wait3A_229, %dma_wait3A_230] : memref<128x128xf32, #tpu.memory_space<vmem>> -> memref<8x128xf32, #tpu.memory_space<vmem>>
        tpu.wait_dma2 semaphore(%run_scoped3A : memref<!tpu.dma_semaphore, #tpu.memory_space<semaphore_mem>>) src(%arg5 : memref<8x128xf32, #tpu.memory_space<hbm>>) dst(%dma_wait3A_231 : memref<8x128xf32, #tpu.memory_space<vmem>>)
        tpu.yield
      }) : () -> ()
      "tpu.region"() ({
        %run_scoped3A = tpu.sem_alloc : memref<!tpu.dma_semaphore, #tpu.memory_space<semaphore_mem>>
        %dma_start3A = arith.constant 0 : i32
        %dma_start3A_222 = arith.constant 0 : i32
        %dma_start3A_223 = tpu.memref_slice %arg10[%dma_start3A, %dma_start3A_222] : memref<128x128xf32, #tpu.memory_space<vmem>> -> memref<8x128xf32, #tpu.memory_space<vmem>>
        %dma_start3A_224 = arith.constant 24992 : i32
        %dma_start3A_225 = arith.constant 0 : i32
        %dma_start3A_226 = tpu.memref_slice %arg7[%dma_start3A_224, %dma_start3A_225] : memref<25000x128xf32, #tpu.memory_space<hbm>> -> memref<8x128xf32, #tpu.memory_space<hbm>>
        %dma_start3A_227 = arith.constant 24992 : i32
        %dma_start3A_228 = arith.constant 0 : i32
        %dma_start3A_229 = tpu.memref_slice %arg7[%dma_start3A_227, %dma_start3A_228] : memref<25000x128xf32, #tpu.memory_space<hbm>> -> memref<8x128xf32, #tpu.memory_space<hbm>>
        %dma_start3A_230 = arith.constant 0 : i32
        %dma_start3A_231 = arith.constant 0 : i32
        %dma_start3A_232 = tpu.memref_slice %arg10[%dma_start3A_230, %dma_start3A_231] : memref<128x128xf32, #tpu.memory_space<vmem>> -> memref<8x128xf32, #tpu.memory_space<vmem>>
        tpu.enqueue_dma source(%dma_start3A_232 : memref<8x128xf32, #tpu.memory_space<vmem>>) target(%dma_start3A_229 : memref<8x128xf32, #tpu.memory_space<hbm>>) target_semaphore(%run_scoped3A : memref<!tpu.dma_semaphore, #tpu.memory_space<semaphore_mem>>)
        %dma_wait3A = arith.constant 0 : i32
        %dma_wait3A_233 = arith.constant 0 : i32
        %dma_wait3A_234 = tpu.memref_slice %arg10[%dma_wait3A, %dma_wait3A_233] : memref<128x128xf32, #tpu.memory_space<vmem>> -> memref<8x128xf32, #tpu.memory_space<vmem>>
        %dma_wait3A_235 = arith.constant 24992 : i32
        %dma_wait3A_236 = arith.constant 0 : i32
        %dma_wait3A_237 = tpu.memref_slice %arg7[%dma_wait3A_235, %dma_wait3A_236] : memref<25000x128xf32, #tpu.memory_space<hbm>> -> memref<8x128xf32, #tpu.memory_space<hbm>>
        %dma_wait3A_238 = arith.constant 24992 : i32
        %dma_wait3A_239 = arith.constant 0 : i32
        %dma_wait3A_240 = tpu.memref_slice %arg7[%dma_wait3A_238, %dma_wait3A_239] : memref<25000x128xf32, #tpu.memory_space<hbm>> -> memref<8x128xf32, #tpu.memory_space<hbm>>
        %dma_wait3A_241 = arith.constant 0 : i32
        %dma_wait3A_242 = arith.constant 0 : i32
        %dma_wait3A_243 = tpu.memref_slice %arg10[%dma_wait3A_241, %dma_wait3A_242] : memref<128x128xf32, #tpu.memory_space<vmem>> -> memref<8x128xf32, #tpu.memory_space<vmem>>
        tpu.wait_dma2 semaphore(%run_scoped3A : memref<!tpu.dma_semaphore, #tpu.memory_space<semaphore_mem>>) src(%dma_wait3A_243 : memref<8x128xf32, #tpu.memory_space<vmem>>) dst(%dma_wait3A_240 : memref<8x128xf32, #tpu.memory_space<hbm>>)
        tpu.yield
      }) : () -> ()
    } else {
    }
    return
  }
}

module attributes {stable_mosaic.version = 14 : i64} {
  func.func @_mlp_body(%arg0: i32, %arg1: memref<2048x32xf32, #tpu.memory_space<vmem>>, %arg2: memref<2048x32xf32, #tpu.memory_space<vmem>>, %arg3: memref<32x64xf32, #tpu.memory_space<vmem>>, %arg4: memref<32x64xf32, #tpu.memory_space<vmem>>, %arg5: memref<1x64xf32, #tpu.memory_space<vmem>>, %arg6: memref<64x32xf32, #tpu.memory_space<vmem>>, %arg7: memref<1x32xf32, #tpu.memory_space<vmem>>, %arg8: memref<1x32xf32, #tpu.memory_space<vmem>>, %arg9: memref<1x1xf32, #tpu.memory_space<smem>>, %arg10: memref<2048xf32, #tpu.memory_space<vmem>>) attributes {dimension_semantics = [#tpu.dimension_semantics<arbitrary>], iteration_bounds = array<i64: 8>, scalar_prefetch = 0 : i64, scratch_operands = 0 : i64, tpu.core_type = #tpu.core_type<tc>, window_params = [{transform_indices = @transform_0, window_bounds = array<i64: 2048, 32>}, {transform_indices = @transform_1, window_bounds = array<i64: 2048, 32>}, {pipeline_mode = #tpu.pipeline_mode<synchronous>, transform_indices = @transform_2, window_bounds = array<i64: 32, 64>}, {pipeline_mode = #tpu.pipeline_mode<synchronous>, transform_indices = @transform_3, window_bounds = array<i64: 32, 64>}, {pipeline_mode = #tpu.pipeline_mode<synchronous>, transform_indices = @transform_4, window_bounds = array<i64: 1, 64>}, {pipeline_mode = #tpu.pipeline_mode<synchronous>, transform_indices = @transform_5, window_bounds = array<i64: 64, 32>}, {pipeline_mode = #tpu.pipeline_mode<synchronous>, transform_indices = @transform_6, window_bounds = array<i64: 1, 32>}, {pipeline_mode = #tpu.pipeline_mode<synchronous>, transform_indices = @transform_7, window_bounds = array<i64: 1, 32>}, {transform_indices = @transform_8, window_bounds = array<i64: 1, 1>}, {transform_indices = @transform_9, window_bounds = array<i64: 2048>}]} {
    %get3A = arith.constant 0 : index
    %get3A_0 = arith.constant 0 : index
    %get3A_1 = vector.load %arg1[%get3A, %get3A_0] : memref<2048x32xf32, #tpu.memory_space<vmem>>, vector<2048x32xf32>
    %get3A_2 = arith.constant 0 : index
    %get3A_3 = arith.constant 0 : index
    %get3A_4 = vector.load %arg3[%get3A_2, %get3A_3] : memref<32x64xf32, #tpu.memory_space<vmem>>, vector<32x64xf32>
    %dot_general3A = arith.constant dense<0.000000e+00> : vector<2048x64xf32>
    %dot_general3A_5 = tpu.matmul %get3A_1, %get3A_4, %dot_general3A {dimension_numbers = #tpu.dot_dimension_numbers<[1], [0], [0], [1], [0, 0, 1, 1], [], []>, transpose_lhs_hint = false} : vector<2048x32xf32>, vector<32x64xf32>, vector<2048x64xf32> -> vector<2048x64xf32>
    %get3A_6 = arith.constant 0 : index
    %get3A_7 = arith.constant 0 : index
    %get3A_8 = vector.load %arg2[%get3A_6, %get3A_7] : memref<2048x32xf32, #tpu.memory_space<vmem>>, vector<2048x32xf32>
    %get3A_9 = arith.constant 0 : index
    %get3A_10 = arith.constant 0 : index
    %get3A_11 = vector.load %arg4[%get3A_9, %get3A_10] : memref<32x64xf32, #tpu.memory_space<vmem>>, vector<32x64xf32>
    %dot_general3A_12 = arith.constant dense<0.000000e+00> : vector<2048x64xf32>
    %dot_general3A_13 = tpu.matmul %get3A_8, %get3A_11, %dot_general3A_12 {dimension_numbers = #tpu.dot_dimension_numbers<[1], [0], [0], [1], [0, 0, 1, 1], [], []>, transpose_lhs_hint = false} : vector<2048x32xf32>, vector<32x64xf32>, vector<2048x64xf32> -> vector<2048x64xf32>
    %add3A = arith.addf %dot_general3A_5, %dot_general3A_13 : vector<2048x64xf32>
    %get3A_14 = arith.constant 0 : index
    %get3A_15 = arith.constant 0 : index
    %get3A_16 = vector.load %arg5[%get3A_14, %get3A_15] : memref<1x64xf32, #tpu.memory_space<vmem>>, vector<1x64xf32>
    %add3A_17 = vector.broadcast %get3A_16 : vector<1x64xf32> to vector<2048x64xf32>
    %add3A_18 = arith.addf %add3A, %add3A_17 : vector<2048x64xf32>
    %max3A = arith.constant 0.000000e+00 : f32
    %max3A_19 = vector.broadcast %max3A : f32 to vector<2048x64xf32>
    %max3A_20 = arith.maximumf %add3A_18, %max3A_19 : vector<2048x64xf32>
    %get3A_21 = arith.constant 0 : index
    %get3A_22 = arith.constant 0 : index
    %get3A_23 = vector.load %arg6[%get3A_21, %get3A_22] : memref<64x32xf32, #tpu.memory_space<vmem>>, vector<64x32xf32>
    %dot_general3A_24 = arith.constant dense<0.000000e+00> : vector<2048x32xf32>
    %dot_general3A_25 = tpu.matmul %max3A_20, %get3A_23, %dot_general3A_24 {dimension_numbers = #tpu.dot_dimension_numbers<[1], [0], [0], [1], [0, 0, 1, 1], [], []>, transpose_lhs_hint = false} : vector<2048x64xf32>, vector<64x32xf32>, vector<2048x32xf32> -> vector<2048x32xf32>
    %get3A_26 = arith.constant 0 : index
    %get3A_27 = arith.constant 0 : index
    %get3A_28 = vector.load %arg7[%get3A_26, %get3A_27] : memref<1x32xf32, #tpu.memory_space<vmem>>, vector<1x32xf32>
    %add3A_29 = vector.broadcast %get3A_28 : vector<1x32xf32> to vector<2048x32xf32>
    %add3A_30 = arith.addf %dot_general3A_25, %add3A_29 : vector<2048x32xf32>
    %max3A_31 = arith.constant 0.000000e+00 : f32
    %max3A_32 = vector.broadcast %max3A_31 : f32 to vector<2048x32xf32>
    %max3A_33 = arith.maximumf %add3A_30, %max3A_32 : vector<2048x32xf32>
    %get3A_34 = arith.constant 0 : index
    %get3A_35 = arith.constant 0 : index
    %get3A_36 = vector.load %arg8[%get3A_34, %get3A_35] : memref<1x32xf32, #tpu.memory_space<vmem>>, vector<1x32xf32>
    %mul3A = vector.broadcast %get3A_36 : vector<1x32xf32> to vector<2048x32xf32>
    %mul3A_37 = arith.mulf %max3A_33, %mul3A : vector<2048x32xf32>
    %reduce_sum3A = arith.constant dense<0.000000e+00> : vector<2048xf32>
    %reduce_sum3A_38 = vector.multi_reduction <add>, %mul3A_37, %reduce_sum3A [1] : vector<2048x32xf32> to vector<2048xf32>
    %get3A_39 = arith.constant 0 : index
    %get3A_40 = arith.constant 0 : index
    %get3A_41 = memref.load %arg9[%get3A_39, %get3A_40] : memref<1x1xf32, #tpu.memory_space<smem>>
    %add3A_42 = vector.broadcast %get3A_41 : f32 to vector<2048xf32>
    %add3A_43 = arith.addf %reduce_sum3A_38, %add3A_42 : vector<2048xf32>
    %swap3A = arith.constant 0 : index
    %swap3A_44 = vector.load %arg10[%swap3A] : memref<2048xf32, #tpu.memory_space<vmem>>, vector<2048xf32>
    tpu.vector_store %arg10[%swap3A], %add3A_43 {strides = array<i32>} : memref<2048xf32, #tpu.memory_space<vmem>>, vector<2048xf32>,
    return
  }
  func.func @transform_0(%arg0: i32) -> (i32, i32) {
    %c0_i32 = arith.constant 0 : i32
    %c0_i32_0 = arith.constant 0 : i32
    return %arg0, %c0_i32 : i32, i32
  }
  func.func @transform_1(%arg0: i32) -> (i32, i32) {
    %c0_i32 = arith.constant 0 : i32
    %c0_i32_0 = arith.constant 0 : i32
    return %arg0, %c0_i32 : i32, i32
  }
  func.func @transform_2(%arg0: i32) -> (i32, i32) {
    %c0_i32 = arith.constant 0 : i32
    %c0_i32_0 = arith.constant 0 : i32
    %c0_i32_1 = arith.constant 0 : i32
    return %c0_i32, %c0_i32_0 : i32, i32
  }
  func.func @transform_3(%arg0: i32) -> (i32, i32) {
    %c0_i32 = arith.constant 0 : i32
    %c0_i32_0 = arith.constant 0 : i32
    %c0_i32_1 = arith.constant 0 : i32
    return %c0_i32, %c0_i32_0 : i32, i32
  }
  func.func @transform_4(%arg0: i32) -> (i32, i32) {
    %c0_i32 = arith.constant 0 : i32
    %c0_i32_0 = arith.constant 0 : i32
    %c0_i32_1 = arith.constant 0 : i32
    return %c0_i32, %c0_i32_0 : i32, i32
  }
  func.func @transform_5(%arg0: i32) -> (i32, i32) {
    %c0_i32 = arith.constant 0 : i32
    %c0_i32_0 = arith.constant 0 : i32
    %c0_i32_1 = arith.constant 0 : i32
    return %c0_i32, %c0_i32_0 : i32, i32
  }
  func.func @transform_6(%arg0: i32) -> (i32, i32) {
    %c0_i32 = arith.constant 0 : i32
    %c0_i32_0 = arith.constant 0 : i32
    %c0_i32_1 = arith.constant 0 : i32
    return %c0_i32, %c0_i32_0 : i32, i32
  }
  func.func @transform_7(%arg0: i32) -> (i32, i32) {
    %c0_i32 = arith.constant 0 : i32
    %c0_i32_0 = arith.constant 0 : i32
    %c0_i32_1 = arith.constant 0 : i32
    return %c0_i32, %c0_i32_0 : i32, i32
  }
  func.func @transform_8(%arg0: i32) -> (i32, i32) {
    %c0_i32 = arith.constant 0 : i32
    %c0_i32_0 = arith.constant 0 : i32
    %c0_i32_1 = arith.constant 0 : i32
    return %c0_i32, %c0_i32_0 : i32, i32
  }
  func.func @transform_9(%arg0: i32) -> i32 {
    %c0_i32 = arith.constant 0 : i32
    return %arg0 : i32
  }
}

</mosaic_0001>

<sc_bundles>
// kernel: kernel.5.cloned.1.call-start
scs
__scs_entry_jumppad:
0x0: {  	(pc) =	sbr.rel $0x88, $3  }
0x1: {  	(tag) =	ssettag $0x0;
	lr =	simm.s32 $0x1  }
0x2: {  	[smem:$0x3F97] =	sst lr;
	_ =	strace $0xD0000000  }
0x3: {  	_ = 	snop  }
0x4: {  	_ = 	snop  }
0x5: {  	_ = 	snop  }
0x6: {  	_ = 	snop  }
0x7: {  	_ = 	snop  }
__scs_overlays_trampoline_lowered:
0x8: {  	[smem:$0x3FA6] =	sst s0  }
0x9: {  	[smem:$0x3FA7] =	sst s1  }
0xa: {  	[smem:$0x3FA8] =	sst s2  }
0xb: {  	[smem:$0x3FA9] =	sst s3  }
0xc: {  	[smem:$0x3FAA] =	sst s4  }
0xd: {  	[smem:$0x3FAB] =	sst s5  }
0xe: {  	[smem:$0x3FAC] =	sst s6  }
0xf: {  	[smem:$0x3FAD] =	sst s7  }
0x10: {  	[smem:$0x3FAE] =	sst s8  }
0x11: {  	[smem:$0x3FAF] =	sst s9;
	s0 =	simm.s32 @!p0 $0x0  }
0x12: {  	s1 =	sld [smem:$0x3F95];
	s0 =	simm.s32 @p0 $0x1  }
0x13: {  	[smem:$0x3FB0] =	sst s0;
	s0 =	simm.s32 @!p1 $0x0  }
0x14: {  	s2 =	sld [smem:$0x3F94];
	s0 =	simm.s32 @p1 $0x1  }
0x15: {  	[smem:$0x3FB1] =	sst s0;
	s0 =	simm.s32 @!p2 $0x0  }
0x16: {  	s3 =	sld [smem:$0x3FDB];
	s0 =	simm.s32 @p2 $0x1  }
0x17: {  	s4 =	simm.s32 $0x1BF5;
	[smem:$0x3FB3] =	sst s0  }
0x18: {  	s0 =	sld [smem:$0x3F96];
	_ =	swait.ge [sflag:s4], $0x0  }
0x19: {  	s7 =	sld [smem:$0x3F97]  }
0x1a: {  	s8 =	sadd.s32 $0xFFFFE003, lr  }
0x1b: {  	s9 =	sadd.s32 $0xFFFFFEF7, lr;
	s5 =	simm.s32 $0xFFFFFFFF;
	p2 =	slt.u32 s8, $0xFFFFF086  }
0x1c: {  	p1 =	slt.u32 s9, $0xF7A;
	s5 =	simm.s32 @!p2 $0x0  }
0x1d: {  	s5 =	simm.s32 @p1 $0x1;
	p0 =	seq.s32 s7, s2  }
0x1e: {  	s7 =	smul.u32 @!p0 $0xF7A, s2;
	p2 =	seq.s32 @!p0 s5, $0x0  }
0x1f: {  	s9 =	smul.u32 $0xF7A, s1;
	s8 =	simm.s32 @!p0 $0x1BF5;
	p2 =	por !p2, p0  }
0x20: {  	[sflag:s8] =	ssyncset.s32 @!p0 $0xFFFFF086;
	s6 =	sadd.s32 @!p0 s3, s7;
	s7 =	simm.s32 @!p0 $0x108  }
0x21: {  	s3 =	sadd.s32 s3, s9;
	s6 =	sadd.s32 @!p0 $0x88, s6;
	s7 =	simm.s32 @p2 $0x1082  }
0x22: {  	[simem:s7], [sflag:s8] =	dma.local @!p0 [hbm:s6], $0xF7A  }
0x23: {  	s9 =	sor.u32 $0xD0000000, s2;
	s6 =	simm.s32 $0x108;
	_ =	swait.ge @!p0 [sflag:s8], $0x0  }
0x24: {  	s3 =	sadd.s32 $0x88, s3;
	s6 =	simm.s32 @!p1 $0x1082;
	[sflag:s4] =	ssyncset.s32 $0xFFFFF086  }
0x25: {  	[simem:s6], [sflag:s4] =	dma.local [hbm:s3], $0xF7A  }
0x26: {  	[smem:$0x3F97] =	sst s1;
	(tag) =	ssettag s2;
	_ =	strace s9  }
0x27: {  	s1 =	sld [smem:$0x3FA7]  }
0x28: {  	s2 =	sld [smem:$0x3FA8]  }
0x29: {  	s4 =	sld [smem:$0x3FAA]  }
0x2a: {  	p0 =	seq.s32 s5, $0x0;
	s5 =	sld [smem:$0x3FAB]  }
0x2b: {  	s6 =	sld [smem:$0x3FAC]  }
0x2c: {  	s7 =	sld [smem:$0x3FAD]  }
0x2d: {  	s3 =	simm.s32 $0x108;
	s8 =	sld [smem:$0x3FAE]  }
0x2e: {  	s3 =	simm.s32 @!p0 $0x1082;
	s9 =	sld [smem:$0x3FAF]  }
0x2f: {  	lr =	sadd.s32 s0, s3;
	s0 =	sld [smem:$0x3FA6]  }
0x30: {  	s3 =	sld [smem:$0x3FA9]  }
0x31: {  	[smem:$0x3FB2] =	sst s10  }
0x32: {  	s10 =	sld [smem:$0x3FB0];
	_ =	sdelay $0x3  }
0x33: {  	p0 =	seq.s32 s10, $0x1;
	s10 =	sld [smem:$0x3FB2];
	_ =	sdelay $0x3  }
0x34: {  	[smem:$0x3FB2] =	sst s10  }
0x35: {  	s10 =	sld [smem:$0x3FB1];
	_ =	sdelay $0x3  }
0x36: {  	p1 =	seq.s32 s10, $0x1;
	s10 =	sld [smem:$0x3FB2];
	_ =	sdelay $0x3  }
0x37: {  	[smem:$0x3FB2] =	sst s10  }
0x38: {  	s10 =	sld [smem:$0x3FB3]  }
0x39: {  	_ = 	snop;
	(pc) =	sbr.ind lr, $3  }
0x3a: {  	_ = 	snop  }
0x3b: {  	_ = 	snop  }
0x3c: {  	p2 =	seq.s32 s10, $0x1;
	s10 =	sld [smem:$0x3FB2]  }
0x3d: {  	_ =	shalt  }
0x3e: {  	_ =	shalt  }
0x3f: {  	_ =	shalt  }
0x40: {  	_ =	shalt  }
0x41: {  	_ =	shalt  }
0x42: {  	_ =	shalt  }
0x43: {  	_ =	shalt  }
0x44: {  	_ =	shalt  }
0x45: {  	_ =	shalt  }
0x46: {  	_ =	shalt  }
0x47: {  	_ =	shalt  }
0x48: {  	_ =	shalt  }
0x49: {  	_ =	shalt  }
0x4a: {  	_ =	shalt  }
0x4b: {  	_ =	shalt  }
0x4c: {  	_ =	shalt  }
0x4d: {  	_ =	shalt  }
0x4e: {  	_ =	shalt  }
0x4f: {  	_ =	shalt  }
0x50: {  	_ =	shalt  }
0x51: {  	_ =	shalt  }
0x52: {  	_ =	shalt  }
0x53: {  	_ =	shalt  }
0x54: {  	_ =	shalt  }
0x55: {  	_ =	shalt  }
0x56: {  	_ =	shalt  }
0x57: {  	_ =	shalt  }
0x58: {  	_ =	shalt  }
0x59: {  	_ =	shalt  }
0x5a: {  	_ =	shalt  }
0x5b: {  	_ =	shalt  }
0x5c: {  	_ =	shalt  }
0x5d: {  	_ =	shalt  }
0x5e: {  	_ =	shalt  }
0x5f: {  	_ =	shalt  }
0x60: {  	_ =	shalt  }
0x61: {  	_ =	shalt  }
0x62: {  	_ =	shalt  }
0x63: {  	_ =	shalt  }
0x64: {  	_ =	shalt  }
0x65: {  	_ =	shalt  }
0x66: {  	_ =	shalt  }
0x67: {  	_ =	shalt  }
0x68: {  	_ =	shalt  }
0x69: {  	_ =	shalt  }
0x6a: {  	_ =	shalt  }
0x6b: {  	_ =	shalt  }
0x6c: {  	_ =	shalt  }
0x6d: {  	_ =	shalt  }
0x6e: {  	_ =	shalt  }
0x6f: {  	_ =	shalt  }
0x70: {  	_ =	shalt  }
0x71: {  	_ =	shalt  }
0x72: {  	_ =	shalt  }
0x73: {  	_ =	shalt  }
0x74: {  	_ =	shalt  }
0x75: {  	_ =	shalt  }
0x76: {  	_ =	shalt  }
0x77: {  	_ =	shalt  }
0x78: {  	_ =	shalt  }
0x79: {  	_ =	shalt  }
0x7a: {  	_ =	shalt  }
0x7b: {  	_ =	shalt  }
0x7c: {  	_ =	shalt  }
0x7d: {  	_ =	shalt  }
0x7e: {  	_ =	shalt  }
0x7f: {  	_ =	shalt  }
0x80: {  	_ =	shalt  }
0x81: {  	_ =	shalt  }
0x82: {  	_ =	shalt  }
0x83: {  	_ =	shalt  }
0x84: {  	_ =	shalt  }
0x85: {  	_ =	shalt  }
0x86: {  	_ =	shalt  }
0x87: {  	_ =	shalt  }
.Lfunc_end0:
.L_simem_size_0:
called_computation_lowered:
.L_overlay_start_0:
0x88: {  	s2 =	sld [smem:$0x3FD9]  }
0x89: {  	s3 =	sld [smem:$0x3FFE];
	_ =	sdelay $0x1  }
0x8a: {  	s1 =	srdreg.scid  }
0x8b: {  	s0 =	sand.u32 $0x1, s1  }
0x8c: {  	s17 =	sshll.u32 s0, $0xA;
	s2 =	sadd.s32 s3, s2  }
0x8d: {  	s2 =	sadd.s32 s2, s17  }
0x8e: {  	[smem:$0x3FBE] =	sst s2  }
0x8f: {  	_ = 	snop  }
0x90: {  	s2 =	sld [smem:$0x3FC7]  }
0x91: {  	s18 =	sld [smem:$0x3FC6]  }
0x92: {  	s4 =	sld [smem:$0x3FD0];
	(tm) =	ssettm $0x1  }
0x93: {  	s5 =	sld [smem:$0x3FFB];
	_ =	sdelay $0x3  }
0x94: {  	_ =	strace s5  }
0x95: {  	s5 =	sld [smem:$0x3FFC];
	_ =	sdelay $0x3  }
0x96: {  	_ =	strace s5  }
0x97: {  	s5 =	sld [smem:$0x3FFD];
	_ =	sdelay $0x3  }
0x98: {  	_ =	strace s5  }
0x99: {  	_ =	strace $0x8FFFFFFF  }
0x9a: {  	s19 =	sld [smem:$0x3FDB];
	_ =	sdelay $0x1  }
0x9b: {  	s6 =	simm.s32 $_scs_section_size  }
0x9c: {  	s7 =	simm.s32 $_size__tile_overlayer_lowered;
	s8 =	simm.s32 $_tile_overlayer_lowered  }
0x9d: {  	s22 =	simm.s32 $0x1BFF;
	s21 =	sshll.u32 s8, $0x1;
	s5 =	sadd.s32 s6, s19  }
0x9e: {  	s9 =	simm.s32 $0x0;
	s20 =	sshll.u32 s7, $0x1;
	s7 =	sadd.s32 s21, s5  }
0x9f: {  	[timem:s9], [sflag:s22] =	dma.local [hbm:s7], s20  }
0xa0: {  	_ =	swait.ge [sflag:s22], s20  }
0xa1: {  	s6 =	ssub.s32 $0x0, s20;
	[sflag:s22] =	ssyncset.done $0x0  }
0xa2: {  	[sflag:s22] =	ssyncadd.s32 s6;
	_ =	sdelay $0x1  }
0xa3: {  	s23 =	simm.s32 $0x1B8B  }
0xa4: {  	_ =	swait.ge [sflag:s23], $0x1  }
0xa5: {  	[sflag:s23] =	ssyncset.done $0x0  }
0xa6: {  	s25 =	simm.s32 $0x1B8E;
	s24 =	sld [smem:$0x3FFE];
	[sflag:s23] =	ssyncadd.s32 $0xFFFFFFFF  }
0xa7: {  	s26 =	simm.s32 $execute0_lowered;
	[smem:$0x3FD2] =	sst s25  }
0xa8: {  	s7 =	sshll.u32 s26, $0x1;
	_ =	strace $0x80000046;
	[dreg:$0x1] =	wrdreg $0xFFFFFFFF  }
0xa9: {  	s28 =	simm.s32 $_size_execute0_lowered;
	s5 =	sadd.s32 s5, s7;
	[dreg:$0x0] =	wrdreg $0x0  }
0xaa: {  	s7 =	sshll.u32 s28, $0x1;
	[dreg:$0x2] =	wrdreg s5  }
0xab: {  	[dreg:$0x3] =	wrdreg s7  }
0xac: {  	[dreg:$0x4] =	wrdreg $0xC0  }
0xad: {  	_ =	task [dreg:s9], $0x5FFFF  }
0xae: {  	[dreg:$0x1] =	wrdreg $0xFFFFFFFF  }
0xaf: {  	[dreg:$0x0] =	wrdreg $0x60  }
0xb0: {  	[dreg:$0x2] =	wrdreg s2  }
0xb1: {  	[dreg:$0x3] =	wrdreg s18  }
0xb2: {  	[dreg:$0x4] =	wrdreg s4  }
0xb3: {  	[dreg:$0x5] =	wrdreg s24  }
0xb4: {  	[dreg:$0x6] =	wrdreg $0x9  }
0xb5: {  	_ =	task.clear_ibuf [dreg:s9], $0x7FFFF;
	_ =	strace $0x90000046  }
0xb6: {  	s29 =	simm.s32 $0x9;
	_ =	strace $0x80000048  }
0xb7: {  	_ =	swait.ge [sflag:s29], $0x1  }
0xb8: {  	[sflag:s29] =	ssyncadd.s32 $0xFFFFFFFF  }
0xb9: {  	_ =	strace $0x90000048  }
0xba: {  	_ =	sfence  }
0xbb: {  	s30 =	sld [smem:$0x0];
	_ =	sdelay $0x2  }
0xbc: {  	s31 =	sshll.u32 s1, $0xD;
	s1 =	sshrl.u32 s1, $0x2  }
0xbd: {  	s3 =	sand.u32 $0x4000, s31;
	s1 =	sadd.s32 s1, s30  }
0xbe: {  	s0 =	sor.u32 s3, s0;
	s1 =	sshll.u32 s1, $0x11  }
0xbf: {  	s0 =	sor.u32 s1, s0  }
0xc0: {  	s0 =	sadd.s32 $0x8F2B, s0  }
0xc1: {  	[sflag:s0] =	ssyncadd.remote.s32 $0x1  }
0xc2: {  	_ =	sfence.sel $0xFFFF  }
0xc3: {  	[dreg:$0x0] =	wrdreg $0xFFFFFFFF;
	(pc) =	sbr.abs _section_cstart, $3  }
0xc4: {  	[dreg:$0x1] =	wrdreg $0xFFFFFFFF  }
0xc5: {  	_ =	task.clear_ibuf [dreg:s9], $0x2FFFF;
	_ =	strace $0x9FFFFFFF  }
0xc6: {  	(tm) =	ssettm $0x7FFFFFFF  }
0xc7: {  	_ =	shalt  }
tec
execute0_lowered:
.L_overlay_start_1:
0x0: {  	(tag) =	ssettag $0x1  }
0x1: {  	v0 =	vimm.s32 $0x1380;
	vm14 =	vcmask $0x300  }
0x2: {  	vm13 =	vcmask $0x704;
	vm12 =	vcmask $0xB08;
	vm11 =	vcmask $0xF0C  }
0x3: {  	vm10 =	vcmask $0x1310;
	vm9 =	vcmask $0x1714;
	vm8 =	vcmask $0x1B18  }
0x4: {  	vm7 =	vcmask $0x1F1C;
	vm6 =	vcmask $0x2320;
	vm5 =	vcmask $0x2724  }
0x5: {  	vm4 =	vcmask $0x2B28;
	vm3 =	vcmask $0x2F2C;
	vm2 =	vcmask $0x3330  }
0x6: {  	vm1 =	vcmask $0x3734;
	vm0 =	vcmask $0x3B38;
	v1 =	vimm.s32 $0x3380  }
0x7: {  	v38 =	vimm.s32 $0x13A0;
	v2 =	vimm.s32 $0x13C0;
	v41 =	vimm.s32 $0x13E0  }
0x8: {  	v48 =	vimm.s32 $0x33A0;
	v49 =	vimm.s32 $0x33C0;
	v52 =	vimm.s32 $0x33E0  }
0x9: {  	v54 =	vimm.s32 $0x1390;
	v55 =	vimm.s32 $0x13B0;
	v0 =	vsel vm14, $0x0, v0  }
0xa: {  	v58 =	vimm.s32 $0x13D0;
	v59 =	vimm.s32 $0x13F0;
	v0 =	vsel vm13, $0x80, v0  }
0xb: {  	v60 =	vimm.s32 $0x3390;
	v61 =	vimm.s32 $0x33B0;
	v0 =	vsel vm12, $0x100, v0  }
0xc: {  	v62 =	vimm.s32 $0x33D0;
	v63 =	vimm.s32 $0x33F0;
	v0 =	vsel vm11, $0x180, v0  }
0xd: {  	v37 =	vsel vm14, $0x2000, v1;
	v1 =	vsel vm14, $0x20, v38;
	v0 =	vsel vm10, $0x200, v0  }
0xe: {  	v2 =	vsel vm14, $0x40, v2;
	v47 =	vsel vm14, $0x60, v41;
	v0 =	vsel vm9, $0x280, v0  }
0xf: {  	v53 =	vsel vm14, $0x2060, v52;
	v1 =	vsel vm13, $0xA0, v1;
	v0 =	vsel vm8, $0x300, v0  }
0x10: {  	v2 =	vsel vm13, $0xC0, v2;
	v1 =	vsel vm12, $0x120, v1;
	v0 =	vsel vm7, $0x380, v0  }
0x11: {  	v2 =	vsel vm12, $0x140, v2;
	v1 =	vsel vm11, $0x1A0, v1;
	v0 =	vsel vm6, $0x1000, v0  }
0x12: {  	v2 =	vsel vm11, $0x1C0, v2;
	v1 =	vsel vm10, $0x220, v1;
	v0 =	vsel vm5, $0x1080, v0  }
0x13: {  	v2 =	vsel vm10, $0x240, v2;
	v1 =	vsel vm9, $0x2A0, v1;
	v0 =	vsel vm4, $0x1100, v0  }
0x14: {  	v2 =	vsel vm9, $0x2C0, v2;
	v1 =	vsel vm8, $0x320, v1;
	v0 =	vsel vm3, $0x1180, v0  }
0x15: {  	v2 =	vsel vm8, $0x340, v2;
	v1 =	vsel vm7, $0x3A0, v1;
	v0 =	vsel vm2, $0x1200, v0  }
0x16: {  	v2 =	vsel vm7, $0x3C0, v2;
	v1 =	vsel vm6, $0x1020, v1;
	v0 =	vsel vm1, $0x1280, v0  }
0x17: {  	v2 =	vsel vm6, $0x1040, v2;
	v42 =	vsel vm0, $0x1300, v0;
	v0 =	vsel vm13, $0x2080, v37  }
0x18: {  	v1 =	vsel vm5, $0x10A0, v1;
	v2 =	vsel vm5, $0x10C0, v2;
	v0 =	vsel vm12, $0x2100, v0  }
0x19: {  	v1 =	vsel vm4, $0x1120, v1;
	v2 =	vsel vm4, $0x1140, v2;
	v0 =	vsel vm11, $0x2180, v0  }
0x1a: {  	v1 =	vsel vm3, $0x11A0, v1;
	v2 =	vsel vm3, $0x11C0, v2;
	v0 =	vsel vm10, $0x2200, v0  }
0x1b: {  	v39 =	vsel vm2, $0x1220, v1;
	v40 =	vsel vm2, $0x1240, v2;
	v0 =	vsel vm9, $0x2280, v0  }
0x1c: {  	v2 =	vsel vm14, $0x2040, v49;
	v1 =	vsel vm1, $0x12C0, v40;
	v0 =	vsel vm8, $0x2300, v0  }
0x1d: {  	v2 =	vsel vm13, $0x20C0, v2;
	v45 =	vsel vm0, $0x1340, v1;
	v0 =	vsel vm7, $0x2380, v0  }
0x1e: {  	v1 =	vsel vm14, $0x2020, v48;
	v2 =	vsel vm12, $0x2140, v2;
	v0 =	vsel vm6, $0x3000, v0  }
0x1f: {  	v1 =	vsel vm13, $0x20A0, v1;
	v2 =	vsel vm11, $0x21C0, v2;
	v0 =	vsel vm5, $0x3080, v0  }
0x20: {  	v1 =	vsel vm12, $0x2120, v1;
	v2 =	vsel vm10, $0x2240, v2;
	v0 =	vsel vm4, $0x3100, v0  }
0x21: {  	v1 =	vsel vm11, $0x21A0, v1;
	v2 =	vsel vm9, $0x22C0, v2;
	v0 =	vsel vm3, $0x3180, v0  }
0x22: {  	v1 =	vsel vm10, $0x2220, v1;
	v2 =	vsel vm8, $0x2340, v2;
	v0 =	vsel vm2, $0x3200, v0  }
0x23: {  	v1 =	vsel vm9, $0x22A0, v1;
	v2 =	vsel vm7, $0x23C0, v2;
	v0 =	vsel vm1, $0x3280, v0  }
0x24: {  	v1 =	vsel vm8, $0x2320, v1;
	v43 =	vsel vm0, $0x3300, v0;
	v0 =	vsel vm1, $0x12A0, v39  }
0x25: {  	v2 =	vsel vm6, $0x3040, v2;
	v44 =	vsel vm0, $0x1320, v0;
	v0 =	vsel vm13, $0xE0, v47  }
0x26: {  	v1 =	vsel vm7, $0x23A0, v1;
	v2 =	vsel vm5, $0x30C0, v2;
	v0 =	vsel vm12, $0x160, v0  }
0x27: {  	v1 =	vsel vm6, $0x3020, v1;
	v2 =	vsel vm4, $0x3140, v2;
	v0 =	vsel vm11, $0x1E0, v0  }
0x28: {  	v1 =	vsel vm5, $0x30A0, v1;
	v2 =	vsel vm3, $0x31C0, v2;
	v0 =	vsel vm10, $0x260, v0  }
0x29: {  	v1 =	vsel vm4, $0x3120, v1;
	v51 =	vsel vm2, $0x3240, v2;
	v0 =	vsel vm9, $0x2E0, v0  }
0x2a: {  	v2 =	vsel vm14, $0x30, v55;
	v1 =	vsel vm3, $0x31A0, v1;
	v0 =	vsel vm8, $0x360, v0  }
0x2b: {  	v2 =	vsel vm13, $0xB0, v2;
	v50 =	vsel vm2, $0x3220, v1;
	v0 =	vsel vm7, $0x3E0, v0  }
0x2c: {  	v1 =	vsel vm1, $0x32C0, v51;
	v2 =	vsel vm12, $0x130, v2;
	v0 =	vsel vm6, $0x1060, v0  }
0x2d: {  	v48 =	vsel vm0, $0x3340, v1;
	v1 =	vsel vm14, $0x10, v54;
	v0 =	vsel vm5, $0x10E0, v0  }
0x2e: {  	v2 =	vsel vm11, $0x1B0, v2;
	v1 =	vsel vm13, $0x90, v1;
	v0 =	vsel vm4, $0x1160, v0  }
0x2f: {  	v2 =	vsel vm10, $0x230, v2;
	v1 =	vsel vm12, $0x110, v1;
	v0 =	vsel vm3, $0x11E0, v0  }
0x30: {  	v2 =	vsel vm9, $0x2B0, v2;
	v1 =	vsel vm11, $0x190, v1;
	v0 =	vsel vm2, $0x1260, v0  }
0x31: {  	v2 =	vsel vm8, $0x330, v2;
	v1 =	vsel vm10, $0x210, v1;
	v0 =	vsel vm1, $0x12E0, v0  }
0x32: {  	v2 =	vsel vm7, $0x3B0, v2;
	v46 =	vsel vm0, $0x1360, v0;
	v0 =	vsel vm1, $0x32A0, v50  }
0x33: {  	v1 =	vsel vm9, $0x290, v1;
	v47 =	vsel vm0, $0x3320, v0;
	v0 =	vsel vm13, $0x20E0, v53  }
0x34: {  	v2 =	vsel vm6, $0x1030, v2;
	v1 =	vsel vm8, $0x310, v1;
	v0 =	vsel vm12, $0x2160, v0  }
0x35: {  	v2 =	vsel vm5, $0x10B0, v2;
	v1 =	vsel vm7, $0x390, v1;
	v0 =	vsel vm11, $0x21E0, v0  }
0x36: {  	v2 =	vsel vm4, $0x1130, v2;
	v1 =	vsel vm6, $0x1010, v1;
	v0 =	vsel vm10, $0x2260, v0  }
0x37: {  	v2 =	vsel vm3, $0x11B0, v2;
	v1 =	vsel vm5, $0x1090, v1;
	v0 =	vsel vm9, $0x22E0, v0  }
0x38: {  	v57 =	vsel vm2, $0x1230, v2;
	v2 =	vsel vm14, $0x2010, v60;
	v0 =	vsel vm8, $0x2360, v0  }
0x39: {  	v1 =	vsel vm4, $0x1110, v1;
	v2 =	vsel vm13, $0x2090, v2;
	v0 =	vsel vm7, $0x23E0, v0  }
0x3a: {  	v1 =	vsel vm3, $0x1190, v1;
	v2 =	vsel vm12, $0x2110, v2;
	v0 =	vsel vm6, $0x3060, v0  }
0x3b: {  	v56 =	vsel vm2, $0x1210, v1;
	v1 =	vsel vm1, $0x12B0, v57;
	v0 =	vsel vm5, $0x30E0, v0  }
0x3c: {  	v2 =	vsel vm11, $0x2190, v2;
	v52 =	vsel vm0, $0x1330, v1;
	v0 =	vsel vm4, $0x3160, v0  }
0x3d: {  	v1 =	vsel vm14, $0x70, v59;
	v2 =	vsel vm10, $0x2210, v2;
	v0 =	vsel vm3, $0x31E0, v0  }
0x3e: {  	v50 =	vlaneseq.u32;
	v1 =	vsel vm13, $0xF0, v1;
	v0 =	vsel vm2, $0x3260, v0  }
0x3f: {  	v2 =	vsel vm9, $0x2290, v2;
	v1 =	vsel vm12, $0x170, v1;
	v0 =	vsel vm1, $0x32E0, v0  }
0x40: {  	v1 =	vsel vm11, $0x1F0, v1;
	v49 =	vsel vm0, $0x3360, v0;
	v0 =	vsel vm1, $0x1290, v56  }
0x41: {  	v1 =	vsel vm10, $0x270, v1;
	v51 =	vsel vm0, $0x1310, v0;
	v0 =	vsel vm14, $0x50, v58  }
0x42: {  	v55 =	vor.u32 $0x10, v50;
	v1 =	vsel vm9, $0x2F0, v1;
	v0 =	vsel vm13, $0xD0, v0  }
0x43: {  	v2 =	vsel vm8, $0x2310, v2;
	v1 =	vsel vm8, $0x370, v1;
	v0 =	vsel vm12, $0x150, v0  }
0x44: {  	v2 =	vsel vm7, $0x2390, v2;
	v1 =	vsel vm7, $0x3F0, v1;
	v0 =	vsel vm11, $0x1D0, v0  }
0x45: {  	v2 =	vsel vm6, $0x3010, v2;
	v1 =	vsel vm6, $0x1070, v1;
	v0 =	vsel vm10, $0x250, v0  }
0x46: {  	v2 =	vsel vm5, $0x3090, v2;
	v1 =	vsel vm5, $0x10F0, v1;
	v0 =	vsel vm9, $0x2D0, v0  }
0x47: {  	v2 =	vsel vm4, $0x3110, v2;
	v1 =	vsel vm4, $0x1170, v1;
	v0 =	vsel vm8, $0x350, v0  }
0x48: {  	v2 =	vsel vm3, $0x3190, v2;
	v1 =	vsel vm3, $0x11F0, v1;
	v0 =	vsel vm7, $0x3D0, v0  }
0x49: {  	v2 =	vsel vm2, $0x3210, v2;
	v1 =	vsel vm2, $0x1270, v1;
	v0 =	vsel vm6, $0x1050, v0  }
0x4a: {  	s1 =	rddreg [dreg:$0x0];
	v2 =	vsel vm1, $0x3290, v2;
	v1 =	vsel vm1, $0x12F0, v1;
	v0 =	vsel vm5, $0x10D0, v0  }
0x4b: {  	s0 =	rddreg [dreg:$0x1];
	v54 =	vsel vm0, $0x1370, v1;
	v1 =	vsel vm14, $0x2050, v62;
	v0 =	vsel vm4, $0x1150, v0  }
0x4c: {  	s3 =	rddreg [dreg:$0x3];
	s2 =	simm.s32 $0x0;
	v56 =	vsel vm0, $0x3310, v2;
	v2 =	vsel vm14, $0x2070, v63;
	v0 =	vsel vm3, $0x11D0, v0  }
0x4d: {  	s28 =	simm.s32 $0xC3800;
	[smem:$0x7FF] =	sst s2;
	s5 =	sadd.s32 $0x1C00, s3;
	v1 =	vsel vm13, $0x20D0, v1;
	v2 =	vsel vm13, $0x20F0, v2;
	v0 =	vsel vm2, $0x1250, v0  }
0x4e: {  	s4 =	srdreg.scid;
	s6 =	stileid.u32;
	_ =	strace $0x80000047;
	[tilespmem:$0x1FEF0] =	vst v42;
	v1 =	vsel vm12, $0x2150, v1;
	v2 =	vsel vm12, $0x2170, v2;
	v0 =	vsel vm1, $0x12D0, v0  }
0x4f: {  	s31 =	simm.s32 $0x1;
	s7 =	sshll.u32 s6, $0x1;
	s6 =	sadd.s32 $0x3D2800, s3;
	[tilespmem:$0x1FF20] =	vst v45;
	v1 =	vsel vm11, $0x21D0, v1;
	v53 =	vsel vm0, $0x1350, v0;
	v0 =	vsel vm14, $0x2030, v61  }
0x50: {  	s29 =	simm.s32 $0x0;
	s4 =	sand.u32 $0x1, s4;
	s12 =	sadd.s32 $0x434200, s3;
	[tilespmem:$0x1FF00] =	vst v43;
	v2 =	vsel vm11, $0x21F0, v2;
	v1 =	vsel vm10, $0x2250, v1;
	v0 =	vsel vm13, $0x20B0, v0  }
0x51: {  	s15 =	sadd.s32 $0x8000, s0;
	[dreg:$0x5] =	wrdreg s5;
	s5 =	sadd.s32 $0x1E00, s3;
	[tilespmem:$0x1FF50] =	vst v48;
	v2 =	vsel vm10, $0x2270, v2;
	v1 =	vsel vm9, $0x22D0, v1;
	v0 =	vsel vm12, $0x2130, v0  }
0x52: {  	s8 =	ssub.s32 $0x2, s4;
	s7 =	sor.u32 s4, s7;
	s3 =	sadd.s32 $0x3D2600, s3;
	[tilespmem:$0x1FF10] =	vst v44;
	v2 =	vsel vm9, $0x22F0, v2;
	v1 =	vsel vm8, $0x2350, v1;
	v0 =	vsel vm11, $0x21B0, v0  }
0x53: {  	[dreg:$0x6] =	wrdreg s12;
	s9 =	sshrl.u32 s8, $0x1;
	s23 =	sshll.u32 s7, $0xB;
	[tilespmem:$0x1FF80] =	vst v52;
	v2 =	vsel vm8, $0x2370, v2;
	v1 =	vsel vm7, $0x23D0, v1;
	v0 =	vsel vm10, $0x2230, v0  }
0x54: {  	s11 =	sor.u32 $0x20, s7;
	s24 =	sshll.u32 s7, $0x9;
	[dreg:$0x8] =	wrdreg s3;
	[tilespmem:$0x1FF30] =	vst v46;
	v2 =	vsel vm7, $0x23F0, v2;
	v1 =	vsel vm6, $0x3050, v1;
	v0 =	vsel vm9, $0x22B0, v0  }
0x55: {  	s22 =	ssub.s32 s8, s9;
	s10 =	sshll.u32 s11, $0xB;
	s9 =	sadd.s32 $0x20000, s1;
	[tilespmem:$0x1FF40] =	vst v47;
	v2 =	vsel vm6, $0x3070, v2;
	v1 =	vsel vm5, $0x30D0, v1;
	v0 =	vsel vm8, $0x2330, v0  }
0x56: {  	s8 =	sadd.s32 s1, s23;
	s25 =	sshll.u32 s11, $0x9;
	s23 =	simm.s32 $0x1000;
	[tilespmem:$0x1FFF0] =	vst v55;
	v2 =	vsel vm5, $0x30F0, v2;
	v1 =	vsel vm4, $0x3150, v1;
	v0 =	vsel vm7, $0x23B0, v0  }
0x57: {  	p0 =	seq.s32 s7, $0x1;
	s3 =	simm.s32 $0x2;
	s26 =	sadd.s32 $0x1E8500, s8;
	[tilespmem:$0x1FFA0] =	vst v54;
	v2 =	vsel vm4, $0x3170, v2;
	v1 =	vsel vm3, $0x31D0, v1;
	v0 =	vsel vm6, $0x3030, v0  }
0x58: {  	p1 =	sne.s32 @!p0 s7, $0x0;
	s10 =	sadd.s32 s1, s10;
	s18 =	sadd.s32 $0xF4280, s8;
	[tilespmem:$0x1FF60] =	vst v49;
	v2 =	vsel vm3, $0x31F0, v2;
	v1 =	vsel vm2, $0x3250, v1;
	v0 =	vsel vm5, $0x30B0, v0  }
0x59: {  	s1 =	sadd.s32 s0, s24;
	s30 =	smax.u32 s22, $0x1;
	s19 =	sadd.s32 $0x2DC780, s8;
	[tilespmem:$0x1FFB0] =	vst v56;
	v2 =	vsel vm2, $0x3270, v2;
	v1 =	vsel vm1, $0x32D0, v1;
	v0 =	vsel vm4, $0x3130, v0  }
.Ltmp0:
0x5a: {  	p1 =	por p1, p0;
	[dreg:$0x7] =	wrdreg s1;
	[tilespmem:$0x1FF70] =	vst v51;
	v2 =	vsel vm1, $0x32F0, v2;
	v58 =	vsel vm0, $0x3350, v1;
	v0 =	vsel vm3, $0x31B0, v0;
	(pc) =	sbr.rel .LBB2_1-.Ltmp0, $4  }
0x5b: {  	s24 =	simm.s32 $0x3;
	s1 =	sadd.s32 s0, s25;
	[dreg:$0xa] =	wrdreg s26;
	v59 =	vsel vm0, $0x3370, v2;
	[tilespmem:$0x1FFD0] =	vst v58;
	v0 =	vsel vm2, $0x3230, v0  }
0x5c: {  	[dreg:$0xb] =	wrdreg s30;
	s20 =	sadd.s32 $0xF4280, s10;
	s21 =	sadd.s32 $0x1E8500, s10;
	[tilespmem:$0x1FFE0] =	vst v59;
	v0 =	vsel vm1, $0x32B0, v0  }
0x5d: {  	s22 =	sadd.s32 $0x2DC780, s10;
	s26 =	simm.s32 $0x4000;
	s0 =	simm.s32 $0xC000;
	[tilespmem:$0x1FF90] =	vst v53;
	v57 =	vsel vm0, $0x3330, v0  }
0x5e: {  	s25 =	simm.s32 $0x4;
	[dreg:$0x9] =	wrdreg s1;
	s1 =	simm.s32 $0x8000;
	[tilespmem:$0x1FFC0] =	vst v57  }
.LBB2_23:
0x5f: {  	_ =	swait.ge [sflag:s24], $0x1000  }
0x60: {  	[sflag:s24] =	ssyncset.done $0x0  }
0x61: {  	[sflag:s24] =	ssyncadd.s32 $0xFFFFF000  }
0x62: {  	_ =	swait.ge [sflag:s25], $0x1000  }
0x63: {  	s4 =	simm.s32 @p0 $0x0;
	[sflag:s25] =	ssyncset.done $0x0  }
0x64: {  	s11 =	simm.s32 @p0 $0x8000;
	s12 =	rddreg [dreg:$0x5];
	[sflag:s25] =	ssyncadd.s32 $0xFFFFF000  }
0x65: {  	[tilespmem:s11], [sflag:$0x5] =	stream.linear.gather @p0 [hbm4b:s12+s4], $0x400, $0x38;
	[tilespmem:$0x10000] =	vst v63  }
0x66: {  	s12 =	simm.s32 @p0 $0x5  }
0x67: {  	_ =	swait.ge @p0 [sflag:s12], $0x400  }
0x68: {  	[sflag:s12] =	ssyncset.done @p0 $0x0  }
0x69: {  	s13 =	rddreg [dreg:$0x6];
	[sflag:s12] =	ssyncadd.s32 @p0 $0xFFFFFC00  }
0x6a: {  	[hbm4b:s13+s4] =	stream.linear.scatter @p0 [tilespmem:s11], [sflag:$0x5], $0x400, $0x38;
	[tilespmem:$0x10000] =	vst v63  }
0x6b: {  	_ =	swait.ge @p0 [sflag:s12], $0x400  }
0x6c: {  	[sflag:s12] =	ssyncset.done @p0 $0x0  }
0x6d: {  	[sflag:s12] =	ssyncadd.s32 @p0 $0xFFFFFC00  }
0x6e: {  	s4 =	simm.s32 @!p1 $0x0;
	s11 =	simm.s32 @!p1 $0x8000;
	s12 =	rddreg [dreg:$0x2]  }
0x6f: {  	[tilespmem:s11], [sflag:$0x5] =	stream.linear.gather @!p1 [hbm4b:s12+s4], $0x800, $0x38;
	[tilespmem:$0x10000] =	vst v63  }
0x70: {  	s12 =	simm.s32 @!p1 $0x5  }
0x71: {  	_ =	swait.ge @!p1 [sflag:s12], $0x800  }
0x72: {  	[sflag:s12] =	ssyncset.done @!p1 $0x0  }
0x73: {  	s13 =	rddreg [dreg:$0x8];
	[sflag:s12] =	ssyncadd.s32 @!p1 $0xFFFFF800  }
0x74: {  	[hbm4b:s13+s4] =	stream.linear.scatter @!p1 [tilespmem:s11], [sflag:$0x5], $0x800, $0x38;
	[tilespmem:$0x10000] =	vst v63  }
0x75: {  	_ =	swait.ge @!p1 [sflag:s12], $0x800  }
0x76: {  	s29 =	sadd.s32 $0x1, s29;
	s30 =	rddreg [dreg:$0xb]  }
0x77: {  	p2 =	sne.s32 s29, s30  }
.Ltmp1:
0x78: {  	_ = 	snop;
	(pc) =	sbr.rel @!p2 .LBB2_24-.Ltmp1, $3  }
0x79: {  	_ =	sdelay $0x1  }
0x7a: {  	[sflag:s12] =	ssyncset.done @!p1 $0x0  }
0x7b: {  	[sflag:s12] =	ssyncadd.s32 @!p1 $0xFFFFF800  }
.LBB2_1:
0x7c: {  	[tilespmem:s2], [sflag:$0x1] =	stream.linear.gather [hbm4b:s8+s2], $0x4000, $0x38;
	[tilespmem:$0x10000] =	vst v63  }
0x7d: {  	_ = 	snop  }
0x7e: {  	[tilespmem:s23], [sflag:$0x1] =	stream.linear.gather [hbm4b:s18+s2], $0x4000, $0x38;
	[tilespmem:$0x10000] =	vst v63  }
0x7f: {  	s4 =	rddreg [dreg:$0xa];
	s11 =	simm.s32 $0x2000  }
0x80: {  	[tilespmem:s11], [sflag:$0x1] =	stream.linear.gather [hbm4b:s4+s2], $0x4000, $0x38;
	[tilespmem:$0x10000] =	vst v63  }
0x81: {  	s13 =	simm.s32 $0x3000  }
0x82: {  	[tilespmem:s13], [sflag:$0x1] =	stream.linear.gather [hbm4b:s19+s2], $0x4000, $0x38;
	[tilespmem:$0x10000] =	vst v63  }
0x83: {  	_ = 	snop  }
0x84: {  	[tilespmem:s26], [sflag:$0x2] =	stream.linear.gather [hbm4b:s10+s2], $0x4000, $0x38;
	[tilespmem:$0x10000] =	vst v63  }
0x85: {  	s14 =	simm.s32 $0x5000  }
0x86: {  	[tilespmem:s14], [sflag:$0x2] =	stream.linear.gather [hbm4b:s20+s2], $0x4000, $0x38;
	[tilespmem:$0x10000] =	vst v63  }
.Ltmp2:
0x87: {  	_ = 	snop;
	(pc) =	sbr.rel .LBB2_2-.Ltmp2, $4  }
0x88: {  	s16 =	simm.s32 $0x6000  }
0x89: {  	[tilespmem:s16], [sflag:$0x2] =	stream.linear.gather [hbm4b:s21+s2], $0x4000, $0x38;
	[tilespmem:$0x10000] =	vst v63  }
0x8a: {  	s17 =	simm.s32 $0x7000;
	s30 =	simm.s32 $0x0  }
0x8b: {  	[tilespmem:s17], [sflag:$0x2] =	stream.linear.gather [hbm4b:s22+s2], $0x4000, $0x38;
	[tilespmem:$0x10000] =	vst v63  }
.LBB2_12:
0x8c: {  	s30 =	sadd.s32 $0x1, s30  }
0x8d: {  	p2 =	sne.s32 s30, $0x1F  }
.Ltmp3:
0x8e: {  	_ = 	snop;
	(pc) =	sbr.rel @!p2 .LBB2_13-.Ltmp3, $1  }
0x8f: {  	_ =	sdelay $0x3  }
.LBB2_2:
0x90: {  	_ =	swait.ge [sflag:s31], $0x10000  }
0x91: {  	p2 =	seq.s32 s30, $0x0;
	[sflag:s31] =	ssyncset.done $0x0  }
0x92: {  	s11 =	simm.s32 @!p2 $0x3;
	[sflag:s31] =	ssyncadd.s32 $0xFFFF0000  }
0x93: {  	_ =	swait.ge @!p2 [sflag:s11], $0x4000  }
0x94: {  	s4 =	sshll.u32 s30, $0x6;
	s12 =	simm.s32 $0x0;
	[sflag:s11] =	ssyncset.done @!p2 $0x0  }
0x95: {  	s4 =	sor.u32 s7, s4;
	[sflag:s11] =	ssyncadd.s32 @!p2 $0xFFFFC000;
	s11 =	simm.s32 $0x0  }
.LBB2_3:
0x96: {  	s13 =	sshll.u32 s12, $0x7  }
0x97: {  	v0 =	vmov s13  }
0x98: {  	s13 =	sshll.u32 s12, $0x5;
	v0 =	vshrl.u32 v0, $0x7  }
0x99: {  	s14 =	sor.u32 $0x4, s13;
	s16 =	sor.u32 $0xC, s13;
	v59 =	vmov s13;
	v0 =	vshll.u32 v0, $0xA  }
0x9a: {  	s17 =	sor.u32 $0x10, s13;
	v35 =	vmov s14;
	s14 =	sor.u32 $0x8, s13;
	v33 =	vmov s16;
	s16 =	sor.u32 $0x14, s13;
	v0 =	vbroadcast v0, $0x0  }
0x9b: {  	v30 =	vmov s17;
	s17 =	sor.u32 $0x18, s13;
	v34 =	vmov s14;
	v31 =	vmov s16  }
0x9c: {  	v32 =	vmov s17;
	v60 =	vor.u32 v42, v0;
	v25 =	vor.u32 v43, v0  }
0x9d: {  	v37 =	vadd.s32 v42, v0;
	v18 =	vadd.s32 v43, v0;
	v62 =	vadd.s32 v44, v0  }
0x9e: {  	v61 =	vadd.s32 v45, v0;
	v42 =	vadd.s32 v46, v0;
	v27 =	vadd.s32 v47, v0  }
0x9f: {  	s13 =	sor.u32 $0x1C, s13;
	v28 =	vadd.s32 v48, v0;
	v26 =	vadd.s32 v49, v0;
	v0 =	vadd.s32 s11, v50  }
0xa0: {  	v29 =	vmov s13;
	v5 =	vand.u32 $0xF, v0;
	v1 =	vor.u32 $0x10, v0  }
0xa1: {  	v3 =	vor.u32 $0x30, v0;
	v2 =	vshll.u32 v0, $0x5;
	v8 =	vor.u32 $0x50, v0  }
0xa2: {  	v0 =	vor.u32 $0x70, v0;
	v4 =	vor.u32 v60, v5;
	v6 =	vor.u32 v42, v5  }
0xa3: {  	v2 =	vand.u32 $0x60, v2;
	v7 =	vadd.s32 v37, v1;
	v9 =	vor.u32 v62, v5  }
0xa4: {  	v10 =	vshrl.u32 v5, $0x2;
	v12 =	vadd.s32 v37, v3;
	v13 =	vadd.s32 v37, v8  }
0xa5: {  	v16 =	vor.u32 v61, v5;
	v24 =	vadd.s32 v37, v0;
	v1 =	vadd.s32 v18, v1  }
0xa6: {  	v40 =	vadd.s32 v18, v8;
	v63 =	vadd.s32 v18, v0;
	v11 =	vor.u32 v55, v2  }
0xa7: {  	v14 =	vor.u32 v59, v10;
	v15 =	vor.u32 v35, v10;
	v2 =	vor.u32 v50, v2  }
0xa8: {  	v19 =	vor.u32 v31, v10;
	v21 =	vor.u32 v30, v10;
	v22 =	vor.u32 v33, v10  }
0xa9: {  	v23 =	vor.u32 v32, v10;
	v36 =	vor.u32 v29, v10;
	v10 =	vor.u32 v34, v10  }
0xaa: {  	[tilespmem:$0x1FEB0] =	vst v1;
	v1 =	vor.u32 v25, v5;
	v14 =	vshll.u32 v14, $0x7;
	v15 =	vshll.u32 v15, $0x7  }
0xab: {  	v21 =	vshll.u32 v21, $0x7;
	v19 =	vshll.u32 v19, $0x7;
	v23 =	vshll.u32 v23, $0x7  }
0xac: {  	v22 =	vshll.u32 v22, $0x7;
	v36 =	vshll.u32 v36, $0x7;
	v10 =	vshll.u32 v10, $0x7  }
0xad: {  	v17 =	vor.u32 v2, v14;
	v20 =	vor.u32 v2, v15;
	v41 =	vor.u32 v2, v21  }
0xae: {  	v45 =	vor.u32 v2, v19;
	v57 =	vor.u32 v2, v23;
	v54 =	vor.u32 v2, v22  }
0xaf: {  	[tilespmem:$0x1FDE0] =	vst v59;
	v23 =	vor.u32 v11, v23;
	v51 =	vor.u32 v2, v10;
	v39 =	vor.u32 v11, v10  }
0xb0: {  	s16 =	simm.s32 $0x1;
	[tilespmem:$0x1FDF0] =	vst v35;
	v52 =	vor.u32 v11, v14;
	v53 =	vor.u32 v11, v15;
	v58 =	vor.u32 v11, v19  }
0xb1: {  	[tilespmem:$0x1FE20] =	vst v30;
	v14 =	vadd.s32 s16, v50;
	v10 =	vor.u32 v11, v21;
	v56 =	vor.u32 v11, v36;
	v8 =	vld.idx.msk [tilespmem:v24+s2+$0x0], $0xffff  }
0xb2: {  	[tilespmem:$0x1FDA0] =	vst v23;
	v23 =	vor.u32 v2, v36;
	v2 =	vor.u32 v27, v5;
	v36 =	vand.u32 $0xF, v14;
	v9 =	vld.idx.msk [tilespmem:v9+s2+$0x0], $0xffff  }
0xb3: {  	[tilespmem:$0x1FE30] =	vst v33;
	v19 =	vor.u32 $0x10, v14;
	v38 =	vor.u32 $0x30, v14;
	v21 =	vor.u32 $0x50, v14;
	v4 =	vld.idx.msk [tilespmem:v4+s2+$0x0], $0xffff  }
0xb4: {  	[tilespmem:$0x1FED0] =	vst v2;
	v2 =	vor.u32 v11, v22;
	v11 =	vshll.u32 v14, $0x5;
	v7 =	vld.idx.msk [tilespmem:v7+s2+$0x0], $0xffff;
	v43 =	vor.u32 v60, v36  }
0xb5: {  	[tilespmem:$0x1FDB0] =	vst v60;
	v12 =	vld.idx.msk [tilespmem:v12+s2+$0x0], $0xffff;
	v44 =	vadd.s32 v37, v19;
	v46 =	vor.u32 v62, v36;
	v22 =	vshrl.u32 v36, $0x2  }
0xb6: {  	v15 =	vld.idx.msk [tilespmem:v16+s2+$0x0], $0xffff;
	v48 =	vadd.s32 v37, v38;
	v47 =	vadd.s32 v37, v21;
	v49 =	vor.u32 v61, v36  }
0xb7: {  	[tilespmem:$0x1FDD0] =	vst v62;
	v6 =	vld.idx.msk [tilespmem:v6+s2+$0x0], $0xffff;
	v11 =	vand.u32 $0x60, v11;
	v24 =	vor.u32 v59, v22;
	v62 =	vor.u32 v35, v22  }
0xb8: {  	v13 =	vld.idx.msk [tilespmem:v13+s2+$0x0], $0xffff;
	v16 =	vor.u32 v55, v11;
	[tilespmem:v17+s1+$0x0] =	vst.idx.msk $0xffff, v4;
	v4 =	vor.u32 v50, v11  }
0xb9: {  	[tilespmem:$0x1FE50] =	vst v37;
	v17 =	vshll.u32 v24, $0x7;
	v11 =	vor.u32 v31, v22;
	v24 =	vor.u32 $0x70, v14  }
0xba: {  	v14 =	vor.u32 v32, v22;
	[tilespmem:v20+s1+$0x0] =	vst.idx.msk $0xffff, v7;
	v50 =	vor.u32 v4, v17;
	v7 =	vshll.u32 v62, $0x7  }
0xbb: {  	v59 =	vadd.s32 v37, v24;
	v0 =	vshll.u32 v11, $0x7;
	v11 =	vor.u32 v34, v22;
	[tilespmem:v51+s1+$0x0] =	vst.idx.msk $0xffff, v9  }
0xbc: {  	v51 =	vor.u32 v4, v7;
	v9 =	vor.u32 v30, v22;
	[tilespmem:v54+s1+$0x0] =	vst.idx.msk $0xffff, v12  }
0xbd: {  	v7 =	vor.u32 v16, v7;
	v12 =	vor.u32 v33, v22;
	v37 =	vshll.u32 v9, $0x7;
	[tilespmem:v41+s1+$0x0] =	vst.idx.msk $0xffff, v15  }
0xbe: {  	v54 =	vor.u32 v4, v0;
	v9 =	vshll.u32 v14, $0x7;
	[tilespmem:v45+s1+$0x0] =	vst.idx.msk $0xffff, v13;
	v13 =	vor.u32 v28, v5  }
0xbf: {  	v55 =	vor.u32 v4, v37;
	v12 =	vshll.u32 v12, $0x7;
	[tilespmem:v57+s1+$0x0] =	vst.idx.msk $0xffff, v6;
	v6 =	vor.u32 v29, v22  }
0xc0: {  	v60 =	vor.u32 v16, v9;
	v62 =	vor.u32 v4, v12;
	[tilespmem:v23+s1+$0x0] =	vst.idx.msk $0xffff, v8;
	v8 =	vshll.u32 v6, $0x7  }
0xc1: {  	[tilespmem:$0x1FE00] =	vst v61;
	v57 =	vor.u32 v4, v9;
	v6 =	vshll.u32 v11, $0x7;
	v61 =	vor.u32 v4, v8;
	v20 =	vld.idx.msk [tilespmem:v1+s2+$0x0], $0xffff  }
0xc2: {  	[tilespmem:$0x1FE10] =	vst v31;
	v11 =	vor.u32 v4, v6;
	v4 =	vadd.s32 v18, v24;
	v24 =	vor.u32 v26, v5;
	v5 =	vld [tilespmem:$0x1FED0]  }
0xc3: {  	v15 =	vor.u32 v16, v17;
	v14 =	vor.u32 v16, v12;
	v12 =	vor.u32 v16, v0;
	v9 =	vld.idx.msk [tilespmem:v13+s2+$0x0], $0xffff  }
0xc4: {  	[tilespmem:$0x1FE40] =	vst v32;
	v6 =	vor.u32 v16, v6;
	v1 =	vor.u32 v16, v37;
	v13 =	vor.u32 v16, v8;
	v16 =	vld [tilespmem:$0x1FEB0]  }
0xc5: {  	[tilespmem:$0x1FE70] =	vst v29;
	v23 =	vadd.s32 v18, v3  }
0xc6: {  	[tilespmem:$0x1FE80] =	vst v34  }
0xc7: {  	[tilespmem:$0x1FDC0] =	vst v42  }
0xc8: {  	[tilespmem:$0x1FE60] =	vst v28  }
0xc9: {  	s17 =	simm.s32 $0x2;
	[tilespmem:$0x1FE90] =	vst v27;
	v35 =	vlaneseq.u32;
	v8 =	vld.idx.msk [tilespmem:v63+s2+$0x0], $0xffff  }
0xca: {  	[tilespmem:$0x1FEA0] =	vst v18;
	v42 =	vor.u32 v42, v36;
	v0 =	vadd.s32 v18, v19;
	v19 =	vadd.s32 s17, v35;
	v23 =	vld.idx.msk [tilespmem:v23+s2+$0x0], $0xffff  }
0xcb: {  	[tilespmem:$0x1FEC0] =	vst v26;
	v17 =	vadd.s32 v18, v21;
	v41 =	vand.u32 $0xF, v19;
	v45 =	vor.u32 $0x30, v19;
	v22 =	vld.idx.msk [tilespmem:v5+s2+$0x0], $0xffff  }
0xcc: {  	s13 =	simm.s32 $0x3;
	[tilespmem:$0x1FEE0] =	vst v25;
	v3 =	vor.u32 v27, v36;
	v63 =	vor.u32 $0x10, v19;
	v5 =	vor.u32 v25, v36;
	v21 =	vld.idx.msk [tilespmem:v16+s2+$0x0], $0xffff  }
.LBB2_4:
0xcd: {  	v18 =	vld [tilespmem:$0x1FDB0];
	_ =	sdelay $0x4  }
0xce: {  	v25 =	vor.u32 v18, v41;
	v18 =	vld [tilespmem:$0x1FDC0];
	_ =	sdelay $0x4  }
0xcf: {  	v26 =	vor.u32 v18, v41;
	v18 =	vld [tilespmem:$0x1FDE0];
	_ =	sdelay $0x2  }
0xd0: {  	v24 =	vld.idx.msk [tilespmem:v24+s2+$0x0], $0xffff  }
0xd1: {  	v31 =	vld.idx.msk [tilespmem:v40+s2+$0x0], $0xffff;
	[tilespmem:v52+s1+$0x0] =	vst.idx.msk $0xffff, v20;
	v20 =	vshrl.u32 v41, $0x2  }
0xd2: {  	[tilespmem:v53+s1+$0x0] =	vst.idx.msk $0xffff, v21;
	v21 =	vor.u32 v18, v20;
	v18 =	vld [tilespmem:$0x1FDF0];
	_ =	sdelay $0x4  }
0xd3: {  	v35 =	vor.u32 v18, v20;
	v18 =	vld [tilespmem:$0x1FE40]  }
0xd4: {  	v16 =	vshll.u32 v19, $0x5  }
0xd5: {  	v27 =	vand.u32 $0x60, v16;
	v16 =	vld [tilespmem:$0x1FDD0];
	[tilespmem:v39+s1+$0x0] =	vst.idx.msk $0xffff, v22  }
0xd6: {  	v52 =	vmov v15;
	v15 =	vld [tilespmem:$0x1FE30];
	[tilespmem:v2+s1+$0x0] =	vst.idx.msk $0xffff, v23  }
0xd7: {  	v39 =	vmov v6;
	v6 =	vld [tilespmem:$0x1FE00];
	[tilespmem:v10+s1+$0x0] =	vst.idx.msk $0xffff, v9  }
0xd8: {  	[tilespmem:v58+s1+$0x0] =	vst.idx.msk $0xffff, v31;
	v31 =	vor.u32 v18, v20;
	v18 =	vld [tilespmem:$0x1FDA0]  }
0xd9: {  	v10 =	vld [tilespmem:$0x1FE20]  }
0xda: {  	v40 =	vmov v17;
	v17 =	vor.u32 v16, v41;
	v16 =	vld [tilespmem:$0x1FFF0]  }
0xdb: {  	v2 =	vld [tilespmem:$0x1FE10];
	_ =	sdelay $0x1  }
0xdc: {  	v29 =	vor.u32 $0x50, v19;
	v19 =	vor.u32 $0x70, v19  }
0xdd: {  	v30 =	vld [tilespmem:$0x1FE50];
	v15 =	vor.u32 v15, v20;
	v22 =	vor.u32 v6, v41;
	v10 =	vor.u32 v10, v20  }
0xde: {  	v6 =	vlaneseq.u32;
	v16 =	vor.u32 v16, v27;
	v34 =	vshll.u32 v10, $0x7;
	v10 =	vld [tilespmem:$0x1FE70]  }
0xdf: {  	v6 =	vor.u32 v6, v27;
	v2 =	vor.u32 v2, v20;
	[tilespmem:v18+s1+$0x0] =	vst.idx.msk $0xffff, v24;
	v18 =	vmov v60  }
0xe0: {  	v27 =	vshll.u32 v35, $0x7;
	v35 =	vshll.u32 v2, $0x7;
	v2 =	vshll.u32 v31, $0x7;
	[tilespmem:$0x1FDA0] =	vst v18  }
0xe1: {  	v60 =	vor.u32 v16, v2;
	[tilespmem:v56+s1+$0x0] =	vst.idx.msk $0xffff, v8;
	v18 =	vshll.u32 v15, $0x7;
	v15 =	vor.u32 v6, v2;
	v2 =	vld [tilespmem:$0x1FE80]  }
0xe2: {  	v28 =	vadd.s32 v30, v63;
	v24 =	vadd.s32 v30, v19;
	v31 =	vld.idx.msk [tilespmem:v59+s2+$0x0], $0xffff  }
0xe3: {  	v32 =	vadd.s32 v30, v45;
	v10 =	vor.u32 v10, v20;
	v59 =	vmov v24;
	v24 =	vld.idx.msk [tilespmem:v46+s2+$0x0], $0xffff  }
0xe4: {  	v53 =	vmovc v7;
	v33 =	vadd.s32 v30, v29;
	v58 =	vmovc v12;
	v21 =	vshll.u32 v21, $0x7;
	v46 =	vmov v17;
	v17 =	vld.idx.msk [tilespmem:v43+s2+$0x0], $0xffff  }
0xe5: {  	v7 =	vor.u32 v6, v34;
	v23 =	vor.u32 v6, v21;
	v37 =	vshll.u32 v10, $0x7;
	v43 =	vmovc v25;
	v25 =	vld.idx.msk [tilespmem:v44+s2+$0x0], $0xffff  }
0xe6: {  	v10 =	vmovc v1;
	v9 =	vor.u32 v6, v27;
	v44 =	vmov v28;
	v28 =	vld.idx.msk [tilespmem:v48+s2+$0x0], $0xffff;
	v56 =	vor.u32 v2, v20  }
0xe7: {  	v8 =	vor.u32 v6, v35;
	v30 =	vor.u32 v6, v18;
	v12 =	vld.idx.msk [tilespmem:v49+s2+$0x0], $0xffff;
	v2 =	vmovc v14;
	v14 =	vshll.u32 v56, $0x7  }
0xe8: {  	v20 =	vor.u32 v6, v37;
	v1 =	vor.u32 v6, v14;
	v6 =	vor.u32 v16, v14;
	v14 =	vld.idx.msk [tilespmem:v47+s2+$0x0], $0xffff  }
0xe9: {  	v56 =	vmov v13;
	v13 =	vld.idx.msk [tilespmem:v42+s2+$0x0], $0xffff;
	[tilespmem:v50+s1+$0x0] =	vst.idx.msk $0xffff, v17  }
0xea: {  	[tilespmem:v51+s1+$0x0] =	vst.idx.msk $0xffff, v25  }
0xeb: {  	[tilespmem:v11+s1+$0x0] =	vst.idx.msk $0xffff, v24;
	v11 =	vmov v1;
	v1 =	vld [tilespmem:$0x1FE60];
	_ =	sdelay $0x3  }
0xec: {  	v51 =	vmov v9;
	v9 =	vld [tilespmem:$0x1FEE0];
	[tilespmem:v62+s1+$0x0] =	vst.idx.msk $0xffff, v28  }
0xed: {  	[tilespmem:v55+s1+$0x0] =	vst.idx.msk $0xffff, v12;
	v1 =	vor.u32 v1, v36  }
0xee: {  	v49 =	vmov v22;
	v22 =	vld [tilespmem:$0x1FE90];
	[tilespmem:v54+s1+$0x0] =	vst.idx.msk $0xffff, v14  }
0xef: {  	v50 =	vmov v23;
	v23 =	vld [tilespmem:$0x1FEA0];
	[tilespmem:v57+s1+$0x0] =	vst.idx.msk $0xffff, v13  }
0xf0: {  	[tilespmem:v61+s1+$0x0] =	vst.idx.msk $0xffff, v31  }
0xf1: {  	v9 =	vor.u32 v9, v41;
	v61 =	vmov v20;
	v20 =	vld.idx.msk [tilespmem:v5+s2+$0x0], $0xffff  }
0xf2: {  	v5 =	vmov v9;
	v9 =	vld.idx.msk [tilespmem:v1+s2+$0x0], $0xffff  }
0xf3: {  	v1 =	vld [tilespmem:$0x1FEC0]  }
0xf4: {  	v42 =	vmov v26;
	v26 =	vor.u32 v22, v41;
	v22 =	vadd.s32 v23, v63  }
0xf5: {  	p3 =	sne.s32 s13, $0xF;
	v17 =	vadd.s32 v23, v29;
	v12 =	vadd.s32 v23, v19;
	v23 =	vadd.s32 v23, v38  }
.Ltmp4:
0xf6: {  	v48 =	vmovc v32;
	v47 =	vmovc v33;
	v62 =	vmov v30;
	v55 =	vmov v7;
	v7 =	vor.u32 v16, v27;
	(pc) =	sbr.rel @p3 .LBB2_4-.Ltmp4, $4  }
0xf7: {  	v28 =	vlaneseq.u32;
	v54 =	vmovc v8;
	v14 =	vor.u32 v16, v18;
	v57 =	vmovc v15;
	v15 =	vor.u32 v16, v21;
	v8 =	vld.idx.msk [tilespmem:v4+s2+$0x0], $0xffff  }
0xf8: {  	s14 =	smov.u32 s13;
	v38 =	vmovc v45;
	v13 =	vor.u32 v16, v37;
	v4 =	vmovc v12;
	v21 =	vld.idx.msk [tilespmem:v0+s2+$0x0], $0xffff;
	v24 =	vor.u32 v1, v36;
	v1 =	vlaneseq.u32  }
0xf9: {  	v12 =	vor.u32 v16, v35;
	v0 =	vmovc v22;
	v22 =	vld.idx.msk [tilespmem:v3+s2+$0x0], $0xffff;
	v19 =	vadd.s32 s14, v1;
	v1 =	vor.u32 v16, v34  }
0xfa: {  	s13 =	sadd.s32 $0x1, s13;
	v3 =	vmovc v26;
	v23 =	vld.idx.msk [tilespmem:v23+s2+$0x0], $0xffff;
	v36 =	vmovc v41;
	v41 =	vand.u32 $0xF, v19;
	v63 =	vor.u32 $0x10, v19;
	v45 =	vor.u32 $0x30, v19  }
0xfb: {  	_ =	sdelay $0x3  }
0xfc: {  	v18 =	vld.idx.msk [tilespmem:v40+s2+$0x0], $0xffff  }
0xfd: {  	v40 =	vld [tilespmem:$0x1FDA0];
	_ =	sdelay $0x1  }
0xfe: {  	v16 =	vld.idx.msk [tilespmem:v24+s2+$0x0], $0xffff;
	[tilespmem:v52+s1+$0x0] =	vst.idx.msk $0xffff, v20  }
0xff: {  	[tilespmem:v53+s1+$0x0] =	vst.idx.msk $0xffff, v21  }
0x100: {  	[tilespmem:v39+s1+$0x0] =	vst.idx.msk $0xffff, v22  }
0x101: {  	[tilespmem:v2+s1+$0x0] =	vst.idx.msk $0xffff, v23  }
0x102: {  	[tilespmem:v10+s1+$0x0] =	vst.idx.msk $0xffff, v9  }
0x103: {  	v27 =	vld [tilespmem:$0x1FE60];
	[tilespmem:v58+s1+$0x0] =	vst.idx.msk $0xffff, v18  }
0x104: {  	v25 =	vld [tilespmem:$0x1FEA0];
	[tilespmem:v40+s1+$0x0] =	vst.idx.msk $0xffff, v16  }
0x105: {  	v26 =	vld [tilespmem:$0x1FEC0];
	[tilespmem:v56+s1+$0x0] =	vst.idx.msk $0xffff, v8  }
0x106: {  	v2 =	vld.idx.msk [tilespmem:v59+s2+$0x0], $0xffff  }
0x107: {  	v8 =	vld.idx.msk [tilespmem:v46+s2+$0x0], $0xffff  }
0x108: {  	v9 =	vld.idx.msk [tilespmem:v43+s2+$0x0], $0xffff  }
0x109: {  	v10 =	vld.idx.msk [tilespmem:v44+s2+$0x0], $0xffff  }
0x10a: {  	v16 =	vld.idx.msk [tilespmem:v48+s2+$0x0], $0xffff  }
0x10b: {  	v18 =	vld.idx.msk [tilespmem:v49+s2+$0x0], $0xffff  }
0x10c: {  	v20 =	vld.idx.msk [tilespmem:v42+s2+$0x0], $0xffff  }
0x10d: {  	v21 =	vld.idx.msk [tilespmem:v47+s2+$0x0], $0xffff;
	[tilespmem:v50+s1+$0x0] =	vst.idx.msk $0xffff, v9  }
0x10e: {  	v24 =	vld [tilespmem:$0x1FDF0];
	[tilespmem:v51+s1+$0x0] =	vst.idx.msk $0xffff, v10  }
0x10f: {  	v30 =	vld [tilespmem:$0x1FE80];
	[tilespmem:v11+s1+$0x0] =	vst.idx.msk $0xffff, v8  }
0x110: {  	v32 =	vld [tilespmem:$0x1FE30];
	[tilespmem:v62+s1+$0x0] =	vst.idx.msk $0xffff, v16  }
0x111: {  	v33 =	vld [tilespmem:$0x1FE20];
	v49 =	vor.u32 v27, v36;
	[tilespmem:v55+s1+$0x0] =	vst.idx.msk $0xffff, v18  }
0x112: {  	v53 =	vld [tilespmem:$0x1FE50];
	[tilespmem:v54+s1+$0x0] =	vst.idx.msk $0xffff, v21  }
0x113: {  	v56 =	vld [tilespmem:$0x1FDB0];
	[tilespmem:v57+s1+$0x0] =	vst.idx.msk $0xffff, v20  }
0x114: {  	v55 =	vld [tilespmem:$0x1FDD0];
	[tilespmem:v61+s1+$0x0] =	vst.idx.msk $0xffff, v2  }
0x115: {  	v50 =	vadd.s32 v25, v38;
	v2 =	vld.idx.msk [tilespmem:v5+s2+$0x0], $0xffff  }
0x116: {  	v51 =	vor.u32 v26, v36;
	v8 =	vld.idx.msk [tilespmem:v49+s2+$0x0], $0xffff  }
0x117: {  	v4 =	vld.idx.msk [tilespmem:v4+s2+$0x0], $0xffff  }
0x118: {  	v0 =	vld.idx.msk [tilespmem:v0+s2+$0x0], $0xffff  }
0x119: {  	v3 =	vld.idx.msk [tilespmem:v3+s2+$0x0], $0xffff  }
0x11a: {  	v5 =	vld.idx.msk [tilespmem:v50+s2+$0x0], $0xffff  }
0x11b: {  	v9 =	vld.idx.msk [tilespmem:v51+s2+$0x0], $0xffff  }
0x11c: {  	v10 =	vld.idx.msk [tilespmem:v17+s2+$0x0], $0xffff;
	[tilespmem:v15+s1+$0x0] =	vst.idx.msk $0xffff, v2  }
0x11d: {  	v35 =	vld [tilespmem:$0x1FE10];
	[tilespmem:v7+s1+$0x0] =	vst.idx.msk $0xffff, v0  }
0x11e: {  	v52 =	vor.u32 $0x70, v19;
	v59 =	vld [tilespmem:$0x1FDC0];
	[tilespmem:v6+s1+$0x0] =	vst.idx.msk $0xffff, v3  }
0x11f: {  	v23 =	vld [tilespmem:$0x1FDE0];
	v54 =	vadd.s32 v53, v52;
	[tilespmem:v14+s1+$0x0] =	vst.idx.msk $0xffff, v5  }
0x120: {  	v22 =	vld [tilespmem:$0x1FE00];
	v62 =	vshrl.u32 v41, $0x2;
	v3 =	vor.u32 v55, v41;
	[tilespmem:v1+s1+$0x0] =	vst.idx.msk $0xffff, v8  }
0x121: {  	v37 =	vld [tilespmem:$0x1FE40];
	v16 =	vor.u32 v30, v62;
	v1 =	vor.u32 v56, v41;
	[tilespmem:v12+s1+$0x0] =	vst.idx.msk $0xffff, v10  }
0x122: {  	v39 =	vld [tilespmem:$0x1FE70];
	v58 =	vshll.u32 v19, $0x5;
	v18 =	vor.u32 v32, v62;
	v57 =	vadd.s32 v53, v63;
	[tilespmem:v60+s1+$0x0] =	vst.idx.msk $0xffff, v9  }
0x123: {  	v46 =	vld [tilespmem:$0x1FEE0];
	v61 =	vor.u32 $0x50, v19;
	v7 =	vor.u32 v59, v41;
	v6 =	vand.u32 $0x60, v58;
	[tilespmem:v13+s1+$0x0] =	vst.idx.msk $0xffff, v4  }
0x124: {  	v28 =	vor.u32 v28, v6;
	v12 =	vor.u32 v23, v62;
	v60 =	vadd.s32 v53, v45;
	v2 =	vld.idx.msk [tilespmem:v54+s2+$0x0], $0xffff  }
0x125: {  	v10 =	vor.u32 v22, v41;
	v12 =	vshll.u32 v12, $0x7;
	v13 =	vor.u32 v24, v62;
	v3 =	vld.idx.msk [tilespmem:v3+s2+$0x0], $0xffff  }
0x126: {  	v11 =	vadd.s32 v53, v61;
	v29 =	vor.u32 v28, v12;
	v13 =	vshll.u32 v13, $0x7;
	v1 =	vld.idx.msk [tilespmem:v1+s2+$0x0], $0xffff  }
0x127: {  	v16 =	vshll.u32 v16, $0x7;
	v18 =	vshll.u32 v18, $0x7;
	v5 =	vld.idx.msk [tilespmem:v57+s2+$0x0], $0xffff;
	v31 =	vor.u32 v28, v13  }
0x128: {  	v21 =	vor.u32 v35, v62;
	v19 =	vor.u32 v33, v62;
	v34 =	vor.u32 v28, v16;
	v7 =	vld.idx.msk [tilespmem:v7+s2+$0x0], $0xffff  }
0x129: {  	v21 =	vshll.u32 v21, $0x7;
	v19 =	vshll.u32 v19, $0x7;
	v36 =	vor.u32 v28, v18;
	v8 =	vld.idx.msk [tilespmem:v60+s2+$0x0], $0xffff  }
0x12a: {  	v38 =	vor.u32 v28, v19;
	v40 =	vor.u32 v28, v21;
	v23 =	vor.u32 v37, v62;
	v10 =	vld.idx.msk [tilespmem:v10+s2+$0x0], $0xffff  }
0x12b: {  	v42 =	vshll.u32 v23, $0x7;
	v11 =	vld.idx.msk [tilespmem:v11+s2+$0x0], $0xffff;
	[tilespmem:v29+s1+$0x0] =	vst.idx.msk $0xffff, v1;
	v1 =	vor.u32 v39, v62  }
0x12c: {  	v43 =	vor.u32 v28, v42;
	[tilespmem:v31+s1+$0x0] =	vst.idx.msk $0xffff, v5;
	v1 =	vshll.u32 v1, $0x7  }
0x12d: {  	v49 =	vld [tilespmem:$0x1FE90];
	[tilespmem:v34+s1+$0x0] =	vst.idx.msk $0xffff, v3;
	v44 =	vor.u32 v28, v1  }
0x12e: {  	[tilespmem:v36+s1+$0x0] =	vst.idx.msk $0xffff, v8;
	v8 =	vor.u32 v46, v41  }
0x12f: {  	v47 =	vor.u32 v27, v41;
	v55 =	vld [tilespmem:$0x1FFF0];
	[tilespmem:v38+s1+$0x0] =	vst.idx.msk $0xffff, v10  }
0x130: {  	v0 =	vadd.s32 v25, v52;
	[tilespmem:v40+s1+$0x0] =	vst.idx.msk $0xffff, v11  }
0x131: {  	v48 =	vadd.s32 v25, v63;
	[tilespmem:v43+s1+$0x0] =	vst.idx.msk $0xffff, v7  }
0x132: {  	v50 =	vadd.s32 v25, v45;
	v45 =	vld [tilespmem:$0x1FF20];
	[tilespmem:v44+s1+$0x0] =	vst.idx.msk $0xffff, v2;
	v2 =	vor.u32 v49, v41  }
0x133: {  	v3 =	vld.idx.msk [tilespmem:v8+s2+$0x0], $0xffff  }
0x134: {  	v51 =	vor.u32 v26, v41;
	v6 =	vor.u32 v55, v6;
	v9 =	vld.idx.msk [tilespmem:v47+s2+$0x0], $0xffff  }
0x135: {  	v4 =	vadd.s32 v25, v61;
	v57 =	vor.u32 v6, v12;
	v0 =	vld.idx.msk [tilespmem:v0+s2+$0x0], $0xffff  }
0x136: {  	v58 =	vor.u32 v6, v13;
	v5 =	vld.idx.msk [tilespmem:v48+s2+$0x0], $0xffff  }
0x137: {  	v59 =	vor.u32 v6, v16;
	v2 =	vld.idx.msk [tilespmem:v2+s2+$0x0], $0xffff  }
0x138: {  	v60 =	vor.u32 v6, v18;
	v7 =	vld.idx.msk [tilespmem:v50+s2+$0x0], $0xffff  }
0x139: {  	v61 =	vor.u32 v6, v19;
	v8 =	vld.idx.msk [tilespmem:v51+s2+$0x0], $0xffff  }
0x13a: {  	v62 =	vor.u32 v6, v21;
	v4 =	vld.idx.msk [tilespmem:v4+s2+$0x0], $0xffff;
	[tilespmem:v57+s1+$0x0] =	vst.idx.msk $0xffff, v3  }
0x13b: {  	s12 =	sadd.s32 $0x1, s12;
	v63 =	vor.u32 v6, v42;
	v42 =	vld [tilespmem:$0x1FEF0];
	[tilespmem:v58+s1+$0x0] =	vst.idx.msk $0xffff, v5  }
0x13c: {  	p3 =	sne.s32 s12, $0x4;
	v1 =	vor.u32 v6, v1;
	v46 =	vld [tilespmem:$0x1FF30];
	[tilespmem:v59+s1+$0x0] =	vst.idx.msk $0xffff, v2  }
.Ltmp5:
0x13d: {  	v43 =	vld [tilespmem:$0x1FF00];
	[tilespmem:v60+s1+$0x0] =	vst.idx.msk $0xffff, v7;
	(pc) =	sbr.rel @p3 .LBB2_3-.Ltmp5, $4  }
0x13e: {  	v48 =	vld [tilespmem:$0x1FF50];
	[tilespmem:v61+s1+$0x0] =	vst.idx.msk $0xffff, v9  }
0x13f: {  	v44 =	vld [tilespmem:$0x1FF10];
	[tilespmem:v62+s1+$0x0] =	vst.idx.msk $0xffff, v4  }
0x140: {  	v49 =	vld [tilespmem:$0x1FF60];
	[tilespmem:v63+s1+$0x0] =	vst.idx.msk $0xffff, v8  }
0x141: {  	v47 =	vld [tilespmem:$0x1FF40];
	v50 =	vlaneseq.u32;
	[tilespmem:v1+s1+$0x0] =	vst.idx.msk $0xffff, v0  }
0x142: {  	s11 =	sshll.u32 s4, $0xB  }
0x143: {  	p3 =	sgt.u32 s4, $0x760;
	s12 =	sadd.s32 s5, s11  }
0x144: {  	[hbm4b:s12+s2] =	stream.linear.scatter [tilespmem:s1], [sflag:$0x3], $0x4000, $0x38;
	[tilespmem:$0x10000] =	vst v63  }
0x145: {  	s11 =	sadd.s32 @!p3 s11, s9;
	s12 =	simm.s32 @!p3 $0x0  }
0x146: {  	[tilespmem:s12], [sflag:$0x1] =	stream.linear.gather @!p3 [hbm4b:s11+s12], $0x4000, $0x38;
	[tilespmem:$0x10000] =	vst v63  }
0x147: {  	s14 =	simm.s32 @!p3 $0x1000;
	s13 =	sadd.s32 @!p3 $0xF4280, s11  }
0x148: {  	[tilespmem:s14], [sflag:$0x1] =	stream.linear.gather @!p3 [hbm4b:s13+s12], $0x4000, $0x38;
	[tilespmem:$0x10000] =	vst v63  }
0x149: {  	s13 =	sadd.s32 @!p3 $0x1E8500, s11;
	s14 =	simm.s32 @!p3 $0x2000  }
0x14a: {  	[tilespmem:s14], [sflag:$0x1] =	stream.linear.gather @!p3 [hbm4b:s13+s12], $0x4000, $0x38;
	[tilespmem:$0x10000] =	vst v63  }
0x14b: {  	s4 =	sor.u32 $0x20, s4;
	s11 =	sadd.s32 @!p3 $0x2DC780, s11;
	s13 =	simm.s32 @!p3 $0x3000  }
0x14c: {  	[tilespmem:s13], [sflag:$0x1] =	stream.linear.gather @!p3 [hbm4b:s11+s12], $0x4000, $0x38;
	[tilespmem:$0x10000] =	vst v63  }
0x14d: {  	p3 =	sgt.u32 s4, $0x7A0  }
.Ltmp6:
0x14e: {  	_ = 	snop;
	(pc) =	sbr.rel @p3 .LBB2_12-.Ltmp6, $1  }
0x14f: {  	_ =	sdelay $0x3  }
0x150: {  	_ =	swait.ge [sflag:s3], $0x10000  }
0x151: {  	[sflag:s3] =	ssyncset.done $0x0  }
0x152: {  	s11 =	simm.s32 @!p2 $0x4;
	[sflag:s3] =	ssyncadd.s32 $0xFFFF0000  }
0x153: {  	_ =	swait.ge @!p2 [sflag:s11], $0x4000  }
0x154: {  	[sflag:s11] =	ssyncset.done @!p2 $0x0  }
0x155: {  	s12 =	simm.s32 $0x0;
	[sflag:s11] =	ssyncadd.s32 @!p2 $0xFFFFC000;
	s11 =	simm.s32 $0x0  }
.LBB2_8:
0x156: {  	s13 =	sshll.u32 s12, $0x7  }
0x157: {  	v0 =	vmov s13  }
0x158: {  	s13 =	sshll.u32 s12, $0x5;
	v0 =	vshrl.u32 v0, $0x7  }
0x159: {  	s14 =	sor.u32 $0x4, s13;
	s16 =	sor.u32 $0xC, s13;
	v59 =	vmov s13;
	v0 =	vshll.u32 v0, $0xA  }
0x15a: {  	s17 =	sor.u32 $0x10, s13;
	v35 =	vmov s14;
	s14 =	sor.u32 $0x8, s13;
	v33 =	vmov s16;
	s16 =	sor.u32 $0x14, s13;
	v0 =	vbroadcast v0, $0x0  }
0x15b: {  	v30 =	vmov s17;
	s17 =	sor.u32 $0x18, s13;
	v34 =	vmov s14;
	v31 =	vmov s16  }
0x15c: {  	v32 =	vmov s17;
	v60 =	vor.u32 v42, v0;
	v25 =	vor.u32 v43, v0  }
0x15d: {  	v37 =	vadd.s32 v42, v0;
	v18 =	vadd.s32 v43, v0;
	v62 =	vadd.s32 v44, v0  }
0x15e: {  	v61 =	vadd.s32 v45, v0;
	v42 =	vadd.s32 v46, v0;
	v27 =	vadd.s32 v47, v0  }
0x15f: {  	s13 =	sor.u32 $0x1C, s13;
	v28 =	vadd.s32 v48, v0;
	v26 =	vadd.s32 v49, v0;
	v0 =	vadd.s32 s11, v50  }
0x160: {  	v29 =	vmov s13;
	v5 =	vand.u32 $0xF, v0;
	v1 =	vor.u32 $0x10, v0  }
0x161: {  	v3 =	vor.u32 $0x30, v0;
	v2 =	vshll.u32 v0, $0x5;
	v8 =	vor.u32 $0x50, v0  }
0x162: {  	v0 =	vor.u32 $0x70, v0;
	v4 =	vor.u32 v60, v5;
	v6 =	vor.u32 v42, v5  }
0x163: {  	v2 =	vand.u32 $0x60, v2;
	v7 =	vadd.s32 v37, v1;
	v9 =	vor.u32 v62, v5  }
0x164: {  	v10 =	vshrl.u32 v5, $0x2;
	v12 =	vadd.s32 v37, v3;
	v13 =	vadd.s32 v37, v8  }
0x165: {  	v16 =	vor.u32 v61, v5;
	v24 =	vadd.s32 v37, v0;
	v1 =	vadd.s32 v18, v1  }
0x166: {  	v40 =	vadd.s32 v18, v8;
	v63 =	vadd.s32 v18, v0;
	v11 =	vor.u32 v55, v2  }
0x167: {  	v14 =	vor.u32 v59, v10;
	v15 =	vor.u32 v35, v10;
	v2 =	vor.u32 v50, v2  }
0x168: {  	v19 =	vor.u32 v31, v10;
	v21 =	vor.u32 v30, v10;
	v22 =	vor.u32 v33, v10  }
0x169: {  	v23 =	vor.u32 v32, v10;
	v36 =	vor.u32 v29, v10;
	v10 =	vor.u32 v34, v10  }
0x16a: {  	[tilespmem:$0x1FD60] =	vst v1;
	v1 =	vor.u32 v25, v5;
	v14 =	vshll.u32 v14, $0x7;
	v15 =	vshll.u32 v15, $0x7  }
0x16b: {  	v21 =	vshll.u32 v21, $0x7;
	v19 =	vshll.u32 v19, $0x7;
	v23 =	vshll.u32 v23, $0x7  }
0x16c: {  	v22 =	vshll.u32 v22, $0x7;
	v36 =	vshll.u32 v36, $0x7;
	v10 =	vshll.u32 v10, $0x7  }
0x16d: {  	v17 =	vor.u32 v2, v14;
	v20 =	vor.u32 v2, v15;
	v41 =	vor.u32 v2, v21  }
0x16e: {  	v45 =	vor.u32 v2, v19;
	v57 =	vor.u32 v2, v23;
	v54 =	vor.u32 v2, v22  }
0x16f: {  	[tilespmem:$0x1FC90] =	vst v59;
	v23 =	vor.u32 v11, v23;
	v51 =	vor.u32 v2, v10;
	v39 =	vor.u32 v11, v10  }
0x170: {  	s16 =	simm.s32 $0x1;
	[tilespmem:$0x1FCA0] =	vst v35;
	v52 =	vor.u32 v11, v14;
	v53 =	vor.u32 v11, v15;
	v58 =	vor.u32 v11, v19  }
0x171: {  	[tilespmem:$0x1FCD0] =	vst v30;
	v14 =	vadd.s32 s16, v50;
	v10 =	vor.u32 v11, v21;
	v56 =	vor.u32 v11, v36;
	v8 =	vld.idx.msk [tilespmem:v24+s26+$0x0], $0xffff  }
0x172: {  	[tilespmem:$0x1FC50] =	vst v23;
	v23 =	vor.u32 v2, v36;
	v2 =	vor.u32 v27, v5;
	v36 =	vand.u32 $0xF, v14;
	v9 =	vld.idx.msk [tilespmem:v9+s26+$0x0], $0xffff  }
0x173: {  	[tilespmem:$0x1FCE0] =	vst v33;
	v19 =	vor.u32 $0x10, v14;
	v38 =	vor.u32 $0x30, v14;
	v21 =	vor.u32 $0x50, v14;
	v4 =	vld.idx.msk [tilespmem:v4+s26+$0x0], $0xffff  }
0x174: {  	[tilespmem:$0x1FD80] =	vst v2;
	v2 =	vor.u32 v11, v22;
	v11 =	vshll.u32 v14, $0x5;
	v7 =	vld.idx.msk [tilespmem:v7+s26+$0x0], $0xffff;
	v43 =	vor.u32 v60, v36  }
0x175: {  	[tilespmem:$0x1FC60] =	vst v60;
	v12 =	vld.idx.msk [tilespmem:v12+s26+$0x0], $0xffff;
	v44 =	vadd.s32 v37, v19;
	v46 =	vor.u32 v62, v36;
	v22 =	vshrl.u32 v36, $0x2  }
0x176: {  	v15 =	vld.idx.msk [tilespmem:v16+s26+$0x0], $0xffff;
	v48 =	vadd.s32 v37, v38;
	v47 =	vadd.s32 v37, v21;
	v49 =	vor.u32 v61, v36  }
0x177: {  	[tilespmem:$0x1FC80] =	vst v62;
	v6 =	vld.idx.msk [tilespmem:v6+s26+$0x0], $0xffff;
	v11 =	vand.u32 $0x60, v11;
	v24 =	vor.u32 v59, v22;
	v62 =	vor.u32 v35, v22  }
0x178: {  	v13 =	vld.idx.msk [tilespmem:v13+s26+$0x0], $0xffff;
	v16 =	vor.u32 v55, v11;
	[tilespmem:v17+s0+$0x0] =	vst.idx.msk $0xffff, v4;
	v4 =	vor.u32 v50, v11  }
0x179: {  	[tilespmem:$0x1FD00] =	vst v37;
	v17 =	vshll.u32 v24, $0x7;
	v11 =	vor.u32 v31, v22;
	v24 =	vor.u32 $0x70, v14  }
0x17a: {  	v14 =	vor.u32 v32, v22;
	[tilespmem:v20+s0+$0x0] =	vst.idx.msk $0xffff, v7;
	v50 =	vor.u32 v4, v17;
	v7 =	vshll.u32 v62, $0x7  }
0x17b: {  	v59 =	vadd.s32 v37, v24;
	v0 =	vshll.u32 v11, $0x7;
	v11 =	vor.u32 v34, v22;
	[tilespmem:v51+s0+$0x0] =	vst.idx.msk $0xffff, v9  }
0x17c: {  	v51 =	vor.u32 v4, v7;
	v9 =	vor.u32 v30, v22;
	[tilespmem:v54+s0+$0x0] =	vst.idx.msk $0xffff, v12  }
0x17d: {  	v7 =	vor.u32 v16, v7;
	v12 =	vor.u32 v33, v22;
	v37 =	vshll.u32 v9, $0x7;
	[tilespmem:v41+s0+$0x0] =	vst.idx.msk $0xffff, v15  }
0x17e: {  	v54 =	vor.u32 v4, v0;
	v9 =	vshll.u32 v14, $0x7;
	[tilespmem:v45+s0+$0x0] =	vst.idx.msk $0xffff, v13;
	v13 =	vor.u32 v28, v5  }
0x17f: {  	v55 =	vor.u32 v4, v37;
	v12 =	vshll.u32 v12, $0x7;
	[tilespmem:v57+s0+$0x0] =	vst.idx.msk $0xffff, v6;
	v6 =	vor.u32 v29, v22  }
0x180: {  	v60 =	vor.u32 v16, v9;
	v62 =	vor.u32 v4, v12;
	[tilespmem:v23+s0+$0x0] =	vst.idx.msk $0xffff, v8;
	v8 =	vshll.u32 v6, $0x7  }
0x181: {  	[tilespmem:$0x1FCB0] =	vst v61;
	v57 =	vor.u32 v4, v9;
	v6 =	vshll.u32 v11, $0x7;
	v61 =	vor.u32 v4, v8;
	v20 =	vld.idx.msk [tilespmem:v1+s26+$0x0], $0xffff  }
0x182: {  	[tilespmem:$0x1FCC0] =	vst v31;
	v11 =	vor.u32 v4, v6;
	v4 =	vadd.s32 v18, v24;
	v24 =	vor.u32 v26, v5;
	v5 =	vld [tilespmem:$0x1FD80]  }
0x183: {  	v15 =	vor.u32 v16, v17;
	v14 =	vor.u32 v16, v37;
	v6 =	vor.u32 v16, v6;
	v9 =	vld.idx.msk [tilespmem:v13+s26+$0x0], $0xffff  }
0x184: {  	[tilespmem:$0x1FCF0] =	vst v32;
	v1 =	vor.u32 v16, v12;
	v12 =	vor.u32 v16, v0;
	v13 =	vor.u32 v16, v8;
	v16 =	vld [tilespmem:$0x1FD60]  }
0x185: {  	[tilespmem:$0x1FD20] =	vst v29;
	v23 =	vadd.s32 v18, v3  }
0x186: {  	[tilespmem:$0x1FD30] =	vst v34  }
0x187: {  	[tilespmem:$0x1FC70] =	vst v42  }
0x188: {  	[tilespmem:$0x1FD10] =	vst v28  }
0x189: {  	s17 =	simm.s32 $0x2;
	[tilespmem:$0x1FD40] =	vst v27;
	v35 =	vlaneseq.u32;
	v8 =	vld.idx.msk [tilespmem:v63+s26+$0x0], $0xffff  }
0x18a: {  	[tilespmem:$0x1FD50] =	vst v18;
	v42 =	vor.u32 v42, v36;
	v0 =	vadd.s32 v18, v19;
	v19 =	vadd.s32 s17, v35;
	v23 =	vld.idx.msk [tilespmem:v23+s26+$0x0], $0xffff  }
0x18b: {  	[tilespmem:$0x1FD70] =	vst v26;
	v17 =	vadd.s32 v18, v21;
	v3 =	vor.u32 v27, v36;
	v41 =	vand.u32 $0xF, v19;
	v22 =	vld.idx.msk [tilespmem:v5+s26+$0x0], $0xffff  }
0x18c: {  	s13 =	simm.s32 $0x3;
	[tilespmem:$0x1FD90] =	vst v25;
	v45 =	vor.u32 $0x30, v19;
	v63 =	vor.u32 $0x10, v19;
	v5 =	vor.u32 v25, v36;
	v21 =	vld.idx.msk [tilespmem:v16+s26+$0x0], $0xffff  }
.LBB2_9:
0x18d: {  	v18 =	vld [tilespmem:$0x1FC60];
	_ =	sdelay $0x4  }
0x18e: {  	v25 =	vor.u32 v18, v41;
	v18 =	vld [tilespmem:$0x1FC70];
	_ =	sdelay $0x4  }
0x18f: {  	v26 =	vor.u32 v18, v41;
	v18 =	vld [tilespmem:$0x1FC90];
	_ =	sdelay $0x2  }
0x190: {  	v24 =	vld.idx.msk [tilespmem:v24+s26+$0x0], $0xffff  }
0x191: {  	v31 =	vld.idx.msk [tilespmem:v40+s26+$0x0], $0xffff;
	[tilespmem:v52+s0+$0x0] =	vst.idx.msk $0xffff, v20;
	v20 =	vshrl.u32 v41, $0x2  }
0x192: {  	[tilespmem:v53+s0+$0x0] =	vst.idx.msk $0xffff, v21;
	v21 =	vor.u32 v18, v20;
	v18 =	vld [tilespmem:$0x1FCA0];
	_ =	sdelay $0x4  }
0x193: {  	v35 =	vor.u32 v18, v20;
	v18 =	vld [tilespmem:$0x1FCF0]  }
0x194: {  	v16 =	vshll.u32 v19, $0x5  }
0x195: {  	v27 =	vand.u32 $0x60, v16;
	v16 =	vld [tilespmem:$0x1FC80];
	[tilespmem:v39+s0+$0x0] =	vst.idx.msk $0xffff, v22  }
0x196: {  	v52 =	vmov v15;
	v15 =	vld [tilespmem:$0x1FCE0];
	[tilespmem:v2+s0+$0x0] =	vst.idx.msk $0xffff, v23  }
0x197: {  	v39 =	vmov v6;
	v6 =	vld [tilespmem:$0x1FCB0];
	[tilespmem:v10+s0+$0x0] =	vst.idx.msk $0xffff, v9  }
0x198: {  	[tilespmem:v58+s0+$0x0] =	vst.idx.msk $0xffff, v31;
	v31 =	vor.u32 v18, v20;
	v18 =	vld [tilespmem:$0x1FC50]  }
0x199: {  	v10 =	vld [tilespmem:$0x1FCD0]  }
0x19a: {  	v40 =	vmov v17;
	v17 =	vor.u32 v16, v41;
	v16 =	vld [tilespmem:$0x1FFF0]  }
0x19b: {  	v2 =	vld [tilespmem:$0x1FCC0];
	_ =	sdelay $0x1  }
0x19c: {  	v29 =	vor.u32 $0x50, v19;
	v19 =	vor.u32 $0x70, v19  }
0x19d: {  	v30 =	vld [tilespmem:$0x1FD00];
	v15 =	vor.u32 v15, v20;
	v22 =	vor.u32 v6, v41;
	v10 =	vor.u32 v10, v20  }
0x19e: {  	v6 =	vlaneseq.u32;
	v16 =	vor.u32 v16, v27;
	v34 =	vshll.u32 v10, $0x7;
	v10 =	vld [tilespmem:$0x1FD20]  }
0x19f: {  	v6 =	vor.u32 v6, v27;
	v2 =	vor.u32 v2, v20;
	[tilespmem:v18+s0+$0x0] =	vst.idx.msk $0xffff, v24;
	v18 =	vmov v60  }
0x1a0: {  	v27 =	vshll.u32 v35, $0x7;
	v35 =	vshll.u32 v2, $0x7;
	v2 =	vshll.u32 v31, $0x7;
	[tilespmem:$0x1FC50] =	vst v18  }
0x1a1: {  	v60 =	vor.u32 v16, v2;
	[tilespmem:v56+s0+$0x0] =	vst.idx.msk $0xffff, v8;
	v18 =	vshll.u32 v15, $0x7;
	v15 =	vor.u32 v6, v2;
	v2 =	vld [tilespmem:$0x1FD30]  }
0x1a2: {  	v28 =	vadd.s32 v30, v63;
	v24 =	vadd.s32 v30, v19;
	v31 =	vld.idx.msk [tilespmem:v59+s26+$0x0], $0xffff  }
0x1a3: {  	v32 =	vadd.s32 v30, v45;
	v10 =	vor.u32 v10, v20;
	v59 =	vmov v24;
	v24 =	vld.idx.msk [tilespmem:v46+s26+$0x0], $0xffff  }
0x1a4: {  	v53 =	vmovc v7;
	v33 =	vadd.s32 v30, v29;
	v58 =	vmovc v12;
	v21 =	vshll.u32 v21, $0x7;
	v46 =	vmov v17;
	v17 =	vld.idx.msk [tilespmem:v43+s26+$0x0], $0xffff  }
0x1a5: {  	v7 =	vor.u32 v6, v34;
	v23 =	vor.u32 v6, v21;
	v37 =	vshll.u32 v10, $0x7;
	v43 =	vmovc v25;
	v25 =	vld.idx.msk [tilespmem:v44+s26+$0x0], $0xffff  }
0x1a6: {  	v10 =	vmovc v14;
	v9 =	vor.u32 v6, v27;
	v44 =	vmov v28;
	v28 =	vld.idx.msk [tilespmem:v48+s26+$0x0], $0xffff;
	v56 =	vor.u32 v2, v20  }
0x1a7: {  	v8 =	vor.u32 v6, v35;
	v30 =	vor.u32 v6, v18;
	v14 =	vld.idx.msk [tilespmem:v47+s26+$0x0], $0xffff;
	v2 =	vmovc v1;
	v1 =	vshll.u32 v56, $0x7  }
0x1a8: {  	v20 =	vor.u32 v6, v37;
	v12 =	vor.u32 v6, v1;
	v6 =	vor.u32 v16, v1;
	v1 =	vld.idx.msk [tilespmem:v49+s26+$0x0], $0xffff  }
0x1a9: {  	v56 =	vmov v13;
	v13 =	vld.idx.msk [tilespmem:v42+s26+$0x0], $0xffff;
	[tilespmem:v50+s0+$0x0] =	vst.idx.msk $0xffff, v17  }
0x1aa: {  	[tilespmem:v51+s0+$0x0] =	vst.idx.msk $0xffff, v25  }
0x1ab: {  	[tilespmem:v11+s0+$0x0] =	vst.idx.msk $0xffff, v24  }
0x1ac: {  	[tilespmem:v62+s0+$0x0] =	vst.idx.msk $0xffff, v28  }
0x1ad: {  	[tilespmem:v55+s0+$0x0] =	vst.idx.msk $0xffff, v1;
	v1 =	vld [tilespmem:$0x1FD10];
	_ =	sdelay $0x2  }
0x1ae: {  	v49 =	vmov v22;
	v22 =	vld [tilespmem:$0x1FD40]  }
0x1af: {  	v51 =	vmov v9;
	v9 =	vld [tilespmem:$0x1FD90]  }
0x1b0: {  	v50 =	vmov v23;
	v23 =	vld [tilespmem:$0x1FD50];
	v1 =	vor.u32 v1, v36  }
0x1b1: {  	[tilespmem:v54+s0+$0x0] =	vst.idx.msk $0xffff, v14  }
0x1b2: {  	[tilespmem:v57+s0+$0x0] =	vst.idx.msk $0xffff, v13  }
0x1b3: {  	[tilespmem:v61+s0+$0x0] =	vst.idx.msk $0xffff, v31  }
0x1b4: {  	v48 =	vmov v32;
	v9 =	vor.u32 v9, v41;
	v61 =	vmov v20;
	v20 =	vld.idx.msk [tilespmem:v5+s26+$0x0], $0xffff  }
0x1b5: {  	v42 =	vmovc v26;
	v26 =	vor.u32 v22, v41;
	v22 =	vadd.s32 v23, v63;
	v5 =	vmov v9;
	v9 =	vld.idx.msk [tilespmem:v1+s26+$0x0], $0xffff  }
0x1b6: {  	p2 =	sne.s32 s13, $0xF;
	v11 =	vmovc v12;
	v17 =	vadd.s32 v23, v29;
	v12 =	vadd.s32 v23, v19;
	v23 =	vadd.s32 v23, v38;
	v1 =	vld [tilespmem:$0x1FD70]  }
.Ltmp7:
0x1b7: {  	v47 =	vmovc v33;
	v62 =	vmovc v30;
	v28 =	vlaneseq.u32;
	v55 =	vmov v7;
	v7 =	vor.u32 v16, v27;
	(pc) =	sbr.rel @p2 .LBB2_9-.Ltmp7, $4  }
0x1b8: {  	s14 =	smov.u32 s13;
	v54 =	vmovc v8;
	v38 =	vmovc v45;
	v14 =	vor.u32 v16, v34;
	v57 =	vmov v15;
	v13 =	vlaneseq.u32;
	v8 =	vld.idx.msk [tilespmem:v4+s26+$0x0], $0xffff  }
0x1b9: {  	v15 =	vor.u32 v16, v21;
	v19 =	vadd.s32 s14, v13;
	v13 =	vor.u32 v16, v37;
	v4 =	vmovc v12;
	v21 =	vld.idx.msk [tilespmem:v0+s26+$0x0], $0xffff  }
0x1ba: {  	v12 =	vor.u32 v16, v35;
	v0 =	vmovc v22;
	v22 =	vld.idx.msk [tilespmem:v3+s26+$0x0], $0xffff;
	v3 =	vmovc v26;
	v63 =	vor.u32 $0x10, v19;
	v45 =	vor.u32 $0x30, v19  }
0x1bb: {  	s13 =	sadd.s32 $0x1, s13;
	v23 =	vld.idx.msk [tilespmem:v23+s26+$0x0], $0xffff;
	v24 =	vor.u32 v1, v36;
	v36 =	vmovc v41;
	v1 =	vor.u32 v16, v18;
	v41 =	vand.u32 $0xF, v19  }
0x1bc: {  	_ =	sdelay $0x3  }
0x1bd: {  	v18 =	vld.idx.msk [tilespmem:v40+s26+$0x0], $0xffff  }
0x1be: {  	v40 =	vld [tilespmem:$0x1FC50];
	_ =	sdelay $0x1  }
0x1bf: {  	v16 =	vld.idx.msk [tilespmem:v24+s26+$0x0], $0xffff;
	[tilespmem:v52+s0+$0x0] =	vst.idx.msk $0xffff, v20  }
0x1c0: {  	[tilespmem:v53+s0+$0x0] =	vst.idx.msk $0xffff, v21  }
0x1c1: {  	[tilespmem:v39+s0+$0x0] =	vst.idx.msk $0xffff, v22  }
0x1c2: {  	[tilespmem:v2+s0+$0x0] =	vst.idx.msk $0xffff, v23  }
0x1c3: {  	[tilespmem:v10+s0+$0x0] =	vst.idx.msk $0xffff, v9  }
0x1c4: {  	v27 =	vld [tilespmem:$0x1FD10];
	[tilespmem:v58+s0+$0x0] =	vst.idx.msk $0xffff, v18  }
0x1c5: {  	v25 =	vld [tilespmem:$0x1FD50];
	[tilespmem:v40+s0+$0x0] =	vst.idx.msk $0xffff, v16  }
0x1c6: {  	v26 =	vld [tilespmem:$0x1FD70];
	[tilespmem:v56+s0+$0x0] =	vst.idx.msk $0xffff, v8  }
0x1c7: {  	v2 =	vld.idx.msk [tilespmem:v59+s26+$0x0], $0xffff  }
0x1c8: {  	v8 =	vld.idx.msk [tilespmem:v46+s26+$0x0], $0xffff  }
0x1c9: {  	v9 =	vld.idx.msk [tilespmem:v43+s26+$0x0], $0xffff  }
0x1ca: {  	v10 =	vld.idx.msk [tilespmem:v44+s26+$0x0], $0xffff  }
0x1cb: {  	v16 =	vld.idx.msk [tilespmem:v48+s26+$0x0], $0xffff  }
0x1cc: {  	v18 =	vld.idx.msk [tilespmem:v49+s26+$0x0], $0xffff  }
0x1cd: {  	v20 =	vld.idx.msk [tilespmem:v42+s26+$0x0], $0xffff  }
0x1ce: {  	v21 =	vld.idx.msk [tilespmem:v47+s26+$0x0], $0xffff;
	[tilespmem:v50+s0+$0x0] =	vst.idx.msk $0xffff, v9  }
0x1cf: {  	v24 =	vld [tilespmem:$0x1FCA0];
	[tilespmem:v51+s0+$0x0] =	vst.idx.msk $0xffff, v10  }
0x1d0: {  	v30 =	vld [tilespmem:$0x1FD30];
	[tilespmem:v11+s0+$0x0] =	vst.idx.msk $0xffff, v8  }
0x1d1: {  	v32 =	vld [tilespmem:$0x1FCE0];
	[tilespmem:v62+s0+$0x0] =	vst.idx.msk $0xffff, v16  }
0x1d2: {  	v33 =	vld [tilespmem:$0x1FCD0];
	v49 =	vor.u32 v27, v36;
	[tilespmem:v55+s0+$0x0] =	vst.idx.msk $0xffff, v18  }
0x1d3: {  	v53 =	vld [tilespmem:$0x1FD00];
	[tilespmem:v54+s0+$0x0] =	vst.idx.msk $0xffff, v21  }
0x1d4: {  	v56 =	vld [tilespmem:$0x1FC60];
	[tilespmem:v57+s0+$0x0] =	vst.idx.msk $0xffff, v20  }
0x1d5: {  	v55 =	vld [tilespmem:$0x1FC80];
	[tilespmem:v61+s0+$0x0] =	vst.idx.msk $0xffff, v2  }
0x1d6: {  	v50 =	vadd.s32 v25, v38;
	v2 =	vld.idx.msk [tilespmem:v5+s26+$0x0], $0xffff  }
0x1d7: {  	v51 =	vor.u32 v26, v36;
	v8 =	vld.idx.msk [tilespmem:v49+s26+$0x0], $0xffff  }
0x1d8: {  	v4 =	vld.idx.msk [tilespmem:v4+s26+$0x0], $0xffff  }
0x1d9: {  	v0 =	vld.idx.msk [tilespmem:v0+s26+$0x0], $0xffff  }
0x1da: {  	v3 =	vld.idx.msk [tilespmem:v3+s26+$0x0], $0xffff  }
0x1db: {  	v5 =	vld.idx.msk [tilespmem:v50+s26+$0x0], $0xffff  }
0x1dc: {  	v9 =	vld.idx.msk [tilespmem:v51+s26+$0x0], $0xffff  }
0x1dd: {  	v10 =	vld.idx.msk [tilespmem:v17+s26+$0x0], $0xffff;
	[tilespmem:v15+s0+$0x0] =	vst.idx.msk $0xffff, v2  }
0x1de: {  	v35 =	vld [tilespmem:$0x1FCC0];
	[tilespmem:v7+s0+$0x0] =	vst.idx.msk $0xffff, v0  }
0x1df: {  	v52 =	vor.u32 $0x70, v19;
	v59 =	vld [tilespmem:$0x1FC70];
	[tilespmem:v6+s0+$0x0] =	vst.idx.msk $0xffff, v3  }
0x1e0: {  	v23 =	vld [tilespmem:$0x1FC90];
	v54 =	vadd.s32 v53, v52;
	[tilespmem:v1+s0+$0x0] =	vst.idx.msk $0xffff, v5  }
0x1e1: {  	v22 =	vld [tilespmem:$0x1FCB0];
	v62 =	vshrl.u32 v41, $0x2;
	v1 =	vor.u32 v55, v41;
	[tilespmem:v14+s0+$0x0] =	vst.idx.msk $0xffff, v8  }
0x1e2: {  	v37 =	vld [tilespmem:$0x1FCF0];
	v16 =	vor.u32 v30, v62;
	v3 =	vor.u32 v56, v41;
	[tilespmem:v12+s0+$0x0] =	vst.idx.msk $0xffff, v10  }
0x1e3: {  	v39 =	vld [tilespmem:$0x1FD20];
	v58 =	vshll.u32 v19, $0x5;
	v18 =	vor.u32 v32, v62;
	v57 =	vadd.s32 v53, v63;
	[tilespmem:v60+s0+$0x0] =	vst.idx.msk $0xffff, v9  }
0x1e4: {  	v46 =	vld [tilespmem:$0x1FD90];
	v61 =	vor.u32 $0x50, v19;
	v7 =	vor.u32 v59, v41;
	v6 =	vand.u32 $0x60, v58;
	[tilespmem:v13+s0+$0x0] =	vst.idx.msk $0xffff, v4  }
0x1e5: {  	v28 =	vor.u32 v28, v6;
	v12 =	vor.u32 v23, v62;
	v60 =	vadd.s32 v53, v45;
	v2 =	vld.idx.msk [tilespmem:v54+s26+$0x0], $0xffff  }
0x1e6: {  	v10 =	vor.u32 v22, v41;
	v12 =	vshll.u32 v12, $0x7;
	v13 =	vor.u32 v24, v62;
	v1 =	vld.idx.msk [tilespmem:v1+s26+$0x0], $0xffff  }
0x1e7: {  	v11 =	vadd.s32 v53, v61;
	v29 =	vor.u32 v28, v12;
	v3 =	vld.idx.msk [tilespmem:v3+s26+$0x0], $0xffff;
	v13 =	vshll.u32 v13, $0x7  }
0x1e8: {  	v16 =	vshll.u32 v16, $0x7;
	v18 =	vshll.u32 v18, $0x7;
	v5 =	vld.idx.msk [tilespmem:v57+s26+$0x0], $0xffff;
	v31 =	vor.u32 v28, v13  }
0x1e9: {  	v21 =	vor.u32 v35, v62;
	v19 =	vor.u32 v33, v62;
	v34 =	vor.u32 v28, v16;
	v7 =	vld.idx.msk [tilespmem:v7+s26+$0x0], $0xffff  }
0x1ea: {  	v21 =	vshll.u32 v21, $0x7;
	v19 =	vshll.u32 v19, $0x7;
	v36 =	vor.u32 v28, v18;
	v8 =	vld.idx.msk [tilespmem:v60+s26+$0x0], $0xffff  }
0x1eb: {  	v38 =	vor.u32 v28, v19;
	v40 =	vor.u32 v28, v21;
	v23 =	vor.u32 v37, v62;
	v10 =	vld.idx.msk [tilespmem:v10+s26+$0x0], $0xffff  }
0x1ec: {  	v42 =	vshll.u32 v23, $0x7;
	v11 =	vld.idx.msk [tilespmem:v11+s26+$0x0], $0xffff;
	[tilespmem:v29+s0+$0x0] =	vst.idx.msk $0xffff, v3;
	v3 =	vor.u32 v39, v62  }
0x1ed: {  	v43 =	vor.u32 v28, v42;
	[tilespmem:v31+s0+$0x0] =	vst.idx.msk $0xffff, v5;
	v3 =	vshll.u32 v3, $0x7  }
0x1ee: {  	v49 =	vld [tilespmem:$0x1FD40];
	[tilespmem:v34+s0+$0x0] =	vst.idx.msk $0xffff, v1;
	v44 =	vor.u32 v28, v3  }
0x1ef: {  	[tilespmem:v36+s0+$0x0] =	vst.idx.msk $0xffff, v8;
	v8 =	vor.u32 v46, v41  }
0x1f0: {  	v47 =	vor.u32 v27, v41;
	v55 =	vld [tilespmem:$0x1FFF0];
	[tilespmem:v38+s0+$0x0] =	vst.idx.msk $0xffff, v10  }
0x1f1: {  	v0 =	vadd.s32 v25, v52;
	[tilespmem:v40+s0+$0x0] =	vst.idx.msk $0xffff, v11  }
0x1f2: {  	v48 =	vadd.s32 v25, v63;
	[tilespmem:v43+s0+$0x0] =	vst.idx.msk $0xffff, v7  }
0x1f3: {  	v50 =	vadd.s32 v25, v45;
	v45 =	vld [tilespmem:$0x1FF20];
	v1 =	vor.u32 v49, v41;
	[tilespmem:v44+s0+$0x0] =	vst.idx.msk $0xffff, v2  }
0x1f4: {  	v2 =	vld.idx.msk [tilespmem:v8+s26+$0x0], $0xffff  }
0x1f5: {  	v51 =	vor.u32 v26, v41;
	v6 =	vor.u32 v55, v6;
	v9 =	vld.idx.msk [tilespmem:v47+s26+$0x0], $0xffff  }
0x1f6: {  	v4 =	vadd.s32 v25, v61;
	v56 =	vor.u32 v6, v12;
	v0 =	vld.idx.msk [tilespmem:v0+s26+$0x0], $0xffff  }
0x1f7: {  	v57 =	vor.u32 v6, v13;
	v5 =	vld.idx.msk [tilespmem:v48+s26+$0x0], $0xffff  }
0x1f8: {  	v58 =	vor.u32 v6, v16;
	v1 =	vld.idx.msk [tilespmem:v1+s26+$0x0], $0xffff  }
0x1f9: {  	v59 =	vor.u32 v6, v18;
	v7 =	vld.idx.msk [tilespmem:v50+s26+$0x0], $0xffff  }
0x1fa: {  	v60 =	vor.u32 v6, v19;
	v8 =	vld.idx.msk [tilespmem:v51+s26+$0x0], $0xffff  }
0x1fb: {  	v61 =	vor.u32 v6, v21;
	v4 =	vld.idx.msk [tilespmem:v4+s26+$0x0], $0xffff;
	[tilespmem:v56+s0+$0x0] =	vst.idx.msk $0xffff, v2  }
0x1fc: {  	s12 =	sadd.s32 $0x1, s12;
	v62 =	vor.u32 v6, v42;
	v42 =	vld [tilespmem:$0x1FEF0];
	[tilespmem:v57+s0+$0x0] =	vst.idx.msk $0xffff, v5  }
0x1fd: {  	p2 =	sne.s32 s12, $0x4;
	v63 =	vor.u32 v6, v3;
	v49 =	vld [tilespmem:$0x1FF60];
	[tilespmem:v58+s0+$0x0] =	vst.idx.msk $0xffff, v1  }
.Ltmp8:
0x1fe: {  	v46 =	vld [tilespmem:$0x1FF30];
	[tilespmem:v59+s0+$0x0] =	vst.idx.msk $0xffff, v7;
	(pc) =	sbr.rel @p2 .LBB2_8-.Ltmp8, $4  }
0x1ff: {  	v48 =	vld [tilespmem:$0x1FF50];
	[tilespmem:v60+s0+$0x0] =	vst.idx.msk $0xffff, v9  }
0x200: {  	v44 =	vld [tilespmem:$0x1FF10];
	[tilespmem:v61+s0+$0x0] =	vst.idx.msk $0xffff, v4  }
0x201: {  	v43 =	vld [tilespmem:$0x1FF00];
	[tilespmem:v62+s0+$0x0] =	vst.idx.msk $0xffff, v8  }
0x202: {  	v47 =	vld [tilespmem:$0x1FF40];
	v50 =	vlaneseq.u32;
	[tilespmem:v63+s0+$0x0] =	vst.idx.msk $0xffff, v0  }
0x203: {  	s11 =	sshll.u32 s4, $0xB  }
0x204: {  	p2 =	sgt.u32 s4, $0x760;
	s12 =	sadd.s32 s5, s11  }
0x205: {  	[hbm4b:s12+s2] =	stream.linear.scatter [tilespmem:s0], [sflag:$0x4], $0x4000, $0x38;
	[tilespmem:$0x10000] =	vst v63  }
0x206: {  	s4 =	sadd.s32 @!p2 s11, s9;
	s11 =	simm.s32 @!p2 $0x0;
	s12 =	simm.s32 @!p2 $0x4000  }
0x207: {  	[tilespmem:s12], [sflag:$0x2] =	stream.linear.gather @!p2 [hbm4b:s4+s11], $0x4000, $0x38;
	[tilespmem:$0x10000] =	vst v63  }
0x208: {  	s13 =	simm.s32 @!p2 $0x5000;
	s12 =	sadd.s32 @!p2 $0xF4280, s4  }
0x209: {  	[tilespmem:s13], [sflag:$0x2] =	stream.linear.gather @!p2 [hbm4b:s12+s11], $0x4000, $0x38;
	[tilespmem:$0x10000] =	vst v63  }
.Ltmp9:
0x20a: {  	_ = 	snop;
	(pc) =	sbr.rel .LBB2_12-.Ltmp9, $4  }
0x20b: {  	s12 =	sadd.s32 @!p2 $0x1E8500, s4;
	s13 =	simm.s32 @!p2 $0x6000  }
0x20c: {  	[tilespmem:s13], [sflag:$0x2] =	stream.linear.gather @!p2 [hbm4b:s12+s11], $0x4000, $0x38;
	[tilespmem:$0x10000] =	vst v63  }
0x20d: {  	s4 =	sadd.s32 @!p2 $0x2DC780, s4;
	s12 =	simm.s32 @!p2 $0x7000  }
0x20e: {  	[tilespmem:s12], [sflag:$0x2] =	stream.linear.gather @!p2 [hbm4b:s4+s11], $0x4000, $0x38;
	[tilespmem:$0x10000] =	vst v63  }
.LBB2_13:
0x20f: {  	_ =	swait.ge [sflag:s24], $0x4000  }
0x210: {  	[sflag:s24] =	ssyncset.done $0x0  }
0x211: {  	[sflag:s24] =	ssyncadd.s32 $0xFFFFC000  }
0x212: {  	_ =	swait.ge [sflag:s25], $0x4000  }
0x213: {  	v51 =	vld [tilespmem:$0x1FF70]  }
0x214: {  	v52 =	vld [tilespmem:$0x1FF80]  }
0x215: {  	v53 =	vld [tilespmem:$0x1FF90]  }
.Ltmp10:
0x216: {  	[sflag:s25] =	ssyncset.done $0x0;
	v57 =	vld [tilespmem:$0x1FFC0];
	(pc) =	sbr.rel .LBB2_14-.Ltmp10, $4  }
0x217: {  	s30 =	simm.s32 $0x0;
	s4 =	rddreg [dreg:$0x7];
	v54 =	vld [tilespmem:$0x1FFA0];
	[sflag:s25] =	ssyncadd.s32 $0xFFFFC000  }
0x218: {  	v58 =	vld [tilespmem:$0x1FFD0];
	[tilespmem:s30], [sflag:$0x1] =	stream.strided.gather [hbm4b:s4+s23], $0x4000, s28, s23, $0x38  }
0x219: {  	s17 =	rddreg [dreg:$0x9];
	v56 =	vld [tilespmem:$0x1FFB0]  }
0x21a: {  	v59 =	vld [tilespmem:$0x1FFE0];
	[tilespmem:s26], [sflag:$0x2] =	stream.strided.gather [hbm4b:s17+s23], $0x4000, s28, s23, $0x38  }
.LBB2_22:
0x21b: {  	s30 =	sadd.s32 $0x1, s30  }
0x21c: {  	p2 =	sne.s32 s30, $0xD  }
.Ltmp11:
0x21d: {  	_ = 	snop;
	(pc) =	sbr.rel @!p2 .LBB2_23-.Ltmp11, $1  }
0x21e: {  	_ =	sdelay $0x3  }
.LBB2_14:
0x21f: {  	s4 =	sshll.u32 s30, $0x6  }
0x220: {  	s4 =	sor.u32 s7, s4  }
0x221: {  	p3 =	slt.u32 s4, $0x30D  }
.Ltmp12:
0x222: {  	_ = 	snop;
	(pc) =	sbr.rel @!p3 .LBB2_18-.Ltmp12, $2  }
0x223: {  	_ =	sdelay $0x2  }
0x224: {  	p2 =	sne.s32 s30, $0x0  }
0x225: {  	s11 =	simm.s32 $0x0  }
0x226: {  	_ =	swait.ge [sflag:s31], $0x4000;
	v0 =	vadd.s32 s11, v50  }
0x227: {  	p3 =	seq.s32 s30, $0x0;
	[sflag:s31] =	ssyncset.done $0x0;
	v1 =	vor.u32 v52, v0  }
0x228: {  	s11 =	simm.s32 @!p3 $0x3;
	[sflag:s31] =	ssyncadd.s32 $0xFFFFC000;
	v3 =	vor.u32 v51, v0  }
0x229: {  	v2 =	vand.u32 $0xF, v0;
	v8 =	vor.u32 v53, v0;
	_ =	swait.ge @!p3 [sflag:s11], $0x1000  }
0x22a: {  	v4 =	vor.u32 v42, v2;
	[sflag:s11] =	ssyncset.done @!p3 $0x0  }
0x22b: {  	v5 =	vor.u32 v44, v2;
	[sflag:s11] =	ssyncadd.s32 @!p3 $0xFFFFF000  }
0x22c: {  	v7 =	vshll.u32 v0, $0x5;
	v6 =	vor.u32 v46, v2;
	v9 =	vld.idx.msk [tilespmem:v1+s2+$0x0], $0xffff  }
0x22d: {  	v12 =	vor.u32 v54, v0;
	v1 =	vand.u32 $0x60, v7;
	v11 =	vld.idx.msk [tilespmem:v3+s2+$0x0], $0xffff  }
0x22e: {  	v10 =	vor.u32 v45, v2;
	v7 =	vand.u32 $0x180, v7;
	v8 =	vld.idx.msk [tilespmem:v8+s2+$0x0], $0xffff;
	v14 =	vor.u32 v50, v1  }
0x22f: {  	v3 =	vor.u32 v57, v0;
	v4 =	vld.idx.msk [tilespmem:v4+s2+$0x0], $0xffff;
	v16 =	vor.u32 $0x200, v7;
	v15 =	vor.u32 v7, v14  }
0x230: {  	v5 =	vld.idx.msk [tilespmem:v5+s2+$0x0], $0xffff;
	v17 =	vor.u32 $0x600, v7;
	v19 =	vor.u32 $0x400, v7;
	v18 =	vor.u32 v14, v16  }
0x231: {  	v20 =	vld.idx.msk [tilespmem:v6+s2+$0x0], $0xffff;
	v6 =	vor.u32 $0x800, v7;
	v23 =	vor.u32 $0xA00, v7;
	v22 =	vor.u32 v14, v19  }
0x232: {  	v30 =	vld.idx.msk [tilespmem:v12+s2+$0x0], $0xffff;
	v25 =	vor.u32 $0xE00, v7;
	v29 =	vor.u32 v55, v1;
	v21 =	vor.u32 v14, v17  }
0x233: {  	v26 =	vld.idx.msk [tilespmem:v10+s2+$0x0], $0xffff;
	v24 =	vor.u32 v14, v6;
	v27 =	vor.u32 v14, v23;
	v28 =	vor.u32 v14, v25  }
0x234: {  	v1 =	vor.u32 $0xC00, v7;
	v13 =	vor.u32 v7, v29;
	v10 =	vor.u32 v29, v16;
	[tilespmem:v15+s1+$0x0] =	vst.idx.msk $0xffff, v4  }
0x235: {  	v7 =	vor.u32 v14, v1;
	v12 =	vor.u32 v29, v19;
	[tilespmem:v18+s1+$0x0] =	vst.idx.msk $0xffff, v11  }
0x236: {  	v6 =	vor.u32 v29, v6;
	v1 =	vor.u32 v29, v1;
	[tilespmem:v22+s1+$0x0] =	vst.idx.msk $0xffff, v5  }
0x237: {  	v19 =	vor.u32 v59, v0;
	v16 =	vor.u32 v49, v2;
	[tilespmem:v21+s1+$0x0] =	vst.idx.msk $0xffff, v9  }
0x238: {  	v4 =	vor.u32 v29, v25;
	v15 =	vor.u32 v47, v2;
	[tilespmem:v24+s1+$0x0] =	vst.idx.msk $0xffff, v26  }
0x239: {  	s17 =	simm.s32 $0x1;
	v11 =	vor.u32 v29, v17;
	v17 =	vor.u32 v43, v2;
	[tilespmem:v27+s1+$0x0] =	vst.idx.msk $0xffff, v8  }
0x23a: {  	v14 =	vadd.s32 s17, v50;
	v18 =	vor.u32 v56, v0;
	v5 =	vor.u32 v29, v23;
	[tilespmem:v7+s1+$0x0] =	vst.idx.msk $0xffff, v20  }
0x23b: {  	s11 =	simm.s32 $0x2;
	v9 =	vshll.u32 v14, $0x5;
	v8 =	vand.u32 $0xF, v14;
	v7 =	vor.u32 v51, v14;
	[tilespmem:v28+s1+$0x0] =	vst.idx.msk $0xffff, v30  }
.LBB2_16:
0x23c: {  	p3 =	sne.s32 s11, $0xF;
	v20 =	vor.u32 v42, v8;
	v21 =	vor.u32 v52, v14;
	v22 =	vor.u32 v57, v14;
	v19 =	vld.idx.msk [tilespmem:v19+s2+$0x0], $0xffff;
	s12 =	smov.u32 s11;
	s11 =	sadd.s32 $0x1, s11  }
0x23d: {  	v23 =	vor.u32 v53, v14;
	v24 =	vor.u32 v54, v14;
	v25 =	vor.u32 v48, v2;
	v16 =	vld.idx.msk [tilespmem:v16+s2+$0x0], $0xffff  }
0x23e: {  	v26 =	vor.u32 v44, v8;
	v27 =	vor.u32 v58, v0;
	v0 =	vmovc v14;
	v2 =	vmov v8;
	v17 =	vld.idx.msk [tilespmem:v17+s2+$0x0], $0xffff  }
0x23f: {  	v8 =	vld.idx.msk [tilespmem:v18+s2+$0x0], $0xffff  }
0x240: {  	v14 =	vand.u32 $0x60, v9;
	v18 =	vor.u32 v45, v2;
	v15 =	vld.idx.msk [tilespmem:v15+s2+$0x0], $0xffff  }
0x241: {  	v9 =	vand.u32 $0x180, v9;
	v28 =	vor.u32 v46, v2;
	v29 =	vor.u32 v50, v14;
	v30 =	vld.idx.msk [tilespmem:v3+s2+$0x0], $0xffff;
	v3 =	vmovc v22  }
0x242: {  	v31 =	vor.u32 $0x200, v9;
	v32 =	vor.u32 $0x600, v9;
	v22 =	vor.u32 v9, v29;
	v25 =	vld.idx.msk [tilespmem:v25+s2+$0x0], $0xffff  }
0x243: {  	v34 =	vor.u32 $0x400, v9;
	v33 =	vor.u32 v29, v31;
	v35 =	vor.u32 v29, v32;
	v27 =	vld.idx.msk [tilespmem:v27+s2+$0x0], $0xffff  }
0x244: {  	v37 =	vor.u32 $0x800, v9;
	v38 =	vor.u32 $0xA00, v9;
	v36 =	vor.u32 v29, v34;
	[tilespmem:v13+s1+$0x0] =	vst.idx.msk $0xffff, v17  }
0x245: {  	v40 =	vor.u32 $0xE00, v9;
	v39 =	vor.u32 v29, v38;
	v17 =	vor.u32 v29, v37;
	[tilespmem:v10+s1+$0x0] =	vst.idx.msk $0xffff, v8  }
0x246: {  	v41 =	vor.u32 v29, v40;
	v8 =	vor.u32 v55, v14;
	[tilespmem:v12+s1+$0x0] =	vst.idx.msk $0xffff, v15  }
0x247: {  	v14 =	vor.u32 $0xC00, v9;
	v13 =	vor.u32 v9, v8;
	v10 =	vor.u32 v8, v31;
	[tilespmem:v11+s1+$0x0] =	vst.idx.msk $0xffff, v30  }
0x248: {  	v9 =	vor.u32 v29, v14;
	v12 =	vor.u32 v8, v34;
	[tilespmem:v6+s1+$0x0] =	vst.idx.msk $0xffff, v25  }
0x249: {  	v11 =	vor.u32 v8, v32;
	v6 =	vor.u32 v8, v37;
	[tilespmem:v5+s1+$0x0] =	vst.idx.msk $0xffff, v27  }
0x24a: {  	v5 =	vor.u32 v8, v38;
	[tilespmem:v1+s1+$0x0] =	vst.idx.msk $0xffff, v16;
	v1 =	vor.u32 v8, v14  }
0x24b: {  	[tilespmem:v4+s1+$0x0] =	vst.idx.msk $0xffff, v19;
	v4 =	vor.u32 v8, v40  }
0x24c: {  	v8 =	vld.idx.msk [tilespmem:v21+s2+$0x0], $0xffff  }
0x24d: {  	v7 =	vld.idx.msk [tilespmem:v7+s2+$0x0], $0xffff  }
0x24e: {  	v14 =	vld.idx.msk [tilespmem:v20+s2+$0x0], $0xffff  }
0x24f: {  	v15 =	vld.idx.msk [tilespmem:v26+s2+$0x0], $0xffff  }
0x250: {  	v20 =	vld.idx.msk [tilespmem:v28+s2+$0x0], $0xffff  }
0x251: {  	v21 =	vld.idx.msk [tilespmem:v23+s2+$0x0], $0xffff  }
0x252: {  	v16 =	vld.idx.msk [tilespmem:v18+s2+$0x0], $0xffff  }
0x253: {  	v23 =	vld.idx.msk [tilespmem:v24+s2+$0x0], $0xffff  }
0x254: {  	[tilespmem:v22+s1+$0x0] =	vst.idx.msk $0xffff, v14  }
0x255: {  	[tilespmem:v33+s1+$0x0] =	vst.idx.msk $0xffff, v7  }
0x256: {  	[tilespmem:v36+s1+$0x0] =	vst.idx.msk $0xffff, v15  }
.Ltmp13:
0x257: {  	v19 =	vor.u32 v59, v0;
	[tilespmem:v35+s1+$0x0] =	vst.idx.msk $0xffff, v8;
	(pc) =	sbr.rel @p3 .LBB2_16-.Ltmp13, $4  }
0x258: {  	[tilespmem:v17+s1+$0x0] =	vst.idx.msk $0xffff, v16;
	v16 =	vor.u32 v49, v2  }
0x259: {  	v17 =	vor.u32 v43, v2;
	[tilespmem:v39+s1+$0x0] =	vst.idx.msk $0xffff, v21  }
0x25a: {  	v18 =	vor.u32 v56, v0;
	v14 =	vadd.s32 s12, v50;
	v15 =	vor.u32 v47, v2;
	[tilespmem:v9+s1+$0x0] =	vst.idx.msk $0xffff, v20  }
0x25b: {  	v7 =	vor.u32 v51, v14;
	v8 =	vand.u32 $0xF, v14;
	v9 =	vshll.u32 v14, $0x5;
	[tilespmem:v41+s1+$0x0] =	vst.idx.msk $0xffff, v23  }
0x25c: {  	_ =	sdelay $0x3  }
0x25d: {  	v19 =	vld.idx.msk [tilespmem:v19+s2+$0x0], $0xffff  }
0x25e: {  	v2 =	vor.u32 v48, v2;
	v16 =	vld.idx.msk [tilespmem:v16+s2+$0x0], $0xffff  }
0x25f: {  	v17 =	vld.idx.msk [tilespmem:v17+s2+$0x0], $0xffff;
	v0 =	vor.u32 v58, v0  }
0x260: {  	v18 =	vld.idx.msk [tilespmem:v18+s2+$0x0], $0xffff  }
0x261: {  	v15 =	vld.idx.msk [tilespmem:v15+s2+$0x0], $0xffff  }
0x262: {  	v3 =	vld.idx.msk [tilespmem:v3+s2+$0x0], $0xffff  }
0x263: {  	v2 =	vld.idx.msk [tilespmem:v2+s2+$0x0], $0xffff  }
0x264: {  	v0 =	vld.idx.msk [tilespmem:v0+s2+$0x0], $0xffff;
	[tilespmem:v13+s1+$0x0] =	vst.idx.msk $0xffff, v17  }
0x265: {  	[tilespmem:v10+s1+$0x0] =	vst.idx.msk $0xffff, v18  }
0x266: {  	[tilespmem:v12+s1+$0x0] =	vst.idx.msk $0xffff, v15  }
0x267: {  	v31 =	vor.u32 v52, v14;
	[tilespmem:v11+s1+$0x0] =	vst.idx.msk $0xffff, v3  }
0x268: {  	[tilespmem:v6+s1+$0x0] =	vst.idx.msk $0xffff, v2  }
0x269: {  	v32 =	vor.u32 v42, v8;
	[tilespmem:v5+s1+$0x0] =	vst.idx.msk $0xffff, v0  }
0x26a: {  	v33 =	vor.u32 v44, v8;
	[tilespmem:v1+s1+$0x0] =	vst.idx.msk $0xffff, v16  }
0x26b: {  	v34 =	vor.u32 v46, v8;
	[tilespmem:v4+s1+$0x0] =	vst.idx.msk $0xffff, v19  }
0x26c: {  	v35 =	vor.u32 v53, v14;
	v5 =	vand.u32 $0x60, v9;
	v4 =	vld.idx.msk [tilespmem:v31+s2+$0x0], $0xffff  }
0x26d: {  	v36 =	vor.u32 v45, v8;
	v9 =	vand.u32 $0x180, v9;
	v38 =	vor.u32 v50, v5;
	v7 =	vld.idx.msk [tilespmem:v7+s2+$0x0], $0xffff  }
0x26e: {  	v37 =	vor.u32 v54, v14;
	v40 =	vor.u32 $0x200, v9;
	v39 =	vor.u32 v9, v38;
	v2 =	vld.idx.msk [tilespmem:v32+s2+$0x0], $0xffff  }
0x26f: {  	v60 =	vor.u32 $0x400, v9;
	v41 =	vor.u32 v38, v40;
	v0 =	vld.idx.msk [tilespmem:v33+s2+$0x0], $0xffff  }
0x270: {  	v61 =	vor.u32 $0x600, v9;
	v62 =	vor.u32 v38, v60;
	v1 =	vld.idx.msk [tilespmem:v34+s2+$0x0], $0xffff  }
0x271: {  	v20 =	vor.u32 $0x800, v9;
	v63 =	vor.u32 v38, v61;
	v3 =	vld.idx.msk [tilespmem:v35+s2+$0x0], $0xffff  }
0x272: {  	v21 =	vor.u32 $0xA00, v9;
	v22 =	vor.u32 v38, v20;
	v6 =	vld.idx.msk [tilespmem:v36+s2+$0x0], $0xffff  }
0x273: {  	v24 =	vor.u32 $0xC00, v9;
	v23 =	vor.u32 v38, v21;
	v10 =	vld.idx.msk [tilespmem:v37+s2+$0x0], $0xffff;
	[tilespmem:v39+s1+$0x0] =	vst.idx.msk $0xffff, v2  }
0x274: {  	v28 =	vor.u32 $0xE00, v9;
	v29 =	vor.u32 v38, v24;
	[tilespmem:v41+s1+$0x0] =	vst.idx.msk $0xffff, v7  }
0x275: {  	v30 =	vor.u32 v38, v28;
	[tilespmem:v62+s1+$0x0] =	vst.idx.msk $0xffff, v0  }
0x276: {  	v31 =	vor.u32 v59, v14;
	[tilespmem:v63+s1+$0x0] =	vst.idx.msk $0xffff, v4  }
0x277: {  	v32 =	vor.u32 v49, v8;
	[tilespmem:v22+s1+$0x0] =	vst.idx.msk $0xffff, v6  }
0x278: {  	v33 =	vor.u32 v43, v8;
	[tilespmem:v23+s1+$0x0] =	vst.idx.msk $0xffff, v3  }
0x279: {  	v34 =	vor.u32 v56, v14;
	[tilespmem:v29+s1+$0x0] =	vst.idx.msk $0xffff, v1  }
0x27a: {  	v35 =	vor.u32 v47, v8;
	[tilespmem:v30+s1+$0x0] =	vst.idx.msk $0xffff, v10  }
0x27b: {  	v36 =	vor.u32 v57, v14;
	v0 =	vld.idx.msk [tilespmem:v31+s2+$0x0], $0xffff  }
0x27c: {  	v5 =	vor.u32 v55, v5;
	v37 =	vor.u32 v48, v8;
	v4 =	vld.idx.msk [tilespmem:v32+s2+$0x0], $0xffff  }
0x27d: {  	v38 =	vor.u32 v58, v14;
	v9 =	vor.u32 v9, v5;
	v3 =	vld.idx.msk [tilespmem:v33+s2+$0x0], $0xffff  }
0x27e: {  	v39 =	vor.u32 v5, v40;
	v1 =	vld.idx.msk [tilespmem:v34+s2+$0x0], $0xffff  }
0x27f: {  	v40 =	vor.u32 v5, v60;
	v6 =	vld.idx.msk [tilespmem:v35+s2+$0x0], $0xffff  }
0x280: {  	v41 =	vor.u32 v5, v61;
	v7 =	vld.idx.msk [tilespmem:v36+s2+$0x0], $0xffff  }
0x281: {  	v60 =	vor.u32 v5, v20;
	v8 =	vld.idx.msk [tilespmem:v37+s2+$0x0], $0xffff  }
0x282: {  	v61 =	vor.u32 v5, v21;
	v10 =	vld.idx.msk [tilespmem:v38+s2+$0x0], $0xffff;
	[tilespmem:v9+s1+$0x0] =	vst.idx.msk $0xffff, v3  }
0x283: {  	v62 =	vor.u32 v5, v24;
	[tilespmem:v39+s1+$0x0] =	vst.idx.msk $0xffff, v1  }
0x284: {  	v63 =	vor.u32 v5, v28;
	[tilespmem:v40+s1+$0x0] =	vst.idx.msk $0xffff, v6  }
0x285: {  	[tilespmem:v41+s1+$0x0] =	vst.idx.msk $0xffff, v7  }
0x286: {  	[tilespmem:v60+s1+$0x0] =	vst.idx.msk $0xffff, v8  }
0x287: {  	[tilespmem:v61+s1+$0x0] =	vst.idx.msk $0xffff, v10  }
0x288: {  	s11 =	sshll.u32 s4, $0x9;
	p3 =	sgt.u32 s4, $0x2CC;
	[tilespmem:v62+s1+$0x0] =	vst.idx.msk $0xffff, v4  }
0x289: {  	s12 =	sadd.s32 s6, s11;
	s11 =	sadd.s32 @!p3 s11, s15;
	[tilespmem:v63+s1+$0x0] =	vst.idx.msk $0xffff, v0  }
0x28a: {  	[hbm4b:s12+s2] =	stream.linear.scatter [tilespmem:s1], [sflag:$0x3], $0x1000, $0x38;
	[tilespmem:$0x10000] =	vst v63  }
0x28b: {  	s13 =	simm.s32 @!p3 $0xC3800;
	s14 =	simm.s32 @!p3 $0x0;
	s12 =	simm.s32 @!p3 $0x1000  }
0x28c: {  	[tilespmem:s14], [sflag:$0x1] =	stream.strided.gather @!p3 [hbm4b:s11+s12], $0x4000, s13, s12, $0x38;
	[tilespmem:$0x10000] =	vst v63  }
.LBB2_18:
0x28d: {  	s4 =	sor.u32 $0x20, s4  }
0x28e: {  	p3 =	sgt.u32 s4, $0x30C  }
.Ltmp14:
0x28f: {  	_ = 	snop;
	(pc) =	sbr.rel @p3 .LBB2_22-.Ltmp14, $1  }
0x290: {  	_ =	sdelay $0x3  }
0x291: {  	s11 =	simm.s32 $0x0  }
0x292: {  	_ =	swait.ge [sflag:s3], $0x4000;
	v0 =	vadd.s32 s11, v50  }
0x293: {  	[sflag:s3] =	ssyncset.done $0x0;
	v1 =	vor.u32 v52, v0  }
0x294: {  	s11 =	simm.s32 @p2 $0x4;
	[sflag:s3] =	ssyncadd.s32 $0xFFFFC000;
	v3 =	vor.u32 v51, v0  }
0x295: {  	v2 =	vand.u32 $0xF, v0;
	v8 =	vor.u32 v53, v0;
	_ =	swait.ge @p2 [sflag:s11], $0x1000  }
0x296: {  	v4 =	vor.u32 v42, v2;
	[sflag:s11] =	ssyncset.done @p2 $0x0  }
0x297: {  	v5 =	vor.u32 v44, v2;
	[sflag:s11] =	ssyncadd.s32 @p2 $0xFFFFF000  }
0x298: {  	v7 =	vshll.u32 v0, $0x5;
	v6 =	vor.u32 v46, v2;
	v9 =	vld.idx.msk [tilespmem:v1+s26+$0x0], $0xffff  }
0x299: {  	v12 =	vor.u32 v54, v0;
	v1 =	vand.u32 $0x60, v7;
	v11 =	vld.idx.msk [tilespmem:v3+s26+$0x0], $0xffff  }
0x29a: {  	v10 =	vor.u32 v45, v2;
	v7 =	vand.u32 $0x180, v7;
	v8 =	vld.idx.msk [tilespmem:v8+s26+$0x0], $0xffff;
	v14 =	vor.u32 v50, v1  }
0x29b: {  	v3 =	vor.u32 v57, v0;
	v4 =	vld.idx.msk [tilespmem:v4+s26+$0x0], $0xffff;
	v16 =	vor.u32 $0x200, v7;
	v15 =	vor.u32 v7, v14  }
0x29c: {  	v5 =	vld.idx.msk [tilespmem:v5+s26+$0x0], $0xffff;
	v17 =	vor.u32 $0x600, v7;
	v19 =	vor.u32 $0x400, v7;
	v18 =	vor.u32 v14, v16  }
0x29d: {  	v20 =	vld.idx.msk [tilespmem:v6+s26+$0x0], $0xffff;
	v6 =	vor.u32 $0x800, v7;
	v23 =	vor.u32 $0xA00, v7;
	v22 =	vor.u32 v14, v19  }
0x29e: {  	v30 =	vld.idx.msk [tilespmem:v12+s26+$0x0], $0xffff;
	v25 =	vor.u32 $0xE00, v7;
	v29 =	vor.u32 v55, v1;
	v21 =	vor.u32 v14, v17  }
0x29f: {  	v26 =	vld.idx.msk [tilespmem:v10+s26+$0x0], $0xffff;
	v24 =	vor.u32 v14, v6;
	v27 =	vor.u32 v14, v23;
	v28 =	vor.u32 v14, v25  }
0x2a0: {  	v1 =	vor.u32 $0xC00, v7;
	v13 =	vor.u32 v7, v29;
	v10 =	vor.u32 v29, v16;
	[tilespmem:v15+s0+$0x0] =	vst.idx.msk $0xffff, v4  }
0x2a1: {  	v7 =	vor.u32 v14, v1;
	v12 =	vor.u32 v29, v19;
	[tilespmem:v18+s0+$0x0] =	vst.idx.msk $0xffff, v11  }
0x2a2: {  	v6 =	vor.u32 v29, v6;
	v1 =	vor.u32 v29, v1;
	[tilespmem:v22+s0+$0x0] =	vst.idx.msk $0xffff, v5  }
0x2a3: {  	v19 =	vor.u32 v59, v0;
	v16 =	vor.u32 v49, v2;
	[tilespmem:v21+s0+$0x0] =	vst.idx.msk $0xffff, v9  }
0x2a4: {  	v4 =	vor.u32 v29, v25;
	v15 =	vor.u32 v47, v2;
	[tilespmem:v24+s0+$0x0] =	vst.idx.msk $0xffff, v26  }
0x2a5: {  	s17 =	simm.s32 $0x1;
	v11 =	vor.u32 v29, v17;
	v17 =	vor.u32 v43, v2;
	[tilespmem:v27+s0+$0x0] =	vst.idx.msk $0xffff, v8  }
0x2a6: {  	v14 =	vadd.s32 s17, v50;
	v18 =	vor.u32 v56, v0;
	v5 =	vor.u32 v29, v23;
	[tilespmem:v7+s0+$0x0] =	vst.idx.msk $0xffff, v20  }
0x2a7: {  	s11 =	simm.s32 $0x2;
	v9 =	vshll.u32 v14, $0x5;
	v8 =	vand.u32 $0xF, v14;
	v7 =	vor.u32 v51, v14;
	[tilespmem:v28+s0+$0x0] =	vst.idx.msk $0xffff, v30  }
.LBB2_20:
0x2a8: {  	p2 =	sne.s32 s11, $0xF;
	v20 =	vor.u32 v42, v8;
	v21 =	vor.u32 v52, v14;
	v22 =	vor.u32 v57, v14;
	v19 =	vld.idx.msk [tilespmem:v19+s26+$0x0], $0xffff;
	s12 =	smov.u32 s11;
	s11 =	sadd.s32 $0x1, s11  }
0x2a9: {  	v23 =	vor.u32 v53, v14;
	v24 =	vor.u32 v54, v14;
	v25 =	vor.u32 v48, v2;
	v16 =	vld.idx.msk [tilespmem:v16+s26+$0x0], $0xffff  }
0x2aa: {  	v26 =	vor.u32 v44, v8;
	v27 =	vor.u32 v58, v0;
	v0 =	vmovc v14;
	v2 =	vmov v8;
	v17 =	vld.idx.msk [tilespmem:v17+s26+$0x0], $0xffff  }
0x2ab: {  	v8 =	vld.idx.msk [tilespmem:v18+s26+$0x0], $0xffff  }
0x2ac: {  	v14 =	vand.u32 $0x60, v9;
	v18 =	vor.u32 v45, v2;
	v15 =	vld.idx.msk [tilespmem:v15+s26+$0x0], $0xffff  }
0x2ad: {  	v9 =	vand.u32 $0x180, v9;
	v28 =	vor.u32 v46, v2;
	v29 =	vor.u32 v50, v14;
	v30 =	vld.idx.msk [tilespmem:v3+s26+$0x0], $0xffff;
	v3 =	vmovc v22  }
0x2ae: {  	v31 =	vor.u32 $0x200, v9;
	v32 =	vor.u32 $0x600, v9;
	v22 =	vor.u32 v9, v29;
	v25 =	vld.idx.msk [tilespmem:v25+s26+$0x0], $0xffff  }
0x2af: {  	v34 =	vor.u32 $0x400, v9;
	v33 =	vor.u32 v29, v31;
	v35 =	vor.u32 v29, v32;
	v27 =	vld.idx.msk [tilespmem:v27+s26+$0x0], $0xffff  }
0x2b0: {  	v37 =	vor.u32 $0x800, v9;
	v38 =	vor.u32 $0xA00, v9;
	v36 =	vor.u32 v29, v34;
	[tilespmem:v13+s0+$0x0] =	vst.idx.msk $0xffff, v17  }
0x2b1: {  	v40 =	vor.u32 $0xE00, v9;
	v39 =	vor.u32 v29, v38;
	v17 =	vor.u32 v29, v37;
	[tilespmem:v10+s0+$0x0] =	vst.idx.msk $0xffff, v8  }
0x2b2: {  	v41 =	vor.u32 v29, v40;
	v8 =	vor.u32 v55, v14;
	[tilespmem:v12+s0+$0x0] =	vst.idx.msk $0xffff, v15  }
0x2b3: {  	v14 =	vor.u32 $0xC00, v9;
	v13 =	vor.u32 v9, v8;
	v10 =	vor.u32 v8, v31;
	[tilespmem:v11+s0+$0x0] =	vst.idx.msk $0xffff, v30  }
0x2b4: {  	v9 =	vor.u32 v29, v14;
	v12 =	vor.u32 v8, v34;
	[tilespmem:v6+s0+$0x0] =	vst.idx.msk $0xffff, v25  }
0x2b5: {  	v11 =	vor.u32 v8, v32;
	v6 =	vor.u32 v8, v37;
	[tilespmem:v5+s0+$0x0] =	vst.idx.msk $0xffff, v27  }
0x2b6: {  	v5 =	vor.u32 v8, v38;
	[tilespmem:v1+s0+$0x0] =	vst.idx.msk $0xffff, v16;
	v1 =	vor.u32 v8, v14  }
0x2b7: {  	[tilespmem:v4+s0+$0x0] =	vst.idx.msk $0xffff, v19;
	v4 =	vor.u32 v8, v40  }
0x2b8: {  	v8 =	vld.idx.msk [tilespmem:v21+s26+$0x0], $0xffff  }
0x2b9: {  	v7 =	vld.idx.msk [tilespmem:v7+s26+$0x0], $0xffff  }
0x2ba: {  	v14 =	vld.idx.msk [tilespmem:v20+s26+$0x0], $0xffff  }
0x2bb: {  	v15 =	vld.idx.msk [tilespmem:v26+s26+$0x0], $0xffff  }
0x2bc: {  	v20 =	vld.idx.msk [tilespmem:v28+s26+$0x0], $0xffff  }
0x2bd: {  	v21 =	vld.idx.msk [tilespmem:v23+s26+$0x0], $0xffff  }
0x2be: {  	v16 =	vld.idx.msk [tilespmem:v18+s26+$0x0], $0xffff  }
0x2bf: {  	v23 =	vld.idx.msk [tilespmem:v24+s26+$0x0], $0xffff  }
0x2c0: {  	[tilespmem:v22+s0+$0x0] =	vst.idx.msk $0xffff, v14  }
0x2c1: {  	[tilespmem:v33+s0+$0x0] =	vst.idx.msk $0xffff, v7  }
0x2c2: {  	[tilespmem:v36+s0+$0x0] =	vst.idx.msk $0xffff, v15  }
.Ltmp15:
0x2c3: {  	v19 =	vor.u32 v59, v0;
	[tilespmem:v35+s0+$0x0] =	vst.idx.msk $0xffff, v8;
	(pc) =	sbr.rel @p2 .LBB2_20-.Ltmp15, $4  }
0x2c4: {  	[tilespmem:v17+s0+$0x0] =	vst.idx.msk $0xffff, v16;
	v16 =	vor.u32 v49, v2  }
0x2c5: {  	v17 =	vor.u32 v43, v2;
	[tilespmem:v39+s0+$0x0] =	vst.idx.msk $0xffff, v21  }
0x2c6: {  	v18 =	vor.u32 v56, v0;
	v14 =	vadd.s32 s12, v50;
	v15 =	vor.u32 v47, v2;
	[tilespmem:v9+s0+$0x0] =	vst.idx.msk $0xffff, v20  }
0x2c7: {  	v7 =	vor.u32 v51, v14;
	v8 =	vand.u32 $0xF, v14;
	v9 =	vshll.u32 v14, $0x5;
	[tilespmem:v41+s0+$0x0] =	vst.idx.msk $0xffff, v23  }
0x2c8: {  	_ =	sdelay $0x3  }
0x2c9: {  	v19 =	vld.idx.msk [tilespmem:v19+s26+$0x0], $0xffff  }
0x2ca: {  	v2 =	vor.u32 v48, v2;
	v16 =	vld.idx.msk [tilespmem:v16+s26+$0x0], $0xffff  }
0x2cb: {  	v17 =	vld.idx.msk [tilespmem:v17+s26+$0x0], $0xffff;
	v0 =	vor.u32 v58, v0  }
0x2cc: {  	v18 =	vld.idx.msk [tilespmem:v18+s26+$0x0], $0xffff  }
0x2cd: {  	v15 =	vld.idx.msk [tilespmem:v15+s26+$0x0], $0xffff  }
0x2ce: {  	v3 =	vld.idx.msk [tilespmem:v3+s26+$0x0], $0xffff  }
0x2cf: {  	v2 =	vld.idx.msk [tilespmem:v2+s26+$0x0], $0xffff  }
0x2d0: {  	v0 =	vld.idx.msk [tilespmem:v0+s26+$0x0], $0xffff;
	[tilespmem:v13+s0+$0x0] =	vst.idx.msk $0xffff, v17  }
0x2d1: {  	[tilespmem:v10+s0+$0x0] =	vst.idx.msk $0xffff, v18  }
0x2d2: {  	[tilespmem:v12+s0+$0x0] =	vst.idx.msk $0xffff, v15  }
0x2d3: {  	v31 =	vor.u32 v52, v14;
	[tilespmem:v11+s0+$0x0] =	vst.idx.msk $0xffff, v3  }
0x2d4: {  	[tilespmem:v6+s0+$0x0] =	vst.idx.msk $0xffff, v2  }
0x2d5: {  	v32 =	vor.u32 v42, v8;
	[tilespmem:v5+s0+$0x0] =	vst.idx.msk $0xffff, v0  }
0x2d6: {  	v33 =	vor.u32 v44, v8;
	[tilespmem:v1+s0+$0x0] =	vst.idx.msk $0xffff, v16  }
0x2d7: {  	v34 =	vor.u32 v46, v8;
	[tilespmem:v4+s0+$0x0] =	vst.idx.msk $0xffff, v19  }
0x2d8: {  	v35 =	vor.u32 v53, v14;
	v5 =	vand.u32 $0x60, v9;
	v4 =	vld.idx.msk [tilespmem:v31+s26+$0x0], $0xffff  }
0x2d9: {  	v36 =	vor.u32 v45, v8;
	v9 =	vand.u32 $0x180, v9;
	v38 =	vor.u32 v50, v5;
	v7 =	vld.idx.msk [tilespmem:v7+s26+$0x0], $0xffff  }
0x2da: {  	v37 =	vor.u32 v54, v14;
	v40 =	vor.u32 $0x200, v9;
	v39 =	vor.u32 v9, v38;
	v2 =	vld.idx.msk [tilespmem:v32+s26+$0x0], $0xffff  }
0x2db: {  	v60 =	vor.u32 $0x400, v9;
	v41 =	vor.u32 v38, v40;
	v0 =	vld.idx.msk [tilespmem:v33+s26+$0x0], $0xffff  }
0x2dc: {  	v61 =	vor.u32 $0x600, v9;
	v62 =	vor.u32 v38, v60;
	v1 =	vld.idx.msk [tilespmem:v34+s26+$0x0], $0xffff  }
0x2dd: {  	v20 =	vor.u32 $0x800, v9;
	v63 =	vor.u32 v38, v61;
	v3 =	vld.idx.msk [tilespmem:v35+s26+$0x0], $0xffff  }
0x2de: {  	v21 =	vor.u32 $0xA00, v9;
	v22 =	vor.u32 v38, v20;
	v6 =	vld.idx.msk [tilespmem:v36+s26+$0x0], $0xffff  }
0x2df: {  	v24 =	vor.u32 $0xC00, v9;
	v23 =	vor.u32 v38, v21;
	v10 =	vld.idx.msk [tilespmem:v37+s26+$0x0], $0xffff;
	[tilespmem:v39+s0+$0x0] =	vst.idx.msk $0xffff, v2  }
0x2e0: {  	v28 =	vor.u32 $0xE00, v9;
	v29 =	vor.u32 v38, v24;
	[tilespmem:v41+s0+$0x0] =	vst.idx.msk $0xffff, v7  }
0x2e1: {  	v30 =	vor.u32 v38, v28;
	[tilespmem:v62+s0+$0x0] =	vst.idx.msk $0xffff, v0  }
0x2e2: {  	v31 =	vor.u32 v59, v14;
	[tilespmem:v63+s0+$0x0] =	vst.idx.msk $0xffff, v4  }
0x2e3: {  	v32 =	vor.u32 v49, v8;
	[tilespmem:v22+s0+$0x0] =	vst.idx.msk $0xffff, v6  }
0x2e4: {  	v33 =	vor.u32 v43, v8;
	[tilespmem:v23+s0+$0x0] =	vst.idx.msk $0xffff, v3  }
0x2e5: {  	v34 =	vor.u32 v56, v14;
	[tilespmem:v29+s0+$0x0] =	vst.idx.msk $0xffff, v1  }
0x2e6: {  	v35 =	vor.u32 v47, v8;
	[tilespmem:v30+s0+$0x0] =	vst.idx.msk $0xffff, v10  }
0x2e7: {  	v36 =	vor.u32 v57, v14;
	v0 =	vld.idx.msk [tilespmem:v31+s26+$0x0], $0xffff  }
0x2e8: {  	v5 =	vor.u32 v55, v5;
	v37 =	vor.u32 v48, v8;
	v4 =	vld.idx.msk [tilespmem:v32+s26+$0x0], $0xffff  }
0x2e9: {  	v38 =	vor.u32 v58, v14;
	v9 =	vor.u32 v9, v5;
	v3 =	vld.idx.msk [tilespmem:v33+s26+$0x0], $0xffff  }
0x2ea: {  	v39 =	vor.u32 v5, v40;
	v1 =	vld.idx.msk [tilespmem:v34+s26+$0x0], $0xffff  }
0x2eb: {  	v40 =	vor.u32 v5, v60;
	v6 =	vld.idx.msk [tilespmem:v35+s26+$0x0], $0xffff  }
0x2ec: {  	v41 =	vor.u32 v5, v61;
	v7 =	vld.idx.msk [tilespmem:v36+s26+$0x0], $0xffff  }
0x2ed: {  	v60 =	vor.u32 v5, v20;
	v8 =	vld.idx.msk [tilespmem:v37+s26+$0x0], $0xffff  }
0x2ee: {  	v61 =	vor.u32 v5, v21;
	v10 =	vld.idx.msk [tilespmem:v38+s26+$0x0], $0xffff;
	[tilespmem:v9+s0+$0x0] =	vst.idx.msk $0xffff, v3  }
0x2ef: {  	v62 =	vor.u32 v5, v24;
	[tilespmem:v39+s0+$0x0] =	vst.idx.msk $0xffff, v1  }
0x2f0: {  	v63 =	vor.u32 v5, v28;
	[tilespmem:v40+s0+$0x0] =	vst.idx.msk $0xffff, v6  }
0x2f1: {  	[tilespmem:v41+s0+$0x0] =	vst.idx.msk $0xffff, v7  }
0x2f2: {  	[tilespmem:v60+s0+$0x0] =	vst.idx.msk $0xffff, v8  }
0x2f3: {  	[tilespmem:v61+s0+$0x0] =	vst.idx.msk $0xffff, v10  }
.Ltmp16:
0x2f4: {  	s11 =	sshll.u32 s4, $0x9;
	p2 =	sgt.u32 s4, $0x2CC;
	[tilespmem:v62+s0+$0x0] =	vst.idx.msk $0xffff, v4;
	(pc) =	sbr.rel .LBB2_22-.Ltmp16, $4  }
0x2f5: {  	s12 =	sadd.s32 s6, s11;
	s4 =	sadd.s32 @!p2 s11, s15;
	[tilespmem:v63+s0+$0x0] =	vst.idx.msk $0xffff, v0  }
0x2f6: {  	[hbm4b:s12+s2] =	stream.linear.scatter [tilespmem:s0], [sflag:$0x4], $0x1000, $0x38;
	[tilespmem:$0x10000] =	vst v63  }
0x2f7: {  	s11 =	simm.s32 @!p2 $0x1000;
	s13 =	simm.s32 @!p2 $0x4000;
	s12 =	simm.s32 @!p2 $0xC3800  }
0x2f8: {  	[tilespmem:s13], [sflag:$0x2] =	stream.strided.gather @!p2 [hbm4b:s4+s11], $0x4000, s12, s11, $0x38;
	[tilespmem:$0x10000] =	vst v63  }
.LBB2_24:
0x2f9: {  	_ =	sfence.sel $0x180000  }
0x2fa: {  	[bflag:$0x0] =	sbarrier.arrive $0xFFFF  }
0x2fb: {  	_ =	strace $0x90000047  }
0x2fc: {  	s0 =	stileid.u32;
	[bflag:$0x2] =	sbarrier.arrive $0xFFFF  }
0x2fd: {  	p0 =	sne.s32 s0, $0x0;
	s0 =	rddreg [dreg:$0x4]  }
0x2fe: {  	s0 =	sadd.s32 @!p0 $0x100000, s0  }
0x2ff: {  	[sflag:s0] =	ssyncadd.tile.s32 @!p0 $0x1;
	_ =	shalt  }
.Lfunc_end2:
_tile_overlayer_lowered:
.L_overlay_start_2:
0x300: {  	(tag) =	ssettag $0x2  }
0x301: {  	s0 =	rddreg [dreg:$0x0];
	s2 =	stileid.u32  }
0x302: {  	s1 =	rddreg [dreg:$0x1];
	p0 =	sne.s32 s2, $0x0  }
0x303: {  	s3 =	rddreg [dreg:$0x2];
	[bflag:$0x3] =	sbarrier.arrive $0xFFFF;
	s2 =	simm.s32 @!p0 $0x1C05  }
0x304: {  	[timem:s3], [sflag:s2] =	dma.local @!p0 [hbm:s0], s1  }
0x305: {  	s0 =	simm.s32 @!p0 $0x5  }
0x306: {  	_ =	swait.ge @!p0 [sflag:s0], s1  }
0x307: {  	s1 =	ssub.s32 @!p0 $0x0, s1;
	[sflag:s0] =	ssyncset.done @!p0 $0x0  }
0x308: {  	[sflag:s0] =	ssyncadd.s32 @!p0 s1  }
0x309: {  	[bflag:$0x3] =	sbarrier.arrive $0xFFFF  }
0x30a: {  	_ =	shalt  }

// kernel: kernel.8.cloned.1.call-start
scs
__scs_entry_jumppad:
0x0: {  	(pc) =	sbr.rel $0x88, $3  }
0x1: {  	(tag) =	ssettag $0x0;
	lr =	simm.s32 $0x1  }
0x2: {  	[smem:$0x3F97] =	sst lr;
	_ =	strace $0xD0000000  }
0x3: {  	_ = 	snop  }
0x4: {  	_ = 	snop  }
0x5: {  	_ = 	snop  }
0x6: {  	_ = 	snop  }
0x7: {  	_ = 	snop  }
__scs_overlays_trampoline_lowered:
0x8: {  	[smem:$0x3FA6] =	sst s0  }
0x9: {  	[smem:$0x3FA7] =	sst s1  }
0xa: {  	[smem:$0x3FA8] =	sst s2  }
0xb: {  	[smem:$0x3FA9] =	sst s3  }
0xc: {  	[smem:$0x3FAA] =	sst s4  }
0xd: {  	[smem:$0x3FAB] =	sst s5  }
0xe: {  	[smem:$0x3FAC] =	sst s6  }
0xf: {  	[smem:$0x3FAD] =	sst s7  }
0x10: {  	[smem:$0x3FAE] =	sst s8  }
0x11: {  	[smem:$0x3FAF] =	sst s9;
	s0 =	simm.s32 @!p0 $0x0  }
0x12: {  	s1 =	sld [smem:$0x3F95];
	s0 =	simm.s32 @p0 $0x1  }
0x13: {  	[smem:$0x3FB0] =	sst s0;
	s0 =	simm.s32 @!p1 $0x0  }
0x14: {  	s2 =	sld [smem:$0x3F94];
	s0 =	simm.s32 @p1 $0x1  }
0x15: {  	[smem:$0x3FB1] =	sst s0;
	s0 =	simm.s32 @!p2 $0x0  }
0x16: {  	s3 =	sld [smem:$0x3FDB];
	s0 =	simm.s32 @p2 $0x1  }
0x17: {  	s4 =	simm.s32 $0x1BF5;
	[smem:$0x3FB3] =	sst s0  }
0x18: {  	s0 =	sld [smem:$0x3F96];
	_ =	swait.ge [sflag:s4], $0x0  }
0x19: {  	s7 =	sld [smem:$0x3F97]  }
0x1a: {  	s8 =	sadd.s32 $0xFFFFE003, lr  }
0x1b: {  	s9 =	sadd.s32 $0xFFFFFEF7, lr;
	s5 =	simm.s32 $0xFFFFFFFF;
	p2 =	slt.u32 s8, $0xFFFFF086  }
0x1c: {  	p1 =	slt.u32 s9, $0xF7A;
	s5 =	simm.s32 @!p2 $0x0  }
0x1d: {  	s5 =	simm.s32 @p1 $0x1;
	p0 =	seq.s32 s7, s2  }
0x1e: {  	s7 =	smul.u32 @!p0 $0xF7A, s2;
	p2 =	seq.s32 @!p0 s5, $0x0  }
0x1f: {  	s9 =	smul.u32 $0xF7A, s1;
	s8 =	simm.s32 @!p0 $0x1BF5;
	p2 =	por !p2, p0  }
0x20: {  	[sflag:s8] =	ssyncset.s32 @!p0 $0xFFFFF086;
	s6 =	sadd.s32 @!p0 s3, s7;
	s7 =	simm.s32 @!p0 $0x108  }
0x21: {  	s3 =	sadd.s32 s3, s9;
	s6 =	sadd.s32 @!p0 $0x88, s6;
	s7 =	simm.s32 @p2 $0x1082  }
0x22: {  	[simem:s7], [sflag:s8] =	dma.local @!p0 [hbm:s6], $0xF7A  }
0x23: {  	s9 =	sor.u32 $0xD0000000, s2;
	s6 =	simm.s32 $0x108;
	_ =	swait.ge @!p0 [sflag:s8], $0x0  }
0x24: {  	s3 =	sadd.s32 $0x88, s3;
	s6 =	simm.s32 @!p1 $0x1082;
	[sflag:s4] =	ssyncset.s32 $0xFFFFF086  }
0x25: {  	[simem:s6], [sflag:s4] =	dma.local [hbm:s3], $0xF7A  }
0x26: {  	[smem:$0x3F97] =	sst s1;
	(tag) =	ssettag s2;
	_ =	strace s9  }
0x27: {  	s1 =	sld [smem:$0x3FA7]  }
0x28: {  	s2 =	sld [smem:$0x3FA8]  }
0x29: {  	s4 =	sld [smem:$0x3FAA]  }
0x2a: {  	p0 =	seq.s32 s5, $0x0;
	s5 =	sld [smem:$0x3FAB]  }
0x2b: {  	s6 =	sld [smem:$0x3FAC]  }
0x2c: {  	s7 =	sld [smem:$0x3FAD]  }
0x2d: {  	s3 =	simm.s32 $0x108;
	s8 =	sld [smem:$0x3FAE]  }
0x2e: {  	s3 =	simm.s32 @!p0 $0x1082;
	s9 =	sld [smem:$0x3FAF]  }
0x2f: {  	lr =	sadd.s32 s0, s3;
	s0 =	sld [smem:$0x3FA6]  }
0x30: {  	s3 =	sld [smem:$0x3FA9]  }
0x31: {  	[smem:$0x3FB2] =	sst s10  }
0x32: {  	s10 =	sld [smem:$0x3FB0];
	_ =	sdelay $0x3  }
0x33: {  	p0 =	seq.s32 s10, $0x1;
	s10 =	sld [smem:$0x3FB2];
	_ =	sdelay $0x3  }
0x34: {  	[smem:$0x3FB2] =	sst s10  }
0x35: {  	s10 =	sld [smem:$0x3FB1];
	_ =	sdelay $0x3  }
0x36: {  	p1 =	seq.s32 s10, $0x1;
	s10 =	sld [smem:$0x3FB2];
	_ =	sdelay $0x3  }
0x37: {  	[smem:$0x3FB2] =	sst s10  }
0x38: {  	s10 =	sld [smem:$0x3FB3]  }
0x39: {  	_ = 	snop;
	(pc) =	sbr.ind lr, $3  }
0x3a: {  	_ = 	snop  }
0x3b: {  	_ = 	snop  }
0x3c: {  	p2 =	seq.s32 s10, $0x1;
	s10 =	sld [smem:$0x3FB2]  }
0x3d: {  	_ =	shalt  }
0x3e: {  	_ =	shalt  }
0x3f: {  	_ =	shalt  }
0x40: {  	_ =	shalt  }
0x41: {  	_ =	shalt  }
0x42: {  	_ =	shalt  }
0x43: {  	_ =	shalt  }
0x44: {  	_ =	shalt  }
0x45: {  	_ =	shalt  }
0x46: {  	_ =	shalt  }
0x47: {  	_ =	shalt  }
0x48: {  	_ =	shalt  }
0x49: {  	_ =	shalt  }
0x4a: {  	_ =	shalt  }
0x4b: {  	_ =	shalt  }
0x4c: {  	_ =	shalt  }
0x4d: {  	_ =	shalt  }
0x4e: {  	_ =	shalt  }
0x4f: {  	_ =	shalt  }
0x50: {  	_ =	shalt  }
0x51: {  	_ =	shalt  }
0x52: {  	_ =	shalt  }
0x53: {  	_ =	shalt  }
0x54: {  	_ =	shalt  }
0x55: {  	_ =	shalt  }
0x56: {  	_ =	shalt  }
0x57: {  	_ =	shalt  }
0x58: {  	_ =	shalt  }
0x59: {  	_ =	shalt  }
0x5a: {  	_ =	shalt  }
0x5b: {  	_ =	shalt  }
0x5c: {  	_ =	shalt  }
0x5d: {  	_ =	shalt  }
0x5e: {  	_ =	shalt  }
0x5f: {  	_ =	shalt  }
0x60: {  	_ =	shalt  }
0x61: {  	_ =	shalt  }
0x62: {  	_ =	shalt  }
0x63: {  	_ =	shalt  }
0x64: {  	_ =	shalt  }
0x65: {  	_ =	shalt  }
0x66: {  	_ =	shalt  }
0x67: {  	_ =	shalt  }
0x68: {  	_ =	shalt  }
0x69: {  	_ =	shalt  }
0x6a: {  	_ =	shalt  }
0x6b: {  	_ =	shalt  }
0x6c: {  	_ =	shalt  }
0x6d: {  	_ =	shalt  }
0x6e: {  	_ =	shalt  }
0x6f: {  	_ =	shalt  }
0x70: {  	_ =	shalt  }
0x71: {  	_ =	shalt  }
0x72: {  	_ =	shalt  }
0x73: {  	_ =	shalt  }
0x74: {  	_ =	shalt  }
0x75: {  	_ =	shalt  }
0x76: {  	_ =	shalt  }
0x77: {  	_ =	shalt  }
0x78: {  	_ =	shalt  }
0x79: {  	_ =	shalt  }
0x7a: {  	_ =	shalt  }
0x7b: {  	_ =	shalt  }
0x7c: {  	_ =	shalt  }
0x7d: {  	_ =	shalt  }
0x7e: {  	_ =	shalt  }
0x7f: {  	_ =	shalt  }
0x80: {  	_ =	shalt  }
0x81: {  	_ =	shalt  }
0x82: {  	_ =	shalt  }
0x83: {  	_ =	shalt  }
0x84: {  	_ =	shalt  }
0x85: {  	_ =	shalt  }
0x86: {  	_ =	shalt  }
0x87: {  	_ =	shalt  }
.Lfunc_end0:
.L_simem_size_0:
called_computation.1_lowered:
.L_overlay_start_0:
0x88: {  	s2 =	sld [smem:$0x3FD9]  }
0x89: {  	s3 =	sld [smem:$0x3FFE];
	_ =	sdelay $0x1  }
0x8a: {  	s1 =	srdreg.scid  }
0x8b: {  	s0 =	sand.u32 $0x1, s1  }
0x8c: {  	s17 =	sshll.u32 s0, $0xA;
	s2 =	sadd.s32 s3, s2  }
0x8d: {  	s2 =	sadd.s32 s2, s17  }
0x8e: {  	[smem:$0x3FBE] =	sst s2  }
0x8f: {  	_ = 	snop  }
0x90: {  	s2 =	sld [smem:$0x3FC9]  }
0x91: {  	s18 =	sld [smem:$0x3FC8];
	(tm) =	ssettm $0x1  }
0x92: {  	s4 =	sld [smem:$0x3FFB];
	_ =	sdelay $0x3  }
0x93: {  	_ =	strace s4  }
0x94: {  	s4 =	sld [smem:$0x3FFC];
	_ =	sdelay $0x3  }
0x95: {  	_ =	strace s4  }
0x96: {  	s4 =	sld [smem:$0x3FFD];
	_ =	sdelay $0x3  }
0x97: {  	_ =	strace s4  }
0x98: {  	_ =	strace $0x8FFFFFFF  }
0x99: {  	s19 =	sld [smem:$0x3FDB];
	_ =	sdelay $0x1  }
0x9a: {  	s5 =	simm.s32 $_scs_section_size  }
0x9b: {  	s6 =	simm.s32 $_size__tile_overlayer_lowered;
	s7 =	simm.s32 $_tile_overlayer_lowered  }
0x9c: {  	s22 =	simm.s32 $0x1BFF;
	s21 =	sshll.u32 s7, $0x1;
	s4 =	sadd.s32 s5, s19  }
0x9d: {  	s8 =	simm.s32 $0x0;
	s20 =	sshll.u32 s6, $0x1;
	s6 =	sadd.s32 s21, s4  }
0x9e: {  	[timem:s8], [sflag:s22] =	dma.local [hbm:s6], s20  }
0x9f: {  	_ =	swait.ge [sflag:s22], s20  }
0xa0: {  	s5 =	ssub.s32 $0x0, s20;
	[sflag:s22] =	ssyncset.done $0x0  }
0xa1: {  	[sflag:s22] =	ssyncadd.s32 s5;
	_ =	sdelay $0x1  }
0xa2: {  	s23 =	simm.s32 $0x1B8B  }
0xa3: {  	_ =	swait.ge [sflag:s23], $0x1  }
0xa4: {  	[sflag:s23] =	ssyncset.done $0x0  }
0xa5: {  	s25 =	simm.s32 $0x1B8E;
	s24 =	sld [smem:$0x3FFE];
	[sflag:s23] =	ssyncadd.s32 $0xFFFFFFFF  }
0xa6: {  	s26 =	simm.s32 $execute0_lowered;
	[smem:$0x3FD2] =	sst s25  }
0xa7: {  	s6 =	sshll.u32 s26, $0x1;
	_ =	strace $0x80000049;
	[dreg:$0x1] =	wrdreg $0xFFFFFFFF  }
0xa8: {  	s28 =	simm.s32 $_size_execute0_lowered;
	s4 =	sadd.s32 s4, s6;
	[dreg:$0x0] =	wrdreg $0x0  }
0xa9: {  	s6 =	sshll.u32 s28, $0x1;
	[dreg:$0x2] =	wrdreg s4  }
0xaa: {  	[dreg:$0x3] =	wrdreg s6  }
0xab: {  	[dreg:$0x4] =	wrdreg $0xC0  }
0xac: {  	_ =	task [dreg:s8], $0x5FFFF  }
0xad: {  	[dreg:$0x1] =	wrdreg $0xFFFFFFFF  }
0xae: {  	[dreg:$0x0] =	wrdreg $0x60  }
0xaf: {  	[dreg:$0x2] =	wrdreg s24  }
0xb0: {  	[dreg:$0x3] =	wrdreg s2  }
0xb1: {  	[dreg:$0x4] =	wrdreg s18  }
0xb2: {  	[dreg:$0x5] =	wrdreg $0x9  }
0xb3: {  	_ =	task.clear_ibuf [dreg:s8], $0x6FFFF;
	_ =	strace $0x90000049  }
0xb4: {  	s29 =	simm.s32 $0x9;
	_ =	strace $0x8000004B  }
0xb5: {  	_ =	swait.ge [sflag:s29], $0x1  }
0xb6: {  	[sflag:s29] =	ssyncadd.s32 $0xFFFFFFFF  }
0xb7: {  	_ =	strace $0x9000004B  }
0xb8: {  	_ =	sfence  }
0xb9: {  	s30 =	sld [smem:$0x0];
	_ =	sdelay $0x2  }
0xba: {  	s31 =	sshll.u32 s1, $0xD;
	s1 =	sshrl.u32 s1, $0x2  }
0xbb: {  	s3 =	sand.u32 $0x4000, s31;
	s1 =	sadd.s32 s1, s30  }
0xbc: {  	s0 =	sor.u32 s3, s0;
	s1 =	sshll.u32 s1, $0x11  }
0xbd: {  	s0 =	sor.u32 s1, s0  }
0xbe: {  	s0 =	sadd.s32 $0x8F2B, s0  }
0xbf: {  	[sflag:s0] =	ssyncadd.remote.s32 $0x1  }
0xc0: {  	_ =	sfence.sel $0xFFFF  }
0xc1: {  	[dreg:$0x0] =	wrdreg $0xFFFFFFFF;
	(pc) =	sbr.abs _section_cstart, $3  }
0xc2: {  	[dreg:$0x1] =	wrdreg $0xFFFFFFFF  }
0xc3: {  	_ =	task.clear_ibuf [dreg:s8], $0x2FFFF;
	_ =	strace $0x9FFFFFFF  }
0xc4: {  	(tm) =	ssettm $0x7FFFFFFF  }
0xc5: {  	_ =	shalt  }
tec
execute0_lowered:
.L_overlay_start_1:
0x0: {  	(tag) =	ssettag $0x1  }
0x1: {  	s5 =	rddreg [dreg:$0x0]  }
0x2: {  	s6 =	rddreg [dreg:$0x1]  }
0x3: {  	s7 =	rddreg [dreg:$0x2]  }
0x4: {  	s0 =	rddreg [dreg:$0x3];
	s2 =	simm.s32 $0x0;
	s4 =	srdreg.scid  }
0x5: {  	s1 =	stileid.u32;
	s12 =	simm.s32 $0x200;
	s13 =	simm.s32 $0x600  }
0x6: {  	s14 =	simm.s32 $0x280;
	s15 =	simm.s32 $0x4600;
	s16 =	simm.s32 $0x300  }
0x7: {  	s17 =	simm.s32 $0x8600;
	s18 =	simm.s32 $0x380;
	s19 =	simm.s32 $0xC600  }
0x8: {  	s20 =	simm.s32 $0x1;
	s21 =	simm.s32 $0x400;
	s22 =	simm.s32 $0x10600  }
0x9: {  	s23 =	simm.s32 $0x0;
	[smem:$0x7FF] =	sst s2;
	s3 =	sadd.s32 $0x1E00, s5  }
0xa: {  	s8 =	sand.u32 $0x1, s4;
	s9 =	sshll.u32 s1, $0x1;
	s4 =	sadd.s32 $0x3D2800, s5  }
0xb: {  	_ =	strace $0x8000004A;
	s9 =	sor.u32 s8, s9;
	s8 =	ssub.s32 $0x2, s8  }
0xc: {  	s10 =	sshll.u32 s9, $0xB;
	s11 =	sshrl.u32 s8, $0x1;
	s9 =	sshll.u32 s9, $0x6  }
0xd: {  	s10 =	sadd.s32 s10, s5;
	s11 =	ssub.s32 s8, s11;
	s5 =	sadd.s32 s6, s9  }
0xe: {  	v0 =	vlaneseq.u32;
	s7 =	sadd.s32 s7, s9;
	s6 =	sadd.s32 $0x444400, s10;
	s8 =	sadd.s32 $0x434400, s10  }
0xf: {  	v1 =	vor.u32 $0x10, v0;
	s9 =	smax.u32 s11, $0x1;
	s10 =	simm.s32 $0x2;
	s11 =	simm.s32 $0x80  }
.LBB2_1:
0x10: {  	[tilespmem:s2], [sflag:$0x2] =	stream.linear.gather [hbm4b:s5+s2], $0x200, $0x38;
	[tilespmem:$0x14600] =	vst v63  }
0x11: {  	_ =	swait.ge [sflag:s10], $0x200  }
0x12: {  	[sflag:s10] =	ssyncset.done $0x0  }
0x13: {  	[sflag:s10] =	ssyncadd.s32 $0xFFFFFE00  }
0x14: {  	v2 =	vld [tilespmem:$0x0];
	_ =	sdelay $0x1  }
0x15: {  	v3 =	vld [tilespmem:$0x10];
	_ =	sdelay $0x1  }
0x16: {  	v4 =	vld [tilespmem:$0x20]  }
0x17: {  	v5 =	vshra.s32 v2, $0x2  }
0x18: {  	v2 =	vand.u32 $0x3, v2;
	[tilespmem:$0x200] =	vst v5;
	v5 =	vld [tilespmem:$0x30]  }
0x19: {  	[tilespmem:$0x400] =	vst v2;
	v2 =	vshra.s32 v3, $0x2  }
0x1a: {  	[tilespmem:$0x210] =	vst v2;
	v2 =	vand.u32 $0x3, v3;
	v3 =	vld [tilespmem:$0x40]  }
0x1b: {  	[tilespmem:$0x410] =	vst v2;
	v2 =	vshra.s32 v4, $0x2  }
0x1c: {  	[tilespmem:$0x220] =	vst v2;
	v2 =	vand.u32 $0x3, v4;
	v4 =	vld [tilespmem:$0x50]  }
0x1d: {  	[tilespmem:$0x420] =	vst v2;
	v2 =	vshra.s32 v5, $0x2  }
0x1e: {  	[tilespmem:$0x230] =	vst v2;
	v2 =	vand.u32 $0x3, v5;
	v5 =	vld [tilespmem:$0x60]  }
0x1f: {  	[tilespmem:$0x430] =	vst v2;
	v2 =	vshra.s32 v3, $0x2  }
0x20: {  	[tilespmem:$0x240] =	vst v2;
	v2 =	vand.u32 $0x3, v3;
	v3 =	vld [tilespmem:$0x70]  }
0x21: {  	[tilespmem:$0x440] =	vst v2;
	v2 =	vshra.s32 v4, $0x2  }
0x22: {  	[tilespmem:$0x250] =	vst v2;
	v2 =	vand.u32 $0x3, v4;
	v4 =	vld [tilespmem:$0x80]  }
0x23: {  	[tilespmem:$0x450] =	vst v2;
	v2 =	vshra.s32 v5, $0x2  }
0x24: {  	[tilespmem:$0x260] =	vst v2;
	v2 =	vand.u32 $0x3, v5;
	v5 =	vld [tilespmem:$0x90]  }
0x25: {  	[tilespmem:$0x460] =	vst v2;
	v2 =	vshra.s32 v3, $0x2  }
0x26: {  	[tilespmem:$0x270] =	vst v2;
	v2 =	vand.u32 $0x3, v3;
	v3 =	vld [tilespmem:$0xA0]  }
0x27: {  	[tilespmem:$0x470] =	vst v2;
	v2 =	vshra.s32 v4, $0x2  }
0x28: {  	[tilespmem:$0x280] =	vst v2;
	v2 =	vand.u32 $0x3, v4;
	v4 =	vld [tilespmem:$0xB0]  }
0x29: {  	[tilespmem:$0x480] =	vst v2;
	v2 =	vshra.s32 v5, $0x2  }
0x2a: {  	[tilespmem:$0x290] =	vst v2;
	v2 =	vand.u32 $0x3, v5;
	v5 =	vld [tilespmem:$0xC0]  }
0x2b: {  	[tilespmem:$0x490] =	vst v2;
	v2 =	vshra.s32 v3, $0x2  }
0x2c: {  	[tilespmem:$0x2A0] =	vst v2;
	v2 =	vand.u32 $0x3, v3;
	v3 =	vld [tilespmem:$0xD0]  }
0x2d: {  	[tilespmem:$0x4A0] =	vst v2;
	v2 =	vshra.s32 v4, $0x2  }
0x2e: {  	[tilespmem:$0x2B0] =	vst v2;
	v2 =	vand.u32 $0x3, v4;
	v4 =	vld [tilespmem:$0xE0]  }
0x2f: {  	[tilespmem:$0x4B0] =	vst v2;
	v2 =	vshra.s32 v5, $0x2  }
0x30: {  	[tilespmem:$0x2C0] =	vst v2;
	v2 =	vand.u32 $0x3, v5;
	v5 =	vld [tilespmem:$0xF0]  }
0x31: {  	[tilespmem:$0x4C0] =	vst v2;
	v2 =	vshra.s32 v3, $0x2  }
0x32: {  	[tilespmem:$0x2D0] =	vst v2;
	v2 =	vand.u32 $0x3, v3;
	v3 =	vld [tilespmem:$0x100]  }
0x33: {  	[tilespmem:$0x4D0] =	vst v2;
	v2 =	vshra.s32 v4, $0x2  }
0x34: {  	[tilespmem:$0x2E0] =	vst v2;
	v2 =	vand.u32 $0x3, v4;
	v4 =	vld [tilespmem:$0x110]  }
0x35: {  	[tilespmem:$0x4E0] =	vst v2;
	v2 =	vshra.s32 v5, $0x2  }
0x36: {  	[tilespmem:$0x2F0] =	vst v2;
	v2 =	vand.u32 $0x3, v5;
	v5 =	vld [tilespmem:$0x120]  }
0x37: {  	[tilespmem:$0x4F0] =	vst v2;
	v2 =	vshra.s32 v3, $0x2  }
0x38: {  	[tilespmem:$0x300] =	vst v2;
	v2 =	vand.u32 $0x3, v3;
	v3 =	vld [tilespmem:$0x130]  }
0x39: {  	[tilespmem:$0x500] =	vst v2;
	v2 =	vshra.s32 v4, $0x2  }
0x3a: {  	[tilespmem:$0x310] =	vst v2;
	v2 =	vand.u32 $0x3, v4;
	v4 =	vld [tilespmem:$0x140]  }
0x3b: {  	[tilespmem:$0x510] =	vst v2;
	v2 =	vshra.s32 v5, $0x2  }
0x3c: {  	[tilespmem:$0x320] =	vst v2;
	v2 =	vand.u32 $0x3, v5;
	v5 =	vld [tilespmem:$0x150]  }
0x3d: {  	[tilespmem:$0x520] =	vst v2;
	v2 =	vshra.s32 v3, $0x2  }
0x3e: {  	[tilespmem:$0x330] =	vst v2;
	v2 =	vand.u32 $0x3, v3;
	v3 =	vld [tilespmem:$0x160]  }
0x3f: {  	[tilespmem:$0x530] =	vst v2;
	v2 =	vshra.s32 v4, $0x2  }
0x40: {  	[tilespmem:$0x340] =	vst v2;
	v2 =	vand.u32 $0x3, v4;
	v4 =	vld [tilespmem:$0x170]  }
0x41: {  	[tilespmem:$0x540] =	vst v2;
	v2 =	vshra.s32 v5, $0x2  }
0x42: {  	[tilespmem:$0x350] =	vst v2;
	v2 =	vand.u32 $0x3, v5;
	v5 =	vld [tilespmem:$0x180]  }
0x43: {  	[tilespmem:$0x550] =	vst v2;
	v2 =	vshra.s32 v3, $0x2  }
0x44: {  	[tilespmem:$0x360] =	vst v2;
	v2 =	vand.u32 $0x3, v3;
	v3 =	vld [tilespmem:$0x190]  }
0x45: {  	[tilespmem:$0x560] =	vst v2;
	v2 =	vshra.s32 v4, $0x2  }
0x46: {  	[tilespmem:$0x370] =	vst v2;
	v2 =	vand.u32 $0x3, v4;
	v4 =	vld [tilespmem:$0x1A0]  }
0x47: {  	[tilespmem:$0x570] =	vst v2;
	v2 =	vshra.s32 v5, $0x2  }
0x48: {  	[tilespmem:$0x380] =	vst v2;
	v2 =	vand.u32 $0x3, v5;
	v5 =	vld [tilespmem:$0x1B0]  }
0x49: {  	[tilespmem:$0x580] =	vst v2;
	v2 =	vshra.s32 v3, $0x2  }
0x4a: {  	[tilespmem:$0x390] =	vst v2;
	v2 =	vand.u32 $0x3, v3;
	v3 =	vld [tilespmem:$0x1C0]  }
0x4b: {  	[tilespmem:$0x590] =	vst v2;
	v2 =	vshra.s32 v4, $0x2  }
0x4c: {  	[tilespmem:$0x3A0] =	vst v2;
	v2 =	vand.u32 $0x3, v4;
	v4 =	vld [tilespmem:$0x1D0]  }
0x4d: {  	[tilespmem:$0x5A0] =	vst v2;
	v2 =	vshra.s32 v5, $0x2  }
0x4e: {  	[tilespmem:$0x3B0] =	vst v2;
	v2 =	vand.u32 $0x3, v5;
	v5 =	vld [tilespmem:$0x1E0]  }
0x4f: {  	[tilespmem:$0x5B0] =	vst v2;
	v2 =	vshra.s32 v3, $0x2  }
0x50: {  	[tilespmem:$0x3C0] =	vst v2;
	v2 =	vand.u32 $0x3, v3;
	v3 =	vld [tilespmem:$0x1F0]  }
0x51: {  	[tilespmem:$0x5C0] =	vst v2;
	v2 =	vshra.s32 v4, $0x2  }
0x52: {  	[tilespmem:$0x3D0] =	vst v2;
	v2 =	vand.u32 $0x3, v4  }
0x53: {  	[tilespmem:$0x5D0] =	vst v2;
	v2 =	vshra.s32 v5, $0x2  }
0x54: {  	[tilespmem:$0x3E0] =	vst v2;
	v2 =	vand.u32 $0x3, v5  }
0x55: {  	[tilespmem:$0x5E0] =	vst v2;
	v2 =	vshra.s32 v3, $0x2  }
0x56: {  	[tilespmem:$0x3F0] =	vst v2;
	v2 =	vand.u32 $0x3, v3  }
0x57: {  	[tilespmem:$0x5F0] =	vst v2  }
0x58: {  	[tilespmem:s13], [sflag:$0x1] =	stream.indirect.gather [hbm4b:s3+s11], $0x80, s12, s11, $0xb8;
	[tilespmem:$0x14600] =	vst v63  }
0x59: {  	_ = 	snop  }
0x5a: {  	[tilespmem:s15], [sflag:$0x1] =	stream.indirect.gather [hbm4b:s3+s11], $0x80, s14, s11, $0xb8;
	[tilespmem:$0x14600] =	vst v63  }
0x5b: {  	_ = 	snop  }
0x5c: {  	[tilespmem:s17], [sflag:$0x1] =	stream.indirect.gather [hbm4b:s3+s11], $0x80, s16, s11, $0xb8;
	[tilespmem:$0x14600] =	vst v63  }
0x5d: {  	_ = 	snop  }
0x5e: {  	[tilespmem:s19], [sflag:$0x1] =	stream.indirect.gather [hbm4b:s3+s11], $0x80, s18, s11, $0xb8;
	[tilespmem:$0x14600] =	vst v63  }
0x5f: {  	_ =	swait.ge [sflag:s20], $0x4000  }
0x60: {  	[sflag:s20] =	ssyncset.done $0x0  }
0x61: {  	[sflag:s20] =	ssyncadd.s32 $0xFFFFC000  }
0x62: {  	_ =	swait.ge [sflag:s20], $0x4000  }
0x63: {  	[sflag:s20] =	ssyncset.done $0x0  }
0x64: {  	[sflag:s20] =	ssyncadd.s32 $0xFFFFC000  }
0x65: {  	_ =	swait.ge [sflag:s20], $0x4000  }
0x66: {  	v2 =	vmov s2;
	[sflag:s20] =	ssyncset.done $0x0  }
0x67: {  	[sflag:s20] =	ssyncadd.s32 $0xFFFFC000  }
0x68: {  	_ =	swait.ge [sflag:s20], $0x4000  }
0x69: {  	[sflag:s20] =	ssyncset.done $0x0  }
0x6a: {  	[sflag:s20] =	ssyncadd.s32 $0xFFFFC000  }
0x6b: {  	v3 =	vld.idx.msk [tilespmem:v2+s21+$0x0], $0xffff;
	_ =	sdelay $0x4  }
0x6c: {  	v3 =	vshll.u32 v3, $0x5  }
0x6d: {  	v2 =	vshll.u32 v2, $0x7;
	v4 =	vor.u32 v0, v3;
	v5 =	vand.u32 $0xFFFFFF80, v3  }
0x6e: {  	v3 =	vor.u32 v1, v3;
	v4 =	vand.u32 $0x6F, v4;
	v2 =	vadd.s32 v2, v5  }
0x6f: {  	v3 =	vand.u32 $0x7F, v3;
	v4 =	vor.u32 v4, v2  }
0x70: {  	v2 =	vor.u32 v3, v2;
	_ =	sdelay $0x3  }
0x71: {  	s25 =	simm.s32 $0x10;
	v5 =	vor.u32 s2, v0;
	v3 =	vld.idx.msk [tilespmem:v4+s13+$0x0], $0xffff  }
0x72: {  	s24 =	simm.s32 $0x1;
	v6 =	vor.u32 s25, v0;
	v4 =	vld.idx.msk [tilespmem:v2+s13+$0x0], $0xffff  }
0x73: {  	v2 =	vmov s24  }
0x74: {  	s25 =	simm.s32 $0x2;
	s24 =	simm.s32 $0x0  }
.LBB2_2:
0x75: {  	p0 =	sne.s32 s25, $0x1FF  }
0x76: {  	[tilespmem:v5+s22+$0x0] =	vst.idx.msk $0xffff, v3  }
0x77: {  	[tilespmem:v6+s22+$0x0] =	vst.idx.msk $0xffff, v4  }
0x78: {  	v3 =	vld.idx.msk [tilespmem:v2+s21+$0x0], $0xffff;
	_ =	sdelay $0x5  }
0x79: {  	v3 =	vshll.u32 v3, $0x5  }
0x7a: {  	v2 =	vshll.u32 v2, $0x7;
	v4 =	vor.u32 v0, v3;
	v5 =	vand.u32 $0xFFFFFF80, v3  }
0x7b: {  	v3 =	vor.u32 v1, v3;
	v4 =	vand.u32 $0x6F, v4;
	v2 =	vadd.s32 v2, v5  }
0x7c: {  	v3 =	vand.u32 $0x7F, v3;
	v4 =	vor.u32 v4, v2  }
0x7d: {  	v2 =	vor.u32 v3, v2;
	_ =	sdelay $0x3  }
.Ltmp0:
0x7e: {  	s24 =	sadd.s32 $0x20, s24;
	v3 =	vld.idx.msk [tilespmem:v4+s13+$0x0], $0xffff;
	(pc) =	sbr.rel @p0 .LBB2_2-.Ltmp0, $4  }
0x7f: {  	s26 =	sadd.s32 $0x10, s24;
	v5 =	vor.u32 s24, v0;
	v4 =	vld.idx.msk [tilespmem:v2+s13+$0x0], $0xffff  }
0x80: {  	v6 =	vor.u32 s26, v0  }
0x81: {  	v2 =	vmov s25  }
0x82: {  	s25 =	sadd.s32 $0x1, s25  }
0x83: {  	_ =	sdelay $0x3  }
0x84: {  	[tilespmem:v5+s22+$0x0] =	vst.idx.msk $0xffff, v3  }
0x85: {  	[tilespmem:v6+s22+$0x0] =	vst.idx.msk $0xffff, v4  }
0x86: {  	v3 =	vld.idx.msk [tilespmem:v2+s21+$0x0], $0xffff;
	_ =	sdelay $0x4  }
0x87: {  	v3 =	vshll.u32 v3, $0x5  }
0x88: {  	v2 =	vshll.u32 v2, $0x7;
	v4 =	vor.u32 v0, v3;
	v5 =	vand.u32 $0xFFFFFF80, v3  }
0x89: {  	v3 =	vor.u32 v1, v3;
	v4 =	vand.u32 $0x6F, v4;
	v2 =	vadd.s32 v2, v5  }
0x8a: {  	v3 =	vand.u32 $0x7F, v3;
	v4 =	vor.u32 v4, v2  }
0x8b: {  	v2 =	vor.u32 v3, v2;
	_ =	sdelay $0x2  }
0x8c: {  	s24 =	sadd.s32 $0x20, s24  }
0x8d: {  	v3 =	vld.idx.msk [tilespmem:v4+s13+$0x0], $0xffff;
	v4 =	vor.u32 s24, v0;
	s24 =	sadd.s32 $0x10, s24  }
0x8e: {  	v2 =	vld.idx.msk [tilespmem:v2+s13+$0x0], $0xffff;
	v5 =	vor.u32 s24, v0;
	_ =	sdelay $0x3  }
0x8f: {  	[tilespmem:v4+s22+$0x0] =	vst.idx.msk $0xffff, v3  }
0x90: {  	s24 =	simm.s32 $0x0;
	[tilespmem:v5+s22+$0x0] =	vst.idx.msk $0xffff, v2  }
0x91: {  	[hbm4b:s6+s24] =	stream.linear.scatter [tilespmem:s22], [sflag:$0x2], $0x4000, $0x38;
	[tilespmem:$0x14600] =	vst v63  }
0x92: {  	_ =	swait.ge [sflag:s10], $0x4000  }
0x93: {  	[sflag:s10] =	ssyncset.done $0x0  }
0x94: {  	[sflag:s10] =	ssyncadd.s32 $0xFFFFC000  }
0x95: {  	[tilespmem:s24], [sflag:$0x2] =	stream.linear.gather [hbm4b:s7+s24], $0x200, $0x38;
	[tilespmem:$0x14600] =	vst v63  }
0x96: {  	_ =	swait.ge [sflag:s10], $0x200  }
0x97: {  	[sflag:s10] =	ssyncset.done $0x0  }
0x98: {  	[sflag:s10] =	ssyncadd.s32 $0xFFFFFE00  }
0x99: {  	v2 =	vld [tilespmem:$0x0];
	_ =	sdelay $0x1  }
0x9a: {  	v3 =	vld [tilespmem:$0x10];
	_ =	sdelay $0x1  }
0x9b: {  	v4 =	vld [tilespmem:$0x20]  }
0x9c: {  	v5 =	vshra.s32 v2, $0x2  }
0x9d: {  	v2 =	vand.u32 $0x3, v2;
	[tilespmem:$0x200] =	vst v5;
	v5 =	vld [tilespmem:$0x30]  }
0x9e: {  	[tilespmem:$0x400] =	vst v2;
	v2 =	vshra.s32 v3, $0x2  }
0x9f: {  	[tilespmem:$0x210] =	vst v2;
	v2 =	vand.u32 $0x3, v3;
	v3 =	vld [tilespmem:$0x40]  }
0xa0: {  	[tilespmem:$0x410] =	vst v2;
	v2 =	vshra.s32 v4, $0x2  }
0xa1: {  	[tilespmem:$0x220] =	vst v2;
	v2 =	vand.u32 $0x3, v4;
	v4 =	vld [tilespmem:$0x50]  }
0xa2: {  	[tilespmem:$0x420] =	vst v2;
	v2 =	vshra.s32 v5, $0x2  }
0xa3: {  	[tilespmem:$0x230] =	vst v2;
	v2 =	vand.u32 $0x3, v5;
	v5 =	vld [tilespmem:$0x60]  }
0xa4: {  	[tilespmem:$0x430] =	vst v2;
	v2 =	vshra.s32 v3, $0x2  }
0xa5: {  	[tilespmem:$0x240] =	vst v2;
	v2 =	vand.u32 $0x3, v3;
	v3 =	vld [tilespmem:$0x70]  }
0xa6: {  	[tilespmem:$0x440] =	vst v2;
	v2 =	vshra.s32 v4, $0x2  }
0xa7: {  	[tilespmem:$0x250] =	vst v2;
	v2 =	vand.u32 $0x3, v4;
	v4 =	vld [tilespmem:$0x80]  }
0xa8: {  	[tilespmem:$0x450] =	vst v2;
	v2 =	vshra.s32 v5, $0x2  }
0xa9: {  	[tilespmem:$0x260] =	vst v2;
	v2 =	vand.u32 $0x3, v5;
	v5 =	vld [tilespmem:$0x90]  }
0xaa: {  	[tilespmem:$0x460] =	vst v2;
	v2 =	vshra.s32 v3, $0x2  }
0xab: {  	[tilespmem:$0x270] =	vst v2;
	v2 =	vand.u32 $0x3, v3;
	v3 =	vld [tilespmem:$0xA0]  }
0xac: {  	[tilespmem:$0x470] =	vst v2;
	v2 =	vshra.s32 v4, $0x2  }
0xad: {  	[tilespmem:$0x280] =	vst v2;
	v2 =	vand.u32 $0x3, v4;
	v4 =	vld [tilespmem:$0xB0]  }
0xae: {  	[tilespmem:$0x480] =	vst v2;
	v2 =	vshra.s32 v5, $0x2  }
0xaf: {  	[tilespmem:$0x290] =	vst v2;
	v2 =	vand.u32 $0x3, v5;
	v5 =	vld [tilespmem:$0xC0]  }
0xb0: {  	[tilespmem:$0x490] =	vst v2;
	v2 =	vshra.s32 v3, $0x2  }
0xb1: {  	[tilespmem:$0x2A0] =	vst v2;
	v2 =	vand.u32 $0x3, v3;
	v3 =	vld [tilespmem:$0xD0]  }
0xb2: {  	[tilespmem:$0x4A0] =	vst v2;
	v2 =	vshra.s32 v4, $0x2  }
0xb3: {  	[tilespmem:$0x2B0] =	vst v2;
	v2 =	vand.u32 $0x3, v4;
	v4 =	vld [tilespmem:$0xE0]  }
0xb4: {  	[tilespmem:$0x4B0] =	vst v2;
	v2 =	vshra.s32 v5, $0x2  }
0xb5: {  	[tilespmem:$0x2C0] =	vst v2;
	v2 =	vand.u32 $0x3, v5;
	v5 =	vld [tilespmem:$0xF0]  }
0xb6: {  	[tilespmem:$0x4C0] =	vst v2;
	v2 =	vshra.s32 v3, $0x2  }
0xb7: {  	[tilespmem:$0x2D0] =	vst v2;
	v2 =	vand.u32 $0x3, v3;
	v3 =	vld [tilespmem:$0x100]  }
0xb8: {  	[tilespmem:$0x4D0] =	vst v2;
	v2 =	vshra.s32 v4, $0x2  }
0xb9: {  	[tilespmem:$0x2E0] =	vst v2;
	v2 =	vand.u32 $0x3, v4;
	v4 =	vld [tilespmem:$0x110]  }
0xba: {  	[tilespmem:$0x4E0] =	vst v2;
	v2 =	vshra.s32 v5, $0x2  }
0xbb: {  	[tilespmem:$0x2F0] =	vst v2;
	v2 =	vand.u32 $0x3, v5;
	v5 =	vld [tilespmem:$0x120]  }
0xbc: {  	[tilespmem:$0x4F0] =	vst v2;
	v2 =	vshra.s32 v3, $0x2  }
0xbd: {  	[tilespmem:$0x300] =	vst v2;
	v2 =	vand.u32 $0x3, v3;
	v3 =	vld [tilespmem:$0x130]  }
0xbe: {  	[tilespmem:$0x500] =	vst v2;
	v2 =	vshra.s32 v4, $0x2  }
0xbf: {  	[tilespmem:$0x310] =	vst v2;
	v2 =	vand.u32 $0x3, v4;
	v4 =	vld [tilespmem:$0x140]  }
0xc0: {  	[tilespmem:$0x510] =	vst v2;
	v2 =	vshra.s32 v5, $0x2  }
0xc1: {  	[tilespmem:$0x320] =	vst v2;
	v2 =	vand.u32 $0x3, v5;
	v5 =	vld [tilespmem:$0x150]  }
0xc2: {  	[tilespmem:$0x520] =	vst v2;
	v2 =	vshra.s32 v3, $0x2  }
0xc3: {  	[tilespmem:$0x330] =	vst v2;
	v2 =	vand.u32 $0x3, v3;
	v3 =	vld [tilespmem:$0x160]  }
0xc4: {  	[tilespmem:$0x530] =	vst v2;
	v2 =	vshra.s32 v4, $0x2  }
0xc5: {  	[tilespmem:$0x340] =	vst v2;
	v2 =	vand.u32 $0x3, v4;
	v4 =	vld [tilespmem:$0x170]  }
0xc6: {  	[tilespmem:$0x540] =	vst v2;
	v2 =	vshra.s32 v5, $0x2  }
0xc7: {  	[tilespmem:$0x350] =	vst v2;
	v2 =	vand.u32 $0x3, v5;
	v5 =	vld [tilespmem:$0x180]  }
0xc8: {  	[tilespmem:$0x550] =	vst v2;
	v2 =	vshra.s32 v3, $0x2  }
0xc9: {  	[tilespmem:$0x360] =	vst v2;
	v2 =	vand.u32 $0x3, v3;
	v3 =	vld [tilespmem:$0x190]  }
0xca: {  	[tilespmem:$0x560] =	vst v2;
	v2 =	vshra.s32 v4, $0x2  }
0xcb: {  	[tilespmem:$0x370] =	vst v2;
	v2 =	vand.u32 $0x3, v4;
	v4 =	vld [tilespmem:$0x1A0]  }
0xcc: {  	[tilespmem:$0x570] =	vst v2;
	v2 =	vshra.s32 v5, $0x2  }
0xcd: {  	[tilespmem:$0x380] =	vst v2;
	v2 =	vand.u32 $0x3, v5;
	v5 =	vld [tilespmem:$0x1B0]  }
0xce: {  	[tilespmem:$0x580] =	vst v2;
	v2 =	vshra.s32 v3, $0x2  }
0xcf: {  	[tilespmem:$0x390] =	vst v2;
	v2 =	vand.u32 $0x3, v3;
	v3 =	vld [tilespmem:$0x1C0]  }
0xd0: {  	[tilespmem:$0x590] =	vst v2;
	v2 =	vshra.s32 v4, $0x2  }
0xd1: {  	[tilespmem:$0x3A0] =	vst v2;
	v2 =	vand.u32 $0x3, v4;
	v4 =	vld [tilespmem:$0x1D0]  }
0xd2: {  	[tilespmem:$0x5A0] =	vst v2;
	v2 =	vshra.s32 v5, $0x2  }
0xd3: {  	[tilespmem:$0x3B0] =	vst v2;
	v2 =	vand.u32 $0x3, v5;
	v5 =	vld [tilespmem:$0x1E0]  }
0xd4: {  	[tilespmem:$0x5B0] =	vst v2;
	v2 =	vshra.s32 v3, $0x2  }
0xd5: {  	[tilespmem:$0x3C0] =	vst v2;
	v2 =	vand.u32 $0x3, v3;
	v3 =	vld [tilespmem:$0x1F0]  }
0xd6: {  	[tilespmem:$0x5C0] =	vst v2;
	v2 =	vshra.s32 v4, $0x2  }
0xd7: {  	[tilespmem:$0x3D0] =	vst v2;
	v2 =	vand.u32 $0x3, v4  }
0xd8: {  	[tilespmem:$0x5D0] =	vst v2;
	v2 =	vshra.s32 v5, $0x2  }
0xd9: {  	[tilespmem:$0x3E0] =	vst v2;
	v2 =	vand.u32 $0x3, v5  }
0xda: {  	[tilespmem:$0x5E0] =	vst v2;
	v2 =	vshra.s32 v3, $0x2  }
0xdb: {  	[tilespmem:$0x3F0] =	vst v2;
	v2 =	vand.u32 $0x3, v3  }
0xdc: {  	[tilespmem:$0x5F0] =	vst v2  }
0xdd: {  	[tilespmem:s13], [sflag:$0x1] =	stream.indirect.gather [hbm4b:s4+s11], $0x80, s12, s11, $0xb8;
	[tilespmem:$0x14600] =	vst v63  }
0xde: {  	_ = 	snop  }
0xdf: {  	[tilespmem:s15], [sflag:$0x1] =	stream.indirect.gather [hbm4b:s4+s11], $0x80, s14, s11, $0xb8;
	[tilespmem:$0x14600] =	vst v63  }
0xe0: {  	_ = 	snop  }
0xe1: {  	[tilespmem:s17], [sflag:$0x1] =	stream.indirect.gather [hbm4b:s4+s11], $0x80, s16, s11, $0xb8;
	[tilespmem:$0x14600] =	vst v63  }
0xe2: {  	_ = 	snop  }
0xe3: {  	[tilespmem:s19], [sflag:$0x1] =	stream.indirect.gather [hbm4b:s4+s11], $0x80, s18, s11, $0xb8;
	[tilespmem:$0x14600] =	vst v63  }
0xe4: {  	_ =	swait.ge [sflag:s20], $0x4000  }
0xe5: {  	[sflag:s20] =	ssyncset.done $0x0  }
0xe6: {  	[sflag:s20] =	ssyncadd.s32 $0xFFFFC000  }
0xe7: {  	_ =	swait.ge [sflag:s20], $0x4000  }
0xe8: {  	[sflag:s20] =	ssyncset.done $0x0  }
0xe9: {  	[sflag:s20] =	ssyncadd.s32 $0xFFFFC000  }
0xea: {  	_ =	swait.ge [sflag:s20], $0x4000  }
0xeb: {  	v2 =	vmov s24;
	[sflag:s20] =	ssyncset.done $0x0  }
0xec: {  	[sflag:s20] =	ssyncadd.s32 $0xFFFFC000  }
0xed: {  	_ =	swait.ge [sflag:s20], $0x4000  }
0xee: {  	[sflag:s20] =	ssyncset.done $0x0  }
0xef: {  	[sflag:s20] =	ssyncadd.s32 $0xFFFFC000  }
0xf0: {  	v3 =	vld.idx.msk [tilespmem:v2+s21+$0x0], $0xffff;
	_ =	sdelay $0x4  }
0xf1: {  	v3 =	vshll.u32 v3, $0x5  }
0xf2: {  	v2 =	vshll.u32 v2, $0x7;
	v4 =	vor.u32 v0, v3;
	v5 =	vand.u32 $0xFFFFFF80, v3  }
0xf3: {  	v3 =	vor.u32 v1, v3;
	v4 =	vand.u32 $0x6F, v4;
	v2 =	vadd.s32 v2, v5  }
0xf4: {  	v3 =	vand.u32 $0x7F, v3;
	v4 =	vor.u32 v4, v2  }
0xf5: {  	v2 =	vor.u32 v3, v2;
	_ =	sdelay $0x3  }
0xf6: {  	s26 =	simm.s32 $0x10;
	v5 =	vor.u32 s24, v0;
	v3 =	vld.idx.msk [tilespmem:v4+s13+$0x0], $0xffff  }
0xf7: {  	s25 =	simm.s32 $0x1;
	v6 =	vor.u32 s26, v0;
	v4 =	vld.idx.msk [tilespmem:v2+s13+$0x0], $0xffff  }
0xf8: {  	v2 =	vmov s25  }
0xf9: {  	s25 =	simm.s32 $0x2  }
.LBB2_4:
0xfa: {  	p0 =	sne.s32 s25, $0x1FF  }
0xfb: {  	[tilespmem:v5+s22+$0x0] =	vst.idx.msk $0xffff, v3  }
0xfc: {  	[tilespmem:v6+s22+$0x0] =	vst.idx.msk $0xffff, v4  }
0xfd: {  	v3 =	vld.idx.msk [tilespmem:v2+s21+$0x0], $0xffff;
	_ =	sdelay $0x5  }
0xfe: {  	v3 =	vshll.u32 v3, $0x5  }
0xff: {  	v2 =	vshll.u32 v2, $0x7;
	v4 =	vor.u32 v0, v3;
	v5 =	vand.u32 $0xFFFFFF80, v3  }
0x100: {  	v3 =	vor.u32 v1, v3;
	v4 =	vand.u32 $0x6F, v4;
	v2 =	vadd.s32 v2, v5  }
0x101: {  	v3 =	vand.u32 $0x7F, v3;
	v4 =	vor.u32 v4, v2  }
0x102: {  	v2 =	vor.u32 v3, v2;
	_ =	sdelay $0x3  }
.Ltmp1:
0x103: {  	s24 =	sadd.s32 $0x20, s24;
	v3 =	vld.idx.msk [tilespmem:v4+s13+$0x0], $0xffff;
	(pc) =	sbr.rel @p0 .LBB2_4-.Ltmp1, $4  }
0x104: {  	s26 =	sadd.s32 $0x10, s24;
	v5 =	vor.u32 s24, v0;
	v4 =	vld.idx.msk [tilespmem:v2+s13+$0x0], $0xffff  }
0x105: {  	v6 =	vor.u32 s26, v0  }
0x106: {  	v2 =	vmov s25  }
0x107: {  	s25 =	sadd.s32 $0x1, s25  }
0x108: {  	_ =	sdelay $0x3  }
0x109: {  	[tilespmem:v5+s22+$0x0] =	vst.idx.msk $0xffff, v3  }
0x10a: {  	[tilespmem:v6+s22+$0x0] =	vst.idx.msk $0xffff, v4  }
0x10b: {  	v3 =	vld.idx.msk [tilespmem:v2+s21+$0x0], $0xffff;
	_ =	sdelay $0x4  }
0x10c: {  	v3 =	vshll.u32 v3, $0x5  }
0x10d: {  	v2 =	vshll.u32 v2, $0x7;
	v60 =	vor.u32 v0, v3;
	v61 =	vand.u32 $0xFFFFFF80, v3  }
0x10e: {  	v3 =	vor.u32 v1, v3;
	v4 =	vand.u32 $0x6F, v60;
	v2 =	vadd.s32 v2, v61  }
0x10f: {  	v3 =	vand.u32 $0x7F, v3;
	v4 =	vor.u32 v4, v2  }
0x110: {  	v2 =	vor.u32 v3, v2;
	_ =	sdelay $0x2  }
0x111: {  	s24 =	sadd.s32 $0x20, s24  }
0x112: {  	v62 =	vor.u32 s24, v0;
	s24 =	sadd.s32 $0x10, s24;
	v3 =	vld.idx.msk [tilespmem:v4+s13+$0x0], $0xffff  }
0x113: {  	v63 =	vor.u32 s24, v0;
	v2 =	vld.idx.msk [tilespmem:v2+s13+$0x0], $0xffff;
	_ =	sdelay $0x2  }
0x114: {  	s23 =	sadd.s32 $0x1, s23  }
0x115: {  	p0 =	sne.s32 s23, s9;
	[tilespmem:v62+s22+$0x0] =	vst.idx.msk $0xffff, v3  }
.Ltmp2:
0x116: {  	[tilespmem:v63+s22+$0x0] =	vst.idx.msk $0xffff, v2;
	(pc) =	sbr.rel @p0 .LBB2_1-.Ltmp2, $4  }
0x117: {  	[hbm4b:s8+s2] =	stream.linear.scatter [tilespmem:s22], [sflag:$0x2], $0x4000, $0x38;
	[tilespmem:$0x14600] =	vst v63  }
0x118: {  	_ =	swait.ge [sflag:s10], $0x4000  }
0x119: {  	[sflag:s10] =	ssyncset.done $0x0  }
0x11a: {  	[sflag:s10] =	ssyncadd.s32 $0xFFFFC000  }
0x11b: {  	_ =	sfence.sel $0x180000  }
0x11c: {  	[bflag:$0x0] =	sbarrier.arrive $0xFFFF  }
0x11d: {  	p0 =	sne.s32 s1, $0x0;
	_ =	strace $0x9000004A  }
0x11e: {  	s0 =	sadd.s32 @!p0 $0x100000, s0;
	[bflag:$0x2] =	sbarrier.arrive $0xFFFF  }
0x11f: {  	[sflag:s0] =	ssyncadd.tile.s32 @!p0 $0x1;
	_ =	shalt  }
.Lfunc_end2:
_tile_overlayer_lowered:
.L_overlay_start_2:
0x120: {  	(tag) =	ssettag $0x2  }
0x121: {  	s0 =	rddreg [dreg:$0x0];
	s2 =	stileid.u32  }
0x122: {  	s1 =	rddreg [dreg:$0x1];
	p0 =	sne.s32 s2, $0x0  }
0x123: {  	s3 =	rddreg [dreg:$0x2];
	[bflag:$0x3] =	sbarrier.arrive $0xFFFF;
	s2 =	simm.s32 @!p0 $0x1C02  }
0x124: {  	[timem:s3], [sflag:s2] =	dma.local @!p0 [hbm:s0], s1  }
0x125: {  	s0 =	simm.s32 @!p0 $0x2  }
0x126: {  	_ =	swait.ge @!p0 [sflag:s0], s1  }
0x127: {  	s1 =	ssub.s32 @!p0 $0x0, s1;
	[sflag:s0] =	ssyncset.done @!p0 $0x0  }
0x128: {  	[sflag:s0] =	ssyncadd.s32 @!p0 s1  }
0x129: {  	[bflag:$0x3] =	sbarrier.arrive $0xFFFF  }
0x12a: {  	_ =	shalt  }

</sc_bundles>
